<compile_context>
chip_gen: v7x
topology: tpu7x:2x2x1
jax: 0.10.2.dev20260603
libtpu: 0.0.44.dev20260713+nightly
codegen_flags: <defaults>
</compile_context>

<pallas_src>
import functools

import jax
import jax.numpy as jnp
from jax import lax
from jax.experimental import pallas as pl
from jax.experimental.pallas import tpu as pltpu
from jax.experimental.pallas import tpu_sc as plsc

N = 32768
D = 128
HID = 128
K = 10
NC = 2
NS = 16
L = 16
NW = NC * NS
RPT = N // NW
CH = 256
NG = CH // L
NCHUNK = RPT // CH

_mesh = plsc.VectorSubcoreMesh(core_axis_name="c", subcore_axis_name="s")


def _bf16_round(x):
    u = plsc.bitcast(x, jnp.int32)
    odd = lax.shift_right_logical(u, 16) & 1
    r = (u + 32767 + odd) & jnp.int32(-65536)
    return plsc.bitcast(r, jnp.float32)
_sc_params = pltpu.CompilerParams(use_tc_tiling_on_sc=False,
                                  needs_layout_passes=False)


@functools.partial(
    pl.kernel,
    out_type=(
        jax.ShapeDtypeStruct((NC, L), jnp.float32),
        jax.ShapeDtypeStruct((NC, L, D), jnp.float32),
    ),
    mesh=_mesh,
    scratch_types=[
        pltpu.VMEM((CH * D,), jnp.float32),
        pltpu.VMEM((CH * D,), jnp.float32),
        pltpu.VMEM((D,), jnp.float32),
        pltpu.VMEM((L,), jnp.float32),
        pltpu.VMEM((L,), jnp.int32),
        pltpu.VMEM_SHARED((NS, L), jnp.float32),
        pltpu.VMEM_SHARED((NS, L), jnp.int32),
        pltpu.VMEM((NS, L), jnp.float32),
        pltpu.VMEM((NS, L), jnp.int32),
        pltpu.VMEM((L, D), jnp.float32),
        pltpu.SemaphoreType.DMA,
        pltpu.SemaphoreType.DMA,
        pltpu.SemaphoreType.DMA,
    ],
    compiler_params=_sc_params,
)
def _topk_gather(qflat_hbm, q_hbm, hs_hbm, vals_hbm, rows_hbm,
                 buf0, buf1, qv, vstage, istage, shv, shi, lv, li, rows,
                 sem0, sem1, semq):
    cid = lax.axis_index("c")
    sid = lax.axis_index("s")
    wid = sid * NC + cid
    base = wid * RPT

    pltpu.async_copy(q_hbm, qv, semq).wait()

    iota = lax.iota(jnp.int32, L)
    iota128 = iota * D

    HCH = CH * D // 2

    def _chunk_copy(ch_idx, buf, sem):
        start = (base + ch_idx * CH) * D
        return [
            pltpu.async_copy(qflat_hbm.at[pl.ds(start, HCH)],
                             buf.at[pl.ds(0, HCH)], sem),
            pltpu.async_copy(qflat_hbm.at[pl.ds(start + HCH, HCH)],
                             buf.at[pl.ds(HCH, HCH)], sem),
        ]

    bufs = (buf0, buf1)
    sems = (sem0, sem1)
    copies = [_chunk_copy(c, bufs[c], sems[c]) for c in range(2)]

    rv = jnp.full((L,), -jnp.inf, dtype=jnp.float32)
    ri = jnp.zeros((L,), dtype=jnp.int32)

    for ch in range(NCHUNK):
        buf = bufs[ch % 2]
        for cp in copies[ch % 2]:
            cp.wait()
        first_row = base + ch * CH

        def col_body(c, carry, buf=buf):
            colv = carry[0]
            accs = carry[1:]
            qrot = _bf16_round(plsc.load_gather(qv, [colv]))
            idx0 = colv + iota128
            new = []
            for g in range(NG):
                v = _bf16_round(plsc.load_gather(buf, [idx0 + g * (L * D)]))
                new.append(accs[g] + v * qrot)
            colv = (colv + 1) & (D - 1)
            return (colv,) + tuple(new)

        init = (iota,) + tuple(jnp.zeros((L,), jnp.float32) for _ in range(NG))
        res = lax.fori_loop(0, D, col_body, init)
        accs = res[1:]

        for g in range(NG):
            gidx = first_row + g * L + iota
            sv, si = plsc.sort_key_val(accs[g], gidx, descending=True)
            keep = rv >= sv
            mval = jnp.maximum(rv, sv)
            midx = jnp.where(keep, ri, si)
            rv, ri = plsc.sort_key_val(mval, midx, descending=False)

        nxt = ch + 2
        if nxt < NCHUNK:
            copies[ch % 2] = _chunk_copy(nxt, buf, sems[ch % 2])

    vstage[...] = rv
    istage[...] = ri
    pltpu.sync_copy(vstage, shv.at[sid])
    pltpu.sync_copy(istage, shi.at[sid])
    plsc.subcore_barrier()

    @pl.when(sid == 0)
    def _():
        pltpu.async_copy(shv, lv, semq).wait()
        pltpu.async_copy(shi, li, semq).wait()
        mv = lv[0]
        mi = li[0]
        for j in range(1, NS):
            vj = lax.rev(lv[j], (0,))
            ij = lax.rev(li[j], (0,))
            keep = mv >= vj
            mval = jnp.maximum(mv, vj)
            midx = jnp.where(keep, mi, ij)
            mv, mi = plsc.sort_key_val(mval, midx, descending=False)

        pltpu.async_copy(hs_hbm.at[mi], rows, semq).wait()
        vstage[...] = mv
        pltpu.sync_copy(vstage, vals_hbm.at[cid])
        pltpu.sync_copy(rows, rows_hbm.at[cid])


def _finish_body(q_ref, s_ref, h0_ref, wih_ref, whh_ref, bih_ref, bhh_ref,
                 vr_ref, vcb_ref, rows_ref, wsc_ref, bsc_ref,
                 pred_ref, h1_ref):
    vr = vr_ref[...]
    vb = jnp.broadcast_to(vr, (NC * L, NC * L))
    vc = vcb_ref[...]
    gt = (vc > vb).astype(jnp.float32)
    rank = jnp.sum(gt, axis=0, keepdims=True)
    keepm = rank < (K - 0.5)
    m = jnp.max(vr)
    e = jnp.where(keepm, jnp.exp(vr - m), 0.0)
    w = e / jnp.sum(e)
    attn = lax.dot_general(w, rows_ref[...], (((1,), (0,)), ((), ())),
                           precision=lax.Precision.HIGHEST,
                           preferred_element_type=jnp.float32)

    q = q_ref[...]
    pv = jnp.concatenate([q, attn], axis=1)
    pred = jnp.sum(pv * wsc_ref[...]) + bsc_ref[0, 0]
    pred_ref[...] = jnp.zeros((1, 1), jnp.float32) + pred

    s = s_ref[0, 0]
    pos = (s >= 0.5).astype(jnp.float32)
    x = jnp.concatenate([q * pos, q * (1.0 - pos)], axis=1)
    bf = lambda a: a.astype(jnp.bfloat16).astype(jnp.float32)
    gi = lax.dot_general(bf(x), bf(wih_ref[...]), (((1,), (1,)), ((), ())),
                         precision=lax.Precision.HIGHEST,
                         preferred_element_type=jnp.float32) + bih_ref[...]
    h0 = h0_ref[...]
    gh = lax.dot_general(bf(h0), bf(whh_ref[...]), (((1,), (1,)), ((), ())),
                         precision=lax.Precision.HIGHEST,
                         preferred_element_type=jnp.float32) + bhh_ref[...]
    r = jax.nn.sigmoid(gi[:, :HID] + gh[:, :HID])
    z = jax.nn.sigmoid(gi[:, HID:2 * HID] + gh[:, HID:2 * HID])
    n = jnp.tanh(gi[:, 2 * HID:] + r * gh[:, 2 * HID:])
    h1_ref[...] = (1.0 - z) * n + z * h0


_finish_call = pl.pallas_call(
    _finish_body,
    out_shape=(jax.ShapeDtypeStruct((1, 1), jnp.float32),
               jax.ShapeDtypeStruct((1, HID), jnp.float32)),
)


def kernel(question, score, questions, hs, W_ih, W_hh, b_ih, b_hh, W_score, b_score):
    qflat = questions.reshape(-1)
    hsf = hs.reshape(N, HID)
    vals, rows = _topk_gather(qflat, question, hsf)
    pred, h1 = _finish_call(
        question.reshape(1, D), score.reshape(1, 1), hsf[N - 1:N],
        W_ih, W_hh, b_ih.reshape(1, -1), b_hh.reshape(1, -1),
        vals.reshape(1, NC * L),
        jnp.broadcast_to(vals.reshape(NC * L, 1), (NC * L, NC * L)),
        rows.reshape(NC * L, D), W_score, b_score.reshape(1, 1))
    return pred, h1.reshape(1, 1, HID)

# --- scband reference (transcript-rebuilt; emitter-appended) ---
"""Pipeline reference for scband-eernnseq-net-15839839388008 (READ-ONLY COPY).

The authoritative reference and input builder live on the scoring server;
editing this copy changes nothing except your own understanding.
"""

import jax, jax.numpy as jnp
import numpy as np

QUES = 128
HID = 128
NL = 1
ATTN_K = 10
N = 32768


def setup_inputs(seed: int = 0) -> dict:
    key = jax.random.key(seed)
    ks = jax.random.split(key, 10)
    question = jax.random.normal(ks[0], (QUES,), dtype=jnp.float32)
    score = jax.random.uniform(ks[1], (1,), dtype=jnp.float32)
    questions = jax.random.normal(ks[2], (N, QUES), dtype=jnp.float32)
    hs = jax.random.normal(ks[3], (N, 1, HID), dtype=jnp.float32)
    s = 1.0 / np.sqrt(HID)
    W_ih = jax.random.uniform(ks[4], (3 * HID, 2 * QUES), dtype=jnp.float32, minval=-s, maxval=s)
    W_hh = jax.random.uniform(ks[5], (3 * HID, HID), dtype=jnp.float32, minval=-s, maxval=s)
    b_ih = jax.random.uniform(ks[6], (3 * HID,), dtype=jnp.float32, minval=-s, maxval=s)
    b_hh = jax.random.uniform(ks[7], (3 * HID,), dtype=jnp.float32, minval=-s, maxval=s)
    s2 = 1.0 / np.sqrt(QUES + HID)
    W_score = jax.random.uniform(ks[8], (1, QUES + HID), dtype=jnp.float32, minval=-s2, maxval=s2)
    b_score = jax.random.uniform(ks[9], (1,), dtype=jnp.float32, minval=-s2, maxval=s2)
    return {"question": question, "score": score, "questions": questions, "hs": hs,
            "W_ih": W_ih, "W_hh": W_hh, "b_ih": b_ih, "b_hh": b_hh,
            "W_score": W_score, "b_score": b_score}


def _gru_step(x, h, W_ih, W_hh, b_ih, b_hh):
    # PyTorch nn.GRU single-step math
    gi = x @ W_ih.T + b_ih
    gh = h @ W_hh.T + b_hh
    i_r, i_z, i_n = jnp.split(gi, 3, axis=-1)
    h_r, h_z, h_n = jnp.split(gh, 3, axis=-1)
    r = jax.nn.sigmoid(i_r + h_r)
    z = jax.nn.sigmoid(i_z + h_z)
    n = jnp.tanh(i_n + r * h_n)
    return (1.0 - z) * n + z * h


def reference(question, score, questions, hs, W_ih, W_hh, b_ih, b_hh, W_score, b_score):
    # attention over entire question history: matvec + top-k + gather
    alpha = questions @ question  # [N]
    k = min(alpha.shape[0], ATTN_K)
    vals, idx = jax.lax.top_k(alpha, k)
    w = jax.nn.softmax(vals)  # attention weights over top-k
    hs_flat = hs.reshape(-1, NL * HID)  # [N, HID]
    selected = jnp.take(hs_flat, idx, axis=0)  # [k, HID]
    attn_h = w @ selected  # [HID]
    pred_v = jnp.concatenate([question, attn_h])[None, :]  # [1, QUES+HID]
    pred = pred_v @ W_score.T + b_score  # [1, 1]
    s = score[0]
    x = jnp.concatenate([question * (s >= 0.5).astype(question.dtype),
                         question * (s < 0.5).astype(question.dtype)])  # [2*QUES]
    h0 = hs[-1]  # [1, HID], last hidden state (batch=1)
    h1 = _gru_step(x[None, :], h0, W_ih, W_hh, b_ih, b_hh)  # [1, HID]
    h_ = h1[None, :, :]  # [n_layers=1, batch=1, HID]
    return pred, h_

if __name__ == "__main__":
    import jax
    _d = setup_inputs()
    print(jax.jit(kernel)(*tuple(_d.values())))

</pallas_src>

<mosaic_0001>
#map = affine_map<(d0, d1) -> (0)>
#map1 = affine_map<(d0, d1) -> (0, 0)>
#map2 = affine_map<(d0, d1) -> (0, 0, 0)>
module attributes {stable_mosaic.version = 14 : i64} {
  func.func @_topk_gather(%arg0: i32, %arg1: i32, %arg2: memref<4194304xf32, #tpu.memory_space<hbm>>, %arg3: memref<128xf32, #tpu.memory_space<hbm>>, %arg4: memref<32768x128xf32, #tpu.memory_space<hbm>>, %arg5: memref<2x16xf32, #tpu.memory_space<hbm>>, %arg6: memref<2x16x128xf32, #tpu.memory_space<hbm>>, %arg7: memref<32768xf32, #tpu.memory_space<vmem>>, %arg8: memref<32768xf32, #tpu.memory_space<vmem>>, %arg9: memref<128xf32, #tpu.memory_space<vmem>>, %arg10: memref<16xf32, #tpu.memory_space<vmem>>, %arg11: memref<16xi32, #tpu.memory_space<vmem>>, %arg12: memref<16x16xf32, #tpu.memory_space<vmem_shared>>, %arg13: memref<16x16xi32, #tpu.memory_space<vmem_shared>>, %arg14: memref<16x16xf32, #tpu.memory_space<vmem>>, %arg15: memref<16x16xi32, #tpu.memory_space<vmem>>, %arg16: memref<16x128xf32, #tpu.memory_space<vmem>>, %arg17: memref<!tpu.dma_semaphore, #tpu.memory_space<semaphore_mem>>, %arg18: memref<!tpu.dma_semaphore, #tpu.memory_space<semaphore_mem>>, %arg19: memref<!tpu.dma_semaphore, #tpu.memory_space<semaphore_mem>>) attributes {dimension_semantics = [#tpu.dimension_semantics<core_parallel>, #tpu.dimension_semantics<subcore_parallel>], iteration_bounds = array<i64: 2, 16>, scalar_prefetch = 0 : i64, scratch_operands = 13 : i64, tpu.core_type = #tpu.core_type<sc_vector_subcore>, window_params = [{transform_indices = #map}, {transform_indices = #map}, {transform_indices = #map1}, {transform_indices = #map1}, {transform_indices = #map2}]} {
    %mul3A = arith.constant 2 : i32
    %mul3A_0 = arith.muli %arg1, %mul3A : i32
    %add3A = arith.addi %mul3A_0, %arg0 : i32
    %mul3A_1 = arith.constant 1024 : i32
    %mul3A_2 = arith.muli %add3A, %mul3A_1 : i32
    tpu.enqueue_dma source(%arg3 : memref<128xf32, #tpu.memory_space<hbm>>) target(%arg9 : memref<128xf32, #tpu.memory_space<vmem>>) target_semaphore(%arg19 : memref<!tpu.dma_semaphore, #tpu.memory_space<semaphore_mem>>)
    tpu.wait_dma2 semaphore(%arg19 : memref<!tpu.dma_semaphore, #tpu.memory_space<semaphore_mem>>) src(%arg3 : memref<128xf32, #tpu.memory_space<hbm>>) dst(%arg9 : memref<128xf32, #tpu.memory_space<vmem>>)
    %iota3A = tpu.iota {dimensions = array<i32: 0>} : vector<16xi32>
    %mul3A_3 = arith.constant 128 : i32
    %mul3A_4 = vector.broadcast %mul3A_3 : i32 to vector<16xi32>
    %mul3A_5 = arith.muli %iota3A, %mul3A_4 : vector<16xi32>
    %add3A_6 = arith.constant 0 : i32
    %add3A_7 = arith.addi %mul3A_2, %add3A_6 : i32
    %mul3A_8 = arith.constant 128 : i32
    %mul3A_9 = arith.muli %add3A_7, %mul3A_8 : i32
    %dma_start3A = arith.constant 0 : i32
    %dma_start3A_10 = tpu.memref_slice %arg7[%dma_start3A] : memref<32768xf32, #tpu.memory_space<vmem>> -> memref<16384xf32, #tpu.memory_space<vmem>>
    %dma_start3A_11 = tpu.memref_slice %arg2[%mul3A_9] : memref<4194304xf32, #tpu.memory_space<hbm>> -> memref<16384xf32, #tpu.memory_space<hbm>>
    %dma_start3A_12 = arith.constant 0 : i32
    %dma_start3A_13 = tpu.memref_slice %arg7[%dma_start3A_12] : memref<32768xf32, #tpu.memory_space<vmem>> -> memref<16384xf32, #tpu.memory_space<vmem>>
    %dma_start3A_14 = tpu.memref_slice %arg2[%mul3A_9] : memref<4194304xf32, #tpu.memory_space<hbm>> -> memref<16384xf32, #tpu.memory_space<hbm>>
    tpu.enqueue_dma source(%dma_start3A_14 : memref<16384xf32, #tpu.memory_space<hbm>>) target(%dma_start3A_13 : memref<16384xf32, #tpu.memory_space<vmem>>) target_semaphore(%arg17 : memref<!tpu.dma_semaphore, #tpu.memory_space<semaphore_mem>>)
    %add3A_15 = arith.constant 16384 : i32
    %add3A_16 = arith.addi %mul3A_9, %add3A_15 : i32
    %dma_start3A_17 = arith.constant 16384 : i32
    %dma_start3A_18 = tpu.memref_slice %arg7[%dma_start3A_17] : memref<32768xf32, #tpu.memory_space<vmem>> -> memref<16384xf32, #tpu.memory_space<vmem>>
    %dma_start3A_19 = tpu.memref_slice %arg2[%add3A_16] : memref<4194304xf32, #tpu.memory_space<hbm>> -> memref<16384xf32, #tpu.memory_space<hbm>>
    %dma_start3A_20 = arith.constant 16384 : i32
    %dma_start3A_21 = tpu.memref_slice %arg7[%dma_start3A_20] : memref<32768xf32, #tpu.memory_space<vmem>> -> memref<16384xf32, #tpu.memory_space<vmem>>
    %dma_start3A_22 = tpu.memref_slice %arg2[%add3A_16] : memref<4194304xf32, #tpu.memory_space<hbm>> -> memref<16384xf32, #tpu.memory_space<hbm>>
    tpu.enqueue_dma source(%dma_start3A_22 : memref<16384xf32, #tpu.memory_space<hbm>>) target(%dma_start3A_21 : memref<16384xf32, #tpu.memory_space<vmem>>) target_semaphore(%arg17 : memref<!tpu.dma_semaphore, #tpu.memory_space<semaphore_mem>>)
    %add3A_23 = arith.constant 256 : i32
    %add3A_24 = arith.addi %mul3A_2, %add3A_23 : i32
    %mul3A_25 = arith.constant 128 : i32
    %mul3A_26 = arith.muli %add3A_24, %mul3A_25 : i32
    %dma_start3A_27 = arith.constant 0 : i32
    %dma_start3A_28 = tpu.memref_slice %arg8[%dma_start3A_27] : memref<32768xf32, #tpu.memory_space<vmem>> -> memref<16384xf32, #tpu.memory_space<vmem>>
    %dma_start3A_29 = tpu.memref_slice %arg2[%mul3A_26] : memref<4194304xf32, #tpu.memory_space<hbm>> -> memref<16384xf32, #tpu.memory_space<hbm>>
    %dma_start3A_30 = arith.constant 0 : i32
    %dma_start3A_31 = tpu.memref_slice %arg8[%dma_start3A_30] : memref<32768xf32, #tpu.memory_space<vmem>> -> memref<16384xf32, #tpu.memory_space<vmem>>
    %dma_start3A_32 = tpu.memref_slice %arg2[%mul3A_26] : memref<4194304xf32, #tpu.memory_space<hbm>> -> memref<16384xf32, #tpu.memory_space<hbm>>
    tpu.enqueue_dma source(%dma_start3A_32 : memref<16384xf32, #tpu.memory_space<hbm>>) target(%dma_start3A_31 : memref<16384xf32, #tpu.memory_space<vmem>>) target_semaphore(%arg18 : memref<!tpu.dma_semaphore, #tpu.memory_space<semaphore_mem>>)
    %add3A_33 = arith.constant 16384 : i32
    %add3A_34 = arith.addi %mul3A_26, %add3A_33 : i32
    %dma_start3A_35 = arith.constant 16384 : i32
    %dma_start3A_36 = tpu.memref_slice %arg8[%dma_start3A_35] : memref<32768xf32, #tpu.memory_space<vmem>> -> memref<16384xf32, #tpu.memory_space<vmem>>
    %dma_start3A_37 = tpu.memref_slice %arg2[%add3A_34] : memref<4194304xf32, #tpu.memory_space<hbm>> -> memref<16384xf32, #tpu.memory_space<hbm>>
    %dma_start3A_38 = arith.constant 16384 : i32
    %dma_start3A_39 = tpu.memref_slice %arg8[%dma_start3A_38] : memref<32768xf32, #tpu.memory_space<vmem>> -> memref<16384xf32, #tpu.memory_space<vmem>>
    %dma_start3A_40 = tpu.memref_slice %arg2[%add3A_34] : memref<4194304xf32, #tpu.memory_space<hbm>> -> memref<16384xf32, #tpu.memory_space<hbm>>
    tpu.enqueue_dma source(%dma_start3A_40 : memref<16384xf32, #tpu.memory_space<hbm>>) target(%dma_start3A_39 : memref<16384xf32, #tpu.memory_space<vmem>>) target_semaphore(%arg18 : memref<!tpu.dma_semaphore, #tpu.memory_space<semaphore_mem>>)
    %broadcast_in_dim3A = arith.constant 0xFF800000 : f32
    %broadcast_in_dim3A_41 = vector.broadcast %broadcast_in_dim3A : f32 to vector<16xf32>
    %broadcast_in_dim3A_42 = arith.constant 0 : i32
    %broadcast_in_dim3A_43 = vector.broadcast %broadcast_in_dim3A_42 : i32 to vector<16xi32>
    %dma_wait3A = arith.constant 0 : i32
    %dma_wait3A_44 = tpu.memref_slice %arg7[%dma_wait3A] : memref<32768xf32, #tpu.memory_space<vmem>> -> memref<16384xf32, #tpu.memory_space<vmem>>
    %dma_wait3A_45 = tpu.memref_slice %arg2[%mul3A_9] : memref<4194304xf32, #tpu.memory_space<hbm>> -> memref<16384xf32, #tpu.memory_space<hbm>>
    %dma_wait3A_46 = arith.constant 0 : i32
    %dma_wait3A_47 = tpu.memref_slice %arg7[%dma_wait3A_46] : memref<32768xf32, #tpu.memory_space<vmem>> -> memref<16384xf32, #tpu.memory_space<vmem>>
    %dma_wait3A_48 = tpu.memref_slice %arg2[%mul3A_9] : memref<4194304xf32, #tpu.memory_space<hbm>> -> memref<16384xf32, #tpu.memory_space<hbm>>
    tpu.wait_dma2 semaphore(%arg17 : memref<!tpu.dma_semaphore, #tpu.memory_space<semaphore_mem>>) src(%dma_wait3A_48 : memref<16384xf32, #tpu.memory_space<hbm>>) dst(%dma_wait3A_47 : memref<16384xf32, #tpu.memory_space<vmem>>)
    %dma_wait3A_49 = arith.constant 16384 : i32
    %dma_wait3A_50 = tpu.memref_slice %arg7[%dma_wait3A_49] : memref<32768xf32, #tpu.memory_space<vmem>> -> memref<16384xf32, #tpu.memory_space<vmem>>
    %dma_wait3A_51 = tpu.memref_slice %arg2[%add3A_16] : memref<4194304xf32, #tpu.memory_space<hbm>> -> memref<16384xf32, #tpu.memory_space<hbm>>
    %dma_wait3A_52 = arith.constant 16384 : i32
    %dma_wait3A_53 = tpu.memref_slice %arg7[%dma_wait3A_52] : memref<32768xf32, #tpu.memory_space<vmem>> -> memref<16384xf32, #tpu.memory_space<vmem>>
    %dma_wait3A_54 = tpu.memref_slice %arg2[%add3A_16] : memref<4194304xf32, #tpu.memory_space<hbm>> -> memref<16384xf32, #tpu.memory_space<hbm>>
    tpu.wait_dma2 semaphore(%arg17 : memref<!tpu.dma_semaphore, #tpu.memory_space<semaphore_mem>>) src(%dma_wait3A_54 : memref<16384xf32, #tpu.memory_space<hbm>>) dst(%dma_wait3A_53 : memref<16384xf32, #tpu.memory_space<vmem>>)
    %add3A_55 = arith.constant 0 : i32
    %add3A_56 = arith.addi %mul3A_2, %add3A_55 : i32
    %broadcast_in_dim3A_57 = arith.constant 0.000000e+00 : f32
    %broadcast_in_dim3A_58 = vector.broadcast %broadcast_in_dim3A_57 : f32 to vector<16xf32>
    %broadcast_in_dim3A_59 = arith.constant 0.000000e+00 : f32
    %broadcast_in_dim3A_60 = vector.broadcast %broadcast_in_dim3A_59 : f32 to vector<16xf32>
    %broadcast_in_dim3A_61 = arith.constant 0.000000e+00 : f32
    %broadcast_in_dim3A_62 = vector.broadcast %broadcast_in_dim3A_61 : f32 to vector<16xf32>
    %broadcast_in_dim3A_63 = arith.constant 0.000000e+00 : f32
    %broadcast_in_dim3A_64 = vector.broadcast %broadcast_in_dim3A_63 : f32 to vector<16xf32>
    %broadcast_in_dim3A_65 = arith.constant 0.000000e+00 : f32
    %broadcast_in_dim3A_66 = vector.broadcast %broadcast_in_dim3A_65 : f32 to vector<16xf32>
    %broadcast_in_dim3A_67 = arith.constant 0.000000e+00 : f32
    %broadcast_in_dim3A_68 = vector.broadcast %broadcast_in_dim3A_67 : f32 to vector<16xf32>
    %broadcast_in_dim3A_69 = arith.constant 0.000000e+00 : f32
    %broadcast_in_dim3A_70 = vector.broadcast %broadcast_in_dim3A_69 : f32 to vector<16xf32>
    %broadcast_in_dim3A_71 = arith.constant 0.000000e+00 : f32
    %broadcast_in_dim3A_72 = vector.broadcast %broadcast_in_dim3A_71 : f32 to vector<16xf32>
    %broadcast_in_dim3A_73 = arith.constant 0.000000e+00 : f32
    %broadcast_in_dim3A_74 = vector.broadcast %broadcast_in_dim3A_73 : f32 to vector<16xf32>
    %broadcast_in_dim3A_75 = arith.constant 0.000000e+00 : f32
    %broadcast_in_dim3A_76 = vector.broadcast %broadcast_in_dim3A_75 : f32 to vector<16xf32>
    %broadcast_in_dim3A_77 = arith.constant 0.000000e+00 : f32
    %broadcast_in_dim3A_78 = vector.broadcast %broadcast_in_dim3A_77 : f32 to vector<16xf32>
    %broadcast_in_dim3A_79 = arith.constant 0.000000e+00 : f32
    %broadcast_in_dim3A_80 = vector.broadcast %broadcast_in_dim3A_79 : f32 to vector<16xf32>
    %broadcast_in_dim3A_81 = arith.constant 0.000000e+00 : f32
    %broadcast_in_dim3A_82 = vector.broadcast %broadcast_in_dim3A_81 : f32 to vector<16xf32>
    %broadcast_in_dim3A_83 = arith.constant 0.000000e+00 : f32
    %broadcast_in_dim3A_84 = vector.broadcast %broadcast_in_dim3A_83 : f32 to vector<16xf32>
    %broadcast_in_dim3A_85 = arith.constant 0.000000e+00 : f32
    %broadcast_in_dim3A_86 = vector.broadcast %broadcast_in_dim3A_85 : f32 to vector<16xf32>
    %broadcast_in_dim3A_87 = arith.constant 0.000000e+00 : f32
    %broadcast_in_dim3A_88 = vector.broadcast %broadcast_in_dim3A_87 : f32 to vector<16xf32>
    %scan3A = arith.constant 0 : i32
    %scan3A_89 = arith.constant 128 : i32
    %scan3A_90 = arith.addi %scan3A, %scan3A_89 : i32
    %scan3A_91 = arith.constant 1 : i32
    %scan3A_92:17 = scf.for %scan3A_1247 = %scan3A to %scan3A_90 step %scan3A_91 iter_args(%scan3A_1248 = %iota3A, %scan3A_1249 = %broadcast_in_dim3A_58, %scan3A_1250 = %broadcast_in_dim3A_60, %scan3A_1251 = %broadcast_in_dim3A_62, %scan3A_1252 = %broadcast_in_dim3A_64, %scan3A_1253 = %broadcast_in_dim3A_66, %scan3A_1254 = %broadcast_in_dim3A_68, %scan3A_1255 = %broadcast_in_dim3A_70, %scan3A_1256 = %broadcast_in_dim3A_72, %scan3A_1257 = %broadcast_in_dim3A_74, %scan3A_1258 = %broadcast_in_dim3A_76, %scan3A_1259 = %broadcast_in_dim3A_78, %scan3A_1260 = %broadcast_in_dim3A_80, %scan3A_1261 = %broadcast_in_dim3A_82, %scan3A_1262 = %broadcast_in_dim3A_84, %scan3A_1263 = %broadcast_in_dim3A_86, %scan3A_1264 = %broadcast_in_dim3A_88) -> (vector<16xi32>, vector<16xf32>, vector<16xf32>, vector<16xf32>, vector<16xf32>, vector<16xf32>, vector<16xf32>, vector<16xf32>, vector<16xf32>, vector<16xf32>, vector<16xf32>, vector<16xf32>, vector<16xf32>, vector<16xf32>, vector<16xf32>, vector<16xf32>, vector<16xf32>)  : i32 {
      %gather3A = tpu.vector_load_idx %arg9[%scan3A_1248] : memref<128xf32, #tpu.memory_space<vmem>>[vector<16xi32>], vector<16xf32>,
      %bitcast3A = vector.bitcast %gather3A : vector<16xf32> to vector<16xi32>
      %shift_right_logical3A = arith.constant 16 : i32
      %shift_right_logical3A_1265 = vector.broadcast %shift_right_logical3A : i32 to vector<16xi32>
      %shift_right_logical3A_1266 = arith.shrui %bitcast3A, %shift_right_logical3A_1265 : vector<16xi32>
      %and3A = arith.constant 1 : i32
      %and3A_1267 = vector.broadcast %and3A : i32 to vector<16xi32>
      %and3A_1268 = arith.andi %shift_right_logical3A_1266, %and3A_1267 : vector<16xi32>
      %add3A_1269 = arith.constant 32767 : i32
      %add3A_1270 = vector.broadcast %add3A_1269 : i32 to vector<16xi32>
      %add3A_1271 = arith.addi %bitcast3A, %add3A_1270 : vector<16xi32>
      %add3A_1272 = arith.addi %add3A_1271, %and3A_1268 : vector<16xi32>
      %and3A_1273 = arith.constant -65536 : i32
      %and3A_1274 = vector.broadcast %and3A_1273 : i32 to vector<16xi32>
      %and3A_1275 = arith.andi %add3A_1272, %and3A_1274 : vector<16xi32>
      %bitcast3A_1276 = vector.bitcast %and3A_1275 : vector<16xi32> to vector<16xf32>
      %add3A_1277 = arith.addi %scan3A_1248, %mul3A_5 : vector<16xi32>
      %add3A_1278 = arith.constant 0 : i32
      %add3A_1279 = vector.broadcast %add3A_1278 : i32 to vector<16xi32>
      %add3A_1280 = arith.addi %add3A_1277, %add3A_1279 : vector<16xi32>
      %gather3A_1281 = tpu.vector_load_idx %arg7[%add3A_1280] : memref<32768xf32, #tpu.memory_space<vmem>>[vector<16xi32>], vector<16xf32>,
      %bitcast3A_1282 = vector.bitcast %gather3A_1281 : vector<16xf32> to vector<16xi32>
      %shift_right_logical3A_1283 = arith.constant 16 : i32
      %shift_right_logical3A_1284 = vector.broadcast %shift_right_logical3A_1283 : i32 to vector<16xi32>
      %shift_right_logical3A_1285 = arith.shrui %bitcast3A_1282, %shift_right_logical3A_1284 : vector<16xi32>
      %and3A_1286 = arith.constant 1 : i32
      %and3A_1287 = vector.broadcast %and3A_1286 : i32 to vector<16xi32>
      %and3A_1288 = arith.andi %shift_right_logical3A_1285, %and3A_1287 : vector<16xi32>
      %add3A_1289 = arith.constant 32767 : i32
      %add3A_1290 = vector.broadcast %add3A_1289 : i32 to vector<16xi32>
      %add3A_1291 = arith.addi %bitcast3A_1282, %add3A_1290 : vector<16xi32>
      %add3A_1292 = arith.addi %add3A_1291, %and3A_1288 : vector<16xi32>
      %and3A_1293 = arith.constant -65536 : i32
      %and3A_1294 = vector.broadcast %and3A_1293 : i32 to vector<16xi32>
      %and3A_1295 = arith.andi %add3A_1292, %and3A_1294 : vector<16xi32>
      %bitcast3A_1296 = vector.bitcast %and3A_1295 : vector<16xi32> to vector<16xf32>
      %mul3A_1297 = arith.mulf %bitcast3A_1296, %bitcast3A_1276 : vector<16xf32>
      %add3A_1298 = arith.addf %scan3A_1249, %mul3A_1297 : vector<16xf32>
      %add3A_1299 = arith.constant 2048 : i32
      %add3A_1300 = vector.broadcast %add3A_1299 : i32 to vector<16xi32>
      %add3A_1301 = arith.addi %add3A_1277, %add3A_1300 : vector<16xi32>
      %gather3A_1302 = tpu.vector_load_idx %arg7[%add3A_1301] : memref<32768xf32, #tpu.memory_space<vmem>>[vector<16xi32>], vector<16xf32>,
      %bitcast3A_1303 = vector.bitcast %gather3A_1302 : vector<16xf32> to vector<16xi32>
      %shift_right_logical3A_1304 = arith.constant 16 : i32
      %shift_right_logical3A_1305 = vector.broadcast %shift_right_logical3A_1304 : i32 to vector<16xi32>
      %shift_right_logical3A_1306 = arith.shrui %bitcast3A_1303, %shift_right_logical3A_1305 : vector<16xi32>
      %and3A_1307 = arith.constant 1 : i32
      %and3A_1308 = vector.broadcast %and3A_1307 : i32 to vector<16xi32>
      %and3A_1309 = arith.andi %shift_right_logical3A_1306, %and3A_1308 : vector<16xi32>
      %add3A_1310 = arith.constant 32767 : i32
      %add3A_1311 = vector.broadcast %add3A_1310 : i32 to vector<16xi32>
      %add3A_1312 = arith.addi %bitcast3A_1303, %add3A_1311 : vector<16xi32>
      %add3A_1313 = arith.addi %add3A_1312, %and3A_1309 : vector<16xi32>
      %and3A_1314 = arith.constant -65536 : i32
      %and3A_1315 = vector.broadcast %and3A_1314 : i32 to vector<16xi32>
      %and3A_1316 = arith.andi %add3A_1313, %and3A_1315 : vector<16xi32>
      %bitcast3A_1317 = vector.bitcast %and3A_1316 : vector<16xi32> to vector<16xf32>
      %mul3A_1318 = arith.mulf %bitcast3A_1317, %bitcast3A_1276 : vector<16xf32>
      %add3A_1319 = arith.addf %scan3A_1250, %mul3A_1318 : vector<16xf32>
      %add3A_1320 = arith.constant 4096 : i32
      %add3A_1321 = vector.broadcast %add3A_1320 : i32 to vector<16xi32>
      %add3A_1322 = arith.addi %add3A_1277, %add3A_1321 : vector<16xi32>
      %gather3A_1323 = tpu.vector_load_idx %arg7[%add3A_1322] : memref<32768xf32, #tpu.memory_space<vmem>>[vector<16xi32>], vector<16xf32>,
      %bitcast3A_1324 = vector.bitcast %gather3A_1323 : vector<16xf32> to vector<16xi32>
      %shift_right_logical3A_1325 = arith.constant 16 : i32
      %shift_right_logical3A_1326 = vector.broadcast %shift_right_logical3A_1325 : i32 to vector<16xi32>
      %shift_right_logical3A_1327 = arith.shrui %bitcast3A_1324, %shift_right_logical3A_1326 : vector<16xi32>
      %and3A_1328 = arith.constant 1 : i32
      %and3A_1329 = vector.broadcast %and3A_1328 : i32 to vector<16xi32>
      %and3A_1330 = arith.andi %shift_right_logical3A_1327, %and3A_1329 : vector<16xi32>
      %add3A_1331 = arith.constant 32767 : i32
      %add3A_1332 = vector.broadcast %add3A_1331 : i32 to vector<16xi32>
      %add3A_1333 = arith.addi %bitcast3A_1324, %add3A_1332 : vector<16xi32>
      %add3A_1334 = arith.addi %add3A_1333, %and3A_1330 : vector<16xi32>
      %and3A_1335 = arith.constant -65536 : i32
      %and3A_1336 = vector.broadcast %and3A_1335 : i32 to vector<16xi32>
      %and3A_1337 = arith.andi %add3A_1334, %and3A_1336 : vector<16xi32>
      %bitcast3A_1338 = vector.bitcast %and3A_1337 : vector<16xi32> to vector<16xf32>
      %mul3A_1339 = arith.mulf %bitcast3A_1338, %bitcast3A_1276 : vector<16xf32>
      %add3A_1340 = arith.addf %scan3A_1251, %mul3A_1339 : vector<16xf32>
      %add3A_1341 = arith.constant 6144 : i32
      %add3A_1342 = vector.broadcast %add3A_1341 : i32 to vector<16xi32>
      %add3A_1343 = arith.addi %add3A_1277, %add3A_1342 : vector<16xi32>
      %gather3A_1344 = tpu.vector_load_idx %arg7[%add3A_1343] : memref<32768xf32, #tpu.memory_space<vmem>>[vector<16xi32>], vector<16xf32>,
      %bitcast3A_1345 = vector.bitcast %gather3A_1344 : vector<16xf32> to vector<16xi32>
      %shift_right_logical3A_1346 = arith.constant 16 : i32
      %shift_right_logical3A_1347 = vector.broadcast %shift_right_logical3A_1346 : i32 to vector<16xi32>
      %shift_right_logical3A_1348 = arith.shrui %bitcast3A_1345, %shift_right_logical3A_1347 : vector<16xi32>
      %and3A_1349 = arith.constant 1 : i32
      %and3A_1350 = vector.broadcast %and3A_1349 : i32 to vector<16xi32>
      %and3A_1351 = arith.andi %shift_right_logical3A_1348, %and3A_1350 : vector<16xi32>
      %add3A_1352 = arith.constant 32767 : i32
      %add3A_1353 = vector.broadcast %add3A_1352 : i32 to vector<16xi32>
      %add3A_1354 = arith.addi %bitcast3A_1345, %add3A_1353 : vector<16xi32>
      %add3A_1355 = arith.addi %add3A_1354, %and3A_1351 : vector<16xi32>
      %and3A_1356 = arith.constant -65536 : i32
      %and3A_1357 = vector.broadcast %and3A_1356 : i32 to vector<16xi32>
      %and3A_1358 = arith.andi %add3A_1355, %and3A_1357 : vector<16xi32>
      %bitcast3A_1359 = vector.bitcast %and3A_1358 : vector<16xi32> to vector<16xf32>
      %mul3A_1360 = arith.mulf %bitcast3A_1359, %bitcast3A_1276 : vector<16xf32>
      %add3A_1361 = arith.addf %scan3A_1252, %mul3A_1360 : vector<16xf32>
      %add3A_1362 = arith.constant 8192 : i32
      %add3A_1363 = vector.broadcast %add3A_1362 : i32 to vector<16xi32>
      %add3A_1364 = arith.addi %add3A_1277, %add3A_1363 : vector<16xi32>
      %gather3A_1365 = tpu.vector_load_idx %arg7[%add3A_1364] : memref<32768xf32, #tpu.memory_space<vmem>>[vector<16xi32>], vector<16xf32>,
      %bitcast3A_1366 = vector.bitcast %gather3A_1365 : vector<16xf32> to vector<16xi32>
      %shift_right_logical3A_1367 = arith.constant 16 : i32
      %shift_right_logical3A_1368 = vector.broadcast %shift_right_logical3A_1367 : i32 to vector<16xi32>
      %shift_right_logical3A_1369 = arith.shrui %bitcast3A_1366, %shift_right_logical3A_1368 : vector<16xi32>
      %and3A_1370 = arith.constant 1 : i32
      %and3A_1371 = vector.broadcast %and3A_1370 : i32 to vector<16xi32>
      %and3A_1372 = arith.andi %shift_right_logical3A_1369, %and3A_1371 : vector<16xi32>
      %add3A_1373 = arith.constant 32767 : i32
      %add3A_1374 = vector.broadcast %add3A_1373 : i32 to vector<16xi32>
      %add3A_1375 = arith.addi %bitcast3A_1366, %add3A_1374 : vector<16xi32>
      %add3A_1376 = arith.addi %add3A_1375, %and3A_1372 : vector<16xi32>
      %and3A_1377 = arith.constant -65536 : i32
      %and3A_1378 = vector.broadcast %and3A_1377 : i32 to vector<16xi32>
      %and3A_1379 = arith.andi %add3A_1376, %and3A_1378 : vector<16xi32>
      %bitcast3A_1380 = vector.bitcast %and3A_1379 : vector<16xi32> to vector<16xf32>
      %mul3A_1381 = arith.mulf %bitcast3A_1380, %bitcast3A_1276 : vector<16xf32>
      %add3A_1382 = arith.addf %scan3A_1253, %mul3A_1381 : vector<16xf32>
      %add3A_1383 = arith.constant 10240 : i32
      %add3A_1384 = vector.broadcast %add3A_1383 : i32 to vector<16xi32>
      %add3A_1385 = arith.addi %add3A_1277, %add3A_1384 : vector<16xi32>
      %gather3A_1386 = tpu.vector_load_idx %arg7[%add3A_1385] : memref<32768xf32, #tpu.memory_space<vmem>>[vector<16xi32>], vector<16xf32>,
      %bitcast3A_1387 = vector.bitcast %gather3A_1386 : vector<16xf32> to vector<16xi32>
      %shift_right_logical3A_1388 = arith.constant 16 : i32
      %shift_right_logical3A_1389 = vector.broadcast %shift_right_logical3A_1388 : i32 to vector<16xi32>
      %shift_right_logical3A_1390 = arith.shrui %bitcast3A_1387, %shift_right_logical3A_1389 : vector<16xi32>
      %and3A_1391 = arith.constant 1 : i32
      %and3A_1392 = vector.broadcast %and3A_1391 : i32 to vector<16xi32>
      %and3A_1393 = arith.andi %shift_right_logical3A_1390, %and3A_1392 : vector<16xi32>
      %add3A_1394 = arith.constant 32767 : i32
      %add3A_1395 = vector.broadcast %add3A_1394 : i32 to vector<16xi32>
      %add3A_1396 = arith.addi %bitcast3A_1387, %add3A_1395 : vector<16xi32>
      %add3A_1397 = arith.addi %add3A_1396, %and3A_1393 : vector<16xi32>
      %and3A_1398 = arith.constant -65536 : i32
      %and3A_1399 = vector.broadcast %and3A_1398 : i32 to vector<16xi32>
      %and3A_1400 = arith.andi %add3A_1397, %and3A_1399 : vector<16xi32>
      %bitcast3A_1401 = vector.bitcast %and3A_1400 : vector<16xi32> to vector<16xf32>
      %mul3A_1402 = arith.mulf %bitcast3A_1401, %bitcast3A_1276 : vector<16xf32>
      %add3A_1403 = arith.addf %scan3A_1254, %mul3A_1402 : vector<16xf32>
      %add3A_1404 = arith.constant 12288 : i32
      %add3A_1405 = vector.broadcast %add3A_1404 : i32 to vector<16xi32>
      %add3A_1406 = arith.addi %add3A_1277, %add3A_1405 : vector<16xi32>
      %gather3A_1407 = tpu.vector_load_idx %arg7[%add3A_1406] : memref<32768xf32, #tpu.memory_space<vmem>>[vector<16xi32>], vector<16xf32>,
      %bitcast3A_1408 = vector.bitcast %gather3A_1407 : vector<16xf32> to vector<16xi32>
      %shift_right_logical3A_1409 = arith.constant 16 : i32
      %shift_right_logical3A_1410 = vector.broadcast %shift_right_logical3A_1409 : i32 to vector<16xi32>
      %shift_right_logical3A_1411 = arith.shrui %bitcast3A_1408, %shift_right_logical3A_1410 : vector<16xi32>
      %and3A_1412 = arith.constant 1 : i32
      %and3A_1413 = vector.broadcast %and3A_1412 : i32 to vector<16xi32>
      %and3A_1414 = arith.andi %shift_right_logical3A_1411, %and3A_1413 : vector<16xi32>
      %add3A_1415 = arith.constant 32767 : i32
      %add3A_1416 = vector.broadcast %add3A_1415 : i32 to vector<16xi32>
      %add3A_1417 = arith.addi %bitcast3A_1408, %add3A_1416 : vector<16xi32>
      %add3A_1418 = arith.addi %add3A_1417, %and3A_1414 : vector<16xi32>
      %and3A_1419 = arith.constant -65536 : i32
      %and3A_1420 = vector.broadcast %and3A_1419 : i32 to vector<16xi32>
      %and3A_1421 = arith.andi %add3A_1418, %and3A_1420 : vector<16xi32>
      %bitcast3A_1422 = vector.bitcast %and3A_1421 : vector<16xi32> to vector<16xf32>
      %mul3A_1423 = arith.mulf %bitcast3A_1422, %bitcast3A_1276 : vector<16xf32>
      %add3A_1424 = arith.addf %scan3A_1255, %mul3A_1423 : vector<16xf32>
      %add3A_1425 = arith.constant 14336 : i32
      %add3A_1426 = vector.broadcast %add3A_1425 : i32 to vector<16xi32>
      %add3A_1427 = arith.addi %add3A_1277, %add3A_1426 : vector<16xi32>
      %gather3A_1428 = tpu.vector_load_idx %arg7[%add3A_1427] : memref<32768xf32, #tpu.memory_space<vmem>>[vector<16xi32>], vector<16xf32>,
      %bitcast3A_1429 = vector.bitcast %gather3A_1428 : vector<16xf32> to vector<16xi32>
      %shift_right_logical3A_1430 = arith.constant 16 : i32
      %shift_right_logical3A_1431 = vector.broadcast %shift_right_logical3A_1430 : i32 to vector<16xi32>
      %shift_right_logical3A_1432 = arith.shrui %bitcast3A_1429, %shift_right_logical3A_1431 : vector<16xi32>
      %and3A_1433 = arith.constant 1 : i32
      %and3A_1434 = vector.broadcast %and3A_1433 : i32 to vector<16xi32>
      %and3A_1435 = arith.andi %shift_right_logical3A_1432, %and3A_1434 : vector<16xi32>
      %add3A_1436 = arith.constant 32767 : i32
      %add3A_1437 = vector.broadcast %add3A_1436 : i32 to vector<16xi32>
      %add3A_1438 = arith.addi %bitcast3A_1429, %add3A_1437 : vector<16xi32>
      %add3A_1439 = arith.addi %add3A_1438, %and3A_1435 : vector<16xi32>
      %and3A_1440 = arith.constant -65536 : i32
      %and3A_1441 = vector.broadcast %and3A_1440 : i32 to vector<16xi32>
      %and3A_1442 = arith.andi %add3A_1439, %and3A_1441 : vector<16xi32>
      %bitcast3A_1443 = vector.bitcast %and3A_1442 : vector<16xi32> to vector<16xf32>
      %mul3A_1444 = arith.mulf %bitcast3A_1443, %bitcast3A_1276 : vector<16xf32>
      %add3A_1445 = arith.addf %scan3A_1256, %mul3A_1444 : vector<16xf32>
      %add3A_1446 = arith.constant 16384 : i32
      %add3A_1447 = vector.broadcast %add3A_1446 : i32 to vector<16xi32>
      %add3A_1448 = arith.addi %add3A_1277, %add3A_1447 : vector<16xi32>
      %gather3A_1449 = tpu.vector_load_idx %arg7[%add3A_1448] : memref<32768xf32, #tpu.memory_space<vmem>>[vector<16xi32>], vector<16xf32>,
      %bitcast3A_1450 = vector.bitcast %gather3A_1449 : vector<16xf32> to vector<16xi32>
      %shift_right_logical3A_1451 = arith.constant 16 : i32
      %shift_right_logical3A_1452 = vector.broadcast %shift_right_logical3A_1451 : i32 to vector<16xi32>
      %shift_right_logical3A_1453 = arith.shrui %bitcast3A_1450, %shift_right_logical3A_1452 : vector<16xi32>
      %and3A_1454 = arith.constant 1 : i32
      %and3A_1455 = vector.broadcast %and3A_1454 : i32 to vector<16xi32>
      %and3A_1456 = arith.andi %shift_right_logical3A_1453, %and3A_1455 : vector<16xi32>
      %add3A_1457 = arith.constant 32767 : i32
      %add3A_1458 = vector.broadcast %add3A_1457 : i32 to vector<16xi32>
      %add3A_1459 = arith.addi %bitcast3A_1450, %add3A_1458 : vector<16xi32>
      %add3A_1460 = arith.addi %add3A_1459, %and3A_1456 : vector<16xi32>
      %and3A_1461 = arith.constant -65536 : i32
      %and3A_1462 = vector.broadcast %and3A_1461 : i32 to vector<16xi32>
      %and3A_1463 = arith.andi %add3A_1460, %and3A_1462 : vector<16xi32>
      %bitcast3A_1464 = vector.bitcast %and3A_1463 : vector<16xi32> to vector<16xf32>
      %mul3A_1465 = arith.mulf %bitcast3A_1464, %bitcast3A_1276 : vector<16xf32>
      %add3A_1466 = arith.addf %scan3A_1257, %mul3A_1465 : vector<16xf32>
      %add3A_1467 = arith.constant 18432 : i32
      %add3A_1468 = vector.broadcast %add3A_1467 : i32 to vector<16xi32>
      %add3A_1469 = arith.addi %add3A_1277, %add3A_1468 : vector<16xi32>
      %gather3A_1470 = tpu.vector_load_idx %arg7[%add3A_1469] : memref<32768xf32, #tpu.memory_space<vmem>>[vector<16xi32>], vector<16xf32>,
      %bitcast3A_1471 = vector.bitcast %gather3A_1470 : vector<16xf32> to vector<16xi32>
      %shift_right_logical3A_1472 = arith.constant 16 : i32
      %shift_right_logical3A_1473 = vector.broadcast %shift_right_logical3A_1472 : i32 to vector<16xi32>
      %shift_right_logical3A_1474 = arith.shrui %bitcast3A_1471, %shift_right_logical3A_1473 : vector<16xi32>
      %and3A_1475 = arith.constant 1 : i32
      %and3A_1476 = vector.broadcast %and3A_1475 : i32 to vector<16xi32>
      %and3A_1477 = arith.andi %shift_right_logical3A_1474, %and3A_1476 : vector<16xi32>
      %add3A_1478 = arith.constant 32767 : i32
      %add3A_1479 = vector.broadcast %add3A_1478 : i32 to vector<16xi32>
      %add3A_1480 = arith.addi %bitcast3A_1471, %add3A_1479 : vector<16xi32>
      %add3A_1481 = arith.addi %add3A_1480, %and3A_1477 : vector<16xi32>
      %and3A_1482 = arith.constant -65536 : i32
      %and3A_1483 = vector.broadcast %and3A_1482 : i32 to vector<16xi32>
      %and3A_1484 = arith.andi %add3A_1481, %and3A_1483 : vector<16xi32>
      %bitcast3A_1485 = vector.bitcast %and3A_1484 : vector<16xi32> to vector<16xf32>
      %mul3A_1486 = arith.mulf %bitcast3A_1485, %bitcast3A_1276 : vector<16xf32>
      %add3A_1487 = arith.addf %scan3A_1258, %mul3A_1486 : vector<16xf32>
      %add3A_1488 = arith.constant 20480 : i32
      %add3A_1489 = vector.broadcast %add3A_1488 : i32 to vector<16xi32>
      %add3A_1490 = arith.addi %add3A_1277, %add3A_1489 : vector<16xi32>
      %gather3A_1491 = tpu.vector_load_idx %arg7[%add3A_1490] : memref<32768xf32, #tpu.memory_space<vmem>>[vector<16xi32>], vector<16xf32>,
      %bitcast3A_1492 = vector.bitcast %gather3A_1491 : vector<16xf32> to vector<16xi32>
      %shift_right_logical3A_1493 = arith.constant 16 : i32
      %shift_right_logical3A_1494 = vector.broadcast %shift_right_logical3A_1493 : i32 to vector<16xi32>
      %shift_right_logical3A_1495 = arith.shrui %bitcast3A_1492, %shift_right_logical3A_1494 : vector<16xi32>
      %and3A_1496 = arith.constant 1 : i32
      %and3A_1497 = vector.broadcast %and3A_1496 : i32 to vector<16xi32>
      %and3A_1498 = arith.andi %shift_right_logical3A_1495, %and3A_1497 : vector<16xi32>
      %add3A_1499 = arith.constant 32767 : i32
      %add3A_1500 = vector.broadcast %add3A_1499 : i32 to vector<16xi32>
      %add3A_1501 = arith.addi %bitcast3A_1492, %add3A_1500 : vector<16xi32>
      %add3A_1502 = arith.addi %add3A_1501, %and3A_1498 : vector<16xi32>
      %and3A_1503 = arith.constant -65536 : i32
      %and3A_1504 = vector.broadcast %and3A_1503 : i32 to vector<16xi32>
      %and3A_1505 = arith.andi %add3A_1502, %and3A_1504 : vector<16xi32>
      %bitcast3A_1506 = vector.bitcast %and3A_1505 : vector<16xi32> to vector<16xf32>
      %mul3A_1507 = arith.mulf %bitcast3A_1506, %bitcast3A_1276 : vector<16xf32>
      %add3A_1508 = arith.addf %scan3A_1259, %mul3A_1507 : vector<16xf32>
      %add3A_1509 = arith.constant 22528 : i32
      %add3A_1510 = vector.broadcast %add3A_1509 : i32 to vector<16xi32>
      %add3A_1511 = arith.addi %add3A_1277, %add3A_1510 : vector<16xi32>
      %gather3A_1512 = tpu.vector_load_idx %arg7[%add3A_1511] : memref<32768xf32, #tpu.memory_space<vmem>>[vector<16xi32>], vector<16xf32>,
      %bitcast3A_1513 = vector.bitcast %gather3A_1512 : vector<16xf32> to vector<16xi32>
      %shift_right_logical3A_1514 = arith.constant 16 : i32
      %shift_right_logical3A_1515 = vector.broadcast %shift_right_logical3A_1514 : i32 to vector<16xi32>
      %shift_right_logical3A_1516 = arith.shrui %bitcast3A_1513, %shift_right_logical3A_1515 : vector<16xi32>
      %and3A_1517 = arith.constant 1 : i32
      %and3A_1518 = vector.broadcast %and3A_1517 : i32 to vector<16xi32>
      %and3A_1519 = arith.andi %shift_right_logical3A_1516, %and3A_1518 : vector<16xi32>
      %add3A_1520 = arith.constant 32767 : i32
      %add3A_1521 = vector.broadcast %add3A_1520 : i32 to vector<16xi32>
      %add3A_1522 = arith.addi %bitcast3A_1513, %add3A_1521 : vector<16xi32>
      %add3A_1523 = arith.addi %add3A_1522, %and3A_1519 : vector<16xi32>
      %and3A_1524 = arith.constant -65536 : i32
      %and3A_1525 = vector.broadcast %and3A_1524 : i32 to vector<16xi32>
      %and3A_1526 = arith.andi %add3A_1523, %and3A_1525 : vector<16xi32>
      %bitcast3A_1527 = vector.bitcast %and3A_1526 : vector<16xi32> to vector<16xf32>
      %mul3A_1528 = arith.mulf %bitcast3A_1527, %bitcast3A_1276 : vector<16xf32>
      %add3A_1529 = arith.addf %scan3A_1260, %mul3A_1528 : vector<16xf32>
      %add3A_1530 = arith.constant 24576 : i32
      %add3A_1531 = vector.broadcast %add3A_1530 : i32 to vector<16xi32>
      %add3A_1532 = arith.addi %add3A_1277, %add3A_1531 : vector<16xi32>
      %gather3A_1533 = tpu.vector_load_idx %arg7[%add3A_1532] : memref<32768xf32, #tpu.memory_space<vmem>>[vector<16xi32>], vector<16xf32>,
      %bitcast3A_1534 = vector.bitcast %gather3A_1533 : vector<16xf32> to vector<16xi32>
      %shift_right_logical3A_1535 = arith.constant 16 : i32
      %shift_right_logical3A_1536 = vector.broadcast %shift_right_logical3A_1535 : i32 to vector<16xi32>
      %shift_right_logical3A_1537 = arith.shrui %bitcast3A_1534, %shift_right_logical3A_1536 : vector<16xi32>
      %and3A_1538 = arith.constant 1 : i32
      %and3A_1539 = vector.broadcast %and3A_1538 : i32 to vector<16xi32>
      %and3A_1540 = arith.andi %shift_right_logical3A_1537, %and3A_1539 : vector<16xi32>
      %add3A_1541 = arith.constant 32767 : i32
      %add3A_1542 = vector.broadcast %add3A_1541 : i32 to vector<16xi32>
      %add3A_1543 = arith.addi %bitcast3A_1534, %add3A_1542 : vector<16xi32>
      %add3A_1544 = arith.addi %add3A_1543, %and3A_1540 : vector<16xi32>
      %and3A_1545 = arith.constant -65536 : i32
      %and3A_1546 = vector.broadcast %and3A_1545 : i32 to vector<16xi32>
      %and3A_1547 = arith.andi %add3A_1544, %and3A_1546 : vector<16xi32>
      %bitcast3A_1548 = vector.bitcast %and3A_1547 : vector<16xi32> to vector<16xf32>
      %mul3A_1549 = arith.mulf %bitcast3A_1548, %bitcast3A_1276 : vector<16xf32>
      %add3A_1550 = arith.addf %scan3A_1261, %mul3A_1549 : vector<16xf32>
      %add3A_1551 = arith.constant 26624 : i32
      %add3A_1552 = vector.broadcast %add3A_1551 : i32 to vector<16xi32>
      %add3A_1553 = arith.addi %add3A_1277, %add3A_1552 : vector<16xi32>
      %gather3A_1554 = tpu.vector_load_idx %arg7[%add3A_1553] : memref<32768xf32, #tpu.memory_space<vmem>>[vector<16xi32>], vector<16xf32>,
      %bitcast3A_1555 = vector.bitcast %gather3A_1554 : vector<16xf32> to vector<16xi32>
      %shift_right_logical3A_1556 = arith.constant 16 : i32
      %shift_right_logical3A_1557 = vector.broadcast %shift_right_logical3A_1556 : i32 to vector<16xi32>
      %shift_right_logical3A_1558 = arith.shrui %bitcast3A_1555, %shift_right_logical3A_1557 : vector<16xi32>
      %and3A_1559 = arith.constant 1 : i32
      %and3A_1560 = vector.broadcast %and3A_1559 : i32 to vector<16xi32>
      %and3A_1561 = arith.andi %shift_right_logical3A_1558, %and3A_1560 : vector<16xi32>
      %add3A_1562 = arith.constant 32767 : i32
      %add3A_1563 = vector.broadcast %add3A_1562 : i32 to vector<16xi32>
      %add3A_1564 = arith.addi %bitcast3A_1555, %add3A_1563 : vector<16xi32>
      %add3A_1565 = arith.addi %add3A_1564, %and3A_1561 : vector<16xi32>
      %and3A_1566 = arith.constant -65536 : i32
      %and3A_1567 = vector.broadcast %and3A_1566 : i32 to vector<16xi32>
      %and3A_1568 = arith.andi %add3A_1565, %and3A_1567 : vector<16xi32>
      %bitcast3A_1569 = vector.bitcast %and3A_1568 : vector<16xi32> to vector<16xf32>
      %mul3A_1570 = arith.mulf %bitcast3A_1569, %bitcast3A_1276 : vector<16xf32>
      %add3A_1571 = arith.addf %scan3A_1262, %mul3A_1570 : vector<16xf32>
      %add3A_1572 = arith.constant 28672 : i32
      %add3A_1573 = vector.broadcast %add3A_1572 : i32 to vector<16xi32>
      %add3A_1574 = arith.addi %add3A_1277, %add3A_1573 : vector<16xi32>
      %gather3A_1575 = tpu.vector_load_idx %arg7[%add3A_1574] : memref<32768xf32, #tpu.memory_space<vmem>>[vector<16xi32>], vector<16xf32>,
      %bitcast3A_1576 = vector.bitcast %gather3A_1575 : vector<16xf32> to vector<16xi32>
      %shift_right_logical3A_1577 = arith.constant 16 : i32
      %shift_right_logical3A_1578 = vector.broadcast %shift_right_logical3A_1577 : i32 to vector<16xi32>
      %shift_right_logical3A_1579 = arith.shrui %bitcast3A_1576, %shift_right_logical3A_1578 : vector<16xi32>
      %and3A_1580 = arith.constant 1 : i32
      %and3A_1581 = vector.broadcast %and3A_1580 : i32 to vector<16xi32>
      %and3A_1582 = arith.andi %shift_right_logical3A_1579, %and3A_1581 : vector<16xi32>
      %add3A_1583 = arith.constant 32767 : i32
      %add3A_1584 = vector.broadcast %add3A_1583 : i32 to vector<16xi32>
      %add3A_1585 = arith.addi %bitcast3A_1576, %add3A_1584 : vector<16xi32>
      %add3A_1586 = arith.addi %add3A_1585, %and3A_1582 : vector<16xi32>
      %and3A_1587 = arith.constant -65536 : i32
      %and3A_1588 = vector.broadcast %and3A_1587 : i32 to vector<16xi32>
      %and3A_1589 = arith.andi %add3A_1586, %and3A_1588 : vector<16xi32>
      %bitcast3A_1590 = vector.bitcast %and3A_1589 : vector<16xi32> to vector<16xf32>
      %mul3A_1591 = arith.mulf %bitcast3A_1590, %bitcast3A_1276 : vector<16xf32>
      %add3A_1592 = arith.addf %scan3A_1263, %mul3A_1591 : vector<16xf32>
      %add3A_1593 = arith.constant 30720 : i32
      %add3A_1594 = vector.broadcast %add3A_1593 : i32 to vector<16xi32>
      %add3A_1595 = arith.addi %add3A_1277, %add3A_1594 : vector<16xi32>
      %gather3A_1596 = tpu.vector_load_idx %arg7[%add3A_1595] : memref<32768xf32, #tpu.memory_space<vmem>>[vector<16xi32>], vector<16xf32>,
      %bitcast3A_1597 = vector.bitcast %gather3A_1596 : vector<16xf32> to vector<16xi32>
      %shift_right_logical3A_1598 = arith.constant 16 : i32
      %shift_right_logical3A_1599 = vector.broadcast %shift_right_logical3A_1598 : i32 to vector<16xi32>
      %shift_right_logical3A_1600 = arith.shrui %bitcast3A_1597, %shift_right_logical3A_1599 : vector<16xi32>
      %and3A_1601 = arith.constant 1 : i32
      %and3A_1602 = vector.broadcast %and3A_1601 : i32 to vector<16xi32>
      %and3A_1603 = arith.andi %shift_right_logical3A_1600, %and3A_1602 : vector<16xi32>
      %add3A_1604 = arith.constant 32767 : i32
      %add3A_1605 = vector.broadcast %add3A_1604 : i32 to vector<16xi32>
      %add3A_1606 = arith.addi %bitcast3A_1597, %add3A_1605 : vector<16xi32>
      %add3A_1607 = arith.addi %add3A_1606, %and3A_1603 : vector<16xi32>
      %and3A_1608 = arith.constant -65536 : i32
      %and3A_1609 = vector.broadcast %and3A_1608 : i32 to vector<16xi32>
      %and3A_1610 = arith.andi %add3A_1607, %and3A_1609 : vector<16xi32>
      %bitcast3A_1611 = vector.bitcast %and3A_1610 : vector<16xi32> to vector<16xf32>
      %mul3A_1612 = arith.mulf %bitcast3A_1611, %bitcast3A_1276 : vector<16xf32>
      %add3A_1613 = arith.addf %scan3A_1264, %mul3A_1612 : vector<16xf32>
      %add3A_1614 = arith.constant 1 : i32
      %add3A_1615 = vector.broadcast %add3A_1614 : i32 to vector<16xi32>
      %add3A_1616 = arith.addi %scan3A_1248, %add3A_1615 : vector<16xi32>
      %and3A_1617 = arith.constant 127 : i32
      %and3A_1618 = vector.broadcast %and3A_1617 : i32 to vector<16xi32>
      %and3A_1619 = arith.andi %add3A_1616, %and3A_1618 : vector<16xi32>
      scf.yield %and3A_1619, %add3A_1298, %add3A_1319, %add3A_1340, %add3A_1361, %add3A_1382, %add3A_1403, %add3A_1424, %add3A_1445, %add3A_1466, %add3A_1487, %add3A_1508, %add3A_1529, %add3A_1550, %add3A_1571, %add3A_1592, %add3A_1613 : vector<16xi32>, vector<16xf32>, vector<16xf32>, vector<16xf32>, vector<16xf32>, vector<16xf32>, vector<16xf32>, vector<16xf32>, vector<16xf32>, vector<16xf32>, vector<16xf32>, vector<16xf32>, vector<16xf32>, vector<16xf32>, vector<16xf32>, vector<16xf32>, vector<16xf32>
    }
    %scan3A_93 = arith.constant 128 : i32
    %add3A_94 = arith.constant 0 : i32
    %add3A_95 = arith.addi %add3A_56, %add3A_94 : i32
    %add3A_96 = vector.broadcast %add3A_95 : i32 to vector<16xi32>
    %add3A_97 = arith.addi %add3A_96, %iota3A : vector<16xi32>
    %masked_sort3A = arith.constant dense<true> : vector<16xi1>
    %masked_sort3A_98, %masked_sort3A_99, %masked_sort3A_100 = tpu.sort %scan3A_92#1, %add3A_97 masked %masked_sort3A {descending = true} : (vector<16xf32>, vector<16xi32>, vector<16xi1>) -> (vector<16xi1>, vector<16xf32>, vector<16xi32>)
    %ge3A = arith.cmpf oge, %broadcast_in_dim3A_41, %masked_sort3A_99 : vector<16xf32>
    %max3A = arith.maximumf %broadcast_in_dim3A_41, %masked_sort3A_99 : vector<16xf32>
    %select_n3A = arith.select %ge3A, %broadcast_in_dim3A_43, %masked_sort3A_100 : vector<16xi1>, vector<16xi32>
    %masked_sort3A_101 = arith.constant dense<true> : vector<16xi1>
    %masked_sort3A_102, %masked_sort3A_103, %masked_sort3A_104 = tpu.sort %max3A, %select_n3A masked %masked_sort3A_101 : (vector<16xf32>, vector<16xi32>, vector<16xi1>) -> (vector<16xi1>, vector<16xf32>, vector<16xi32>)
    %add3A_105 = arith.constant 16 : i32
    %add3A_106 = arith.addi %add3A_56, %add3A_105 : i32
    %add3A_107 = vector.broadcast %add3A_106 : i32 to vector<16xi32>
    %add3A_108 = arith.addi %add3A_107, %iota3A : vector<16xi32>
    %masked_sort3A_109 = arith.constant dense<true> : vector<16xi1>
    %masked_sort3A_110, %masked_sort3A_111, %masked_sort3A_112 = tpu.sort %scan3A_92#2, %add3A_108 masked %masked_sort3A_109 {descending = true} : (vector<16xf32>, vector<16xi32>, vector<16xi1>) -> (vector<16xi1>, vector<16xf32>, vector<16xi32>)
    %ge3A_113 = arith.cmpf oge, %masked_sort3A_103, %masked_sort3A_111 : vector<16xf32>
    %max3A_114 = arith.maximumf %masked_sort3A_103, %masked_sort3A_111 : vector<16xf32>
    %select_n3A_115 = arith.select %ge3A_113, %masked_sort3A_104, %masked_sort3A_112 : vector<16xi1>, vector<16xi32>
    %masked_sort3A_116 = arith.constant dense<true> : vector<16xi1>
    %masked_sort3A_117, %masked_sort3A_118, %masked_sort3A_119 = tpu.sort %max3A_114, %select_n3A_115 masked %masked_sort3A_116 : (vector<16xf32>, vector<16xi32>, vector<16xi1>) -> (vector<16xi1>, vector<16xf32>, vector<16xi32>)
    %add3A_120 = arith.constant 32 : i32
    %add3A_121 = arith.addi %add3A_56, %add3A_120 : i32
    %add3A_122 = vector.broadcast %add3A_121 : i32 to vector<16xi32>
    %add3A_123 = arith.addi %add3A_122, %iota3A : vector<16xi32>
    %masked_sort3A_124 = arith.constant dense<true> : vector<16xi1>
    %masked_sort3A_125, %masked_sort3A_126, %masked_sort3A_127 = tpu.sort %scan3A_92#3, %add3A_123 masked %masked_sort3A_124 {descending = true} : (vector<16xf32>, vector<16xi32>, vector<16xi1>) -> (vector<16xi1>, vector<16xf32>, vector<16xi32>)
    %ge3A_128 = arith.cmpf oge, %masked_sort3A_118, %masked_sort3A_126 : vector<16xf32>
    %max3A_129 = arith.maximumf %masked_sort3A_118, %masked_sort3A_126 : vector<16xf32>
    %select_n3A_130 = arith.select %ge3A_128, %masked_sort3A_119, %masked_sort3A_127 : vector<16xi1>, vector<16xi32>
    %masked_sort3A_131 = arith.constant dense<true> : vector<16xi1>
    %masked_sort3A_132, %masked_sort3A_133, %masked_sort3A_134 = tpu.sort %max3A_129, %select_n3A_130 masked %masked_sort3A_131 : (vector<16xf32>, vector<16xi32>, vector<16xi1>) -> (vector<16xi1>, vector<16xf32>, vector<16xi32>)
    %add3A_135 = arith.constant 48 : i32
    %add3A_136 = arith.addi %add3A_56, %add3A_135 : i32
    %add3A_137 = vector.broadcast %add3A_136 : i32 to vector<16xi32>
    %add3A_138 = arith.addi %add3A_137, %iota3A : vector<16xi32>
    %masked_sort3A_139 = arith.constant dense<true> : vector<16xi1>
    %masked_sort3A_140, %masked_sort3A_141, %masked_sort3A_142 = tpu.sort %scan3A_92#4, %add3A_138 masked %masked_sort3A_139 {descending = true} : (vector<16xf32>, vector<16xi32>, vector<16xi1>) -> (vector<16xi1>, vector<16xf32>, vector<16xi32>)
    %ge3A_143 = arith.cmpf oge, %masked_sort3A_133, %masked_sort3A_141 : vector<16xf32>
    %max3A_144 = arith.maximumf %masked_sort3A_133, %masked_sort3A_141 : vector<16xf32>
    %select_n3A_145 = arith.select %ge3A_143, %masked_sort3A_134, %masked_sort3A_142 : vector<16xi1>, vector<16xi32>
    %masked_sort3A_146 = arith.constant dense<true> : vector<16xi1>
    %masked_sort3A_147, %masked_sort3A_148, %masked_sort3A_149 = tpu.sort %max3A_144, %select_n3A_145 masked %masked_sort3A_146 : (vector<16xf32>, vector<16xi32>, vector<16xi1>) -> (vector<16xi1>, vector<16xf32>, vector<16xi32>)
    %add3A_150 = arith.constant 64 : i32
    %add3A_151 = arith.addi %add3A_56, %add3A_150 : i32
    %add3A_152 = vector.broadcast %add3A_151 : i32 to vector<16xi32>
    %add3A_153 = arith.addi %add3A_152, %iota3A : vector<16xi32>
    %masked_sort3A_154 = arith.constant dense<true> : vector<16xi1>
    %masked_sort3A_155, %masked_sort3A_156, %masked_sort3A_157 = tpu.sort %scan3A_92#5, %add3A_153 masked %masked_sort3A_154 {descending = true} : (vector<16xf32>, vector<16xi32>, vector<16xi1>) -> (vector<16xi1>, vector<16xf32>, vector<16xi32>)
    %ge3A_158 = arith.cmpf oge, %masked_sort3A_148, %masked_sort3A_156 : vector<16xf32>
    %max3A_159 = arith.maximumf %masked_sort3A_148, %masked_sort3A_156 : vector<16xf32>
    %select_n3A_160 = arith.select %ge3A_158, %masked_sort3A_149, %masked_sort3A_157 : vector<16xi1>, vector<16xi32>
    %masked_sort3A_161 = arith.constant dense<true> : vector<16xi1>
    %masked_sort3A_162, %masked_sort3A_163, %masked_sort3A_164 = tpu.sort %max3A_159, %select_n3A_160 masked %masked_sort3A_161 : (vector<16xf32>, vector<16xi32>, vector<16xi1>) -> (vector<16xi1>, vector<16xf32>, vector<16xi32>)
    %add3A_165 = arith.constant 80 : i32
    %add3A_166 = arith.addi %add3A_56, %add3A_165 : i32
    %add3A_167 = vector.broadcast %add3A_166 : i32 to vector<16xi32>
    %add3A_168 = arith.addi %add3A_167, %iota3A : vector<16xi32>
    %masked_sort3A_169 = arith.constant dense<true> : vector<16xi1>
    %masked_sort3A_170, %masked_sort3A_171, %masked_sort3A_172 = tpu.sort %scan3A_92#6, %add3A_168 masked %masked_sort3A_169 {descending = true} : (vector<16xf32>, vector<16xi32>, vector<16xi1>) -> (vector<16xi1>, vector<16xf32>, vector<16xi32>)
    %ge3A_173 = arith.cmpf oge, %masked_sort3A_163, %masked_sort3A_171 : vector<16xf32>
    %max3A_174 = arith.maximumf %masked_sort3A_163, %masked_sort3A_171 : vector<16xf32>
    %select_n3A_175 = arith.select %ge3A_173, %masked_sort3A_164, %masked_sort3A_172 : vector<16xi1>, vector<16xi32>
    %masked_sort3A_176 = arith.constant dense<true> : vector<16xi1>
    %masked_sort3A_177, %masked_sort3A_178, %masked_sort3A_179 = tpu.sort %max3A_174, %select_n3A_175 masked %masked_sort3A_176 : (vector<16xf32>, vector<16xi32>, vector<16xi1>) -> (vector<16xi1>, vector<16xf32>, vector<16xi32>)
    %add3A_180 = arith.constant 96 : i32
    %add3A_181 = arith.addi %add3A_56, %add3A_180 : i32
    %add3A_182 = vector.broadcast %add3A_181 : i32 to vector<16xi32>
    %add3A_183 = arith.addi %add3A_182, %iota3A : vector<16xi32>
    %masked_sort3A_184 = arith.constant dense<true> : vector<16xi1>
    %masked_sort3A_185, %masked_sort3A_186, %masked_sort3A_187 = tpu.sort %scan3A_92#7, %add3A_183 masked %masked_sort3A_184 {descending = true} : (vector<16xf32>, vector<16xi32>, vector<16xi1>) -> (vector<16xi1>, vector<16xf32>, vector<16xi32>)
    %ge3A_188 = arith.cmpf oge, %masked_sort3A_178, %masked_sort3A_186 : vector<16xf32>
    %max3A_189 = arith.maximumf %masked_sort3A_178, %masked_sort3A_186 : vector<16xf32>
    %select_n3A_190 = arith.select %ge3A_188, %masked_sort3A_179, %masked_sort3A_187 : vector<16xi1>, vector<16xi32>
    %masked_sort3A_191 = arith.constant dense<true> : vector<16xi1>
    %masked_sort3A_192, %masked_sort3A_193, %masked_sort3A_194 = tpu.sort %max3A_189, %select_n3A_190 masked %masked_sort3A_191 : (vector<16xf32>, vector<16xi32>, vector<16xi1>) -> (vector<16xi1>, vector<16xf32>, vector<16xi32>)
    %add3A_195 = arith.constant 112 : i32
    %add3A_196 = arith.addi %add3A_56, %add3A_195 : i32
    %add3A_197 = vector.broadcast %add3A_196 : i32 to vector<16xi32>
    %add3A_198 = arith.addi %add3A_197, %iota3A : vector<16xi32>
    %masked_sort3A_199 = arith.constant dense<true> : vector<16xi1>
    %masked_sort3A_200, %masked_sort3A_201, %masked_sort3A_202 = tpu.sort %scan3A_92#8, %add3A_198 masked %masked_sort3A_199 {descending = true} : (vector<16xf32>, vector<16xi32>, vector<16xi1>) -> (vector<16xi1>, vector<16xf32>, vector<16xi32>)
    %ge3A_203 = arith.cmpf oge, %masked_sort3A_193, %masked_sort3A_201 : vector<16xf32>
    %max3A_204 = arith.maximumf %masked_sort3A_193, %masked_sort3A_201 : vector<16xf32>
    %select_n3A_205 = arith.select %ge3A_203, %masked_sort3A_194, %masked_sort3A_202 : vector<16xi1>, vector<16xi32>
    %masked_sort3A_206 = arith.constant dense<true> : vector<16xi1>
    %masked_sort3A_207, %masked_sort3A_208, %masked_sort3A_209 = tpu.sort %max3A_204, %select_n3A_205 masked %masked_sort3A_206 : (vector<16xf32>, vector<16xi32>, vector<16xi1>) -> (vector<16xi1>, vector<16xf32>, vector<16xi32>)
    %add3A_210 = arith.constant 128 : i32
    %add3A_211 = arith.addi %add3A_56, %add3A_210 : i32
    %add3A_212 = vector.broadcast %add3A_211 : i32 to vector<16xi32>
    %add3A_213 = arith.addi %add3A_212, %iota3A : vector<16xi32>
    %masked_sort3A_214 = arith.constant dense<true> : vector<16xi1>
    %masked_sort3A_215, %masked_sort3A_216, %masked_sort3A_217 = tpu.sort %scan3A_92#9, %add3A_213 masked %masked_sort3A_214 {descending = true} : (vector<16xf32>, vector<16xi32>, vector<16xi1>) -> (vector<16xi1>, vector<16xf32>, vector<16xi32>)
    %ge3A_218 = arith.cmpf oge, %masked_sort3A_208, %masked_sort3A_216 : vector<16xf32>
    %max3A_219 = arith.maximumf %masked_sort3A_208, %masked_sort3A_216 : vector<16xf32>
    %select_n3A_220 = arith.select %ge3A_218, %masked_sort3A_209, %masked_sort3A_217 : vector<16xi1>, vector<16xi32>
    %masked_sort3A_221 = arith.constant dense<true> : vector<16xi1>
    %masked_sort3A_222, %masked_sort3A_223, %masked_sort3A_224 = tpu.sort %max3A_219, %select_n3A_220 masked %masked_sort3A_221 : (vector<16xf32>, vector<16xi32>, vector<16xi1>) -> (vector<16xi1>, vector<16xf32>, vector<16xi32>)
    %add3A_225 = arith.constant 144 : i32
    %add3A_226 = arith.addi %add3A_56, %add3A_225 : i32
    %add3A_227 = vector.broadcast %add3A_226 : i32 to vector<16xi32>
    %add3A_228 = arith.addi %add3A_227, %iota3A : vector<16xi32>
    %masked_sort3A_229 = arith.constant dense<true> : vector<16xi1>
    %masked_sort3A_230, %masked_sort3A_231, %masked_sort3A_232 = tpu.sort %scan3A_92#10, %add3A_228 masked %masked_sort3A_229 {descending = true} : (vector<16xf32>, vector<16xi32>, vector<16xi1>) -> (vector<16xi1>, vector<16xf32>, vector<16xi32>)
    %ge3A_233 = arith.cmpf oge, %masked_sort3A_223, %masked_sort3A_231 : vector<16xf32>
    %max3A_234 = arith.maximumf %masked_sort3A_223, %masked_sort3A_231 : vector<16xf32>
    %select_n3A_235 = arith.select %ge3A_233, %masked_sort3A_224, %masked_sort3A_232 : vector<16xi1>, vector<16xi32>
    %masked_sort3A_236 = arith.constant dense<true> : vector<16xi1>
    %masked_sort3A_237, %masked_sort3A_238, %masked_sort3A_239 = tpu.sort %max3A_234, %select_n3A_235 masked %masked_sort3A_236 : (vector<16xf32>, vector<16xi32>, vector<16xi1>) -> (vector<16xi1>, vector<16xf32>, vector<16xi32>)
    %add3A_240 = arith.constant 160 : i32
    %add3A_241 = arith.addi %add3A_56, %add3A_240 : i32
    %add3A_242 = vector.broadcast %add3A_241 : i32 to vector<16xi32>
    %add3A_243 = arith.addi %add3A_242, %iota3A : vector<16xi32>
    %masked_sort3A_244 = arith.constant dense<true> : vector<16xi1>
    %masked_sort3A_245, %masked_sort3A_246, %masked_sort3A_247 = tpu.sort %scan3A_92#11, %add3A_243 masked %masked_sort3A_244 {descending = true} : (vector<16xf32>, vector<16xi32>, vector<16xi1>) -> (vector<16xi1>, vector<16xf32>, vector<16xi32>)
    %ge3A_248 = arith.cmpf oge, %masked_sort3A_238, %masked_sort3A_246 : vector<16xf32>
    %max3A_249 = arith.maximumf %masked_sort3A_238, %masked_sort3A_246 : vector<16xf32>
    %select_n3A_250 = arith.select %ge3A_248, %masked_sort3A_239, %masked_sort3A_247 : vector<16xi1>, vector<16xi32>
    %masked_sort3A_251 = arith.constant dense<true> : vector<16xi1>
    %masked_sort3A_252, %masked_sort3A_253, %masked_sort3A_254 = tpu.sort %max3A_249, %select_n3A_250 masked %masked_sort3A_251 : (vector<16xf32>, vector<16xi32>, vector<16xi1>) -> (vector<16xi1>, vector<16xf32>, vector<16xi32>)
    %add3A_255 = arith.constant 176 : i32
    %add3A_256 = arith.addi %add3A_56, %add3A_255 : i32
    %add3A_257 = vector.broadcast %add3A_256 : i32 to vector<16xi32>
    %add3A_258 = arith.addi %add3A_257, %iota3A : vector<16xi32>
    %masked_sort3A_259 = arith.constant dense<true> : vector<16xi1>
    %masked_sort3A_260, %masked_sort3A_261, %masked_sort3A_262 = tpu.sort %scan3A_92#12, %add3A_258 masked %masked_sort3A_259 {descending = true} : (vector<16xf32>, vector<16xi32>, vector<16xi1>) -> (vector<16xi1>, vector<16xf32>, vector<16xi32>)
    %ge3A_263 = arith.cmpf oge, %masked_sort3A_253, %masked_sort3A_261 : vector<16xf32>
    %max3A_264 = arith.maximumf %masked_sort3A_253, %masked_sort3A_261 : vector<16xf32>
    %select_n3A_265 = arith.select %ge3A_263, %masked_sort3A_254, %masked_sort3A_262 : vector<16xi1>, vector<16xi32>
    %masked_sort3A_266 = arith.constant dense<true> : vector<16xi1>
    %masked_sort3A_267, %masked_sort3A_268, %masked_sort3A_269 = tpu.sort %max3A_264, %select_n3A_265 masked %masked_sort3A_266 : (vector<16xf32>, vector<16xi32>, vector<16xi1>) -> (vector<16xi1>, vector<16xf32>, vector<16xi32>)
    %add3A_270 = arith.constant 192 : i32
    %add3A_271 = arith.addi %add3A_56, %add3A_270 : i32
    %add3A_272 = vector.broadcast %add3A_271 : i32 to vector<16xi32>
    %add3A_273 = arith.addi %add3A_272, %iota3A : vector<16xi32>
    %masked_sort3A_274 = arith.constant dense<true> : vector<16xi1>
    %masked_sort3A_275, %masked_sort3A_276, %masked_sort3A_277 = tpu.sort %scan3A_92#13, %add3A_273 masked %masked_sort3A_274 {descending = true} : (vector<16xf32>, vector<16xi32>, vector<16xi1>) -> (vector<16xi1>, vector<16xf32>, vector<16xi32>)
    %ge3A_278 = arith.cmpf oge, %masked_sort3A_268, %masked_sort3A_276 : vector<16xf32>
    %max3A_279 = arith.maximumf %masked_sort3A_268, %masked_sort3A_276 : vector<16xf32>
    %select_n3A_280 = arith.select %ge3A_278, %masked_sort3A_269, %masked_sort3A_277 : vector<16xi1>, vector<16xi32>
    %masked_sort3A_281 = arith.constant dense<true> : vector<16xi1>
    %masked_sort3A_282, %masked_sort3A_283, %masked_sort3A_284 = tpu.sort %max3A_279, %select_n3A_280 masked %masked_sort3A_281 : (vector<16xf32>, vector<16xi32>, vector<16xi1>) -> (vector<16xi1>, vector<16xf32>, vector<16xi32>)
    %add3A_285 = arith.constant 208 : i32
    %add3A_286 = arith.addi %add3A_56, %add3A_285 : i32
    %add3A_287 = vector.broadcast %add3A_286 : i32 to vector<16xi32>
    %add3A_288 = arith.addi %add3A_287, %iota3A : vector<16xi32>
    %masked_sort3A_289 = arith.constant dense<true> : vector<16xi1>
    %masked_sort3A_290, %masked_sort3A_291, %masked_sort3A_292 = tpu.sort %scan3A_92#14, %add3A_288 masked %masked_sort3A_289 {descending = true} : (vector<16xf32>, vector<16xi32>, vector<16xi1>) -> (vector<16xi1>, vector<16xf32>, vector<16xi32>)
    %ge3A_293 = arith.cmpf oge, %masked_sort3A_283, %masked_sort3A_291 : vector<16xf32>
    %max3A_294 = arith.maximumf %masked_sort3A_283, %masked_sort3A_291 : vector<16xf32>
    %select_n3A_295 = arith.select %ge3A_293, %masked_sort3A_284, %masked_sort3A_292 : vector<16xi1>, vector<16xi32>
    %masked_sort3A_296 = arith.constant dense<true> : vector<16xi1>
    %masked_sort3A_297, %masked_sort3A_298, %masked_sort3A_299 = tpu.sort %max3A_294, %select_n3A_295 masked %masked_sort3A_296 : (vector<16xf32>, vector<16xi32>, vector<16xi1>) -> (vector<16xi1>, vector<16xf32>, vector<16xi32>)
    %add3A_300 = arith.constant 224 : i32
    %add3A_301 = arith.addi %add3A_56, %add3A_300 : i32
    %add3A_302 = vector.broadcast %add3A_301 : i32 to vector<16xi32>
    %add3A_303 = arith.addi %add3A_302, %iota3A : vector<16xi32>
    %masked_sort3A_304 = arith.constant dense<true> : vector<16xi1>
    %masked_sort3A_305, %masked_sort3A_306, %masked_sort3A_307 = tpu.sort %scan3A_92#15, %add3A_303 masked %masked_sort3A_304 {descending = true} : (vector<16xf32>, vector<16xi32>, vector<16xi1>) -> (vector<16xi1>, vector<16xf32>, vector<16xi32>)
    %ge3A_308 = arith.cmpf oge, %masked_sort3A_298, %masked_sort3A_306 : vector<16xf32>
    %max3A_309 = arith.maximumf %masked_sort3A_298, %masked_sort3A_306 : vector<16xf32>
    %select_n3A_310 = arith.select %ge3A_308, %masked_sort3A_299, %masked_sort3A_307 : vector<16xi1>, vector<16xi32>
    %masked_sort3A_311 = arith.constant dense<true> : vector<16xi1>
    %masked_sort3A_312, %masked_sort3A_313, %masked_sort3A_314 = tpu.sort %max3A_309, %select_n3A_310 masked %masked_sort3A_311 : (vector<16xf32>, vector<16xi32>, vector<16xi1>) -> (vector<16xi1>, vector<16xf32>, vector<16xi32>)
    %add3A_315 = arith.constant 240 : i32
    %add3A_316 = arith.addi %add3A_56, %add3A_315 : i32
    %add3A_317 = vector.broadcast %add3A_316 : i32 to vector<16xi32>
    %add3A_318 = arith.addi %add3A_317, %iota3A : vector<16xi32>
    %masked_sort3A_319 = arith.constant dense<true> : vector<16xi1>
    %masked_sort3A_320, %masked_sort3A_321, %masked_sort3A_322 = tpu.sort %scan3A_92#16, %add3A_318 masked %masked_sort3A_319 {descending = true} : (vector<16xf32>, vector<16xi32>, vector<16xi1>) -> (vector<16xi1>, vector<16xf32>, vector<16xi32>)
    %ge3A_323 = arith.cmpf oge, %masked_sort3A_313, %masked_sort3A_321 : vector<16xf32>
    %max3A_324 = arith.maximumf %masked_sort3A_313, %masked_sort3A_321 : vector<16xf32>
    %select_n3A_325 = arith.select %ge3A_323, %masked_sort3A_314, %masked_sort3A_322 : vector<16xi1>, vector<16xi32>
    %masked_sort3A_326 = arith.constant dense<true> : vector<16xi1>
    %masked_sort3A_327, %masked_sort3A_328, %masked_sort3A_329 = tpu.sort %max3A_324, %select_n3A_325 masked %masked_sort3A_326 : (vector<16xf32>, vector<16xi32>, vector<16xi1>) -> (vector<16xi1>, vector<16xf32>, vector<16xi32>)
    %add3A_330 = arith.constant 512 : i32
    %add3A_331 = arith.addi %mul3A_2, %add3A_330 : i32
    %mul3A_332 = arith.constant 128 : i32
    %mul3A_333 = arith.muli %add3A_331, %mul3A_332 : i32
    %dma_start3A_334 = arith.constant 0 : i32
    %dma_start3A_335 = tpu.memref_slice %arg7[%dma_start3A_334] : memref<32768xf32, #tpu.memory_space<vmem>> -> memref<16384xf32, #tpu.memory_space<vmem>>
    %dma_start3A_336 = tpu.memref_slice %arg2[%mul3A_333] : memref<4194304xf32, #tpu.memory_space<hbm>> -> memref<16384xf32, #tpu.memory_space<hbm>>
    %dma_start3A_337 = arith.constant 0 : i32
    %dma_start3A_338 = tpu.memref_slice %arg7[%dma_start3A_337] : memref<32768xf32, #tpu.memory_space<vmem>> -> memref<16384xf32, #tpu.memory_space<vmem>>
    %dma_start3A_339 = tpu.memref_slice %arg2[%mul3A_333] : memref<4194304xf32, #tpu.memory_space<hbm>> -> memref<16384xf32, #tpu.memory_space<hbm>>
    tpu.enqueue_dma source(%dma_start3A_339 : memref<16384xf32, #tpu.memory_space<hbm>>) target(%dma_start3A_338 : memref<16384xf32, #tpu.memory_space<vmem>>) target_semaphore(%arg17 : memref<!tpu.dma_semaphore, #tpu.memory_space<semaphore_mem>>)
    %add3A_340 = arith.constant 16384 : i32
    %add3A_341 = arith.addi %mul3A_333, %add3A_340 : i32
    %dma_start3A_342 = arith.constant 16384 : i32
    %dma_start3A_343 = tpu.memref_slice %arg7[%dma_start3A_342] : memref<32768xf32, #tpu.memory_space<vmem>> -> memref<16384xf32, #tpu.memory_space<vmem>>
    %dma_start3A_344 = tpu.memref_slice %arg2[%add3A_341] : memref<4194304xf32, #tpu.memory_space<hbm>> -> memref<16384xf32, #tpu.memory_space<hbm>>
    %dma_start3A_345 = arith.constant 16384 : i32
    %dma_start3A_346 = tpu.memref_slice %arg7[%dma_start3A_345] : memref<32768xf32, #tpu.memory_space<vmem>> -> memref<16384xf32, #tpu.memory_space<vmem>>
    %dma_start3A_347 = tpu.memref_slice %arg2[%add3A_341] : memref<4194304xf32, #tpu.memory_space<hbm>> -> memref<16384xf32, #tpu.memory_space<hbm>>
    tpu.enqueue_dma source(%dma_start3A_347 : memref<16384xf32, #tpu.memory_space<hbm>>) target(%dma_start3A_346 : memref<16384xf32, #tpu.memory_space<vmem>>) target_semaphore(%arg17 : memref<!tpu.dma_semaphore, #tpu.memory_space<semaphore_mem>>)
    %dma_wait3A_348 = arith.constant 0 : i32
    %dma_wait3A_349 = tpu.memref_slice %arg8[%dma_wait3A_348] : memref<32768xf32, #tpu.memory_space<vmem>> -> memref<16384xf32, #tpu.memory_space<vmem>>
    %dma_wait3A_350 = tpu.memref_slice %arg2[%mul3A_26] : memref<4194304xf32, #tpu.memory_space<hbm>> -> memref<16384xf32, #tpu.memory_space<hbm>>
    %dma_wait3A_351 = arith.constant 0 : i32
    %dma_wait3A_352 = tpu.memref_slice %arg8[%dma_wait3A_351] : memref<32768xf32, #tpu.memory_space<vmem>> -> memref<16384xf32, #tpu.memory_space<vmem>>
    %dma_wait3A_353 = tpu.memref_slice %arg2[%mul3A_26] : memref<4194304xf32, #tpu.memory_space<hbm>> -> memref<16384xf32, #tpu.memory_space<hbm>>
    tpu.wait_dma2 semaphore(%arg18 : memref<!tpu.dma_semaphore, #tpu.memory_space<semaphore_mem>>) src(%dma_wait3A_353 : memref<16384xf32, #tpu.memory_space<hbm>>) dst(%dma_wait3A_352 : memref<16384xf32, #tpu.memory_space<vmem>>)
    %dma_wait3A_354 = arith.constant 16384 : i32
    %dma_wait3A_355 = tpu.memref_slice %arg8[%dma_wait3A_354] : memref<32768xf32, #tpu.memory_space<vmem>> -> memref<16384xf32, #tpu.memory_space<vmem>>
    %dma_wait3A_356 = tpu.memref_slice %arg2[%add3A_34] : memref<4194304xf32, #tpu.memory_space<hbm>> -> memref<16384xf32, #tpu.memory_space<hbm>>
    %dma_wait3A_357 = arith.constant 16384 : i32
    %dma_wait3A_358 = tpu.memref_slice %arg8[%dma_wait3A_357] : memref<32768xf32, #tpu.memory_space<vmem>> -> memref<16384xf32, #tpu.memory_space<vmem>>
    %dma_wait3A_359 = tpu.memref_slice %arg2[%add3A_34] : memref<4194304xf32, #tpu.memory_space<hbm>> -> memref<16384xf32, #tpu.memory_space<hbm>>
    tpu.wait_dma2 semaphore(%arg18 : memref<!tpu.dma_semaphore, #tpu.memory_space<semaphore_mem>>) src(%dma_wait3A_359 : memref<16384xf32, #tpu.memory_space<hbm>>) dst(%dma_wait3A_358 : memref<16384xf32, #tpu.memory_space<vmem>>)
    %add3A_360 = arith.constant 256 : i32
    %add3A_361 = arith.addi %mul3A_2, %add3A_360 : i32
    %broadcast_in_dim3A_362 = arith.constant 0.000000e+00 : f32
    %broadcast_in_dim3A_363 = vector.broadcast %broadcast_in_dim3A_362 : f32 to vector<16xf32>
    %broadcast_in_dim3A_364 = arith.constant 0.000000e+00 : f32
    %broadcast_in_dim3A_365 = vector.broadcast %broadcast_in_dim3A_364 : f32 to vector<16xf32>
    %broadcast_in_dim3A_366 = arith.constant 0.000000e+00 : f32
    %broadcast_in_dim3A_367 = vector.broadcast %broadcast_in_dim3A_366 : f32 to vector<16xf32>
    %broadcast_in_dim3A_368 = arith.constant 0.000000e+00 : f32
    %broadcast_in_dim3A_369 = vector.broadcast %broadcast_in_dim3A_368 : f32 to vector<16xf32>
    %broadcast_in_dim3A_370 = arith.constant 0.000000e+00 : f32
    %broadcast_in_dim3A_371 = vector.broadcast %broadcast_in_dim3A_370 : f32 to vector<16xf32>
    %broadcast_in_dim3A_372 = arith.constant 0.000000e+00 : f32
    %broadcast_in_dim3A_373 = vector.broadcast %broadcast_in_dim3A_372 : f32 to vector<16xf32>
    %broadcast_in_dim3A_374 = arith.constant 0.000000e+00 : f32
    %broadcast_in_dim3A_375 = vector.broadcast %broadcast_in_dim3A_374 : f32 to vector<16xf32>
    %broadcast_in_dim3A_376 = arith.constant 0.000000e+00 : f32
    %broadcast_in_dim3A_377 = vector.broadcast %broadcast_in_dim3A_376 : f32 to vector<16xf32>
    %broadcast_in_dim3A_378 = arith.constant 0.000000e+00 : f32
    %broadcast_in_dim3A_379 = vector.broadcast %broadcast_in_dim3A_378 : f32 to vector<16xf32>
    %broadcast_in_dim3A_380 = arith.constant 0.000000e+00 : f32
    %broadcast_in_dim3A_381 = vector.broadcast %broadcast_in_dim3A_380 : f32 to vector<16xf32>
    %broadcast_in_dim3A_382 = arith.constant 0.000000e+00 : f32
    %broadcast_in_dim3A_383 = vector.broadcast %broadcast_in_dim3A_382 : f32 to vector<16xf32>
    %broadcast_in_dim3A_384 = arith.constant 0.000000e+00 : f32
    %broadcast_in_dim3A_385 = vector.broadcast %broadcast_in_dim3A_384 : f32 to vector<16xf32>
    %broadcast_in_dim3A_386 = arith.constant 0.000000e+00 : f32
    %broadcast_in_dim3A_387 = vector.broadcast %broadcast_in_dim3A_386 : f32 to vector<16xf32>
    %broadcast_in_dim3A_388 = arith.constant 0.000000e+00 : f32
    %broadcast_in_dim3A_389 = vector.broadcast %broadcast_in_dim3A_388 : f32 to vector<16xf32>
    %broadcast_in_dim3A_390 = arith.constant 0.000000e+00 : f32
    %broadcast_in_dim3A_391 = vector.broadcast %broadcast_in_dim3A_390 : f32 to vector<16xf32>
    %broadcast_in_dim3A_392 = arith.constant 0.000000e+00 : f32
    %broadcast_in_dim3A_393 = vector.broadcast %broadcast_in_dim3A_392 : f32 to vector<16xf32>
    %scan3A_394 = arith.constant 0 : i32
    %scan3A_395 = arith.constant 128 : i32
    %scan3A_396 = arith.addi %scan3A_394, %scan3A_395 : i32
    %scan3A_397 = arith.constant 1 : i32
    %scan3A_398:17 = scf.for %scan3A_1247 = %scan3A_394 to %scan3A_396 step %scan3A_397 iter_args(%scan3A_1248 = %iota3A, %scan3A_1249 = %broadcast_in_dim3A_363, %scan3A_1250 = %broadcast_in_dim3A_365, %scan3A_1251 = %broadcast_in_dim3A_367, %scan3A_1252 = %broadcast_in_dim3A_369, %scan3A_1253 = %broadcast_in_dim3A_371, %scan3A_1254 = %broadcast_in_dim3A_373, %scan3A_1255 = %broadcast_in_dim3A_375, %scan3A_1256 = %broadcast_in_dim3A_377, %scan3A_1257 = %broadcast_in_dim3A_379, %scan3A_1258 = %broadcast_in_dim3A_381, %scan3A_1259 = %broadcast_in_dim3A_383, %scan3A_1260 = %broadcast_in_dim3A_385, %scan3A_1261 = %broadcast_in_dim3A_387, %scan3A_1262 = %broadcast_in_dim3A_389, %scan3A_1263 = %broadcast_in_dim3A_391, %scan3A_1264 = %broadcast_in_dim3A_393) -> (vector<16xi32>, vector<16xf32>, vector<16xf32>, vector<16xf32>, vector<16xf32>, vector<16xf32>, vector<16xf32>, vector<16xf32>, vector<16xf32>, vector<16xf32>, vector<16xf32>, vector<16xf32>, vector<16xf32>, vector<16xf32>, vector<16xf32>, vector<16xf32>, vector<16xf32>)  : i32 {
      %gather3A = tpu.vector_load_idx %arg9[%scan3A_1248] : memref<128xf32, #tpu.memory_space<vmem>>[vector<16xi32>], vector<16xf32>,
      %bitcast3A = vector.bitcast %gather3A : vector<16xf32> to vector<16xi32>
      %shift_right_logical3A = arith.constant 16 : i32
      %shift_right_logical3A_1265 = vector.broadcast %shift_right_logical3A : i32 to vector<16xi32>
      %shift_right_logical3A_1266 = arith.shrui %bitcast3A, %shift_right_logical3A_1265 : vector<16xi32>
      %and3A = arith.constant 1 : i32
      %and3A_1267 = vector.broadcast %and3A : i32 to vector<16xi32>
      %and3A_1268 = arith.andi %shift_right_logical3A_1266, %and3A_1267 : vector<16xi32>
      %add3A_1269 = arith.constant 32767 : i32
      %add3A_1270 = vector.broadcast %add3A_1269 : i32 to vector<16xi32>
      %add3A_1271 = arith.addi %bitcast3A, %add3A_1270 : vector<16xi32>
      %add3A_1272 = arith.addi %add3A_1271, %and3A_1268 : vector<16xi32>
      %and3A_1273 = arith.constant -65536 : i32
      %and3A_1274 = vector.broadcast %and3A_1273 : i32 to vector<16xi32>
      %and3A_1275 = arith.andi %add3A_1272, %and3A_1274 : vector<16xi32>
      %bitcast3A_1276 = vector.bitcast %and3A_1275 : vector<16xi32> to vector<16xf32>
      %add3A_1277 = arith.addi %scan3A_1248, %mul3A_5 : vector<16xi32>
      %add3A_1278 = arith.constant 0 : i32
      %add3A_1279 = vector.broadcast %add3A_1278 : i32 to vector<16xi32>
      %add3A_1280 = arith.addi %add3A_1277, %add3A_1279 : vector<16xi32>
      %gather3A_1281 = tpu.vector_load_idx %arg8[%add3A_1280] : memref<32768xf32, #tpu.memory_space<vmem>>[vector<16xi32>], vector<16xf32>,
      %bitcast3A_1282 = vector.bitcast %gather3A_1281 : vector<16xf32> to vector<16xi32>
      %shift_right_logical3A_1283 = arith.constant 16 : i32
      %shift_right_logical3A_1284 = vector.broadcast %shift_right_logical3A_1283 : i32 to vector<16xi32>
      %shift_right_logical3A_1285 = arith.shrui %bitcast3A_1282, %shift_right_logical3A_1284 : vector<16xi32>
      %and3A_1286 = arith.constant 1 : i32
      %and3A_1287 = vector.broadcast %and3A_1286 : i32 to vector<16xi32>
      %and3A_1288 = arith.andi %shift_right_logical3A_1285, %and3A_1287 : vector<16xi32>
      %add3A_1289 = arith.constant 32767 : i32
      %add3A_1290 = vector.broadcast %add3A_1289 : i32 to vector<16xi32>
      %add3A_1291 = arith.addi %bitcast3A_1282, %add3A_1290 : vector<16xi32>
      %add3A_1292 = arith.addi %add3A_1291, %and3A_1288 : vector<16xi32>
      %and3A_1293 = arith.constant -65536 : i32
      %and3A_1294 = vector.broadcast %and3A_1293 : i32 to vector<16xi32>
      %and3A_1295 = arith.andi %add3A_1292, %and3A_1294 : vector<16xi32>
      %bitcast3A_1296 = vector.bitcast %and3A_1295 : vector<16xi32> to vector<16xf32>
      %mul3A_1297 = arith.mulf %bitcast3A_1296, %bitcast3A_1276 : vector<16xf32>
      %add3A_1298 = arith.addf %scan3A_1249, %mul3A_1297 : vector<16xf32>
      %add3A_1299 = arith.constant 2048 : i32
      %add3A_1300 = vector.broadcast %add3A_1299 : i32 to vector<16xi32>
      %add3A_1301 = arith.addi %add3A_1277, %add3A_1300 : vector<16xi32>
      %gather3A_1302 = tpu.vector_load_idx %arg8[%add3A_1301] : memref<32768xf32, #tpu.memory_space<vmem>>[vector<16xi32>], vector<16xf32>,
      %bitcast3A_1303 = vector.bitcast %gather3A_1302 : vector<16xf32> to vector<16xi32>
      %shift_right_logical3A_1304 = arith.constant 16 : i32
      %shift_right_logical3A_1305 = vector.broadcast %shift_right_logical3A_1304 : i32 to vector<16xi32>
      %shift_right_logical3A_1306 = arith.shrui %bitcast3A_1303, %shift_right_logical3A_1305 : vector<16xi32>
      %and3A_1307 = arith.constant 1 : i32
      %and3A_1308 = vector.broadcast %and3A_1307 : i32 to vector<16xi32>
      %and3A_1309 = arith.andi %shift_right_logical3A_1306, %and3A_1308 : vector<16xi32>
      %add3A_1310 = arith.constant 32767 : i32
      %add3A_1311 = vector.broadcast %add3A_1310 : i32 to vector<16xi32>
      %add3A_1312 = arith.addi %bitcast3A_1303, %add3A_1311 : vector<16xi32>
      %add3A_1313 = arith.addi %add3A_1312, %and3A_1309 : vector<16xi32>
      %and3A_1314 = arith.constant -65536 : i32
      %and3A_1315 = vector.broadcast %and3A_1314 : i32 to vector<16xi32>
      %and3A_1316 = arith.andi %add3A_1313, %and3A_1315 : vector<16xi32>
      %bitcast3A_1317 = vector.bitcast %and3A_1316 : vector<16xi32> to vector<16xf32>
      %mul3A_1318 = arith.mulf %bitcast3A_1317, %bitcast3A_1276 : vector<16xf32>
      %add3A_1319 = arith.addf %scan3A_1250, %mul3A_1318 : vector<16xf32>
      %add3A_1320 = arith.constant 4096 : i32
      %add3A_1321 = vector.broadcast %add3A_1320 : i32 to vector<16xi32>
      %add3A_1322 = arith.addi %add3A_1277, %add3A_1321 : vector<16xi32>
      %gather3A_1323 = tpu.vector_load_idx %arg8[%add3A_1322] : memref<32768xf32, #tpu.memory_space<vmem>>[vector<16xi32>], vector<16xf32>,
      %bitcast3A_1324 = vector.bitcast %gather3A_1323 : vector<16xf32> to vector<16xi32>
      %shift_right_logical3A_1325 = arith.constant 16 : i32
      %shift_right_logical3A_1326 = vector.broadcast %shift_right_logical3A_1325 : i32 to vector<16xi32>
      %shift_right_logical3A_1327 = arith.shrui %bitcast3A_1324, %shift_right_logical3A_1326 : vector<16xi32>
      %and3A_1328 = arith.constant 1 : i32
      %and3A_1329 = vector.broadcast %and3A_1328 : i32 to vector<16xi32>
      %and3A_1330 = arith.andi %shift_right_logical3A_1327, %and3A_1329 : vector<16xi32>
      %add3A_1331 = arith.constant 32767 : i32
      %add3A_1332 = vector.broadcast %add3A_1331 : i32 to vector<16xi32>
      %add3A_1333 = arith.addi %bitcast3A_1324, %add3A_1332 : vector<16xi32>
      %add3A_1334 = arith.addi %add3A_1333, %and3A_1330 : vector<16xi32>
      %and3A_1335 = arith.constant -65536 : i32
      %and3A_1336 = vector.broadcast %and3A_1335 : i32 to vector<16xi32>
      %and3A_1337 = arith.andi %add3A_1334, %and3A_1336 : vector<16xi32>
      %bitcast3A_1338 = vector.bitcast %and3A_1337 : vector<16xi32> to vector<16xf32>
      %mul3A_1339 = arith.mulf %bitcast3A_1338, %bitcast3A_1276 : vector<16xf32>
      %add3A_1340 = arith.addf %scan3A_1251, %mul3A_1339 : vector<16xf32>
      %add3A_1341 = arith.constant 6144 : i32
      %add3A_1342 = vector.broadcast %add3A_1341 : i32 to vector<16xi32>
      %add3A_1343 = arith.addi %add3A_1277, %add3A_1342 : vector<16xi32>
      %gather3A_1344 = tpu.vector_load_idx %arg8[%add3A_1343] : memref<32768xf32, #tpu.memory_space<vmem>>[vector<16xi32>], vector<16xf32>,
      %bitcast3A_1345 = vector.bitcast %gather3A_1344 : vector<16xf32> to vector<16xi32>
      %shift_right_logical3A_1346 = arith.constant 16 : i32
      %shift_right_logical3A_1347 = vector.broadcast %shift_right_logical3A_1346 : i32 to vector<16xi32>
      %shift_right_logical3A_1348 = arith.shrui %bitcast3A_1345, %shift_right_logical3A_1347 : vector<16xi32>
      %and3A_1349 = arith.constant 1 : i32
      %and3A_1350 = vector.broadcast %and3A_1349 : i32 to vector<16xi32>
      %and3A_1351 = arith.andi %shift_right_logical3A_1348, %and3A_1350 : vector<16xi32>
      %add3A_1352 = arith.constant 32767 : i32
      %add3A_1353 = vector.broadcast %add3A_1352 : i32 to vector<16xi32>
      %add3A_1354 = arith.addi %bitcast3A_1345, %add3A_1353 : vector<16xi32>
      %add3A_1355 = arith.addi %add3A_1354, %and3A_1351 : vector<16xi32>
      %and3A_1356 = arith.constant -65536 : i32
      %and3A_1357 = vector.broadcast %and3A_1356 : i32 to vector<16xi32>
      %and3A_1358 = arith.andi %add3A_1355, %and3A_1357 : vector<16xi32>
      %bitcast3A_1359 = vector.bitcast %and3A_1358 : vector<16xi32> to vector<16xf32>
      %mul3A_1360 = arith.mulf %bitcast3A_1359, %bitcast3A_1276 : vector<16xf32>
      %add3A_1361 = arith.addf %scan3A_1252, %mul3A_1360 : vector<16xf32>
      %add3A_1362 = arith.constant 8192 : i32
      %add3A_1363 = vector.broadcast %add3A_1362 : i32 to vector<16xi32>
      %add3A_1364 = arith.addi %add3A_1277, %add3A_1363 : vector<16xi32>
      %gather3A_1365 = tpu.vector_load_idx %arg8[%add3A_1364] : memref<32768xf32, #tpu.memory_space<vmem>>[vector<16xi32>], vector<16xf32>,
      %bitcast3A_1366 = vector.bitcast %gather3A_1365 : vector<16xf32> to vector<16xi32>
      %shift_right_logical3A_1367 = arith.constant 16 : i32
      %shift_right_logical3A_1368 = vector.broadcast %shift_right_logical3A_1367 : i32 to vector<16xi32>
      %shift_right_logical3A_1369 = arith.shrui %bitcast3A_1366, %shift_right_logical3A_1368 : vector<16xi32>
      %and3A_1370 = arith.constant 1 : i32
      %and3A_1371 = vector.broadcast %and3A_1370 : i32 to vector<16xi32>
      %and3A_1372 = arith.andi %shift_right_logical3A_1369, %and3A_1371 : vector<16xi32>
      %add3A_1373 = arith.constant 32767 : i32
      %add3A_1374 = vector.broadcast %add3A_1373 : i32 to vector<16xi32>
      %add3A_1375 = arith.addi %bitcast3A_1366, %add3A_1374 : vector<16xi32>
      %add3A_1376 = arith.addi %add3A_1375, %and3A_1372 : vector<16xi32>
      %and3A_1377 = arith.constant -65536 : i32
      %and3A_1378 = vector.broadcast %and3A_1377 : i32 to vector<16xi32>
      %and3A_1379 = arith.andi %add3A_1376, %and3A_1378 : vector<16xi32>
      %bitcast3A_1380 = vector.bitcast %and3A_1379 : vector<16xi32> to vector<16xf32>
      %mul3A_1381 = arith.mulf %bitcast3A_1380, %bitcast3A_1276 : vector<16xf32>
      %add3A_1382 = arith.addf %scan3A_1253, %mul3A_1381 : vector<16xf32>
      %add3A_1383 = arith.constant 10240 : i32
      %add3A_1384 = vector.broadcast %add3A_1383 : i32 to vector<16xi32>
      %add3A_1385 = arith.addi %add3A_1277, %add3A_1384 : vector<16xi32>
      %gather3A_1386 = tpu.vector_load_idx %arg8[%add3A_1385] : memref<32768xf32, #tpu.memory_space<vmem>>[vector<16xi32>], vector<16xf32>,
      %bitcast3A_1387 = vector.bitcast %gather3A_1386 : vector<16xf32> to vector<16xi32>
      %shift_right_logical3A_1388 = arith.constant 16 : i32
      %shift_right_logical3A_1389 = vector.broadcast %shift_right_logical3A_1388 : i32 to vector<16xi32>
      %shift_right_logical3A_1390 = arith.shrui %bitcast3A_1387, %shift_right_logical3A_1389 : vector<16xi32>
      %and3A_1391 = arith.constant 1 : i32
      %and3A_1392 = vector.broadcast %and3A_1391 : i32 to vector<16xi32>
      %and3A_1393 = arith.andi %shift_right_logical3A_1390, %and3A_1392 : vector<16xi32>
      %add3A_1394 = arith.constant 32767 : i32
      %add3A_1395 = vector.broadcast %add3A_1394 : i32 to vector<16xi32>
      %add3A_1396 = arith.addi %bitcast3A_1387, %add3A_1395 : vector<16xi32>
      %add3A_1397 = arith.addi %add3A_1396, %and3A_1393 : vector<16xi32>
      %and3A_1398 = arith.constant -65536 : i32
      %and3A_1399 = vector.broadcast %and3A_1398 : i32 to vector<16xi32>
      %and3A_1400 = arith.andi %add3A_1397, %and3A_1399 : vector<16xi32>
      %bitcast3A_1401 = vector.bitcast %and3A_1400 : vector<16xi32> to vector<16xf32>
      %mul3A_1402 = arith.mulf %bitcast3A_1401, %bitcast3A_1276 : vector<16xf32>
      %add3A_1403 = arith.addf %scan3A_1254, %mul3A_1402 : vector<16xf32>
      %add3A_1404 = arith.constant 12288 : i32
      %add3A_1405 = vector.broadcast %add3A_1404 : i32 to vector<16xi32>
      %add3A_1406 = arith.addi %add3A_1277, %add3A_1405 : vector<16xi32>
      %gather3A_1407 = tpu.vector_load_idx %arg8[%add3A_1406] : memref<32768xf32, #tpu.memory_space<vmem>>[vector<16xi32>], vector<16xf32>,
      %bitcast3A_1408 = vector.bitcast %gather3A_1407 : vector<16xf32> to vector<16xi32>
      %shift_right_logical3A_1409 = arith.constant 16 : i32
      %shift_right_logical3A_1410 = vector.broadcast %shift_right_logical3A_1409 : i32 to vector<16xi32>
      %shift_right_logical3A_1411 = arith.shrui %bitcast3A_1408, %shift_right_logical3A_1410 : vector<16xi32>
      %and3A_1412 = arith.constant 1 : i32
      %and3A_1413 = vector.broadcast %and3A_1412 : i32 to vector<16xi32>
      %and3A_1414 = arith.andi %shift_right_logical3A_1411, %and3A_1413 : vector<16xi32>
      %add3A_1415 = arith.constant 32767 : i32
      %add3A_1416 = vector.broadcast %add3A_1415 : i32 to vector<16xi32>
      %add3A_1417 = arith.addi %bitcast3A_1408, %add3A_1416 : vector<16xi32>
      %add3A_1418 = arith.addi %add3A_1417, %and3A_1414 : vector<16xi32>
      %and3A_1419 = arith.constant -65536 : i32
      %and3A_1420 = vector.broadcast %and3A_1419 : i32 to vector<16xi32>
      %and3A_1421 = arith.andi %add3A_1418, %and3A_1420 : vector<16xi32>
      %bitcast3A_1422 = vector.bitcast %and3A_1421 : vector<16xi32> to vector<16xf32>
      %mul3A_1423 = arith.mulf %bitcast3A_1422, %bitcast3A_1276 : vector<16xf32>
      %add3A_1424 = arith.addf %scan3A_1255, %mul3A_1423 : vector<16xf32>
      %add3A_1425 = arith.constant 14336 : i32
      %add3A_1426 = vector.broadcast %add3A_1425 : i32 to vector<16xi32>
      %add3A_1427 = arith.addi %add3A_1277, %add3A_1426 : vector<16xi32>
      %gather3A_1428 = tpu.vector_load_idx %arg8[%add3A_1427] : memref<32768xf32, #tpu.memory_space<vmem>>[vector<16xi32>], vector<16xf32>,
      %bitcast3A_1429 = vector.bitcast %gather3A_1428 : vector<16xf32> to vector<16xi32>
      %shift_right_logical3A_1430 = arith.constant 16 : i32
      %shift_right_logical3A_1431 = vector.broadcast %shift_right_logical3A_1430 : i32 to vector<16xi32>
      %shift_right_logical3A_1432 = arith.shrui %bitcast3A_1429, %shift_right_logical3A_1431 : vector<16xi32>
      %and3A_1433 = arith.constant 1 : i32
      %and3A_1434 = vector.broadcast %and3A_1433 : i32 to vector<16xi32>
      %and3A_1435 = arith.andi %shift_right_logical3A_1432, %and3A_1434 : vector<16xi32>
      %add3A_1436 = arith.constant 32767 : i32
      %add3A_1437 = vector.broadcast %add3A_1436 : i32 to vector<16xi32>
      %add3A_1438 = arith.addi %bitcast3A_1429, %add3A_1437 : vector<16xi32>
      %add3A_1439 = arith.addi %add3A_1438, %and3A_1435 : vector<16xi32>
      %and3A_1440 = arith.constant -65536 : i32
      %and3A_1441 = vector.broadcast %and3A_1440 : i32 to vector<16xi32>
      %and3A_1442 = arith.andi %add3A_1439, %and3A_1441 : vector<16xi32>
      %bitcast3A_1443 = vector.bitcast %and3A_1442 : vector<16xi32> to vector<16xf32>
      %mul3A_1444 = arith.mulf %bitcast3A_1443, %bitcast3A_1276 : vector<16xf32>
      %add3A_1445 = arith.addf %scan3A_1256, %mul3A_1444 : vector<16xf32>
      %add3A_1446 = arith.constant 16384 : i32
      %add3A_1447 = vector.broadcast %add3A_1446 : i32 to vector<16xi32>
      %add3A_1448 = arith.addi %add3A_1277, %add3A_1447 : vector<16xi32>
      %gather3A_1449 = tpu.vector_load_idx %arg8[%add3A_1448] : memref<32768xf32, #tpu.memory_space<vmem>>[vector<16xi32>], vector<16xf32>,
      %bitcast3A_1450 = vector.bitcast %gather3A_1449 : vector<16xf32> to vector<16xi32>
      %shift_right_logical3A_1451 = arith.constant 16 : i32
      %shift_right_logical3A_1452 = vector.broadcast %shift_right_logical3A_1451 : i32 to vector<16xi32>
      %shift_right_logical3A_1453 = arith.shrui %bitcast3A_1450, %shift_right_logical3A_1452 : vector<16xi32>
      %and3A_1454 = arith.constant 1 : i32
      %and3A_1455 = vector.broadcast %and3A_1454 : i32 to vector<16xi32>
      %and3A_1456 = arith.andi %shift_right_logical3A_1453, %and3A_1455 : vector<16xi32>
      %add3A_1457 = arith.constant 32767 : i32
      %add3A_1458 = vector.broadcast %add3A_1457 : i32 to vector<16xi32>
      %add3A_1459 = arith.addi %bitcast3A_1450, %add3A_1458 : vector<16xi32>
      %add3A_1460 = arith.addi %add3A_1459, %and3A_1456 : vector<16xi32>
      %and3A_1461 = arith.constant -65536 : i32
      %and3A_1462 = vector.broadcast %and3A_1461 : i32 to vector<16xi32>
      %and3A_1463 = arith.andi %add3A_1460, %and3A_1462 : vector<16xi32>
      %bitcast3A_1464 = vector.bitcast %and3A_1463 : vector<16xi32> to vector<16xf32>
      %mul3A_1465 = arith.mulf %bitcast3A_1464, %bitcast3A_1276 : vector<16xf32>
      %add3A_1466 = arith.addf %scan3A_1257, %mul3A_1465 : vector<16xf32>
      %add3A_1467 = arith.constant 18432 : i32
      %add3A_1468 = vector.broadcast %add3A_1467 : i32 to vector<16xi32>
      %add3A_1469 = arith.addi %add3A_1277, %add3A_1468 : vector<16xi32>
      %gather3A_1470 = tpu.vector_load_idx %arg8[%add3A_1469] : memref<32768xf32, #tpu.memory_space<vmem>>[vector<16xi32>], vector<16xf32>,
      %bitcast3A_1471 = vector.bitcast %gather3A_1470 : vector<16xf32> to vector<16xi32>
      %shift_right_logical3A_1472 = arith.constant 16 : i32
      %shift_right_logical3A_1473 = vector.broadcast %shift_right_logical3A_1472 : i32 to vector<16xi32>
      %shift_right_logical3A_1474 = arith.shrui %bitcast3A_1471, %shift_right_logical3A_1473 : vector<16xi32>
      %and3A_1475 = arith.constant 1 : i32
      %and3A_1476 = vector.broadcast %and3A_1475 : i32 to vector<16xi32>
      %and3A_1477 = arith.andi %shift_right_logical3A_1474, %and3A_1476 : vector<16xi32>
      %add3A_1478 = arith.constant 32767 : i32
      %add3A_1479 = vector.broadcast %add3A_1478 : i32 to vector<16xi32>
      %add3A_1480 = arith.addi %bitcast3A_1471, %add3A_1479 : vector<16xi32>
      %add3A_1481 = arith.addi %add3A_1480, %and3A_1477 : vector<16xi32>
      %and3A_1482 = arith.constant -65536 : i32
      %and3A_1483 = vector.broadcast %and3A_1482 : i32 to vector<16xi32>
      %and3A_1484 = arith.andi %add3A_1481, %and3A_1483 : vector<16xi32>
      %bitcast3A_1485 = vector.bitcast %and3A_1484 : vector<16xi32> to vector<16xf32>
      %mul3A_1486 = arith.mulf %bitcast3A_1485, %bitcast3A_1276 : vector<16xf32>
      %add3A_1487 = arith.addf %scan3A_1258, %mul3A_1486 : vector<16xf32>
      %add3A_1488 = arith.constant 20480 : i32
      %add3A_1489 = vector.broadcast %add3A_1488 : i32 to vector<16xi32>
      %add3A_1490 = arith.addi %add3A_1277, %add3A_1489 : vector<16xi32>
      %gather3A_1491 = tpu.vector_load_idx %arg8[%add3A_1490] : memref<32768xf32, #tpu.memory_space<vmem>>[vector<16xi32>], vector<16xf32>,
      %bitcast3A_1492 = vector.bitcast %gather3A_1491 : vector<16xf32> to vector<16xi32>
      %shift_right_logical3A_1493 = arith.constant 16 : i32
      %shift_right_logical3A_1494 = vector.broadcast %shift_right_logical3A_1493 : i32 to vector<16xi32>
      %shift_right_logical3A_1495 = arith.shrui %bitcast3A_1492, %shift_right_logical3A_1494 : vector<16xi32>
      %and3A_1496 = arith.constant 1 : i32
      %and3A_1497 = vector.broadcast %and3A_1496 : i32 to vector<16xi32>
      %and3A_1498 = arith.andi %shift_right_logical3A_1495, %and3A_1497 : vector<16xi32>
      %add3A_1499 = arith.constant 32767 : i32
      %add3A_1500 = vector.broadcast %add3A_1499 : i32 to vector<16xi32>
      %add3A_1501 = arith.addi %bitcast3A_1492, %add3A_1500 : vector<16xi32>
      %add3A_1502 = arith.addi %add3A_1501, %and3A_1498 : vector<16xi32>
      %and3A_1503 = arith.constant -65536 : i32
      %and3A_1504 = vector.broadcast %and3A_1503 : i32 to vector<16xi32>
      %and3A_1505 = arith.andi %add3A_1502, %and3A_1504 : vector<16xi32>
      %bitcast3A_1506 = vector.bitcast %and3A_1505 : vector<16xi32> to vector<16xf32>
      %mul3A_1507 = arith.mulf %bitcast3A_1506, %bitcast3A_1276 : vector<16xf32>
      %add3A_1508 = arith.addf %scan3A_1259, %mul3A_1507 : vector<16xf32>
      %add3A_1509 = arith.constant 22528 : i32
      %add3A_1510 = vector.broadcast %add3A_1509 : i32 to vector<16xi32>
      %add3A_1511 = arith.addi %add3A_1277, %add3A_1510 : vector<16xi32>
      %gather3A_1512 = tpu.vector_load_idx %arg8[%add3A_1511] : memref<32768xf32, #tpu.memory_space<vmem>>[vector<16xi32>], vector<16xf32>,
      %bitcast3A_1513 = vector.bitcast %gather3A_1512 : vector<16xf32> to vector<16xi32>
      %shift_right_logical3A_1514 = arith.constant 16 : i32
      %shift_right_logical3A_1515 = vector.broadcast %shift_right_logical3A_1514 : i32 to vector<16xi32>
      %shift_right_logical3A_1516 = arith.shrui %bitcast3A_1513, %shift_right_logical3A_1515 : vector<16xi32>
      %and3A_1517 = arith.constant 1 : i32
      %and3A_1518 = vector.broadcast %and3A_1517 : i32 to vector<16xi32>
      %and3A_1519 = arith.andi %shift_right_logical3A_1516, %and3A_1518 : vector<16xi32>
      %add3A_1520 = arith.constant 32767 : i32
      %add3A_1521 = vector.broadcast %add3A_1520 : i32 to vector<16xi32>
      %add3A_1522 = arith.addi %bitcast3A_1513, %add3A_1521 : vector<16xi32>
      %add3A_1523 = arith.addi %add3A_1522, %and3A_1519 : vector<16xi32>
      %and3A_1524 = arith.constant -65536 : i32
      %and3A_1525 = vector.broadcast %and3A_1524 : i32 to vector<16xi32>
      %and3A_1526 = arith.andi %add3A_1523, %and3A_1525 : vector<16xi32>
      %bitcast3A_1527 = vector.bitcast %and3A_1526 : vector<16xi32> to vector<16xf32>
      %mul3A_1528 = arith.mulf %bitcast3A_1527, %bitcast3A_1276 : vector<16xf32>
      %add3A_1529 = arith.addf %scan3A_1260, %mul3A_1528 : vector<16xf32>
      %add3A_1530 = arith.constant 24576 : i32
      %add3A_1531 = vector.broadcast %add3A_1530 : i32 to vector<16xi32>
      %add3A_1532 = arith.addi %add3A_1277, %add3A_1531 : vector<16xi32>
      %gather3A_1533 = tpu.vector_load_idx %arg8[%add3A_1532] : memref<32768xf32, #tpu.memory_space<vmem>>[vector<16xi32>], vector<16xf32>,
      %bitcast3A_1534 = vector.bitcast %gather3A_1533 : vector<16xf32> to vector<16xi32>
      %shift_right_logical3A_1535 = arith.constant 16 : i32
      %shift_right_logical3A_1536 = vector.broadcast %shift_right_logical3A_1535 : i32 to vector<16xi32>
      %shift_right_logical3A_1537 = arith.shrui %bitcast3A_1534, %shift_right_logical3A_1536 : vector<16xi32>
      %and3A_1538 = arith.constant 1 : i32
      %and3A_1539 = vector.broadcast %and3A_1538 : i32 to vector<16xi32>
      %and3A_1540 = arith.andi %shift_right_logical3A_1537, %and3A_1539 : vector<16xi32>
      %add3A_1541 = arith.constant 32767 : i32
      %add3A_1542 = vector.broadcast %add3A_1541 : i32 to vector<16xi32>
      %add3A_1543 = arith.addi %bitcast3A_1534, %add3A_1542 : vector<16xi32>
      %add3A_1544 = arith.addi %add3A_1543, %and3A_1540 : vector<16xi32>
      %and3A_1545 = arith.constant -65536 : i32
      %and3A_1546 = vector.broadcast %and3A_1545 : i32 to vector<16xi32>
      %and3A_1547 = arith.andi %add3A_1544, %and3A_1546 : vector<16xi32>
      %bitcast3A_1548 = vector.bitcast %and3A_1547 : vector<16xi32> to vector<16xf32>
      %mul3A_1549 = arith.mulf %bitcast3A_1548, %bitcast3A_1276 : vector<16xf32>
      %add3A_1550 = arith.addf %scan3A_1261, %mul3A_1549 : vector<16xf32>
      %add3A_1551 = arith.constant 26624 : i32
      %add3A_1552 = vector.broadcast %add3A_1551 : i32 to vector<16xi32>
      %add3A_1553 = arith.addi %add3A_1277, %add3A_1552 : vector<16xi32>
      %gather3A_1554 = tpu.vector_load_idx %arg8[%add3A_1553] : memref<32768xf32, #tpu.memory_space<vmem>>[vector<16xi32>], vector<16xf32>,
      %bitcast3A_1555 = vector.bitcast %gather3A_1554 : vector<16xf32> to vector<16xi32>
      %shift_right_logical3A_1556 = arith.constant 16 : i32
      %shift_right_logical3A_1557 = vector.broadcast %shift_right_logical3A_1556 : i32 to vector<16xi32>
      %shift_right_logical3A_1558 = arith.shrui %bitcast3A_1555, %shift_right_logical3A_1557 : vector<16xi32>
      %and3A_1559 = arith.constant 1 : i32
      %and3A_1560 = vector.broadcast %and3A_1559 : i32 to vector<16xi32>
      %and3A_1561 = arith.andi %shift_right_logical3A_1558, %and3A_1560 : vector<16xi32>
      %add3A_1562 = arith.constant 32767 : i32
      %add3A_1563 = vector.broadcast %add3A_1562 : i32 to vector<16xi32>
      %add3A_1564 = arith.addi %bitcast3A_1555, %add3A_1563 : vector<16xi32>
      %add3A_1565 = arith.addi %add3A_1564, %and3A_1561 : vector<16xi32>
      %and3A_1566 = arith.constant -65536 : i32
      %and3A_1567 = vector.broadcast %and3A_1566 : i32 to vector<16xi32>
      %and3A_1568 = arith.andi %add3A_1565, %and3A_1567 : vector<16xi32>
      %bitcast3A_1569 = vector.bitcast %and3A_1568 : vector<16xi32> to vector<16xf32>
      %mul3A_1570 = arith.mulf %bitcast3A_1569, %bitcast3A_1276 : vector<16xf32>
      %add3A_1571 = arith.addf %scan3A_1262, %mul3A_1570 : vector<16xf32>
      %add3A_1572 = arith.constant 28672 : i32
      %add3A_1573 = vector.broadcast %add3A_1572 : i32 to vector<16xi32>
      %add3A_1574 = arith.addi %add3A_1277, %add3A_1573 : vector<16xi32>
      %gather3A_1575 = tpu.vector_load_idx %arg8[%add3A_1574] : memref<32768xf32, #tpu.memory_space<vmem>>[vector<16xi32>], vector<16xf32>,
      %bitcast3A_1576 = vector.bitcast %gather3A_1575 : vector<16xf32> to vector<16xi32>
      %shift_right_logical3A_1577 = arith.constant 16 : i32
      %shift_right_logical3A_1578 = vector.broadcast %shift_right_logical3A_1577 : i32 to vector<16xi32>
      %shift_right_logical3A_1579 = arith.shrui %bitcast3A_1576, %shift_right_logical3A_1578 : vector<16xi32>
      %and3A_1580 = arith.constant 1 : i32
      %and3A_1581 = vector.broadcast %and3A_1580 : i32 to vector<16xi32>
      %and3A_1582 = arith.andi %shift_right_logical3A_1579, %and3A_1581 : vector<16xi32>
      %add3A_1583 = arith.constant 32767 : i32
      %add3A_1584 = vector.broadcast %add3A_1583 : i32 to vector<16xi32>
      %add3A_1585 = arith.addi %bitcast3A_1576, %add3A_1584 : vector<16xi32>
      %add3A_1586 = arith.addi %add3A_1585, %and3A_1582 : vector<16xi32>
      %and3A_1587 = arith.constant -65536 : i32
      %and3A_1588 = vector.broadcast %and3A_1587 : i32 to vector<16xi32>
      %and3A_1589 = arith.andi %add3A_1586, %and3A_1588 : vector<16xi32>
      %bitcast3A_1590 = vector.bitcast %and3A_1589 : vector<16xi32> to vector<16xf32>
      %mul3A_1591 = arith.mulf %bitcast3A_1590, %bitcast3A_1276 : vector<16xf32>
      %add3A_1592 = arith.addf %scan3A_1263, %mul3A_1591 : vector<16xf32>
      %add3A_1593 = arith.constant 30720 : i32
      %add3A_1594 = vector.broadcast %add3A_1593 : i32 to vector<16xi32>
      %add3A_1595 = arith.addi %add3A_1277, %add3A_1594 : vector<16xi32>
      %gather3A_1596 = tpu.vector_load_idx %arg8[%add3A_1595] : memref<32768xf32, #tpu.memory_space<vmem>>[vector<16xi32>], vector<16xf32>,
      %bitcast3A_1597 = vector.bitcast %gather3A_1596 : vector<16xf32> to vector<16xi32>
      %shift_right_logical3A_1598 = arith.constant 16 : i32
      %shift_right_logical3A_1599 = vector.broadcast %shift_right_logical3A_1598 : i32 to vector<16xi32>
      %shift_right_logical3A_1600 = arith.shrui %bitcast3A_1597, %shift_right_logical3A_1599 : vector<16xi32>
      %and3A_1601 = arith.constant 1 : i32
      %and3A_1602 = vector.broadcast %and3A_1601 : i32 to vector<16xi32>
      %and3A_1603 = arith.andi %shift_right_logical3A_1600, %and3A_1602 : vector<16xi32>
      %add3A_1604 = arith.constant 32767 : i32
      %add3A_1605 = vector.broadcast %add3A_1604 : i32 to vector<16xi32>
      %add3A_1606 = arith.addi %bitcast3A_1597, %add3A_1605 : vector<16xi32>
      %add3A_1607 = arith.addi %add3A_1606, %and3A_1603 : vector<16xi32>
      %and3A_1608 = arith.constant -65536 : i32
      %and3A_1609 = vector.broadcast %and3A_1608 : i32 to vector<16xi32>
      %and3A_1610 = arith.andi %add3A_1607, %and3A_1609 : vector<16xi32>
      %bitcast3A_1611 = vector.bitcast %and3A_1610 : vector<16xi32> to vector<16xf32>
      %mul3A_1612 = arith.mulf %bitcast3A_1611, %bitcast3A_1276 : vector<16xf32>
      %add3A_1613 = arith.addf %scan3A_1264, %mul3A_1612 : vector<16xf32>
      %add3A_1614 = arith.constant 1 : i32
      %add3A_1615 = vector.broadcast %add3A_1614 : i32 to vector<16xi32>
      %add3A_1616 = arith.addi %scan3A_1248, %add3A_1615 : vector<16xi32>
      %and3A_1617 = arith.constant 127 : i32
      %and3A_1618 = vector.broadcast %and3A_1617 : i32 to vector<16xi32>
      %and3A_1619 = arith.andi %add3A_1616, %and3A_1618 : vector<16xi32>
      scf.yield %and3A_1619, %add3A_1298, %add3A_1319, %add3A_1340, %add3A_1361, %add3A_1382, %add3A_1403, %add3A_1424, %add3A_1445, %add3A_1466, %add3A_1487, %add3A_1508, %add3A_1529, %add3A_1550, %add3A_1571, %add3A_1592, %add3A_1613 : vector<16xi32>, vector<16xf32>, vector<16xf32>, vector<16xf32>, vector<16xf32>, vector<16xf32>, vector<16xf32>, vector<16xf32>, vector<16xf32>, vector<16xf32>, vector<16xf32>, vector<16xf32>, vector<16xf32>, vector<16xf32>, vector<16xf32>, vector<16xf32>, vector<16xf32>
    }
    %scan3A_399 = arith.constant 128 : i32
    %add3A_400 = arith.constant 0 : i32
    %add3A_401 = arith.addi %add3A_361, %add3A_400 : i32
    %add3A_402 = vector.broadcast %add3A_401 : i32 to vector<16xi32>
    %add3A_403 = arith.addi %add3A_402, %iota3A : vector<16xi32>
    %masked_sort3A_404 = arith.constant dense<true> : vector<16xi1>
    %masked_sort3A_405, %masked_sort3A_406, %masked_sort3A_407 = tpu.sort %scan3A_398#1, %add3A_403 masked %masked_sort3A_404 {descending = true} : (vector<16xf32>, vector<16xi32>, vector<16xi1>) -> (vector<16xi1>, vector<16xf32>, vector<16xi32>)
    %ge3A_408 = arith.cmpf oge, %masked_sort3A_328, %masked_sort3A_406 : vector<16xf32>
    %max3A_409 = arith.maximumf %masked_sort3A_328, %masked_sort3A_406 : vector<16xf32>
    %select_n3A_410 = arith.select %ge3A_408, %masked_sort3A_329, %masked_sort3A_407 : vector<16xi1>, vector<16xi32>
    %masked_sort3A_411 = arith.constant dense<true> : vector<16xi1>
    %masked_sort3A_412, %masked_sort3A_413, %masked_sort3A_414 = tpu.sort %max3A_409, %select_n3A_410 masked %masked_sort3A_411 : (vector<16xf32>, vector<16xi32>, vector<16xi1>) -> (vector<16xi1>, vector<16xf32>, vector<16xi32>)
    %add3A_415 = arith.constant 16 : i32
    %add3A_416 = arith.addi %add3A_361, %add3A_415 : i32
    %add3A_417 = vector.broadcast %add3A_416 : i32 to vector<16xi32>
    %add3A_418 = arith.addi %add3A_417, %iota3A : vector<16xi32>
    %masked_sort3A_419 = arith.constant dense<true> : vector<16xi1>
    %masked_sort3A_420, %masked_sort3A_421, %masked_sort3A_422 = tpu.sort %scan3A_398#2, %add3A_418 masked %masked_sort3A_419 {descending = true} : (vector<16xf32>, vector<16xi32>, vector<16xi1>) -> (vector<16xi1>, vector<16xf32>, vector<16xi32>)
    %ge3A_423 = arith.cmpf oge, %masked_sort3A_413, %masked_sort3A_421 : vector<16xf32>
    %max3A_424 = arith.maximumf %masked_sort3A_413, %masked_sort3A_421 : vector<16xf32>
    %select_n3A_425 = arith.select %ge3A_423, %masked_sort3A_414, %masked_sort3A_422 : vector<16xi1>, vector<16xi32>
    %masked_sort3A_426 = arith.constant dense<true> : vector<16xi1>
    %masked_sort3A_427, %masked_sort3A_428, %masked_sort3A_429 = tpu.sort %max3A_424, %select_n3A_425 masked %masked_sort3A_426 : (vector<16xf32>, vector<16xi32>, vector<16xi1>) -> (vector<16xi1>, vector<16xf32>, vector<16xi32>)
    %add3A_430 = arith.constant 32 : i32
    %add3A_431 = arith.addi %add3A_361, %add3A_430 : i32
    %add3A_432 = vector.broadcast %add3A_431 : i32 to vector<16xi32>
    %add3A_433 = arith.addi %add3A_432, %iota3A : vector<16xi32>
    %masked_sort3A_434 = arith.constant dense<true> : vector<16xi1>
    %masked_sort3A_435, %masked_sort3A_436, %masked_sort3A_437 = tpu.sort %scan3A_398#3, %add3A_433 masked %masked_sort3A_434 {descending = true} : (vector<16xf32>, vector<16xi32>, vector<16xi1>) -> (vector<16xi1>, vector<16xf32>, vector<16xi32>)
    %ge3A_438 = arith.cmpf oge, %masked_sort3A_428, %masked_sort3A_436 : vector<16xf32>
    %max3A_439 = arith.maximumf %masked_sort3A_428, %masked_sort3A_436 : vector<16xf32>
    %select_n3A_440 = arith.select %ge3A_438, %masked_sort3A_429, %masked_sort3A_437 : vector<16xi1>, vector<16xi32>
    %masked_sort3A_441 = arith.constant dense<true> : vector<16xi1>
    %masked_sort3A_442, %masked_sort3A_443, %masked_sort3A_444 = tpu.sort %max3A_439, %select_n3A_440 masked %masked_sort3A_441 : (vector<16xf32>, vector<16xi32>, vector<16xi1>) -> (vector<16xi1>, vector<16xf32>, vector<16xi32>)
    %add3A_445 = arith.constant 48 : i32
    %add3A_446 = arith.addi %add3A_361, %add3A_445 : i32
    %add3A_447 = vector.broadcast %add3A_446 : i32 to vector<16xi32>
    %add3A_448 = arith.addi %add3A_447, %iota3A : vector<16xi32>
    %masked_sort3A_449 = arith.constant dense<true> : vector<16xi1>
    %masked_sort3A_450, %masked_sort3A_451, %masked_sort3A_452 = tpu.sort %scan3A_398#4, %add3A_448 masked %masked_sort3A_449 {descending = true} : (vector<16xf32>, vector<16xi32>, vector<16xi1>) -> (vector<16xi1>, vector<16xf32>, vector<16xi32>)
    %ge3A_453 = arith.cmpf oge, %masked_sort3A_443, %masked_sort3A_451 : vector<16xf32>
    %max3A_454 = arith.maximumf %masked_sort3A_443, %masked_sort3A_451 : vector<16xf32>
    %select_n3A_455 = arith.select %ge3A_453, %masked_sort3A_444, %masked_sort3A_452 : vector<16xi1>, vector<16xi32>
    %masked_sort3A_456 = arith.constant dense<true> : vector<16xi1>
    %masked_sort3A_457, %masked_sort3A_458, %masked_sort3A_459 = tpu.sort %max3A_454, %select_n3A_455 masked %masked_sort3A_456 : (vector<16xf32>, vector<16xi32>, vector<16xi1>) -> (vector<16xi1>, vector<16xf32>, vector<16xi32>)
    %add3A_460 = arith.constant 64 : i32
    %add3A_461 = arith.addi %add3A_361, %add3A_460 : i32
    %add3A_462 = vector.broadcast %add3A_461 : i32 to vector<16xi32>
    %add3A_463 = arith.addi %add3A_462, %iota3A : vector<16xi32>
    %masked_sort3A_464 = arith.constant dense<true> : vector<16xi1>
    %masked_sort3A_465, %masked_sort3A_466, %masked_sort3A_467 = tpu.sort %scan3A_398#5, %add3A_463 masked %masked_sort3A_464 {descending = true} : (vector<16xf32>, vector<16xi32>, vector<16xi1>) -> (vector<16xi1>, vector<16xf32>, vector<16xi32>)
    %ge3A_468 = arith.cmpf oge, %masked_sort3A_458, %masked_sort3A_466 : vector<16xf32>
    %max3A_469 = arith.maximumf %masked_sort3A_458, %masked_sort3A_466 : vector<16xf32>
    %select_n3A_470 = arith.select %ge3A_468, %masked_sort3A_459, %masked_sort3A_467 : vector<16xi1>, vector<16xi32>
    %masked_sort3A_471 = arith.constant dense<true> : vector<16xi1>
    %masked_sort3A_472, %masked_sort3A_473, %masked_sort3A_474 = tpu.sort %max3A_469, %select_n3A_470 masked %masked_sort3A_471 : (vector<16xf32>, vector<16xi32>, vector<16xi1>) -> (vector<16xi1>, vector<16xf32>, vector<16xi32>)
    %add3A_475 = arith.constant 80 : i32
    %add3A_476 = arith.addi %add3A_361, %add3A_475 : i32
    %add3A_477 = vector.broadcast %add3A_476 : i32 to vector<16xi32>
    %add3A_478 = arith.addi %add3A_477, %iota3A : vector<16xi32>
    %masked_sort3A_479 = arith.constant dense<true> : vector<16xi1>
    %masked_sort3A_480, %masked_sort3A_481, %masked_sort3A_482 = tpu.sort %scan3A_398#6, %add3A_478 masked %masked_sort3A_479 {descending = true} : (vector<16xf32>, vector<16xi32>, vector<16xi1>) -> (vector<16xi1>, vector<16xf32>, vector<16xi32>)
    %ge3A_483 = arith.cmpf oge, %masked_sort3A_473, %masked_sort3A_481 : vector<16xf32>
    %max3A_484 = arith.maximumf %masked_sort3A_473, %masked_sort3A_481 : vector<16xf32>
    %select_n3A_485 = arith.select %ge3A_483, %masked_sort3A_474, %masked_sort3A_482 : vector<16xi1>, vector<16xi32>
    %masked_sort3A_486 = arith.constant dense<true> : vector<16xi1>
    %masked_sort3A_487, %masked_sort3A_488, %masked_sort3A_489 = tpu.sort %max3A_484, %select_n3A_485 masked %masked_sort3A_486 : (vector<16xf32>, vector<16xi32>, vector<16xi1>) -> (vector<16xi1>, vector<16xf32>, vector<16xi32>)
    %add3A_490 = arith.constant 96 : i32
    %add3A_491 = arith.addi %add3A_361, %add3A_490 : i32
    %add3A_492 = vector.broadcast %add3A_491 : i32 to vector<16xi32>
    %add3A_493 = arith.addi %add3A_492, %iota3A : vector<16xi32>
    %masked_sort3A_494 = arith.constant dense<true> : vector<16xi1>
    %masked_sort3A_495, %masked_sort3A_496, %masked_sort3A_497 = tpu.sort %scan3A_398#7, %add3A_493 masked %masked_sort3A_494 {descending = true} : (vector<16xf32>, vector<16xi32>, vector<16xi1>) -> (vector<16xi1>, vector<16xf32>, vector<16xi32>)
    %ge3A_498 = arith.cmpf oge, %masked_sort3A_488, %masked_sort3A_496 : vector<16xf32>
    %max3A_499 = arith.maximumf %masked_sort3A_488, %masked_sort3A_496 : vector<16xf32>
    %select_n3A_500 = arith.select %ge3A_498, %masked_sort3A_489, %masked_sort3A_497 : vector<16xi1>, vector<16xi32>
    %masked_sort3A_501 = arith.constant dense<true> : vector<16xi1>
    %masked_sort3A_502, %masked_sort3A_503, %masked_sort3A_504 = tpu.sort %max3A_499, %select_n3A_500 masked %masked_sort3A_501 : (vector<16xf32>, vector<16xi32>, vector<16xi1>) -> (vector<16xi1>, vector<16xf32>, vector<16xi32>)
    %add3A_505 = arith.constant 112 : i32
    %add3A_506 = arith.addi %add3A_361, %add3A_505 : i32
    %add3A_507 = vector.broadcast %add3A_506 : i32 to vector<16xi32>
    %add3A_508 = arith.addi %add3A_507, %iota3A : vector<16xi32>
    %masked_sort3A_509 = arith.constant dense<true> : vector<16xi1>
    %masked_sort3A_510, %masked_sort3A_511, %masked_sort3A_512 = tpu.sort %scan3A_398#8, %add3A_508 masked %masked_sort3A_509 {descending = true} : (vector<16xf32>, vector<16xi32>, vector<16xi1>) -> (vector<16xi1>, vector<16xf32>, vector<16xi32>)
    %ge3A_513 = arith.cmpf oge, %masked_sort3A_503, %masked_sort3A_511 : vector<16xf32>
    %max3A_514 = arith.maximumf %masked_sort3A_503, %masked_sort3A_511 : vector<16xf32>
    %select_n3A_515 = arith.select %ge3A_513, %masked_sort3A_504, %masked_sort3A_512 : vector<16xi1>, vector<16xi32>
    %masked_sort3A_516 = arith.constant dense<true> : vector<16xi1>
    %masked_sort3A_517, %masked_sort3A_518, %masked_sort3A_519 = tpu.sort %max3A_514, %select_n3A_515 masked %masked_sort3A_516 : (vector<16xf32>, vector<16xi32>, vector<16xi1>) -> (vector<16xi1>, vector<16xf32>, vector<16xi32>)
    %add3A_520 = arith.constant 128 : i32
    %add3A_521 = arith.addi %add3A_361, %add3A_520 : i32
    %add3A_522 = vector.broadcast %add3A_521 : i32 to vector<16xi32>
    %add3A_523 = arith.addi %add3A_522, %iota3A : vector<16xi32>
    %masked_sort3A_524 = arith.constant dense<true> : vector<16xi1>
    %masked_sort3A_525, %masked_sort3A_526, %masked_sort3A_527 = tpu.sort %scan3A_398#9, %add3A_523 masked %masked_sort3A_524 {descending = true} : (vector<16xf32>, vector<16xi32>, vector<16xi1>) -> (vector<16xi1>, vector<16xf32>, vector<16xi32>)
    %ge3A_528 = arith.cmpf oge, %masked_sort3A_518, %masked_sort3A_526 : vector<16xf32>
    %max3A_529 = arith.maximumf %masked_sort3A_518, %masked_sort3A_526 : vector<16xf32>
    %select_n3A_530 = arith.select %ge3A_528, %masked_sort3A_519, %masked_sort3A_527 : vector<16xi1>, vector<16xi32>
    %masked_sort3A_531 = arith.constant dense<true> : vector<16xi1>
    %masked_sort3A_532, %masked_sort3A_533, %masked_sort3A_534 = tpu.sort %max3A_529, %select_n3A_530 masked %masked_sort3A_531 : (vector<16xf32>, vector<16xi32>, vector<16xi1>) -> (vector<16xi1>, vector<16xf32>, vector<16xi32>)
    %add3A_535 = arith.constant 144 : i32
    %add3A_536 = arith.addi %add3A_361, %add3A_535 : i32
    %add3A_537 = vector.broadcast %add3A_536 : i32 to vector<16xi32>
    %add3A_538 = arith.addi %add3A_537, %iota3A : vector<16xi32>
    %masked_sort3A_539 = arith.constant dense<true> : vector<16xi1>
    %masked_sort3A_540, %masked_sort3A_541, %masked_sort3A_542 = tpu.sort %scan3A_398#10, %add3A_538 masked %masked_sort3A_539 {descending = true} : (vector<16xf32>, vector<16xi32>, vector<16xi1>) -> (vector<16xi1>, vector<16xf32>, vector<16xi32>)
    %ge3A_543 = arith.cmpf oge, %masked_sort3A_533, %masked_sort3A_541 : vector<16xf32>
    %max3A_544 = arith.maximumf %masked_sort3A_533, %masked_sort3A_541 : vector<16xf32>
    %select_n3A_545 = arith.select %ge3A_543, %masked_sort3A_534, %masked_sort3A_542 : vector<16xi1>, vector<16xi32>
    %masked_sort3A_546 = arith.constant dense<true> : vector<16xi1>
    %masked_sort3A_547, %masked_sort3A_548, %masked_sort3A_549 = tpu.sort %max3A_544, %select_n3A_545 masked %masked_sort3A_546 : (vector<16xf32>, vector<16xi32>, vector<16xi1>) -> (vector<16xi1>, vector<16xf32>, vector<16xi32>)
    %add3A_550 = arith.constant 160 : i32
    %add3A_551 = arith.addi %add3A_361, %add3A_550 : i32
    %add3A_552 = vector.broadcast %add3A_551 : i32 to vector<16xi32>
    %add3A_553 = arith.addi %add3A_552, %iota3A : vector<16xi32>
    %masked_sort3A_554 = arith.constant dense<true> : vector<16xi1>
    %masked_sort3A_555, %masked_sort3A_556, %masked_sort3A_557 = tpu.sort %scan3A_398#11, %add3A_553 masked %masked_sort3A_554 {descending = true} : (vector<16xf32>, vector<16xi32>, vector<16xi1>) -> (vector<16xi1>, vector<16xf32>, vector<16xi32>)
    %ge3A_558 = arith.cmpf oge, %masked_sort3A_548, %masked_sort3A_556 : vector<16xf32>
    %max3A_559 = arith.maximumf %masked_sort3A_548, %masked_sort3A_556 : vector<16xf32>
    %select_n3A_560 = arith.select %ge3A_558, %masked_sort3A_549, %masked_sort3A_557 : vector<16xi1>, vector<16xi32>
    %masked_sort3A_561 = arith.constant dense<true> : vector<16xi1>
    %masked_sort3A_562, %masked_sort3A_563, %masked_sort3A_564 = tpu.sort %max3A_559, %select_n3A_560 masked %masked_sort3A_561 : (vector<16xf32>, vector<16xi32>, vector<16xi1>) -> (vector<16xi1>, vector<16xf32>, vector<16xi32>)
    %add3A_565 = arith.constant 176 : i32
    %add3A_566 = arith.addi %add3A_361, %add3A_565 : i32
    %add3A_567 = vector.broadcast %add3A_566 : i32 to vector<16xi32>
    %add3A_568 = arith.addi %add3A_567, %iota3A : vector<16xi32>
    %masked_sort3A_569 = arith.constant dense<true> : vector<16xi1>
    %masked_sort3A_570, %masked_sort3A_571, %masked_sort3A_572 = tpu.sort %scan3A_398#12, %add3A_568 masked %masked_sort3A_569 {descending = true} : (vector<16xf32>, vector<16xi32>, vector<16xi1>) -> (vector<16xi1>, vector<16xf32>, vector<16xi32>)
    %ge3A_573 = arith.cmpf oge, %masked_sort3A_563, %masked_sort3A_571 : vector<16xf32>
    %max3A_574 = arith.maximumf %masked_sort3A_563, %masked_sort3A_571 : vector<16xf32>
    %select_n3A_575 = arith.select %ge3A_573, %masked_sort3A_564, %masked_sort3A_572 : vector<16xi1>, vector<16xi32>
    %masked_sort3A_576 = arith.constant dense<true> : vector<16xi1>
    %masked_sort3A_577, %masked_sort3A_578, %masked_sort3A_579 = tpu.sort %max3A_574, %select_n3A_575 masked %masked_sort3A_576 : (vector<16xf32>, vector<16xi32>, vector<16xi1>) -> (vector<16xi1>, vector<16xf32>, vector<16xi32>)
    %add3A_580 = arith.constant 192 : i32
    %add3A_581 = arith.addi %add3A_361, %add3A_580 : i32
    %add3A_582 = vector.broadcast %add3A_581 : i32 to vector<16xi32>
    %add3A_583 = arith.addi %add3A_582, %iota3A : vector<16xi32>
    %masked_sort3A_584 = arith.constant dense<true> : vector<16xi1>
    %masked_sort3A_585, %masked_sort3A_586, %masked_sort3A_587 = tpu.sort %scan3A_398#13, %add3A_583 masked %masked_sort3A_584 {descending = true} : (vector<16xf32>, vector<16xi32>, vector<16xi1>) -> (vector<16xi1>, vector<16xf32>, vector<16xi32>)
    %ge3A_588 = arith.cmpf oge, %masked_sort3A_578, %masked_sort3A_586 : vector<16xf32>
    %max3A_589 = arith.maximumf %masked_sort3A_578, %masked_sort3A_586 : vector<16xf32>
    %select_n3A_590 = arith.select %ge3A_588, %masked_sort3A_579, %masked_sort3A_587 : vector<16xi1>, vector<16xi32>
    %masked_sort3A_591 = arith.constant dense<true> : vector<16xi1>
    %masked_sort3A_592, %masked_sort3A_593, %masked_sort3A_594 = tpu.sort %max3A_589, %select_n3A_590 masked %masked_sort3A_591 : (vector<16xf32>, vector<16xi32>, vector<16xi1>) -> (vector<16xi1>, vector<16xf32>, vector<16xi32>)
    %add3A_595 = arith.constant 208 : i32
    %add3A_596 = arith.addi %add3A_361, %add3A_595 : i32
    %add3A_597 = vector.broadcast %add3A_596 : i32 to vector<16xi32>
    %add3A_598 = arith.addi %add3A_597, %iota3A : vector<16xi32>
    %masked_sort3A_599 = arith.constant dense<true> : vector<16xi1>
    %masked_sort3A_600, %masked_sort3A_601, %masked_sort3A_602 = tpu.sort %scan3A_398#14, %add3A_598 masked %masked_sort3A_599 {descending = true} : (vector<16xf32>, vector<16xi32>, vector<16xi1>) -> (vector<16xi1>, vector<16xf32>, vector<16xi32>)
    %ge3A_603 = arith.cmpf oge, %masked_sort3A_593, %masked_sort3A_601 : vector<16xf32>
    %max3A_604 = arith.maximumf %masked_sort3A_593, %masked_sort3A_601 : vector<16xf32>
    %select_n3A_605 = arith.select %ge3A_603, %masked_sort3A_594, %masked_sort3A_602 : vector<16xi1>, vector<16xi32>
    %masked_sort3A_606 = arith.constant dense<true> : vector<16xi1>
    %masked_sort3A_607, %masked_sort3A_608, %masked_sort3A_609 = tpu.sort %max3A_604, %select_n3A_605 masked %masked_sort3A_606 : (vector<16xf32>, vector<16xi32>, vector<16xi1>) -> (vector<16xi1>, vector<16xf32>, vector<16xi32>)
    %add3A_610 = arith.constant 224 : i32
    %add3A_611 = arith.addi %add3A_361, %add3A_610 : i32
    %add3A_612 = vector.broadcast %add3A_611 : i32 to vector<16xi32>
    %add3A_613 = arith.addi %add3A_612, %iota3A : vector<16xi32>
    %masked_sort3A_614 = arith.constant dense<true> : vector<16xi1>
    %masked_sort3A_615, %masked_sort3A_616, %masked_sort3A_617 = tpu.sort %scan3A_398#15, %add3A_613 masked %masked_sort3A_614 {descending = true} : (vector<16xf32>, vector<16xi32>, vector<16xi1>) -> (vector<16xi1>, vector<16xf32>, vector<16xi32>)
    %ge3A_618 = arith.cmpf oge, %masked_sort3A_608, %masked_sort3A_616 : vector<16xf32>
    %max3A_619 = arith.maximumf %masked_sort3A_608, %masked_sort3A_616 : vector<16xf32>
    %select_n3A_620 = arith.select %ge3A_618, %masked_sort3A_609, %masked_sort3A_617 : vector<16xi1>, vector<16xi32>
    %masked_sort3A_621 = arith.constant dense<true> : vector<16xi1>
    %masked_sort3A_622, %masked_sort3A_623, %masked_sort3A_624 = tpu.sort %max3A_619, %select_n3A_620 masked %masked_sort3A_621 : (vector<16xf32>, vector<16xi32>, vector<16xi1>) -> (vector<16xi1>, vector<16xf32>, vector<16xi32>)
    %add3A_625 = arith.constant 240 : i32
    %add3A_626 = arith.addi %add3A_361, %add3A_625 : i32
    %add3A_627 = vector.broadcast %add3A_626 : i32 to vector<16xi32>
    %add3A_628 = arith.addi %add3A_627, %iota3A : vector<16xi32>
    %masked_sort3A_629 = arith.constant dense<true> : vector<16xi1>
    %masked_sort3A_630, %masked_sort3A_631, %masked_sort3A_632 = tpu.sort %scan3A_398#16, %add3A_628 masked %masked_sort3A_629 {descending = true} : (vector<16xf32>, vector<16xi32>, vector<16xi1>) -> (vector<16xi1>, vector<16xf32>, vector<16xi32>)
    %ge3A_633 = arith.cmpf oge, %masked_sort3A_623, %masked_sort3A_631 : vector<16xf32>
    %max3A_634 = arith.maximumf %masked_sort3A_623, %masked_sort3A_631 : vector<16xf32>
    %select_n3A_635 = arith.select %ge3A_633, %masked_sort3A_624, %masked_sort3A_632 : vector<16xi1>, vector<16xi32>
    %masked_sort3A_636 = arith.constant dense<true> : vector<16xi1>
    %masked_sort3A_637, %masked_sort3A_638, %masked_sort3A_639 = tpu.sort %max3A_634, %select_n3A_635 masked %masked_sort3A_636 : (vector<16xf32>, vector<16xi32>, vector<16xi1>) -> (vector<16xi1>, vector<16xf32>, vector<16xi32>)
    %add3A_640 = arith.constant 768 : i32
    %add3A_641 = arith.addi %mul3A_2, %add3A_640 : i32
    %mul3A_642 = arith.constant 128 : i32
    %mul3A_643 = arith.muli %add3A_641, %mul3A_642 : i32
    %dma_start3A_644 = arith.constant 0 : i32
    %dma_start3A_645 = tpu.memref_slice %arg8[%dma_start3A_644] : memref<32768xf32, #tpu.memory_space<vmem>> -> memref<16384xf32, #tpu.memory_space<vmem>>
    %dma_start3A_646 = tpu.memref_slice %arg2[%mul3A_643] : memref<4194304xf32, #tpu.memory_space<hbm>> -> memref<16384xf32, #tpu.memory_space<hbm>>
    %dma_start3A_647 = arith.constant 0 : i32
    %dma_start3A_648 = tpu.memref_slice %arg8[%dma_start3A_647] : memref<32768xf32, #tpu.memory_space<vmem>> -> memref<16384xf32, #tpu.memory_space<vmem>>
    %dma_start3A_649 = tpu.memref_slice %arg2[%mul3A_643] : memref<4194304xf32, #tpu.memory_space<hbm>> -> memref<16384xf32, #tpu.memory_space<hbm>>
    tpu.enqueue_dma source(%dma_start3A_649 : memref<16384xf32, #tpu.memory_space<hbm>>) target(%dma_start3A_648 : memref<16384xf32, #tpu.memory_space<vmem>>) target_semaphore(%arg18 : memref<!tpu.dma_semaphore, #tpu.memory_space<semaphore_mem>>)
    %add3A_650 = arith.constant 16384 : i32
    %add3A_651 = arith.addi %mul3A_643, %add3A_650 : i32
    %dma_start3A_652 = arith.constant 16384 : i32
    %dma_start3A_653 = tpu.memref_slice %arg8[%dma_start3A_652] : memref<32768xf32, #tpu.memory_space<vmem>> -> memref<16384xf32, #tpu.memory_space<vmem>>
    %dma_start3A_654 = tpu.memref_slice %arg2[%add3A_651] : memref<4194304xf32, #tpu.memory_space<hbm>> -> memref<16384xf32, #tpu.memory_space<hbm>>
    %dma_start3A_655 = arith.constant 16384 : i32
    %dma_start3A_656 = tpu.memref_slice %arg8[%dma_start3A_655] : memref<32768xf32, #tpu.memory_space<vmem>> -> memref<16384xf32, #tpu.memory_space<vmem>>
    %dma_start3A_657 = tpu.memref_slice %arg2[%add3A_651] : memref<4194304xf32, #tpu.memory_space<hbm>> -> memref<16384xf32, #tpu.memory_space<hbm>>
    tpu.enqueue_dma source(%dma_start3A_657 : memref<16384xf32, #tpu.memory_space<hbm>>) target(%dma_start3A_656 : memref<16384xf32, #tpu.memory_space<vmem>>) target_semaphore(%arg18 : memref<!tpu.dma_semaphore, #tpu.memory_space<semaphore_mem>>)
    %dma_wait3A_658 = arith.constant 0 : i32
    %dma_wait3A_659 = tpu.memref_slice %arg7[%dma_wait3A_658] : memref<32768xf32, #tpu.memory_space<vmem>> -> memref<16384xf32, #tpu.memory_space<vmem>>
    %dma_wait3A_660 = tpu.memref_slice %arg2[%mul3A_333] : memref<4194304xf32, #tpu.memory_space<hbm>> -> memref<16384xf32, #tpu.memory_space<hbm>>
    %dma_wait3A_661 = arith.constant 0 : i32
    %dma_wait3A_662 = tpu.memref_slice %arg7[%dma_wait3A_661] : memref<32768xf32, #tpu.memory_space<vmem>> -> memref<16384xf32, #tpu.memory_space<vmem>>
    %dma_wait3A_663 = tpu.memref_slice %arg2[%mul3A_333] : memref<4194304xf32, #tpu.memory_space<hbm>> -> memref<16384xf32, #tpu.memory_space<hbm>>
    tpu.wait_dma2 semaphore(%arg17 : memref<!tpu.dma_semaphore, #tpu.memory_space<semaphore_mem>>) src(%dma_wait3A_663 : memref<16384xf32, #tpu.memory_space<hbm>>) dst(%dma_wait3A_662 : memref<16384xf32, #tpu.memory_space<vmem>>)
    %dma_wait3A_664 = arith.constant 16384 : i32
    %dma_wait3A_665 = tpu.memref_slice %arg7[%dma_wait3A_664] : memref<32768xf32, #tpu.memory_space<vmem>> -> memref<16384xf32, #tpu.memory_space<vmem>>
    %dma_wait3A_666 = tpu.memref_slice %arg2[%add3A_341] : memref<4194304xf32, #tpu.memory_space<hbm>> -> memref<16384xf32, #tpu.memory_space<hbm>>
    %dma_wait3A_667 = arith.constant 16384 : i32
    %dma_wait3A_668 = tpu.memref_slice %arg7[%dma_wait3A_667] : memref<32768xf32, #tpu.memory_space<vmem>> -> memref<16384xf32, #tpu.memory_space<vmem>>
    %dma_wait3A_669 = tpu.memref_slice %arg2[%add3A_341] : memref<4194304xf32, #tpu.memory_space<hbm>> -> memref<16384xf32, #tpu.memory_space<hbm>>
    tpu.wait_dma2 semaphore(%arg17 : memref<!tpu.dma_semaphore, #tpu.memory_space<semaphore_mem>>) src(%dma_wait3A_669 : memref<16384xf32, #tpu.memory_space<hbm>>) dst(%dma_wait3A_668 : memref<16384xf32, #tpu.memory_space<vmem>>)
    %add3A_670 = arith.constant 512 : i32
    %add3A_671 = arith.addi %mul3A_2, %add3A_670 : i32
    %broadcast_in_dim3A_672 = arith.constant 0.000000e+00 : f32
    %broadcast_in_dim3A_673 = vector.broadcast %broadcast_in_dim3A_672 : f32 to vector<16xf32>
    %broadcast_in_dim3A_674 = arith.constant 0.000000e+00 : f32
    %broadcast_in_dim3A_675 = vector.broadcast %broadcast_in_dim3A_674 : f32 to vector<16xf32>
    %broadcast_in_dim3A_676 = arith.constant 0.000000e+00 : f32
    %broadcast_in_dim3A_677 = vector.broadcast %broadcast_in_dim3A_676 : f32 to vector<16xf32>
    %broadcast_in_dim3A_678 = arith.constant 0.000000e+00 : f32
    %broadcast_in_dim3A_679 = vector.broadcast %broadcast_in_dim3A_678 : f32 to vector<16xf32>
    %broadcast_in_dim3A_680 = arith.constant 0.000000e+00 : f32
    %broadcast_in_dim3A_681 = vector.broadcast %broadcast_in_dim3A_680 : f32 to vector<16xf32>
    %broadcast_in_dim3A_682 = arith.constant 0.000000e+00 : f32
    %broadcast_in_dim3A_683 = vector.broadcast %broadcast_in_dim3A_682 : f32 to vector<16xf32>
    %broadcast_in_dim3A_684 = arith.constant 0.000000e+00 : f32
    %broadcast_in_dim3A_685 = vector.broadcast %broadcast_in_dim3A_684 : f32 to vector<16xf32>
    %broadcast_in_dim3A_686 = arith.constant 0.000000e+00 : f32
    %broadcast_in_dim3A_687 = vector.broadcast %broadcast_in_dim3A_686 : f32 to vector<16xf32>
    %broadcast_in_dim3A_688 = arith.constant 0.000000e+00 : f32
    %broadcast_in_dim3A_689 = vector.broadcast %broadcast_in_dim3A_688 : f32 to vector<16xf32>
    %broadcast_in_dim3A_690 = arith.constant 0.000000e+00 : f32
    %broadcast_in_dim3A_691 = vector.broadcast %broadcast_in_dim3A_690 : f32 to vector<16xf32>
    %broadcast_in_dim3A_692 = arith.constant 0.000000e+00 : f32
    %broadcast_in_dim3A_693 = vector.broadcast %broadcast_in_dim3A_692 : f32 to vector<16xf32>
    %broadcast_in_dim3A_694 = arith.constant 0.000000e+00 : f32
    %broadcast_in_dim3A_695 = vector.broadcast %broadcast_in_dim3A_694 : f32 to vector<16xf32>
    %broadcast_in_dim3A_696 = arith.constant 0.000000e+00 : f32
    %broadcast_in_dim3A_697 = vector.broadcast %broadcast_in_dim3A_696 : f32 to vector<16xf32>
    %broadcast_in_dim3A_698 = arith.constant 0.000000e+00 : f32
    %broadcast_in_dim3A_699 = vector.broadcast %broadcast_in_dim3A_698 : f32 to vector<16xf32>
    %broadcast_in_dim3A_700 = arith.constant 0.000000e+00 : f32
    %broadcast_in_dim3A_701 = vector.broadcast %broadcast_in_dim3A_700 : f32 to vector<16xf32>
    %broadcast_in_dim3A_702 = arith.constant 0.000000e+00 : f32
    %broadcast_in_dim3A_703 = vector.broadcast %broadcast_in_dim3A_702 : f32 to vector<16xf32>
    %scan3A_704 = arith.constant 0 : i32
    %scan3A_705 = arith.constant 128 : i32
    %scan3A_706 = arith.addi %scan3A_704, %scan3A_705 : i32
    %scan3A_707 = arith.constant 1 : i32
    %scan3A_708:17 = scf.for %scan3A_1247 = %scan3A_704 to %scan3A_706 step %scan3A_707 iter_args(%scan3A_1248 = %iota3A, %scan3A_1249 = %broadcast_in_dim3A_673, %scan3A_1250 = %broadcast_in_dim3A_675, %scan3A_1251 = %broadcast_in_dim3A_677, %scan3A_1252 = %broadcast_in_dim3A_679, %scan3A_1253 = %broadcast_in_dim3A_681, %scan3A_1254 = %broadcast_in_dim3A_683, %scan3A_1255 = %broadcast_in_dim3A_685, %scan3A_1256 = %broadcast_in_dim3A_687, %scan3A_1257 = %broadcast_in_dim3A_689, %scan3A_1258 = %broadcast_in_dim3A_691, %scan3A_1259 = %broadcast_in_dim3A_693, %scan3A_1260 = %broadcast_in_dim3A_695, %scan3A_1261 = %broadcast_in_dim3A_697, %scan3A_1262 = %broadcast_in_dim3A_699, %scan3A_1263 = %broadcast_in_dim3A_701, %scan3A_1264 = %broadcast_in_dim3A_703) -> (vector<16xi32>, vector<16xf32>, vector<16xf32>, vector<16xf32>, vector<16xf32>, vector<16xf32>, vector<16xf32>, vector<16xf32>, vector<16xf32>, vector<16xf32>, vector<16xf32>, vector<16xf32>, vector<16xf32>, vector<16xf32>, vector<16xf32>, vector<16xf32>, vector<16xf32>)  : i32 {
      %gather3A = tpu.vector_load_idx %arg9[%scan3A_1248] : memref<128xf32, #tpu.memory_space<vmem>>[vector<16xi32>], vector<16xf32>,
      %bitcast3A = vector.bitcast %gather3A : vector<16xf32> to vector<16xi32>
      %shift_right_logical3A = arith.constant 16 : i32
      %shift_right_logical3A_1265 = vector.broadcast %shift_right_logical3A : i32 to vector<16xi32>
      %shift_right_logical3A_1266 = arith.shrui %bitcast3A, %shift_right_logical3A_1265 : vector<16xi32>
      %and3A = arith.constant 1 : i32
      %and3A_1267 = vector.broadcast %and3A : i32 to vector<16xi32>
      %and3A_1268 = arith.andi %shift_right_logical3A_1266, %and3A_1267 : vector<16xi32>
      %add3A_1269 = arith.constant 32767 : i32
      %add3A_1270 = vector.broadcast %add3A_1269 : i32 to vector<16xi32>
      %add3A_1271 = arith.addi %bitcast3A, %add3A_1270 : vector<16xi32>
      %add3A_1272 = arith.addi %add3A_1271, %and3A_1268 : vector<16xi32>
      %and3A_1273 = arith.constant -65536 : i32
      %and3A_1274 = vector.broadcast %and3A_1273 : i32 to vector<16xi32>
      %and3A_1275 = arith.andi %add3A_1272, %and3A_1274 : vector<16xi32>
      %bitcast3A_1276 = vector.bitcast %and3A_1275 : vector<16xi32> to vector<16xf32>
      %add3A_1277 = arith.addi %scan3A_1248, %mul3A_5 : vector<16xi32>
      %add3A_1278 = arith.constant 0 : i32
      %add3A_1279 = vector.broadcast %add3A_1278 : i32 to vector<16xi32>
      %add3A_1280 = arith.addi %add3A_1277, %add3A_1279 : vector<16xi32>
      %gather3A_1281 = tpu.vector_load_idx %arg7[%add3A_1280] : memref<32768xf32, #tpu.memory_space<vmem>>[vector<16xi32>], vector<16xf32>,
      %bitcast3A_1282 = vector.bitcast %gather3A_1281 : vector<16xf32> to vector<16xi32>
      %shift_right_logical3A_1283 = arith.constant 16 : i32
      %shift_right_logical3A_1284 = vector.broadcast %shift_right_logical3A_1283 : i32 to vector<16xi32>
      %shift_right_logical3A_1285 = arith.shrui %bitcast3A_1282, %shift_right_logical3A_1284 : vector<16xi32>
      %and3A_1286 = arith.constant 1 : i32
      %and3A_1287 = vector.broadcast %and3A_1286 : i32 to vector<16xi32>
      %and3A_1288 = arith.andi %shift_right_logical3A_1285, %and3A_1287 : vector<16xi32>
      %add3A_1289 = arith.constant 32767 : i32
      %add3A_1290 = vector.broadcast %add3A_1289 : i32 to vector<16xi32>
      %add3A_1291 = arith.addi %bitcast3A_1282, %add3A_1290 : vector<16xi32>
      %add3A_1292 = arith.addi %add3A_1291, %and3A_1288 : vector<16xi32>
      %and3A_1293 = arith.constant -65536 : i32
      %and3A_1294 = vector.broadcast %and3A_1293 : i32 to vector<16xi32>
      %and3A_1295 = arith.andi %add3A_1292, %and3A_1294 : vector<16xi32>
      %bitcast3A_1296 = vector.bitcast %and3A_1295 : vector<16xi32> to vector<16xf32>
      %mul3A_1297 = arith.mulf %bitcast3A_1296, %bitcast3A_1276 : vector<16xf32>
      %add3A_1298 = arith.addf %scan3A_1249, %mul3A_1297 : vector<16xf32>
      %add3A_1299 = arith.constant 2048 : i32
      %add3A_1300 = vector.broadcast %add3A_1299 : i32 to vector<16xi32>
      %add3A_1301 = arith.addi %add3A_1277, %add3A_1300 : vector<16xi32>
      %gather3A_1302 = tpu.vector_load_idx %arg7[%add3A_1301] : memref<32768xf32, #tpu.memory_space<vmem>>[vector<16xi32>], vector<16xf32>,
      %bitcast3A_1303 = vector.bitcast %gather3A_1302 : vector<16xf32> to vector<16xi32>
      %shift_right_logical3A_1304 = arith.constant 16 : i32
      %shift_right_logical3A_1305 = vector.broadcast %shift_right_logical3A_1304 : i32 to vector<16xi32>
      %shift_right_logical3A_1306 = arith.shrui %bitcast3A_1303, %shift_right_logical3A_1305 : vector<16xi32>
      %and3A_1307 = arith.constant 1 : i32
      %and3A_1308 = vector.broadcast %and3A_1307 : i32 to vector<16xi32>
      %and3A_1309 = arith.andi %shift_right_logical3A_1306, %and3A_1308 : vector<16xi32>
      %add3A_1310 = arith.constant 32767 : i32
      %add3A_1311 = vector.broadcast %add3A_1310 : i32 to vector<16xi32>
      %add3A_1312 = arith.addi %bitcast3A_1303, %add3A_1311 : vector<16xi32>
      %add3A_1313 = arith.addi %add3A_1312, %and3A_1309 : vector<16xi32>
      %and3A_1314 = arith.constant -65536 : i32
      %and3A_1315 = vector.broadcast %and3A_1314 : i32 to vector<16xi32>
      %and3A_1316 = arith.andi %add3A_1313, %and3A_1315 : vector<16xi32>
      %bitcast3A_1317 = vector.bitcast %and3A_1316 : vector<16xi32> to vector<16xf32>
      %mul3A_1318 = arith.mulf %bitcast3A_1317, %bitcast3A_1276 : vector<16xf32>
      %add3A_1319 = arith.addf %scan3A_1250, %mul3A_1318 : vector<16xf32>
      %add3A_1320 = arith.constant 4096 : i32
      %add3A_1321 = vector.broadcast %add3A_1320 : i32 to vector<16xi32>
      %add3A_1322 = arith.addi %add3A_1277, %add3A_1321 : vector<16xi32>
      %gather3A_1323 = tpu.vector_load_idx %arg7[%add3A_1322] : memref<32768xf32, #tpu.memory_space<vmem>>[vector<16xi32>], vector<16xf32>,
      %bitcast3A_1324 = vector.bitcast %gather3A_1323 : vector<16xf32> to vector<16xi32>
      %shift_right_logical3A_1325 = arith.constant 16 : i32
      %shift_right_logical3A_1326 = vector.broadcast %shift_right_logical3A_1325 : i32 to vector<16xi32>
      %shift_right_logical3A_1327 = arith.shrui %bitcast3A_1324, %shift_right_logical3A_1326 : vector<16xi32>
      %and3A_1328 = arith.constant 1 : i32
      %and3A_1329 = vector.broadcast %and3A_1328 : i32 to vector<16xi32>
      %and3A_1330 = arith.andi %shift_right_logical3A_1327, %and3A_1329 : vector<16xi32>
      %add3A_1331 = arith.constant 32767 : i32
      %add3A_1332 = vector.broadcast %add3A_1331 : i32 to vector<16xi32>
      %add3A_1333 = arith.addi %bitcast3A_1324, %add3A_1332 : vector<16xi32>
      %add3A_1334 = arith.addi %add3A_1333, %and3A_1330 : vector<16xi32>
      %and3A_1335 = arith.constant -65536 : i32
      %and3A_1336 = vector.broadcast %and3A_1335 : i32 to vector<16xi32>
      %and3A_1337 = arith.andi %add3A_1334, %and3A_1336 : vector<16xi32>
      %bitcast3A_1338 = vector.bitcast %and3A_1337 : vector<16xi32> to vector<16xf32>
      %mul3A_1339 = arith.mulf %bitcast3A_1338, %bitcast3A_1276 : vector<16xf32>
      %add3A_1340 = arith.addf %scan3A_1251, %mul3A_1339 : vector<16xf32>
      %add3A_1341 = arith.constant 6144 : i32
      %add3A_1342 = vector.broadcast %add3A_1341 : i32 to vector<16xi32>
      %add3A_1343 = arith.addi %add3A_1277, %add3A_1342 : vector<16xi32>
      %gather3A_1344 = tpu.vector_load_idx %arg7[%add3A_1343] : memref<32768xf32, #tpu.memory_space<vmem>>[vector<16xi32>], vector<16xf32>,
      %bitcast3A_1345 = vector.bitcast %gather3A_1344 : vector<16xf32> to vector<16xi32>
      %shift_right_logical3A_1346 = arith.constant 16 : i32
      %shift_right_logical3A_1347 = vector.broadcast %shift_right_logical3A_1346 : i32 to vector<16xi32>
      %shift_right_logical3A_1348 = arith.shrui %bitcast3A_1345, %shift_right_logical3A_1347 : vector<16xi32>
      %and3A_1349 = arith.constant 1 : i32
      %and3A_1350 = vector.broadcast %and3A_1349 : i32 to vector<16xi32>
      %and3A_1351 = arith.andi %shift_right_logical3A_1348, %and3A_1350 : vector<16xi32>
      %add3A_1352 = arith.constant 32767 : i32
      %add3A_1353 = vector.broadcast %add3A_1352 : i32 to vector<16xi32>
      %add3A_1354 = arith.addi %bitcast3A_1345, %add3A_1353 : vector<16xi32>
      %add3A_1355 = arith.addi %add3A_1354, %and3A_1351 : vector<16xi32>
      %and3A_1356 = arith.constant -65536 : i32
      %and3A_1357 = vector.broadcast %and3A_1356 : i32 to vector<16xi32>
      %and3A_1358 = arith.andi %add3A_1355, %and3A_1357 : vector<16xi32>
      %bitcast3A_1359 = vector.bitcast %and3A_1358 : vector<16xi32> to vector<16xf32>
      %mul3A_1360 = arith.mulf %bitcast3A_1359, %bitcast3A_1276 : vector<16xf32>
      %add3A_1361 = arith.addf %scan3A_1252, %mul3A_1360 : vector<16xf32>
      %add3A_1362 = arith.constant 8192 : i32
      %add3A_1363 = vector.broadcast %add3A_1362 : i32 to vector<16xi32>
      %add3A_1364 = arith.addi %add3A_1277, %add3A_1363 : vector<16xi32>
      %gather3A_1365 = tpu.vector_load_idx %arg7[%add3A_1364] : memref<32768xf32, #tpu.memory_space<vmem>>[vector<16xi32>], vector<16xf32>,
      %bitcast3A_1366 = vector.bitcast %gather3A_1365 : vector<16xf32> to vector<16xi32>
      %shift_right_logical3A_1367 = arith.constant 16 : i32
      %shift_right_logical3A_1368 = vector.broadcast %shift_right_logical3A_1367 : i32 to vector<16xi32>
      %shift_right_logical3A_1369 = arith.shrui %bitcast3A_1366, %shift_right_logical3A_1368 : vector<16xi32>
      %and3A_1370 = arith.constant 1 : i32
      %and3A_1371 = vector.broadcast %and3A_1370 : i32 to vector<16xi32>
      %and3A_1372 = arith.andi %shift_right_logical3A_1369, %and3A_1371 : vector<16xi32>
      %add3A_1373 = arith.constant 32767 : i32
      %add3A_1374 = vector.broadcast %add3A_1373 : i32 to vector<16xi32>
      %add3A_1375 = arith.addi %bitcast3A_1366, %add3A_1374 : vector<16xi32>
      %add3A_1376 = arith.addi %add3A_1375, %and3A_1372 : vector<16xi32>
      %and3A_1377 = arith.constant -65536 : i32
      %and3A_1378 = vector.broadcast %and3A_1377 : i32 to vector<16xi32>
      %and3A_1379 = arith.andi %add3A_1376, %and3A_1378 : vector<16xi32>
      %bitcast3A_1380 = vector.bitcast %and3A_1379 : vector<16xi32> to vector<16xf32>
      %mul3A_1381 = arith.mulf %bitcast3A_1380, %bitcast3A_1276 : vector<16xf32>
      %add3A_1382 = arith.addf %scan3A_1253, %mul3A_1381 : vector<16xf32>
      %add3A_1383 = arith.constant 10240 : i32
      %add3A_1384 = vector.broadcast %add3A_1383 : i32 to vector<16xi32>
      %add3A_1385 = arith.addi %add3A_1277, %add3A_1384 : vector<16xi32>
      %gather3A_1386 = tpu.vector_load_idx %arg7[%add3A_1385] : memref<32768xf32, #tpu.memory_space<vmem>>[vector<16xi32>], vector<16xf32>,
      %bitcast3A_1387 = vector.bitcast %gather3A_1386 : vector<16xf32> to vector<16xi32>
      %shift_right_logical3A_1388 = arith.constant 16 : i32
      %shift_right_logical3A_1389 = vector.broadcast %shift_right_logical3A_1388 : i32 to vector<16xi32>
      %shift_right_logical3A_1390 = arith.shrui %bitcast3A_1387, %shift_right_logical3A_1389 : vector<16xi32>
      %and3A_1391 = arith.constant 1 : i32
      %and3A_1392 = vector.broadcast %and3A_1391 : i32 to vector<16xi32>
      %and3A_1393 = arith.andi %shift_right_logical3A_1390, %and3A_1392 : vector<16xi32>
      %add3A_1394 = arith.constant 32767 : i32
      %add3A_1395 = vector.broadcast %add3A_1394 : i32 to vector<16xi32>
      %add3A_1396 = arith.addi %bitcast3A_1387, %add3A_1395 : vector<16xi32>
      %add3A_1397 = arith.addi %add3A_1396, %and3A_1393 : vector<16xi32>
      %and3A_1398 = arith.constant -65536 : i32
      %and3A_1399 = vector.broadcast %and3A_1398 : i32 to vector<16xi32>
      %and3A_1400 = arith.andi %add3A_1397, %and3A_1399 : vector<16xi32>
      %bitcast3A_1401 = vector.bitcast %and3A_1400 : vector<16xi32> to vector<16xf32>
      %mul3A_1402 = arith.mulf %bitcast3A_1401, %bitcast3A_1276 : vector<16xf32>
      %add3A_1403 = arith.addf %scan3A_1254, %mul3A_1402 : vector<16xf32>
      %add3A_1404 = arith.constant 12288 : i32
      %add3A_1405 = vector.broadcast %add3A_1404 : i32 to vector<16xi32>
      %add3A_1406 = arith.addi %add3A_1277, %add3A_1405 : vector<16xi32>
      %gather3A_1407 = tpu.vector_load_idx %arg7[%add3A_1406] : memref<32768xf32, #tpu.memory_space<vmem>>[vector<16xi32>], vector<16xf32>,
      %bitcast3A_1408 = vector.bitcast %gather3A_1407 : vector<16xf32> to vector<16xi32>
      %shift_right_logical3A_1409 = arith.constant 16 : i32
      %shift_right_logical3A_1410 = vector.broadcast %shift_right_logical3A_1409 : i32 to vector<16xi32>
      %shift_right_logical3A_1411 = arith.shrui %bitcast3A_1408, %shift_right_logical3A_1410 : vector<16xi32>
      %and3A_1412 = arith.constant 1 : i32
      %and3A_1413 = vector.broadcast %and3A_1412 : i32 to vector<16xi32>
      %and3A_1414 = arith.andi %shift_right_logical3A_1411, %and3A_1413 : vector<16xi32>
      %add3A_1415 = arith.constant 32767 : i32
      %add3A_1416 = vector.broadcast %add3A_1415 : i32 to vector<16xi32>
      %add3A_1417 = arith.addi %bitcast3A_1408, %add3A_1416 : vector<16xi32>
      %add3A_1418 = arith.addi %add3A_1417, %and3A_1414 : vector<16xi32>
      %and3A_1419 = arith.constant -65536 : i32
      %and3A_1420 = vector.broadcast %and3A_1419 : i32 to vector<16xi32>
      %and3A_1421 = arith.andi %add3A_1418, %and3A_1420 : vector<16xi32>
      %bitcast3A_1422 = vector.bitcast %and3A_1421 : vector<16xi32> to vector<16xf32>
      %mul3A_1423 = arith.mulf %bitcast3A_1422, %bitcast3A_1276 : vector<16xf32>
      %add3A_1424 = arith.addf %scan3A_1255, %mul3A_1423 : vector<16xf32>
      %add3A_1425 = arith.constant 14336 : i32
      %add3A_1426 = vector.broadcast %add3A_1425 : i32 to vector<16xi32>
      %add3A_1427 = arith.addi %add3A_1277, %add3A_1426 : vector<16xi32>
      %gather3A_1428 = tpu.vector_load_idx %arg7[%add3A_1427] : memref<32768xf32, #tpu.memory_space<vmem>>[vector<16xi32>], vector<16xf32>,
      %bitcast3A_1429 = vector.bitcast %gather3A_1428 : vector<16xf32> to vector<16xi32>
      %shift_right_logical3A_1430 = arith.constant 16 : i32
      %shift_right_logical3A_1431 = vector.broadcast %shift_right_logical3A_1430 : i32 to vector<16xi32>
      %shift_right_logical3A_1432 = arith.shrui %bitcast3A_1429, %shift_right_logical3A_1431 : vector<16xi32>
      %and3A_1433 = arith.constant 1 : i32
      %and3A_1434 = vector.broadcast %and3A_1433 : i32 to vector<16xi32>
      %and3A_1435 = arith.andi %shift_right_logical3A_1432, %and3A_1434 : vector<16xi32>
      %add3A_1436 = arith.constant 32767 : i32
      %add3A_1437 = vector.broadcast %add3A_1436 : i32 to vector<16xi32>
      %add3A_1438 = arith.addi %bitcast3A_1429, %add3A_1437 : vector<16xi32>
      %add3A_1439 = arith.addi %add3A_1438, %and3A_1435 : vector<16xi32>
      %and3A_1440 = arith.constant -65536 : i32
      %and3A_1441 = vector.broadcast %and3A_1440 : i32 to vector<16xi32>
      %and3A_1442 = arith.andi %add3A_1439, %and3A_1441 : vector<16xi32>
      %bitcast3A_1443 = vector.bitcast %and3A_1442 : vector<16xi32> to vector<16xf32>
      %mul3A_1444 = arith.mulf %bitcast3A_1443, %bitcast3A_1276 : vector<16xf32>
      %add3A_1445 = arith.addf %scan3A_1256, %mul3A_1444 : vector<16xf32>
      %add3A_1446 = arith.constant 16384 : i32
      %add3A_1447 = vector.broadcast %add3A_1446 : i32 to vector<16xi32>
      %add3A_1448 = arith.addi %add3A_1277, %add3A_1447 : vector<16xi32>
      %gather3A_1449 = tpu.vector_load_idx %arg7[%add3A_1448] : memref<32768xf32, #tpu.memory_space<vmem>>[vector<16xi32>], vector<16xf32>,
      %bitcast3A_1450 = vector.bitcast %gather3A_1449 : vector<16xf32> to vector<16xi32>
      %shift_right_logical3A_1451 = arith.constant 16 : i32
      %shift_right_logical3A_1452 = vector.broadcast %shift_right_logical3A_1451 : i32 to vector<16xi32>
      %shift_right_logical3A_1453 = arith.shrui %bitcast3A_1450, %shift_right_logical3A_1452 : vector<16xi32>
      %and3A_1454 = arith.constant 1 : i32
      %and3A_1455 = vector.broadcast %and3A_1454 : i32 to vector<16xi32>
      %and3A_1456 = arith.andi %shift_right_logical3A_1453, %and3A_1455 : vector<16xi32>
      %add3A_1457 = arith.constant 32767 : i32
      %add3A_1458 = vector.broadcast %add3A_1457 : i32 to vector<16xi32>
      %add3A_1459 = arith.addi %bitcast3A_1450, %add3A_1458 : vector<16xi32>
      %add3A_1460 = arith.addi %add3A_1459, %and3A_1456 : vector<16xi32>
      %and3A_1461 = arith.constant -65536 : i32
      %and3A_1462 = vector.broadcast %and3A_1461 : i32 to vector<16xi32>
      %and3A_1463 = arith.andi %add3A_1460, %and3A_1462 : vector<16xi32>
      %bitcast3A_1464 = vector.bitcast %and3A_1463 : vector<16xi32> to vector<16xf32>
      %mul3A_1465 = arith.mulf %bitcast3A_1464, %bitcast3A_1276 : vector<16xf32>
      %add3A_1466 = arith.addf %scan3A_1257, %mul3A_1465 : vector<16xf32>
      %add3A_1467 = arith.constant 18432 : i32
      %add3A_1468 = vector.broadcast %add3A_1467 : i32 to vector<16xi32>
      %add3A_1469 = arith.addi %add3A_1277, %add3A_1468 : vector<16xi32>
      %gather3A_1470 = tpu.vector_load_idx %arg7[%add3A_1469] : memref<32768xf32, #tpu.memory_space<vmem>>[vector<16xi32>], vector<16xf32>,
      %bitcast3A_1471 = vector.bitcast %gather3A_1470 : vector<16xf32> to vector<16xi32>
      %shift_right_logical3A_1472 = arith.constant 16 : i32
      %shift_right_logical3A_1473 = vector.broadcast %shift_right_logical3A_1472 : i32 to vector<16xi32>
      %shift_right_logical3A_1474 = arith.shrui %bitcast3A_1471, %shift_right_logical3A_1473 : vector<16xi32>
      %and3A_1475 = arith.constant 1 : i32
      %and3A_1476 = vector.broadcast %and3A_1475 : i32 to vector<16xi32>
      %and3A_1477 = arith.andi %shift_right_logical3A_1474, %and3A_1476 : vector<16xi32>
      %add3A_1478 = arith.constant 32767 : i32
      %add3A_1479 = vector.broadcast %add3A_1478 : i32 to vector<16xi32>
      %add3A_1480 = arith.addi %bitcast3A_1471, %add3A_1479 : vector<16xi32>
      %add3A_1481 = arith.addi %add3A_1480, %and3A_1477 : vector<16xi32>
      %and3A_1482 = arith.constant -65536 : i32
      %and3A_1483 = vector.broadcast %and3A_1482 : i32 to vector<16xi32>
      %and3A_1484 = arith.andi %add3A_1481, %and3A_1483 : vector<16xi32>
      %bitcast3A_1485 = vector.bitcast %and3A_1484 : vector<16xi32> to vector<16xf32>
      %mul3A_1486 = arith.mulf %bitcast3A_1485, %bitcast3A_1276 : vector<16xf32>
      %add3A_1487 = arith.addf %scan3A_1258, %mul3A_1486 : vector<16xf32>
      %add3A_1488 = arith.constant 20480 : i32
      %add3A_1489 = vector.broadcast %add3A_1488 : i32 to vector<16xi32>
      %add3A_1490 = arith.addi %add3A_1277, %add3A_1489 : vector<16xi32>
      %gather3A_1491 = tpu.vector_load_idx %arg7[%add3A_1490] : memref<32768xf32, #tpu.memory_space<vmem>>[vector<16xi32>], vector<16xf32>,
      %bitcast3A_1492 = vector.bitcast %gather3A_1491 : vector<16xf32> to vector<16xi32>
      %shift_right_logical3A_1493 = arith.constant 16 : i32
      %shift_right_logical3A_1494 = vector.broadcast %shift_right_logical3A_1493 : i32 to vector<16xi32>
      %shift_right_logical3A_1495 = arith.shrui %bitcast3A_1492, %shift_right_logical3A_1494 : vector<16xi32>
      %and3A_1496 = arith.constant 1 : i32
      %and3A_1497 = vector.broadcast %and3A_1496 : i32 to vector<16xi32>
      %and3A_1498 = arith.andi %shift_right_logical3A_1495, %and3A_1497 : vector<16xi32>
      %add3A_1499 = arith.constant 32767 : i32
      %add3A_1500 = vector.broadcast %add3A_1499 : i32 to vector<16xi32>
      %add3A_1501 = arith.addi %bitcast3A_1492, %add3A_1500 : vector<16xi32>
      %add3A_1502 = arith.addi %add3A_1501, %and3A_1498 : vector<16xi32>
      %and3A_1503 = arith.constant -65536 : i32
      %and3A_1504 = vector.broadcast %and3A_1503 : i32 to vector<16xi32>
      %and3A_1505 = arith.andi %add3A_1502, %and3A_1504 : vector<16xi32>
      %bitcast3A_1506 = vector.bitcast %and3A_1505 : vector<16xi32> to vector<16xf32>
      %mul3A_1507 = arith.mulf %bitcast3A_1506, %bitcast3A_1276 : vector<16xf32>
      %add3A_1508 = arith.addf %scan3A_1259, %mul3A_1507 : vector<16xf32>
      %add3A_1509 = arith.constant 22528 : i32
      %add3A_1510 = vector.broadcast %add3A_1509 : i32 to vector<16xi32>
      %add3A_1511 = arith.addi %add3A_1277, %add3A_1510 : vector<16xi32>
      %gather3A_1512 = tpu.vector_load_idx %arg7[%add3A_1511] : memref<32768xf32, #tpu.memory_space<vmem>>[vector<16xi32>], vector<16xf32>,
      %bitcast3A_1513 = vector.bitcast %gather3A_1512 : vector<16xf32> to vector<16xi32>
      %shift_right_logical3A_1514 = arith.constant 16 : i32
      %shift_right_logical3A_1515 = vector.broadcast %shift_right_logical3A_1514 : i32 to vector<16xi32>
      %shift_right_logical3A_1516 = arith.shrui %bitcast3A_1513, %shift_right_logical3A_1515 : vector<16xi32>
      %and3A_1517 = arith.constant 1 : i32
      %and3A_1518 = vector.broadcast %and3A_1517 : i32 to vector<16xi32>
      %and3A_1519 = arith.andi %shift_right_logical3A_1516, %and3A_1518 : vector<16xi32>
      %add3A_1520 = arith.constant 32767 : i32
      %add3A_1521 = vector.broadcast %add3A_1520 : i32 to vector<16xi32>
      %add3A_1522 = arith.addi %bitcast3A_1513, %add3A_1521 : vector<16xi32>
      %add3A_1523 = arith.addi %add3A_1522, %and3A_1519 : vector<16xi32>
      %and3A_1524 = arith.constant -65536 : i32
      %and3A_1525 = vector.broadcast %and3A_1524 : i32 to vector<16xi32>
      %and3A_1526 = arith.andi %add3A_1523, %and3A_1525 : vector<16xi32>
      %bitcast3A_1527 = vector.bitcast %and3A_1526 : vector<16xi32> to vector<16xf32>
      %mul3A_1528 = arith.mulf %bitcast3A_1527, %bitcast3A_1276 : vector<16xf32>
      %add3A_1529 = arith.addf %scan3A_1260, %mul3A_1528 : vector<16xf32>
      %add3A_1530 = arith.constant 24576 : i32
      %add3A_1531 = vector.broadcast %add3A_1530 : i32 to vector<16xi32>
      %add3A_1532 = arith.addi %add3A_1277, %add3A_1531 : vector<16xi32>
      %gather3A_1533 = tpu.vector_load_idx %arg7[%add3A_1532] : memref<32768xf32, #tpu.memory_space<vmem>>[vector<16xi32>], vector<16xf32>,
      %bitcast3A_1534 = vector.bitcast %gather3A_1533 : vector<16xf32> to vector<16xi32>
      %shift_right_logical3A_1535 = arith.constant 16 : i32
      %shift_right_logical3A_1536 = vector.broadcast %shift_right_logical3A_1535 : i32 to vector<16xi32>
      %shift_right_logical3A_1537 = arith.shrui %bitcast3A_1534, %shift_right_logical3A_1536 : vector<16xi32>
      %and3A_1538 = arith.constant 1 : i32
      %and3A_1539 = vector.broadcast %and3A_1538 : i32 to vector<16xi32>
      %and3A_1540 = arith.andi %shift_right_logical3A_1537, %and3A_1539 : vector<16xi32>
      %add3A_1541 = arith.constant 32767 : i32
      %add3A_1542 = vector.broadcast %add3A_1541 : i32 to vector<16xi32>
      %add3A_1543 = arith.addi %bitcast3A_1534, %add3A_1542 : vector<16xi32>
      %add3A_1544 = arith.addi %add3A_1543, %and3A_1540 : vector<16xi32>
      %and3A_1545 = arith.constant -65536 : i32
      %and3A_1546 = vector.broadcast %and3A_1545 : i32 to vector<16xi32>
      %and3A_1547 = arith.andi %add3A_1544, %and3A_1546 : vector<16xi32>
      %bitcast3A_1548 = vector.bitcast %and3A_1547 : vector<16xi32> to vector<16xf32>
      %mul3A_1549 = arith.mulf %bitcast3A_1548, %bitcast3A_1276 : vector<16xf32>
      %add3A_1550 = arith.addf %scan3A_1261, %mul3A_1549 : vector<16xf32>
      %add3A_1551 = arith.constant 26624 : i32
      %add3A_1552 = vector.broadcast %add3A_1551 : i32 to vector<16xi32>
      %add3A_1553 = arith.addi %add3A_1277, %add3A_1552 : vector<16xi32>
      %gather3A_1554 = tpu.vector_load_idx %arg7[%add3A_1553] : memref<32768xf32, #tpu.memory_space<vmem>>[vector<16xi32>], vector<16xf32>,
      %bitcast3A_1555 = vector.bitcast %gather3A_1554 : vector<16xf32> to vector<16xi32>
      %shift_right_logical3A_1556 = arith.constant 16 : i32
      %shift_right_logical3A_1557 = vector.broadcast %shift_right_logical3A_1556 : i32 to vector<16xi32>
      %shift_right_logical3A_1558 = arith.shrui %bitcast3A_1555, %shift_right_logical3A_1557 : vector<16xi32>
      %and3A_1559 = arith.constant 1 : i32
      %and3A_1560 = vector.broadcast %and3A_1559 : i32 to vector<16xi32>
      %and3A_1561 = arith.andi %shift_right_logical3A_1558, %and3A_1560 : vector<16xi32>
      %add3A_1562 = arith.constant 32767 : i32
      %add3A_1563 = vector.broadcast %add3A_1562 : i32 to vector<16xi32>
      %add3A_1564 = arith.addi %bitcast3A_1555, %add3A_1563 : vector<16xi32>
      %add3A_1565 = arith.addi %add3A_1564, %and3A_1561 : vector<16xi32>
      %and3A_1566 = arith.constant -65536 : i32
      %and3A_1567 = vector.broadcast %and3A_1566 : i32 to vector<16xi32>
      %and3A_1568 = arith.andi %add3A_1565, %and3A_1567 : vector<16xi32>
      %bitcast3A_1569 = vector.bitcast %and3A_1568 : vector<16xi32> to vector<16xf32>
      %mul3A_1570 = arith.mulf %bitcast3A_1569, %bitcast3A_1276 : vector<16xf32>
      %add3A_1571 = arith.addf %scan3A_1262, %mul3A_1570 : vector<16xf32>
      %add3A_1572 = arith.constant 28672 : i32
      %add3A_1573 = vector.broadcast %add3A_1572 : i32 to vector<16xi32>
      %add3A_1574 = arith.addi %add3A_1277, %add3A_1573 : vector<16xi32>
      %gather3A_1575 = tpu.vector_load_idx %arg7[%add3A_1574] : memref<32768xf32, #tpu.memory_space<vmem>>[vector<16xi32>], vector<16xf32>,
      %bitcast3A_1576 = vector.bitcast %gather3A_1575 : vector<16xf32> to vector<16xi32>
      %shift_right_logical3A_1577 = arith.constant 16 : i32
      %shift_right_logical3A_1578 = vector.broadcast %shift_right_logical3A_1577 : i32 to vector<16xi32>
      %shift_right_logical3A_1579 = arith.shrui %bitcast3A_1576, %shift_right_logical3A_1578 : vector<16xi32>
      %and3A_1580 = arith.constant 1 : i32
      %and3A_1581 = vector.broadcast %and3A_1580 : i32 to vector<16xi32>
      %and3A_1582 = arith.andi %shift_right_logical3A_1579, %and3A_1581 : vector<16xi32>
      %add3A_1583 = arith.constant 32767 : i32
      %add3A_1584 = vector.broadcast %add3A_1583 : i32 to vector<16xi32>
      %add3A_1585 = arith.addi %bitcast3A_1576, %add3A_1584 : vector<16xi32>
      %add3A_1586 = arith.addi %add3A_1585, %and3A_1582 : vector<16xi32>
      %and3A_1587 = arith.constant -65536 : i32
      %and3A_1588 = vector.broadcast %and3A_1587 : i32 to vector<16xi32>
      %and3A_1589 = arith.andi %add3A_1586, %and3A_1588 : vector<16xi32>
      %bitcast3A_1590 = vector.bitcast %and3A_1589 : vector<16xi32> to vector<16xf32>
      %mul3A_1591 = arith.mulf %bitcast3A_1590, %bitcast3A_1276 : vector<16xf32>
      %add3A_1592 = arith.addf %scan3A_1263, %mul3A_1591 : vector<16xf32>
      %add3A_1593 = arith.constant 30720 : i32
      %add3A_1594 = vector.broadcast %add3A_1593 : i32 to vector<16xi32>
      %add3A_1595 = arith.addi %add3A_1277, %add3A_1594 : vector<16xi32>
      %gather3A_1596 = tpu.vector_load_idx %arg7[%add3A_1595] : memref<32768xf32, #tpu.memory_space<vmem>>[vector<16xi32>], vector<16xf32>,
      %bitcast3A_1597 = vector.bitcast %gather3A_1596 : vector<16xf32> to vector<16xi32>
      %shift_right_logical3A_1598 = arith.constant 16 : i32
      %shift_right_logical3A_1599 = vector.broadcast %shift_right_logical3A_1598 : i32 to vector<16xi32>
      %shift_right_logical3A_1600 = arith.shrui %bitcast3A_1597, %shift_right_logical3A_1599 : vector<16xi32>
      %and3A_1601 = arith.constant 1 : i32
      %and3A_1602 = vector.broadcast %and3A_1601 : i32 to vector<16xi32>
      %and3A_1603 = arith.andi %shift_right_logical3A_1600, %and3A_1602 : vector<16xi32>
      %add3A_1604 = arith.constant 32767 : i32
      %add3A_1605 = vector.broadcast %add3A_1604 : i32 to vector<16xi32>
      %add3A_1606 = arith.addi %bitcast3A_1597, %add3A_1605 : vector<16xi32>
      %add3A_1607 = arith.addi %add3A_1606, %and3A_1603 : vector<16xi32>
      %and3A_1608 = arith.constant -65536 : i32
      %and3A_1609 = vector.broadcast %and3A_1608 : i32 to vector<16xi32>
      %and3A_1610 = arith.andi %add3A_1607, %and3A_1609 : vector<16xi32>
      %bitcast3A_1611 = vector.bitcast %and3A_1610 : vector<16xi32> to vector<16xf32>
      %mul3A_1612 = arith.mulf %bitcast3A_1611, %bitcast3A_1276 : vector<16xf32>
      %add3A_1613 = arith.addf %scan3A_1264, %mul3A_1612 : vector<16xf32>
      %add3A_1614 = arith.constant 1 : i32
      %add3A_1615 = vector.broadcast %add3A_1614 : i32 to vector<16xi32>
      %add3A_1616 = arith.addi %scan3A_1248, %add3A_1615 : vector<16xi32>
      %and3A_1617 = arith.constant 127 : i32
      %and3A_1618 = vector.broadcast %and3A_1617 : i32 to vector<16xi32>
      %and3A_1619 = arith.andi %add3A_1616, %and3A_1618 : vector<16xi32>
      scf.yield %and3A_1619, %add3A_1298, %add3A_1319, %add3A_1340, %add3A_1361, %add3A_1382, %add3A_1403, %add3A_1424, %add3A_1445, %add3A_1466, %add3A_1487, %add3A_1508, %add3A_1529, %add3A_1550, %add3A_1571, %add3A_1592, %add3A_1613 : vector<16xi32>, vector<16xf32>, vector<16xf32>, vector<16xf32>, vector<16xf32>, vector<16xf32>, vector<16xf32>, vector<16xf32>, vector<16xf32>, vector<16xf32>, vector<16xf32>, vector<16xf32>, vector<16xf32>, vector<16xf32>, vector<16xf32>, vector<16xf32>, vector<16xf32>
    }
    %scan3A_709 = arith.constant 128 : i32
    %add3A_710 = arith.constant 0 : i32
    %add3A_711 = arith.addi %add3A_671, %add3A_710 : i32
    %add3A_712 = vector.broadcast %add3A_711 : i32 to vector<16xi32>
    %add3A_713 = arith.addi %add3A_712, %iota3A : vector<16xi32>
    %masked_sort3A_714 = arith.constant dense<true> : vector<16xi1>
    %masked_sort3A_715, %masked_sort3A_716, %masked_sort3A_717 = tpu.sort %scan3A_708#1, %add3A_713 masked %masked_sort3A_714 {descending = true} : (vector<16xf32>, vector<16xi32>, vector<16xi1>) -> (vector<16xi1>, vector<16xf32>, vector<16xi32>)
    %ge3A_718 = arith.cmpf oge, %masked_sort3A_638, %masked_sort3A_716 : vector<16xf32>
    %max3A_719 = arith.maximumf %masked_sort3A_638, %masked_sort3A_716 : vector<16xf32>
    %select_n3A_720 = arith.select %ge3A_718, %masked_sort3A_639, %masked_sort3A_717 : vector<16xi1>, vector<16xi32>
    %masked_sort3A_721 = arith.constant dense<true> : vector<16xi1>
    %masked_sort3A_722, %masked_sort3A_723, %masked_sort3A_724 = tpu.sort %max3A_719, %select_n3A_720 masked %masked_sort3A_721 : (vector<16xf32>, vector<16xi32>, vector<16xi1>) -> (vector<16xi1>, vector<16xf32>, vector<16xi32>)
    %add3A_725 = arith.constant 16 : i32
    %add3A_726 = arith.addi %add3A_671, %add3A_725 : i32
    %add3A_727 = vector.broadcast %add3A_726 : i32 to vector<16xi32>
    %add3A_728 = arith.addi %add3A_727, %iota3A : vector<16xi32>
    %masked_sort3A_729 = arith.constant dense<true> : vector<16xi1>
    %masked_sort3A_730, %masked_sort3A_731, %masked_sort3A_732 = tpu.sort %scan3A_708#2, %add3A_728 masked %masked_sort3A_729 {descending = true} : (vector<16xf32>, vector<16xi32>, vector<16xi1>) -> (vector<16xi1>, vector<16xf32>, vector<16xi32>)
    %ge3A_733 = arith.cmpf oge, %masked_sort3A_723, %masked_sort3A_731 : vector<16xf32>
    %max3A_734 = arith.maximumf %masked_sort3A_723, %masked_sort3A_731 : vector<16xf32>
    %select_n3A_735 = arith.select %ge3A_733, %masked_sort3A_724, %masked_sort3A_732 : vector<16xi1>, vector<16xi32>
    %masked_sort3A_736 = arith.constant dense<true> : vector<16xi1>
    %masked_sort3A_737, %masked_sort3A_738, %masked_sort3A_739 = tpu.sort %max3A_734, %select_n3A_735 masked %masked_sort3A_736 : (vector<16xf32>, vector<16xi32>, vector<16xi1>) -> (vector<16xi1>, vector<16xf32>, vector<16xi32>)
    %add3A_740 = arith.constant 32 : i32
    %add3A_741 = arith.addi %add3A_671, %add3A_740 : i32
    %add3A_742 = vector.broadcast %add3A_741 : i32 to vector<16xi32>
    %add3A_743 = arith.addi %add3A_742, %iota3A : vector<16xi32>
    %masked_sort3A_744 = arith.constant dense<true> : vector<16xi1>
    %masked_sort3A_745, %masked_sort3A_746, %masked_sort3A_747 = tpu.sort %scan3A_708#3, %add3A_743 masked %masked_sort3A_744 {descending = true} : (vector<16xf32>, vector<16xi32>, vector<16xi1>) -> (vector<16xi1>, vector<16xf32>, vector<16xi32>)
    %ge3A_748 = arith.cmpf oge, %masked_sort3A_738, %masked_sort3A_746 : vector<16xf32>
    %max3A_749 = arith.maximumf %masked_sort3A_738, %masked_sort3A_746 : vector<16xf32>
    %select_n3A_750 = arith.select %ge3A_748, %masked_sort3A_739, %masked_sort3A_747 : vector<16xi1>, vector<16xi32>
    %masked_sort3A_751 = arith.constant dense<true> : vector<16xi1>
    %masked_sort3A_752, %masked_sort3A_753, %masked_sort3A_754 = tpu.sort %max3A_749, %select_n3A_750 masked %masked_sort3A_751 : (vector<16xf32>, vector<16xi32>, vector<16xi1>) -> (vector<16xi1>, vector<16xf32>, vector<16xi32>)
    %add3A_755 = arith.constant 48 : i32
    %add3A_756 = arith.addi %add3A_671, %add3A_755 : i32
    %add3A_757 = vector.broadcast %add3A_756 : i32 to vector<16xi32>
    %add3A_758 = arith.addi %add3A_757, %iota3A : vector<16xi32>
    %masked_sort3A_759 = arith.constant dense<true> : vector<16xi1>
    %masked_sort3A_760, %masked_sort3A_761, %masked_sort3A_762 = tpu.sort %scan3A_708#4, %add3A_758 masked %masked_sort3A_759 {descending = true} : (vector<16xf32>, vector<16xi32>, vector<16xi1>) -> (vector<16xi1>, vector<16xf32>, vector<16xi32>)
    %ge3A_763 = arith.cmpf oge, %masked_sort3A_753, %masked_sort3A_761 : vector<16xf32>
    %max3A_764 = arith.maximumf %masked_sort3A_753, %masked_sort3A_761 : vector<16xf32>
    %select_n3A_765 = arith.select %ge3A_763, %masked_sort3A_754, %masked_sort3A_762 : vector<16xi1>, vector<16xi32>
    %masked_sort3A_766 = arith.constant dense<true> : vector<16xi1>
    %masked_sort3A_767, %masked_sort3A_768, %masked_sort3A_769 = tpu.sort %max3A_764, %select_n3A_765 masked %masked_sort3A_766 : (vector<16xf32>, vector<16xi32>, vector<16xi1>) -> (vector<16xi1>, vector<16xf32>, vector<16xi32>)
    %add3A_770 = arith.constant 64 : i32
    %add3A_771 = arith.addi %add3A_671, %add3A_770 : i32
    %add3A_772 = vector.broadcast %add3A_771 : i32 to vector<16xi32>
    %add3A_773 = arith.addi %add3A_772, %iota3A : vector<16xi32>
    %masked_sort3A_774 = arith.constant dense<true> : vector<16xi1>
    %masked_sort3A_775, %masked_sort3A_776, %masked_sort3A_777 = tpu.sort %scan3A_708#5, %add3A_773 masked %masked_sort3A_774 {descending = true} : (vector<16xf32>, vector<16xi32>, vector<16xi1>) -> (vector<16xi1>, vector<16xf32>, vector<16xi32>)
    %ge3A_778 = arith.cmpf oge, %masked_sort3A_768, %masked_sort3A_776 : vector<16xf32>
    %max3A_779 = arith.maximumf %masked_sort3A_768, %masked_sort3A_776 : vector<16xf32>
    %select_n3A_780 = arith.select %ge3A_778, %masked_sort3A_769, %masked_sort3A_777 : vector<16xi1>, vector<16xi32>
    %masked_sort3A_781 = arith.constant dense<true> : vector<16xi1>
    %masked_sort3A_782, %masked_sort3A_783, %masked_sort3A_784 = tpu.sort %max3A_779, %select_n3A_780 masked %masked_sort3A_781 : (vector<16xf32>, vector<16xi32>, vector<16xi1>) -> (vector<16xi1>, vector<16xf32>, vector<16xi32>)
    %add3A_785 = arith.constant 80 : i32
    %add3A_786 = arith.addi %add3A_671, %add3A_785 : i32
    %add3A_787 = vector.broadcast %add3A_786 : i32 to vector<16xi32>
    %add3A_788 = arith.addi %add3A_787, %iota3A : vector<16xi32>
    %masked_sort3A_789 = arith.constant dense<true> : vector<16xi1>
    %masked_sort3A_790, %masked_sort3A_791, %masked_sort3A_792 = tpu.sort %scan3A_708#6, %add3A_788 masked %masked_sort3A_789 {descending = true} : (vector<16xf32>, vector<16xi32>, vector<16xi1>) -> (vector<16xi1>, vector<16xf32>, vector<16xi32>)
    %ge3A_793 = arith.cmpf oge, %masked_sort3A_783, %masked_sort3A_791 : vector<16xf32>
    %max3A_794 = arith.maximumf %masked_sort3A_783, %masked_sort3A_791 : vector<16xf32>
    %select_n3A_795 = arith.select %ge3A_793, %masked_sort3A_784, %masked_sort3A_792 : vector<16xi1>, vector<16xi32>
    %masked_sort3A_796 = arith.constant dense<true> : vector<16xi1>
    %masked_sort3A_797, %masked_sort3A_798, %masked_sort3A_799 = tpu.sort %max3A_794, %select_n3A_795 masked %masked_sort3A_796 : (vector<16xf32>, vector<16xi32>, vector<16xi1>) -> (vector<16xi1>, vector<16xf32>, vector<16xi32>)
    %add3A_800 = arith.constant 96 : i32
    %add3A_801 = arith.addi %add3A_671, %add3A_800 : i32
    %add3A_802 = vector.broadcast %add3A_801 : i32 to vector<16xi32>
    %add3A_803 = arith.addi %add3A_802, %iota3A : vector<16xi32>
    %masked_sort3A_804 = arith.constant dense<true> : vector<16xi1>
    %masked_sort3A_805, %masked_sort3A_806, %masked_sort3A_807 = tpu.sort %scan3A_708#7, %add3A_803 masked %masked_sort3A_804 {descending = true} : (vector<16xf32>, vector<16xi32>, vector<16xi1>) -> (vector<16xi1>, vector<16xf32>, vector<16xi32>)
    %ge3A_808 = arith.cmpf oge, %masked_sort3A_798, %masked_sort3A_806 : vector<16xf32>
    %max3A_809 = arith.maximumf %masked_sort3A_798, %masked_sort3A_806 : vector<16xf32>
    %select_n3A_810 = arith.select %ge3A_808, %masked_sort3A_799, %masked_sort3A_807 : vector<16xi1>, vector<16xi32>
    %masked_sort3A_811 = arith.constant dense<true> : vector<16xi1>
    %masked_sort3A_812, %masked_sort3A_813, %masked_sort3A_814 = tpu.sort %max3A_809, %select_n3A_810 masked %masked_sort3A_811 : (vector<16xf32>, vector<16xi32>, vector<16xi1>) -> (vector<16xi1>, vector<16xf32>, vector<16xi32>)
    %add3A_815 = arith.constant 112 : i32
    %add3A_816 = arith.addi %add3A_671, %add3A_815 : i32
    %add3A_817 = vector.broadcast %add3A_816 : i32 to vector<16xi32>
    %add3A_818 = arith.addi %add3A_817, %iota3A : vector<16xi32>
    %masked_sort3A_819 = arith.constant dense<true> : vector<16xi1>
    %masked_sort3A_820, %masked_sort3A_821, %masked_sort3A_822 = tpu.sort %scan3A_708#8, %add3A_818 masked %masked_sort3A_819 {descending = true} : (vector<16xf32>, vector<16xi32>, vector<16xi1>) -> (vector<16xi1>, vector<16xf32>, vector<16xi32>)
    %ge3A_823 = arith.cmpf oge, %masked_sort3A_813, %masked_sort3A_821 : vector<16xf32>
    %max3A_824 = arith.maximumf %masked_sort3A_813, %masked_sort3A_821 : vector<16xf32>
    %select_n3A_825 = arith.select %ge3A_823, %masked_sort3A_814, %masked_sort3A_822 : vector<16xi1>, vector<16xi32>
    %masked_sort3A_826 = arith.constant dense<true> : vector<16xi1>
    %masked_sort3A_827, %masked_sort3A_828, %masked_sort3A_829 = tpu.sort %max3A_824, %select_n3A_825 masked %masked_sort3A_826 : (vector<16xf32>, vector<16xi32>, vector<16xi1>) -> (vector<16xi1>, vector<16xf32>, vector<16xi32>)
    %add3A_830 = arith.constant 128 : i32
    %add3A_831 = arith.addi %add3A_671, %add3A_830 : i32
    %add3A_832 = vector.broadcast %add3A_831 : i32 to vector<16xi32>
    %add3A_833 = arith.addi %add3A_832, %iota3A : vector<16xi32>
    %masked_sort3A_834 = arith.constant dense<true> : vector<16xi1>
    %masked_sort3A_835, %masked_sort3A_836, %masked_sort3A_837 = tpu.sort %scan3A_708#9, %add3A_833 masked %masked_sort3A_834 {descending = true} : (vector<16xf32>, vector<16xi32>, vector<16xi1>) -> (vector<16xi1>, vector<16xf32>, vector<16xi32>)
    %ge3A_838 = arith.cmpf oge, %masked_sort3A_828, %masked_sort3A_836 : vector<16xf32>
    %max3A_839 = arith.maximumf %masked_sort3A_828, %masked_sort3A_836 : vector<16xf32>
    %select_n3A_840 = arith.select %ge3A_838, %masked_sort3A_829, %masked_sort3A_837 : vector<16xi1>, vector<16xi32>
    %masked_sort3A_841 = arith.constant dense<true> : vector<16xi1>
    %masked_sort3A_842, %masked_sort3A_843, %masked_sort3A_844 = tpu.sort %max3A_839, %select_n3A_840 masked %masked_sort3A_841 : (vector<16xf32>, vector<16xi32>, vector<16xi1>) -> (vector<16xi1>, vector<16xf32>, vector<16xi32>)
    %add3A_845 = arith.constant 144 : i32
    %add3A_846 = arith.addi %add3A_671, %add3A_845 : i32
    %add3A_847 = vector.broadcast %add3A_846 : i32 to vector<16xi32>
    %add3A_848 = arith.addi %add3A_847, %iota3A : vector<16xi32>
    %masked_sort3A_849 = arith.constant dense<true> : vector<16xi1>
    %masked_sort3A_850, %masked_sort3A_851, %masked_sort3A_852 = tpu.sort %scan3A_708#10, %add3A_848 masked %masked_sort3A_849 {descending = true} : (vector<16xf32>, vector<16xi32>, vector<16xi1>) -> (vector<16xi1>, vector<16xf32>, vector<16xi32>)
    %ge3A_853 = arith.cmpf oge, %masked_sort3A_843, %masked_sort3A_851 : vector<16xf32>
    %max3A_854 = arith.maximumf %masked_sort3A_843, %masked_sort3A_851 : vector<16xf32>
    %select_n3A_855 = arith.select %ge3A_853, %masked_sort3A_844, %masked_sort3A_852 : vector<16xi1>, vector<16xi32>
    %masked_sort3A_856 = arith.constant dense<true> : vector<16xi1>
    %masked_sort3A_857, %masked_sort3A_858, %masked_sort3A_859 = tpu.sort %max3A_854, %select_n3A_855 masked %masked_sort3A_856 : (vector<16xf32>, vector<16xi32>, vector<16xi1>) -> (vector<16xi1>, vector<16xf32>, vector<16xi32>)
    %add3A_860 = arith.constant 160 : i32
    %add3A_861 = arith.addi %add3A_671, %add3A_860 : i32
    %add3A_862 = vector.broadcast %add3A_861 : i32 to vector<16xi32>
    %add3A_863 = arith.addi %add3A_862, %iota3A : vector<16xi32>
    %masked_sort3A_864 = arith.constant dense<true> : vector<16xi1>
    %masked_sort3A_865, %masked_sort3A_866, %masked_sort3A_867 = tpu.sort %scan3A_708#11, %add3A_863 masked %masked_sort3A_864 {descending = true} : (vector<16xf32>, vector<16xi32>, vector<16xi1>) -> (vector<16xi1>, vector<16xf32>, vector<16xi32>)
    %ge3A_868 = arith.cmpf oge, %masked_sort3A_858, %masked_sort3A_866 : vector<16xf32>
    %max3A_869 = arith.maximumf %masked_sort3A_858, %masked_sort3A_866 : vector<16xf32>
    %select_n3A_870 = arith.select %ge3A_868, %masked_sort3A_859, %masked_sort3A_867 : vector<16xi1>, vector<16xi32>
    %masked_sort3A_871 = arith.constant dense<true> : vector<16xi1>
    %masked_sort3A_872, %masked_sort3A_873, %masked_sort3A_874 = tpu.sort %max3A_869, %select_n3A_870 masked %masked_sort3A_871 : (vector<16xf32>, vector<16xi32>, vector<16xi1>) -> (vector<16xi1>, vector<16xf32>, vector<16xi32>)
    %add3A_875 = arith.constant 176 : i32
    %add3A_876 = arith.addi %add3A_671, %add3A_875 : i32
    %add3A_877 = vector.broadcast %add3A_876 : i32 to vector<16xi32>
    %add3A_878 = arith.addi %add3A_877, %iota3A : vector<16xi32>
    %masked_sort3A_879 = arith.constant dense<true> : vector<16xi1>
    %masked_sort3A_880, %masked_sort3A_881, %masked_sort3A_882 = tpu.sort %scan3A_708#12, %add3A_878 masked %masked_sort3A_879 {descending = true} : (vector<16xf32>, vector<16xi32>, vector<16xi1>) -> (vector<16xi1>, vector<16xf32>, vector<16xi32>)
    %ge3A_883 = arith.cmpf oge, %masked_sort3A_873, %masked_sort3A_881 : vector<16xf32>
    %max3A_884 = arith.maximumf %masked_sort3A_873, %masked_sort3A_881 : vector<16xf32>
    %select_n3A_885 = arith.select %ge3A_883, %masked_sort3A_874, %masked_sort3A_882 : vector<16xi1>, vector<16xi32>
    %masked_sort3A_886 = arith.constant dense<true> : vector<16xi1>
    %masked_sort3A_887, %masked_sort3A_888, %masked_sort3A_889 = tpu.sort %max3A_884, %select_n3A_885 masked %masked_sort3A_886 : (vector<16xf32>, vector<16xi32>, vector<16xi1>) -> (vector<16xi1>, vector<16xf32>, vector<16xi32>)
    %add3A_890 = arith.constant 192 : i32
    %add3A_891 = arith.addi %add3A_671, %add3A_890 : i32
    %add3A_892 = vector.broadcast %add3A_891 : i32 to vector<16xi32>
    %add3A_893 = arith.addi %add3A_892, %iota3A : vector<16xi32>
    %masked_sort3A_894 = arith.constant dense<true> : vector<16xi1>
    %masked_sort3A_895, %masked_sort3A_896, %masked_sort3A_897 = tpu.sort %scan3A_708#13, %add3A_893 masked %masked_sort3A_894 {descending = true} : (vector<16xf32>, vector<16xi32>, vector<16xi1>) -> (vector<16xi1>, vector<16xf32>, vector<16xi32>)
    %ge3A_898 = arith.cmpf oge, %masked_sort3A_888, %masked_sort3A_896 : vector<16xf32>
    %max3A_899 = arith.maximumf %masked_sort3A_888, %masked_sort3A_896 : vector<16xf32>
    %select_n3A_900 = arith.select %ge3A_898, %masked_sort3A_889, %masked_sort3A_897 : vector<16xi1>, vector<16xi32>
    %masked_sort3A_901 = arith.constant dense<true> : vector<16xi1>
    %masked_sort3A_902, %masked_sort3A_903, %masked_sort3A_904 = tpu.sort %max3A_899, %select_n3A_900 masked %masked_sort3A_901 : (vector<16xf32>, vector<16xi32>, vector<16xi1>) -> (vector<16xi1>, vector<16xf32>, vector<16xi32>)
    %add3A_905 = arith.constant 208 : i32
    %add3A_906 = arith.addi %add3A_671, %add3A_905 : i32
    %add3A_907 = vector.broadcast %add3A_906 : i32 to vector<16xi32>
    %add3A_908 = arith.addi %add3A_907, %iota3A : vector<16xi32>
    %masked_sort3A_909 = arith.constant dense<true> : vector<16xi1>
    %masked_sort3A_910, %masked_sort3A_911, %masked_sort3A_912 = tpu.sort %scan3A_708#14, %add3A_908 masked %masked_sort3A_909 {descending = true} : (vector<16xf32>, vector<16xi32>, vector<16xi1>) -> (vector<16xi1>, vector<16xf32>, vector<16xi32>)
    %ge3A_913 = arith.cmpf oge, %masked_sort3A_903, %masked_sort3A_911 : vector<16xf32>
    %max3A_914 = arith.maximumf %masked_sort3A_903, %masked_sort3A_911 : vector<16xf32>
    %select_n3A_915 = arith.select %ge3A_913, %masked_sort3A_904, %masked_sort3A_912 : vector<16xi1>, vector<16xi32>
    %masked_sort3A_916 = arith.constant dense<true> : vector<16xi1>
    %masked_sort3A_917, %masked_sort3A_918, %masked_sort3A_919 = tpu.sort %max3A_914, %select_n3A_915 masked %masked_sort3A_916 : (vector<16xf32>, vector<16xi32>, vector<16xi1>) -> (vector<16xi1>, vector<16xf32>, vector<16xi32>)
    %add3A_920 = arith.constant 224 : i32
    %add3A_921 = arith.addi %add3A_671, %add3A_920 : i32
    %add3A_922 = vector.broadcast %add3A_921 : i32 to vector<16xi32>
    %add3A_923 = arith.addi %add3A_922, %iota3A : vector<16xi32>
    %masked_sort3A_924 = arith.constant dense<true> : vector<16xi1>
    %masked_sort3A_925, %masked_sort3A_926, %masked_sort3A_927 = tpu.sort %scan3A_708#15, %add3A_923 masked %masked_sort3A_924 {descending = true} : (vector<16xf32>, vector<16xi32>, vector<16xi1>) -> (vector<16xi1>, vector<16xf32>, vector<16xi32>)
    %ge3A_928 = arith.cmpf oge, %masked_sort3A_918, %masked_sort3A_926 : vector<16xf32>
    %max3A_929 = arith.maximumf %masked_sort3A_918, %masked_sort3A_926 : vector<16xf32>
    %select_n3A_930 = arith.select %ge3A_928, %masked_sort3A_919, %masked_sort3A_927 : vector<16xi1>, vector<16xi32>
    %masked_sort3A_931 = arith.constant dense<true> : vector<16xi1>
    %masked_sort3A_932, %masked_sort3A_933, %masked_sort3A_934 = tpu.sort %max3A_929, %select_n3A_930 masked %masked_sort3A_931 : (vector<16xf32>, vector<16xi32>, vector<16xi1>) -> (vector<16xi1>, vector<16xf32>, vector<16xi32>)
    %add3A_935 = arith.constant 240 : i32
    %add3A_936 = arith.addi %add3A_671, %add3A_935 : i32
    %add3A_937 = vector.broadcast %add3A_936 : i32 to vector<16xi32>
    %add3A_938 = arith.addi %add3A_937, %iota3A : vector<16xi32>
    %masked_sort3A_939 = arith.constant dense<true> : vector<16xi1>
    %masked_sort3A_940, %masked_sort3A_941, %masked_sort3A_942 = tpu.sort %scan3A_708#16, %add3A_938 masked %masked_sort3A_939 {descending = true} : (vector<16xf32>, vector<16xi32>, vector<16xi1>) -> (vector<16xi1>, vector<16xf32>, vector<16xi32>)
    %ge3A_943 = arith.cmpf oge, %masked_sort3A_933, %masked_sort3A_941 : vector<16xf32>
    %max3A_944 = arith.maximumf %masked_sort3A_933, %masked_sort3A_941 : vector<16xf32>
    %select_n3A_945 = arith.select %ge3A_943, %masked_sort3A_934, %masked_sort3A_942 : vector<16xi1>, vector<16xi32>
    %masked_sort3A_946 = arith.constant dense<true> : vector<16xi1>
    %masked_sort3A_947, %masked_sort3A_948, %masked_sort3A_949 = tpu.sort %max3A_944, %select_n3A_945 masked %masked_sort3A_946 : (vector<16xf32>, vector<16xi32>, vector<16xi1>) -> (vector<16xi1>, vector<16xf32>, vector<16xi32>)
    %dma_wait3A_950 = arith.constant 0 : i32
    %dma_wait3A_951 = tpu.memref_slice %arg8[%dma_wait3A_950] : memref<32768xf32, #tpu.memory_space<vmem>> -> memref<16384xf32, #tpu.memory_space<vmem>>
    %dma_wait3A_952 = tpu.memref_slice %arg2[%mul3A_643] : memref<4194304xf32, #tpu.memory_space<hbm>> -> memref<16384xf32, #tpu.memory_space<hbm>>
    %dma_wait3A_953 = arith.constant 0 : i32
    %dma_wait3A_954 = tpu.memref_slice %arg8[%dma_wait3A_953] : memref<32768xf32, #tpu.memory_space<vmem>> -> memref<16384xf32, #tpu.memory_space<vmem>>
    %dma_wait3A_955 = tpu.memref_slice %arg2[%mul3A_643] : memref<4194304xf32, #tpu.memory_space<hbm>> -> memref<16384xf32, #tpu.memory_space<hbm>>
    tpu.wait_dma2 semaphore(%arg18 : memref<!tpu.dma_semaphore, #tpu.memory_space<semaphore_mem>>) src(%dma_wait3A_955 : memref<16384xf32, #tpu.memory_space<hbm>>) dst(%dma_wait3A_954 : memref<16384xf32, #tpu.memory_space<vmem>>)
    %dma_wait3A_956 = arith.constant 16384 : i32
    %dma_wait3A_957 = tpu.memref_slice %arg8[%dma_wait3A_956] : memref<32768xf32, #tpu.memory_space<vmem>> -> memref<16384xf32, #tpu.memory_space<vmem>>
    %dma_wait3A_958 = tpu.memref_slice %arg2[%add3A_651] : memref<4194304xf32, #tpu.memory_space<hbm>> -> memref<16384xf32, #tpu.memory_space<hbm>>
    %dma_wait3A_959 = arith.constant 16384 : i32
    %dma_wait3A_960 = tpu.memref_slice %arg8[%dma_wait3A_959] : memref<32768xf32, #tpu.memory_space<vmem>> -> memref<16384xf32, #tpu.memory_space<vmem>>
    %dma_wait3A_961 = tpu.memref_slice %arg2[%add3A_651] : memref<4194304xf32, #tpu.memory_space<hbm>> -> memref<16384xf32, #tpu.memory_space<hbm>>
    tpu.wait_dma2 semaphore(%arg18 : memref<!tpu.dma_semaphore, #tpu.memory_space<semaphore_mem>>) src(%dma_wait3A_961 : memref<16384xf32, #tpu.memory_space<hbm>>) dst(%dma_wait3A_960 : memref<16384xf32, #tpu.memory_space<vmem>>)
    %add3A_962 = arith.constant 768 : i32
    %add3A_963 = arith.addi %mul3A_2, %add3A_962 : i32
    %broadcast_in_dim3A_964 = arith.constant 0.000000e+00 : f32
    %broadcast_in_dim3A_965 = vector.broadcast %broadcast_in_dim3A_964 : f32 to vector<16xf32>
    %broadcast_in_dim3A_966 = arith.constant 0.000000e+00 : f32
    %broadcast_in_dim3A_967 = vector.broadcast %broadcast_in_dim3A_966 : f32 to vector<16xf32>
    %broadcast_in_dim3A_968 = arith.constant 0.000000e+00 : f32
    %broadcast_in_dim3A_969 = vector.broadcast %broadcast_in_dim3A_968 : f32 to vector<16xf32>
    %broadcast_in_dim3A_970 = arith.constant 0.000000e+00 : f32
    %broadcast_in_dim3A_971 = vector.broadcast %broadcast_in_dim3A_970 : f32 to vector<16xf32>
    %broadcast_in_dim3A_972 = arith.constant 0.000000e+00 : f32
    %broadcast_in_dim3A_973 = vector.broadcast %broadcast_in_dim3A_972 : f32 to vector<16xf32>
    %broadcast_in_dim3A_974 = arith.constant 0.000000e+00 : f32
    %broadcast_in_dim3A_975 = vector.broadcast %broadcast_in_dim3A_974 : f32 to vector<16xf32>
    %broadcast_in_dim3A_976 = arith.constant 0.000000e+00 : f32
    %broadcast_in_dim3A_977 = vector.broadcast %broadcast_in_dim3A_976 : f32 to vector<16xf32>
    %broadcast_in_dim3A_978 = arith.constant 0.000000e+00 : f32
    %broadcast_in_dim3A_979 = vector.broadcast %broadcast_in_dim3A_978 : f32 to vector<16xf32>
    %broadcast_in_dim3A_980 = arith.constant 0.000000e+00 : f32
    %broadcast_in_dim3A_981 = vector.broadcast %broadcast_in_dim3A_980 : f32 to vector<16xf32>
    %broadcast_in_dim3A_982 = arith.constant 0.000000e+00 : f32
    %broadcast_in_dim3A_983 = vector.broadcast %broadcast_in_dim3A_982 : f32 to vector<16xf32>
    %broadcast_in_dim3A_984 = arith.constant 0.000000e+00 : f32
    %broadcast_in_dim3A_985 = vector.broadcast %broadcast_in_dim3A_984 : f32 to vector<16xf32>
    %broadcast_in_dim3A_986 = arith.constant 0.000000e+00 : f32
    %broadcast_in_dim3A_987 = vector.broadcast %broadcast_in_dim3A_986 : f32 to vector<16xf32>
    %broadcast_in_dim3A_988 = arith.constant 0.000000e+00 : f32
    %broadcast_in_dim3A_989 = vector.broadcast %broadcast_in_dim3A_988 : f32 to vector<16xf32>
    %broadcast_in_dim3A_990 = arith.constant 0.000000e+00 : f32
    %broadcast_in_dim3A_991 = vector.broadcast %broadcast_in_dim3A_990 : f32 to vector<16xf32>
    %broadcast_in_dim3A_992 = arith.constant 0.000000e+00 : f32
    %broadcast_in_dim3A_993 = vector.broadcast %broadcast_in_dim3A_992 : f32 to vector<16xf32>
    %broadcast_in_dim3A_994 = arith.constant 0.000000e+00 : f32
    %broadcast_in_dim3A_995 = vector.broadcast %broadcast_in_dim3A_994 : f32 to vector<16xf32>
    %scan3A_996 = arith.constant 0 : i32
    %scan3A_997 = arith.constant 128 : i32
    %scan3A_998 = arith.addi %scan3A_996, %scan3A_997 : i32
    %scan3A_999 = arith.constant 1 : i32
    %scan3A_1000:17 = scf.for %scan3A_1247 = %scan3A_996 to %scan3A_998 step %scan3A_999 iter_args(%scan3A_1248 = %iota3A, %scan3A_1249 = %broadcast_in_dim3A_965, %scan3A_1250 = %broadcast_in_dim3A_967, %scan3A_1251 = %broadcast_in_dim3A_969, %scan3A_1252 = %broadcast_in_dim3A_971, %scan3A_1253 = %broadcast_in_dim3A_973, %scan3A_1254 = %broadcast_in_dim3A_975, %scan3A_1255 = %broadcast_in_dim3A_977, %scan3A_1256 = %broadcast_in_dim3A_979, %scan3A_1257 = %broadcast_in_dim3A_981, %scan3A_1258 = %broadcast_in_dim3A_983, %scan3A_1259 = %broadcast_in_dim3A_985, %scan3A_1260 = %broadcast_in_dim3A_987, %scan3A_1261 = %broadcast_in_dim3A_989, %scan3A_1262 = %broadcast_in_dim3A_991, %scan3A_1263 = %broadcast_in_dim3A_993, %scan3A_1264 = %broadcast_in_dim3A_995) -> (vector<16xi32>, vector<16xf32>, vector<16xf32>, vector<16xf32>, vector<16xf32>, vector<16xf32>, vector<16xf32>, vector<16xf32>, vector<16xf32>, vector<16xf32>, vector<16xf32>, vector<16xf32>, vector<16xf32>, vector<16xf32>, vector<16xf32>, vector<16xf32>, vector<16xf32>)  : i32 {
      %gather3A = tpu.vector_load_idx %arg9[%scan3A_1248] : memref<128xf32, #tpu.memory_space<vmem>>[vector<16xi32>], vector<16xf32>,
      %bitcast3A = vector.bitcast %gather3A : vector<16xf32> to vector<16xi32>
      %shift_right_logical3A = arith.constant 16 : i32
      %shift_right_logical3A_1265 = vector.broadcast %shift_right_logical3A : i32 to vector<16xi32>
      %shift_right_logical3A_1266 = arith.shrui %bitcast3A, %shift_right_logical3A_1265 : vector<16xi32>
      %and3A = arith.constant 1 : i32
      %and3A_1267 = vector.broadcast %and3A : i32 to vector<16xi32>
      %and3A_1268 = arith.andi %shift_right_logical3A_1266, %and3A_1267 : vector<16xi32>
      %add3A_1269 = arith.constant 32767 : i32
      %add3A_1270 = vector.broadcast %add3A_1269 : i32 to vector<16xi32>
      %add3A_1271 = arith.addi %bitcast3A, %add3A_1270 : vector<16xi32>
      %add3A_1272 = arith.addi %add3A_1271, %and3A_1268 : vector<16xi32>
      %and3A_1273 = arith.constant -65536 : i32
      %and3A_1274 = vector.broadcast %and3A_1273 : i32 to vector<16xi32>
      %and3A_1275 = arith.andi %add3A_1272, %and3A_1274 : vector<16xi32>
      %bitcast3A_1276 = vector.bitcast %and3A_1275 : vector<16xi32> to vector<16xf32>
      %add3A_1277 = arith.addi %scan3A_1248, %mul3A_5 : vector<16xi32>
      %add3A_1278 = arith.constant 0 : i32
      %add3A_1279 = vector.broadcast %add3A_1278 : i32 to vector<16xi32>
      %add3A_1280 = arith.addi %add3A_1277, %add3A_1279 : vector<16xi32>
      %gather3A_1281 = tpu.vector_load_idx %arg8[%add3A_1280] : memref<32768xf32, #tpu.memory_space<vmem>>[vector<16xi32>], vector<16xf32>,
      %bitcast3A_1282 = vector.bitcast %gather3A_1281 : vector<16xf32> to vector<16xi32>
      %shift_right_logical3A_1283 = arith.constant 16 : i32
      %shift_right_logical3A_1284 = vector.broadcast %shift_right_logical3A_1283 : i32 to vector<16xi32>
      %shift_right_logical3A_1285 = arith.shrui %bitcast3A_1282, %shift_right_logical3A_1284 : vector<16xi32>
      %and3A_1286 = arith.constant 1 : i32
      %and3A_1287 = vector.broadcast %and3A_1286 : i32 to vector<16xi32>
      %and3A_1288 = arith.andi %shift_right_logical3A_1285, %and3A_1287 : vector<16xi32>
      %add3A_1289 = arith.constant 32767 : i32
      %add3A_1290 = vector.broadcast %add3A_1289 : i32 to vector<16xi32>
      %add3A_1291 = arith.addi %bitcast3A_1282, %add3A_1290 : vector<16xi32>
      %add3A_1292 = arith.addi %add3A_1291, %and3A_1288 : vector<16xi32>
      %and3A_1293 = arith.constant -65536 : i32
      %and3A_1294 = vector.broadcast %and3A_1293 : i32 to vector<16xi32>
      %and3A_1295 = arith.andi %add3A_1292, %and3A_1294 : vector<16xi32>
      %bitcast3A_1296 = vector.bitcast %and3A_1295 : vector<16xi32> to vector<16xf32>
      %mul3A_1297 = arith.mulf %bitcast3A_1296, %bitcast3A_1276 : vector<16xf32>
      %add3A_1298 = arith.addf %scan3A_1249, %mul3A_1297 : vector<16xf32>
      %add3A_1299 = arith.constant 2048 : i32
      %add3A_1300 = vector.broadcast %add3A_1299 : i32 to vector<16xi32>
      %add3A_1301 = arith.addi %add3A_1277, %add3A_1300 : vector<16xi32>
      %gather3A_1302 = tpu.vector_load_idx %arg8[%add3A_1301] : memref<32768xf32, #tpu.memory_space<vmem>>[vector<16xi32>], vector<16xf32>,
      %bitcast3A_1303 = vector.bitcast %gather3A_1302 : vector<16xf32> to vector<16xi32>
      %shift_right_logical3A_1304 = arith.constant 16 : i32
      %shift_right_logical3A_1305 = vector.broadcast %shift_right_logical3A_1304 : i32 to vector<16xi32>
      %shift_right_logical3A_1306 = arith.shrui %bitcast3A_1303, %shift_right_logical3A_1305 : vector<16xi32>
      %and3A_1307 = arith.constant 1 : i32
      %and3A_1308 = vector.broadcast %and3A_1307 : i32 to vector<16xi32>
      %and3A_1309 = arith.andi %shift_right_logical3A_1306, %and3A_1308 : vector<16xi32>
      %add3A_1310 = arith.constant 32767 : i32
      %add3A_1311 = vector.broadcast %add3A_1310 : i32 to vector<16xi32>
      %add3A_1312 = arith.addi %bitcast3A_1303, %add3A_1311 : vector<16xi32>
      %add3A_1313 = arith.addi %add3A_1312, %and3A_1309 : vector<16xi32>
      %and3A_1314 = arith.constant -65536 : i32
      %and3A_1315 = vector.broadcast %and3A_1314 : i32 to vector<16xi32>
      %and3A_1316 = arith.andi %add3A_1313, %and3A_1315 : vector<16xi32>
      %bitcast3A_1317 = vector.bitcast %and3A_1316 : vector<16xi32> to vector<16xf32>
      %mul3A_1318 = arith.mulf %bitcast3A_1317, %bitcast3A_1276 : vector<16xf32>
      %add3A_1319 = arith.addf %scan3A_1250, %mul3A_1318 : vector<16xf32>
      %add3A_1320 = arith.constant 4096 : i32
      %add3A_1321 = vector.broadcast %add3A_1320 : i32 to vector<16xi32>
      %add3A_1322 = arith.addi %add3A_1277, %add3A_1321 : vector<16xi32>
      %gather3A_1323 = tpu.vector_load_idx %arg8[%add3A_1322] : memref<32768xf32, #tpu.memory_space<vmem>>[vector<16xi32>], vector<16xf32>,
      %bitcast3A_1324 = vector.bitcast %gather3A_1323 : vector<16xf32> to vector<16xi32>
      %shift_right_logical3A_1325 = arith.constant 16 : i32
      %shift_right_logical3A_1326 = vector.broadcast %shift_right_logical3A_1325 : i32 to vector<16xi32>
      %shift_right_logical3A_1327 = arith.shrui %bitcast3A_1324, %shift_right_logical3A_1326 : vector<16xi32>
      %and3A_1328 = arith.constant 1 : i32
      %and3A_1329 = vector.broadcast %and3A_1328 : i32 to vector<16xi32>
      %and3A_1330 = arith.andi %shift_right_logical3A_1327, %and3A_1329 : vector<16xi32>
      %add3A_1331 = arith.constant 32767 : i32
      %add3A_1332 = vector.broadcast %add3A_1331 : i32 to vector<16xi32>
      %add3A_1333 = arith.addi %bitcast3A_1324, %add3A_1332 : vector<16xi32>
      %add3A_1334 = arith.addi %add3A_1333, %and3A_1330 : vector<16xi32>
      %and3A_1335 = arith.constant -65536 : i32
      %and3A_1336 = vector.broadcast %and3A_1335 : i32 to vector<16xi32>
      %and3A_1337 = arith.andi %add3A_1334, %and3A_1336 : vector<16xi32>
      %bitcast3A_1338 = vector.bitcast %and3A_1337 : vector<16xi32> to vector<16xf32>
      %mul3A_1339 = arith.mulf %bitcast3A_1338, %bitcast3A_1276 : vector<16xf32>
      %add3A_1340 = arith.addf %scan3A_1251, %mul3A_1339 : vector<16xf32>
      %add3A_1341 = arith.constant 6144 : i32
      %add3A_1342 = vector.broadcast %add3A_1341 : i32 to vector<16xi32>
      %add3A_1343 = arith.addi %add3A_1277, %add3A_1342 : vector<16xi32>
      %gather3A_1344 = tpu.vector_load_idx %arg8[%add3A_1343] : memref<32768xf32, #tpu.memory_space<vmem>>[vector<16xi32>], vector<16xf32>,
      %bitcast3A_1345 = vector.bitcast %gather3A_1344 : vector<16xf32> to vector<16xi32>
      %shift_right_logical3A_1346 = arith.constant 16 : i32
      %shift_right_logical3A_1347 = vector.broadcast %shift_right_logical3A_1346 : i32 to vector<16xi32>
      %shift_right_logical3A_1348 = arith.shrui %bitcast3A_1345, %shift_right_logical3A_1347 : vector<16xi32>
      %and3A_1349 = arith.constant 1 : i32
      %and3A_1350 = vector.broadcast %and3A_1349 : i32 to vector<16xi32>
      %and3A_1351 = arith.andi %shift_right_logical3A_1348, %and3A_1350 : vector<16xi32>
      %add3A_1352 = arith.constant 32767 : i32
      %add3A_1353 = vector.broadcast %add3A_1352 : i32 to vector<16xi32>
      %add3A_1354 = arith.addi %bitcast3A_1345, %add3A_1353 : vector<16xi32>
      %add3A_1355 = arith.addi %add3A_1354, %and3A_1351 : vector<16xi32>
      %and3A_1356 = arith.constant -65536 : i32
      %and3A_1357 = vector.broadcast %and3A_1356 : i32 to vector<16xi32>
      %and3A_1358 = arith.andi %add3A_1355, %and3A_1357 : vector<16xi32>
      %bitcast3A_1359 = vector.bitcast %and3A_1358 : vector<16xi32> to vector<16xf32>
      %mul3A_1360 = arith.mulf %bitcast3A_1359, %bitcast3A_1276 : vector<16xf32>
      %add3A_1361 = arith.addf %scan3A_1252, %mul3A_1360 : vector<16xf32>
      %add3A_1362 = arith.constant 8192 : i32
      %add3A_1363 = vector.broadcast %add3A_1362 : i32 to vector<16xi32>
      %add3A_1364 = arith.addi %add3A_1277, %add3A_1363 : vector<16xi32>
      %gather3A_1365 = tpu.vector_load_idx %arg8[%add3A_1364] : memref<32768xf32, #tpu.memory_space<vmem>>[vector<16xi32>], vector<16xf32>,
      %bitcast3A_1366 = vector.bitcast %gather3A_1365 : vector<16xf32> to vector<16xi32>
      %shift_right_logical3A_1367 = arith.constant 16 : i32
      %shift_right_logical3A_1368 = vector.broadcast %shift_right_logical3A_1367 : i32 to vector<16xi32>
      %shift_right_logical3A_1369 = arith.shrui %bitcast3A_1366, %shift_right_logical3A_1368 : vector<16xi32>
      %and3A_1370 = arith.constant 1 : i32
      %and3A_1371 = vector.broadcast %and3A_1370 : i32 to vector<16xi32>
      %and3A_1372 = arith.andi %shift_right_logical3A_1369, %and3A_1371 : vector<16xi32>
      %add3A_1373 = arith.constant 32767 : i32
      %add3A_1374 = vector.broadcast %add3A_1373 : i32 to vector<16xi32>
      %add3A_1375 = arith.addi %bitcast3A_1366, %add3A_1374 : vector<16xi32>
      %add3A_1376 = arith.addi %add3A_1375, %and3A_1372 : vector<16xi32>
      %and3A_1377 = arith.constant -65536 : i32
      %and3A_1378 = vector.broadcast %and3A_1377 : i32 to vector<16xi32>
      %and3A_1379 = arith.andi %add3A_1376, %and3A_1378 : vector<16xi32>
      %bitcast3A_1380 = vector.bitcast %and3A_1379 : vector<16xi32> to vector<16xf32>
      %mul3A_1381 = arith.mulf %bitcast3A_1380, %bitcast3A_1276 : vector<16xf32>
      %add3A_1382 = arith.addf %scan3A_1253, %mul3A_1381 : vector<16xf32>
      %add3A_1383 = arith.constant 10240 : i32
      %add3A_1384 = vector.broadcast %add3A_1383 : i32 to vector<16xi32>
      %add3A_1385 = arith.addi %add3A_1277, %add3A_1384 : vector<16xi32>
      %gather3A_1386 = tpu.vector_load_idx %arg8[%add3A_1385] : memref<32768xf32, #tpu.memory_space<vmem>>[vector<16xi32>], vector<16xf32>,
      %bitcast3A_1387 = vector.bitcast %gather3A_1386 : vector<16xf32> to vector<16xi32>
      %shift_right_logical3A_1388 = arith.constant 16 : i32
      %shift_right_logical3A_1389 = vector.broadcast %shift_right_logical3A_1388 : i32 to vector<16xi32>
      %shift_right_logical3A_1390 = arith.shrui %bitcast3A_1387, %shift_right_logical3A_1389 : vector<16xi32>
      %and3A_1391 = arith.constant 1 : i32
      %and3A_1392 = vector.broadcast %and3A_1391 : i32 to vector<16xi32>
      %and3A_1393 = arith.andi %shift_right_logical3A_1390, %and3A_1392 : vector<16xi32>
      %add3A_1394 = arith.constant 32767 : i32
      %add3A_1395 = vector.broadcast %add3A_1394 : i32 to vector<16xi32>
      %add3A_1396 = arith.addi %bitcast3A_1387, %add3A_1395 : vector<16xi32>
      %add3A_1397 = arith.addi %add3A_1396, %and3A_1393 : vector<16xi32>
      %and3A_1398 = arith.constant -65536 : i32
      %and3A_1399 = vector.broadcast %and3A_1398 : i32 to vector<16xi32>
      %and3A_1400 = arith.andi %add3A_1397, %and3A_1399 : vector<16xi32>
      %bitcast3A_1401 = vector.bitcast %and3A_1400 : vector<16xi32> to vector<16xf32>
      %mul3A_1402 = arith.mulf %bitcast3A_1401, %bitcast3A_1276 : vector<16xf32>
      %add3A_1403 = arith.addf %scan3A_1254, %mul3A_1402 : vector<16xf32>
      %add3A_1404 = arith.constant 12288 : i32
      %add3A_1405 = vector.broadcast %add3A_1404 : i32 to vector<16xi32>
      %add3A_1406 = arith.addi %add3A_1277, %add3A_1405 : vector<16xi32>
      %gather3A_1407 = tpu.vector_load_idx %arg8[%add3A_1406] : memref<32768xf32, #tpu.memory_space<vmem>>[vector<16xi32>], vector<16xf32>,
      %bitcast3A_1408 = vector.bitcast %gather3A_1407 : vector<16xf32> to vector<16xi32>
      %shift_right_logical3A_1409 = arith.constant 16 : i32
      %shift_right_logical3A_1410 = vector.broadcast %shift_right_logical3A_1409 : i32 to vector<16xi32>
      %shift_right_logical3A_1411 = arith.shrui %bitcast3A_1408, %shift_right_logical3A_1410 : vector<16xi32>
      %and3A_1412 = arith.constant 1 : i32
      %and3A_1413 = vector.broadcast %and3A_1412 : i32 to vector<16xi32>
      %and3A_1414 = arith.andi %shift_right_logical3A_1411, %and3A_1413 : vector<16xi32>
      %add3A_1415 = arith.constant 32767 : i32
      %add3A_1416 = vector.broadcast %add3A_1415 : i32 to vector<16xi32>
      %add3A_1417 = arith.addi %bitcast3A_1408, %add3A_1416 : vector<16xi32>
      %add3A_1418 = arith.addi %add3A_1417, %and3A_1414 : vector<16xi32>
      %and3A_1419 = arith.constant -65536 : i32
      %and3A_1420 = vector.broadcast %and3A_1419 : i32 to vector<16xi32>
      %and3A_1421 = arith.andi %add3A_1418, %and3A_1420 : vector<16xi32>
      %bitcast3A_1422 = vector.bitcast %and3A_1421 : vector<16xi32> to vector<16xf32>
      %mul3A_1423 = arith.mulf %bitcast3A_1422, %bitcast3A_1276 : vector<16xf32>
      %add3A_1424 = arith.addf %scan3A_1255, %mul3A_1423 : vector<16xf32>
      %add3A_1425 = arith.constant 14336 : i32
      %add3A_1426 = vector.broadcast %add3A_1425 : i32 to vector<16xi32>
      %add3A_1427 = arith.addi %add3A_1277, %add3A_1426 : vector<16xi32>
      %gather3A_1428 = tpu.vector_load_idx %arg8[%add3A_1427] : memref<32768xf32, #tpu.memory_space<vmem>>[vector<16xi32>], vector<16xf32>,
      %bitcast3A_1429 = vector.bitcast %gather3A_1428 : vector<16xf32> to vector<16xi32>
      %shift_right_logical3A_1430 = arith.constant 16 : i32
      %shift_right_logical3A_1431 = vector.broadcast %shift_right_logical3A_1430 : i32 to vector<16xi32>
      %shift_right_logical3A_1432 = arith.shrui %bitcast3A_1429, %shift_right_logical3A_1431 : vector<16xi32>
      %and3A_1433 = arith.constant 1 : i32
      %and3A_1434 = vector.broadcast %and3A_1433 : i32 to vector<16xi32>
      %and3A_1435 = arith.andi %shift_right_logical3A_1432, %and3A_1434 : vector<16xi32>
      %add3A_1436 = arith.constant 32767 : i32
      %add3A_1437 = vector.broadcast %add3A_1436 : i32 to vector<16xi32>
      %add3A_1438 = arith.addi %bitcast3A_1429, %add3A_1437 : vector<16xi32>
      %add3A_1439 = arith.addi %add3A_1438, %and3A_1435 : vector<16xi32>
      %and3A_1440 = arith.constant -65536 : i32
      %and3A_1441 = vector.broadcast %and3A_1440 : i32 to vector<16xi32>
      %and3A_1442 = arith.andi %add3A_1439, %and3A_1441 : vector<16xi32>
      %bitcast3A_1443 = vector.bitcast %and3A_1442 : vector<16xi32> to vector<16xf32>
      %mul3A_1444 = arith.mulf %bitcast3A_1443, %bitcast3A_1276 : vector<16xf32>
      %add3A_1445 = arith.addf %scan3A_1256, %mul3A_1444 : vector<16xf32>
      %add3A_1446 = arith.constant 16384 : i32
      %add3A_1447 = vector.broadcast %add3A_1446 : i32 to vector<16xi32>
      %add3A_1448 = arith.addi %add3A_1277, %add3A_1447 : vector<16xi32>
      %gather3A_1449 = tpu.vector_load_idx %arg8[%add3A_1448] : memref<32768xf32, #tpu.memory_space<vmem>>[vector<16xi32>], vector<16xf32>,
      %bitcast3A_1450 = vector.bitcast %gather3A_1449 : vector<16xf32> to vector<16xi32>
      %shift_right_logical3A_1451 = arith.constant 16 : i32
      %shift_right_logical3A_1452 = vector.broadcast %shift_right_logical3A_1451 : i32 to vector<16xi32>
      %shift_right_logical3A_1453 = arith.shrui %bitcast3A_1450, %shift_right_logical3A_1452 : vector<16xi32>
      %and3A_1454 = arith.constant 1 : i32
      %and3A_1455 = vector.broadcast %and3A_1454 : i32 to vector<16xi32>
      %and3A_1456 = arith.andi %shift_right_logical3A_1453, %and3A_1455 : vector<16xi32>
      %add3A_1457 = arith.constant 32767 : i32
      %add3A_1458 = vector.broadcast %add3A_1457 : i32 to vector<16xi32>
      %add3A_1459 = arith.addi %bitcast3A_1450, %add3A_1458 : vector<16xi32>
      %add3A_1460 = arith.addi %add3A_1459, %and3A_1456 : vector<16xi32>
      %and3A_1461 = arith.constant -65536 : i32
      %and3A_1462 = vector.broadcast %and3A_1461 : i32 to vector<16xi32>
      %and3A_1463 = arith.andi %add3A_1460, %and3A_1462 : vector<16xi32>
      %bitcast3A_1464 = vector.bitcast %and3A_1463 : vector<16xi32> to vector<16xf32>
      %mul3A_1465 = arith.mulf %bitcast3A_1464, %bitcast3A_1276 : vector<16xf32>
      %add3A_1466 = arith.addf %scan3A_1257, %mul3A_1465 : vector<16xf32>
      %add3A_1467 = arith.constant 18432 : i32
      %add3A_1468 = vector.broadcast %add3A_1467 : i32 to vector<16xi32>
      %add3A_1469 = arith.addi %add3A_1277, %add3A_1468 : vector<16xi32>
      %gather3A_1470 = tpu.vector_load_idx %arg8[%add3A_1469] : memref<32768xf32, #tpu.memory_space<vmem>>[vector<16xi32>], vector<16xf32>,
      %bitcast3A_1471 = vector.bitcast %gather3A_1470 : vector<16xf32> to vector<16xi32>
      %shift_right_logical3A_1472 = arith.constant 16 : i32
      %shift_right_logical3A_1473 = vector.broadcast %shift_right_logical3A_1472 : i32 to vector<16xi32>
      %shift_right_logical3A_1474 = arith.shrui %bitcast3A_1471, %shift_right_logical3A_1473 : vector<16xi32>
      %and3A_1475 = arith.constant 1 : i32
      %and3A_1476 = vector.broadcast %and3A_1475 : i32 to vector<16xi32>
      %and3A_1477 = arith.andi %shift_right_logical3A_1474, %and3A_1476 : vector<16xi32>
      %add3A_1478 = arith.constant 32767 : i32
      %add3A_1479 = vector.broadcast %add3A_1478 : i32 to vector<16xi32>
      %add3A_1480 = arith.addi %bitcast3A_1471, %add3A_1479 : vector<16xi32>
      %add3A_1481 = arith.addi %add3A_1480, %and3A_1477 : vector<16xi32>
      %and3A_1482 = arith.constant -65536 : i32
      %and3A_1483 = vector.broadcast %and3A_1482 : i32 to vector<16xi32>
      %and3A_1484 = arith.andi %add3A_1481, %and3A_1483 : vector<16xi32>
      %bitcast3A_1485 = vector.bitcast %and3A_1484 : vector<16xi32> to vector<16xf32>
      %mul3A_1486 = arith.mulf %bitcast3A_1485, %bitcast3A_1276 : vector<16xf32>
      %add3A_1487 = arith.addf %scan3A_1258, %mul3A_1486 : vector<16xf32>
      %add3A_1488 = arith.constant 20480 : i32
      %add3A_1489 = vector.broadcast %add3A_1488 : i32 to vector<16xi32>
      %add3A_1490 = arith.addi %add3A_1277, %add3A_1489 : vector<16xi32>
      %gather3A_1491 = tpu.vector_load_idx %arg8[%add3A_1490] : memref<32768xf32, #tpu.memory_space<vmem>>[vector<16xi32>], vector<16xf32>,
      %bitcast3A_1492 = vector.bitcast %gather3A_1491 : vector<16xf32> to vector<16xi32>
      %shift_right_logical3A_1493 = arith.constant 16 : i32
      %shift_right_logical3A_1494 = vector.broadcast %shift_right_logical3A_1493 : i32 to vector<16xi32>
      %shift_right_logical3A_1495 = arith.shrui %bitcast3A_1492, %shift_right_logical3A_1494 : vector<16xi32>
      %and3A_1496 = arith.constant 1 : i32
      %and3A_1497 = vector.broadcast %and3A_1496 : i32 to vector<16xi32>
      %and3A_1498 = arith.andi %shift_right_logical3A_1495, %and3A_1497 : vector<16xi32>
      %add3A_1499 = arith.constant 32767 : i32
      %add3A_1500 = vector.broadcast %add3A_1499 : i32 to vector<16xi32>
      %add3A_1501 = arith.addi %bitcast3A_1492, %add3A_1500 : vector<16xi32>
      %add3A_1502 = arith.addi %add3A_1501, %and3A_1498 : vector<16xi32>
      %and3A_1503 = arith.constant -65536 : i32
      %and3A_1504 = vector.broadcast %and3A_1503 : i32 to vector<16xi32>
      %and3A_1505 = arith.andi %add3A_1502, %and3A_1504 : vector<16xi32>
      %bitcast3A_1506 = vector.bitcast %and3A_1505 : vector<16xi32> to vector<16xf32>
      %mul3A_1507 = arith.mulf %bitcast3A_1506, %bitcast3A_1276 : vector<16xf32>
      %add3A_1508 = arith.addf %scan3A_1259, %mul3A_1507 : vector<16xf32>
      %add3A_1509 = arith.constant 22528 : i32
      %add3A_1510 = vector.broadcast %add3A_1509 : i32 to vector<16xi32>
      %add3A_1511 = arith.addi %add3A_1277, %add3A_1510 : vector<16xi32>
      %gather3A_1512 = tpu.vector_load_idx %arg8[%add3A_1511] : memref<32768xf32, #tpu.memory_space<vmem>>[vector<16xi32>], vector<16xf32>,
      %bitcast3A_1513 = vector.bitcast %gather3A_1512 : vector<16xf32> to vector<16xi32>
      %shift_right_logical3A_1514 = arith.constant 16 : i32
      %shift_right_logical3A_1515 = vector.broadcast %shift_right_logical3A_1514 : i32 to vector<16xi32>
      %shift_right_logical3A_1516 = arith.shrui %bitcast3A_1513, %shift_right_logical3A_1515 : vector<16xi32>
      %and3A_1517 = arith.constant 1 : i32
      %and3A_1518 = vector.broadcast %and3A_1517 : i32 to vector<16xi32>
      %and3A_1519 = arith.andi %shift_right_logical3A_1516, %and3A_1518 : vector<16xi32>
      %add3A_1520 = arith.constant 32767 : i32
      %add3A_1521 = vector.broadcast %add3A_1520 : i32 to vector<16xi32>
      %add3A_1522 = arith.addi %bitcast3A_1513, %add3A_1521 : vector<16xi32>
      %add3A_1523 = arith.addi %add3A_1522, %and3A_1519 : vector<16xi32>
      %and3A_1524 = arith.constant -65536 : i32
      %and3A_1525 = vector.broadcast %and3A_1524 : i32 to vector<16xi32>
      %and3A_1526 = arith.andi %add3A_1523, %and3A_1525 : vector<16xi32>
      %bitcast3A_1527 = vector.bitcast %and3A_1526 : vector<16xi32> to vector<16xf32>
      %mul3A_1528 = arith.mulf %bitcast3A_1527, %bitcast3A_1276 : vector<16xf32>
      %add3A_1529 = arith.addf %scan3A_1260, %mul3A_1528 : vector<16xf32>
      %add3A_1530 = arith.constant 24576 : i32
      %add3A_1531 = vector.broadcast %add3A_1530 : i32 to vector<16xi32>
      %add3A_1532 = arith.addi %add3A_1277, %add3A_1531 : vector<16xi32>
      %gather3A_1533 = tpu.vector_load_idx %arg8[%add3A_1532] : memref<32768xf32, #tpu.memory_space<vmem>>[vector<16xi32>], vector<16xf32>,
      %bitcast3A_1534 = vector.bitcast %gather3A_1533 : vector<16xf32> to vector<16xi32>
      %shift_right_logical3A_1535 = arith.constant 16 : i32
      %shift_right_logical3A_1536 = vector.broadcast %shift_right_logical3A_1535 : i32 to vector<16xi32>
      %shift_right_logical3A_1537 = arith.shrui %bitcast3A_1534, %shift_right_logical3A_1536 : vector<16xi32>
      %and3A_1538 = arith.constant 1 : i32
      %and3A_1539 = vector.broadcast %and3A_1538 : i32 to vector<16xi32>
      %and3A_1540 = arith.andi %shift_right_logical3A_1537, %and3A_1539 : vector<16xi32>
      %add3A_1541 = arith.constant 32767 : i32
      %add3A_1542 = vector.broadcast %add3A_1541 : i32 to vector<16xi32>
      %add3A_1543 = arith.addi %bitcast3A_1534, %add3A_1542 : vector<16xi32>
      %add3A_1544 = arith.addi %add3A_1543, %and3A_1540 : vector<16xi32>
      %and3A_1545 = arith.constant -65536 : i32
      %and3A_1546 = vector.broadcast %and3A_1545 : i32 to vector<16xi32>
      %and3A_1547 = arith.andi %add3A_1544, %and3A_1546 : vector<16xi32>
      %bitcast3A_1548 = vector.bitcast %and3A_1547 : vector<16xi32> to vector<16xf32>
      %mul3A_1549 = arith.mulf %bitcast3A_1548, %bitcast3A_1276 : vector<16xf32>
      %add3A_1550 = arith.addf %scan3A_1261, %mul3A_1549 : vector<16xf32>
      %add3A_1551 = arith.constant 26624 : i32
      %add3A_1552 = vector.broadcast %add3A_1551 : i32 to vector<16xi32>
      %add3A_1553 = arith.addi %add3A_1277, %add3A_1552 : vector<16xi32>
      %gather3A_1554 = tpu.vector_load_idx %arg8[%add3A_1553] : memref<32768xf32, #tpu.memory_space<vmem>>[vector<16xi32>], vector<16xf32>,
      %bitcast3A_1555 = vector.bitcast %gather3A_1554 : vector<16xf32> to vector<16xi32>
      %shift_right_logical3A_1556 = arith.constant 16 : i32
      %shift_right_logical3A_1557 = vector.broadcast %shift_right_logical3A_1556 : i32 to vector<16xi32>
      %shift_right_logical3A_1558 = arith.shrui %bitcast3A_1555, %shift_right_logical3A_1557 : vector<16xi32>
      %and3A_1559 = arith.constant 1 : i32
      %and3A_1560 = vector.broadcast %and3A_1559 : i32 to vector<16xi32>
      %and3A_1561 = arith.andi %shift_right_logical3A_1558, %and3A_1560 : vector<16xi32>
      %add3A_1562 = arith.constant 32767 : i32
      %add3A_1563 = vector.broadcast %add3A_1562 : i32 to vector<16xi32>
      %add3A_1564 = arith.addi %bitcast3A_1555, %add3A_1563 : vector<16xi32>
      %add3A_1565 = arith.addi %add3A_1564, %and3A_1561 : vector<16xi32>
      %and3A_1566 = arith.constant -65536 : i32
      %and3A_1567 = vector.broadcast %and3A_1566 : i32 to vector<16xi32>
      %and3A_1568 = arith.andi %add3A_1565, %and3A_1567 : vector<16xi32>
      %bitcast3A_1569 = vector.bitcast %and3A_1568 : vector<16xi32> to vector<16xf32>
      %mul3A_1570 = arith.mulf %bitcast3A_1569, %bitcast3A_1276 : vector<16xf32>
      %add3A_1571 = arith.addf %scan3A_1262, %mul3A_1570 : vector<16xf32>
      %add3A_1572 = arith.constant 28672 : i32
      %add3A_1573 = vector.broadcast %add3A_1572 : i32 to vector<16xi32>
      %add3A_1574 = arith.addi %add3A_1277, %add3A_1573 : vector<16xi32>
      %gather3A_1575 = tpu.vector_load_idx %arg8[%add3A_1574] : memref<32768xf32, #tpu.memory_space<vmem>>[vector<16xi32>], vector<16xf32>,
      %bitcast3A_1576 = vector.bitcast %gather3A_1575 : vector<16xf32> to vector<16xi32>
      %shift_right_logical3A_1577 = arith.constant 16 : i32
      %shift_right_logical3A_1578 = vector.broadcast %shift_right_logical3A_1577 : i32 to vector<16xi32>
      %shift_right_logical3A_1579 = arith.shrui %bitcast3A_1576, %shift_right_logical3A_1578 : vector<16xi32>
      %and3A_1580 = arith.constant 1 : i32
      %and3A_1581 = vector.broadcast %and3A_1580 : i32 to vector<16xi32>
      %and3A_1582 = arith.andi %shift_right_logical3A_1579, %and3A_1581 : vector<16xi32>
      %add3A_1583 = arith.constant 32767 : i32
      %add3A_1584 = vector.broadcast %add3A_1583 : i32 to vector<16xi32>
      %add3A_1585 = arith.addi %bitcast3A_1576, %add3A_1584 : vector<16xi32>
      %add3A_1586 = arith.addi %add3A_1585, %and3A_1582 : vector<16xi32>
      %and3A_1587 = arith.constant -65536 : i32
      %and3A_1588 = vector.broadcast %and3A_1587 : i32 to vector<16xi32>
      %and3A_1589 = arith.andi %add3A_1586, %and3A_1588 : vector<16xi32>
      %bitcast3A_1590 = vector.bitcast %and3A_1589 : vector<16xi32> to vector<16xf32>
      %mul3A_1591 = arith.mulf %bitcast3A_1590, %bitcast3A_1276 : vector<16xf32>
      %add3A_1592 = arith.addf %scan3A_1263, %mul3A_1591 : vector<16xf32>
      %add3A_1593 = arith.constant 30720 : i32
      %add3A_1594 = vector.broadcast %add3A_1593 : i32 to vector<16xi32>
      %add3A_1595 = arith.addi %add3A_1277, %add3A_1594 : vector<16xi32>
      %gather3A_1596 = tpu.vector_load_idx %arg8[%add3A_1595] : memref<32768xf32, #tpu.memory_space<vmem>>[vector<16xi32>], vector<16xf32>,
      %bitcast3A_1597 = vector.bitcast %gather3A_1596 : vector<16xf32> to vector<16xi32>
      %shift_right_logical3A_1598 = arith.constant 16 : i32
      %shift_right_logical3A_1599 = vector.broadcast %shift_right_logical3A_1598 : i32 to vector<16xi32>
      %shift_right_logical3A_1600 = arith.shrui %bitcast3A_1597, %shift_right_logical3A_1599 : vector<16xi32>
      %and3A_1601 = arith.constant 1 : i32
      %and3A_1602 = vector.broadcast %and3A_1601 : i32 to vector<16xi32>
      %and3A_1603 = arith.andi %shift_right_logical3A_1600, %and3A_1602 : vector<16xi32>
      %add3A_1604 = arith.constant 32767 : i32
      %add3A_1605 = vector.broadcast %add3A_1604 : i32 to vector<16xi32>
      %add3A_1606 = arith.addi %bitcast3A_1597, %add3A_1605 : vector<16xi32>
      %add3A_1607 = arith.addi %add3A_1606, %and3A_1603 : vector<16xi32>
      %and3A_1608 = arith.constant -65536 : i32
      %and3A_1609 = vector.broadcast %and3A_1608 : i32 to vector<16xi32>
      %and3A_1610 = arith.andi %add3A_1607, %and3A_1609 : vector<16xi32>
      %bitcast3A_1611 = vector.bitcast %and3A_1610 : vector<16xi32> to vector<16xf32>
      %mul3A_1612 = arith.mulf %bitcast3A_1611, %bitcast3A_1276 : vector<16xf32>
      %add3A_1613 = arith.addf %scan3A_1264, %mul3A_1612 : vector<16xf32>
      %add3A_1614 = arith.constant 1 : i32
      %add3A_1615 = vector.broadcast %add3A_1614 : i32 to vector<16xi32>
      %add3A_1616 = arith.addi %scan3A_1248, %add3A_1615 : vector<16xi32>
      %and3A_1617 = arith.constant 127 : i32
      %and3A_1618 = vector.broadcast %and3A_1617 : i32 to vector<16xi32>
      %and3A_1619 = arith.andi %add3A_1616, %and3A_1618 : vector<16xi32>
      scf.yield %and3A_1619, %add3A_1298, %add3A_1319, %add3A_1340, %add3A_1361, %add3A_1382, %add3A_1403, %add3A_1424, %add3A_1445, %add3A_1466, %add3A_1487, %add3A_1508, %add3A_1529, %add3A_1550, %add3A_1571, %add3A_1592, %add3A_1613 : vector<16xi32>, vector<16xf32>, vector<16xf32>, vector<16xf32>, vector<16xf32>, vector<16xf32>, vector<16xf32>, vector<16xf32>, vector<16xf32>, vector<16xf32>, vector<16xf32>, vector<16xf32>, vector<16xf32>, vector<16xf32>, vector<16xf32>, vector<16xf32>, vector<16xf32>
    }
    %scan3A_1001 = arith.constant 128 : i32
    %add3A_1002 = arith.constant 0 : i32
    %add3A_1003 = arith.addi %add3A_963, %add3A_1002 : i32
    %add3A_1004 = vector.broadcast %add3A_1003 : i32 to vector<16xi32>
    %add3A_1005 = arith.addi %add3A_1004, %iota3A : vector<16xi32>
    %masked_sort3A_1006 = arith.constant dense<true> : vector<16xi1>
    %masked_sort3A_1007, %masked_sort3A_1008, %masked_sort3A_1009 = tpu.sort %scan3A_1000#1, %add3A_1005 masked %masked_sort3A_1006 {descending = true} : (vector<16xf32>, vector<16xi32>, vector<16xi1>) -> (vector<16xi1>, vector<16xf32>, vector<16xi32>)
    %ge3A_1010 = arith.cmpf oge, %masked_sort3A_948, %masked_sort3A_1008 : vector<16xf32>
    %max3A_1011 = arith.maximumf %masked_sort3A_948, %masked_sort3A_1008 : vector<16xf32>
    %select_n3A_1012 = arith.select %ge3A_1010, %masked_sort3A_949, %masked_sort3A_1009 : vector<16xi1>, vector<16xi32>
    %masked_sort3A_1013 = arith.constant dense<true> : vector<16xi1>
    %masked_sort3A_1014, %masked_sort3A_1015, %masked_sort3A_1016 = tpu.sort %max3A_1011, %select_n3A_1012 masked %masked_sort3A_1013 : (vector<16xf32>, vector<16xi32>, vector<16xi1>) -> (vector<16xi1>, vector<16xf32>, vector<16xi32>)
    %add3A_1017 = arith.constant 16 : i32
    %add3A_1018 = arith.addi %add3A_963, %add3A_1017 : i32
    %add3A_1019 = vector.broadcast %add3A_1018 : i32 to vector<16xi32>
    %add3A_1020 = arith.addi %add3A_1019, %iota3A : vector<16xi32>
    %masked_sort3A_1021 = arith.constant dense<true> : vector<16xi1>
    %masked_sort3A_1022, %masked_sort3A_1023, %masked_sort3A_1024 = tpu.sort %scan3A_1000#2, %add3A_1020 masked %masked_sort3A_1021 {descending = true} : (vector<16xf32>, vector<16xi32>, vector<16xi1>) -> (vector<16xi1>, vector<16xf32>, vector<16xi32>)
    %ge3A_1025 = arith.cmpf oge, %masked_sort3A_1015, %masked_sort3A_1023 : vector<16xf32>
    %max3A_1026 = arith.maximumf %masked_sort3A_1015, %masked_sort3A_1023 : vector<16xf32>
    %select_n3A_1027 = arith.select %ge3A_1025, %masked_sort3A_1016, %masked_sort3A_1024 : vector<16xi1>, vector<16xi32>
    %masked_sort3A_1028 = arith.constant dense<true> : vector<16xi1>
    %masked_sort3A_1029, %masked_sort3A_1030, %masked_sort3A_1031 = tpu.sort %max3A_1026, %select_n3A_1027 masked %masked_sort3A_1028 : (vector<16xf32>, vector<16xi32>, vector<16xi1>) -> (vector<16xi1>, vector<16xf32>, vector<16xi32>)
    %add3A_1032 = arith.constant 32 : i32
    %add3A_1033 = arith.addi %add3A_963, %add3A_1032 : i32
    %add3A_1034 = vector.broadcast %add3A_1033 : i32 to vector<16xi32>
    %add3A_1035 = arith.addi %add3A_1034, %iota3A : vector<16xi32>
    %masked_sort3A_1036 = arith.constant dense<true> : vector<16xi1>
    %masked_sort3A_1037, %masked_sort3A_1038, %masked_sort3A_1039 = tpu.sort %scan3A_1000#3, %add3A_1035 masked %masked_sort3A_1036 {descending = true} : (vector<16xf32>, vector<16xi32>, vector<16xi1>) -> (vector<16xi1>, vector<16xf32>, vector<16xi32>)
    %ge3A_1040 = arith.cmpf oge, %masked_sort3A_1030, %masked_sort3A_1038 : vector<16xf32>
    %max3A_1041 = arith.maximumf %masked_sort3A_1030, %masked_sort3A_1038 : vector<16xf32>
    %select_n3A_1042 = arith.select %ge3A_1040, %masked_sort3A_1031, %masked_sort3A_1039 : vector<16xi1>, vector<16xi32>
    %masked_sort3A_1043 = arith.constant dense<true> : vector<16xi1>
    %masked_sort3A_1044, %masked_sort3A_1045, %masked_sort3A_1046 = tpu.sort %max3A_1041, %select_n3A_1042 masked %masked_sort3A_1043 : (vector<16xf32>, vector<16xi32>, vector<16xi1>) -> (vector<16xi1>, vector<16xf32>, vector<16xi32>)
    %add3A_1047 = arith.constant 48 : i32
    %add3A_1048 = arith.addi %add3A_963, %add3A_1047 : i32
    %add3A_1049 = vector.broadcast %add3A_1048 : i32 to vector<16xi32>
    %add3A_1050 = arith.addi %add3A_1049, %iota3A : vector<16xi32>
    %masked_sort3A_1051 = arith.constant dense<true> : vector<16xi1>
    %masked_sort3A_1052, %masked_sort3A_1053, %masked_sort3A_1054 = tpu.sort %scan3A_1000#4, %add3A_1050 masked %masked_sort3A_1051 {descending = true} : (vector<16xf32>, vector<16xi32>, vector<16xi1>) -> (vector<16xi1>, vector<16xf32>, vector<16xi32>)
    %ge3A_1055 = arith.cmpf oge, %masked_sort3A_1045, %masked_sort3A_1053 : vector<16xf32>
    %max3A_1056 = arith.maximumf %masked_sort3A_1045, %masked_sort3A_1053 : vector<16xf32>
    %select_n3A_1057 = arith.select %ge3A_1055, %masked_sort3A_1046, %masked_sort3A_1054 : vector<16xi1>, vector<16xi32>
    %masked_sort3A_1058 = arith.constant dense<true> : vector<16xi1>
    %masked_sort3A_1059, %masked_sort3A_1060, %masked_sort3A_1061 = tpu.sort %max3A_1056, %select_n3A_1057 masked %masked_sort3A_1058 : (vector<16xf32>, vector<16xi32>, vector<16xi1>) -> (vector<16xi1>, vector<16xf32>, vector<16xi32>)
    %add3A_1062 = arith.constant 64 : i32
    %add3A_1063 = arith.addi %add3A_963, %add3A_1062 : i32
    %add3A_1064 = vector.broadcast %add3A_1063 : i32 to vector<16xi32>
    %add3A_1065 = arith.addi %add3A_1064, %iota3A : vector<16xi32>
    %masked_sort3A_1066 = arith.constant dense<true> : vector<16xi1>
    %masked_sort3A_1067, %masked_sort3A_1068, %masked_sort3A_1069 = tpu.sort %scan3A_1000#5, %add3A_1065 masked %masked_sort3A_1066 {descending = true} : (vector<16xf32>, vector<16xi32>, vector<16xi1>) -> (vector<16xi1>, vector<16xf32>, vector<16xi32>)
    %ge3A_1070 = arith.cmpf oge, %masked_sort3A_1060, %masked_sort3A_1068 : vector<16xf32>
    %max3A_1071 = arith.maximumf %masked_sort3A_1060, %masked_sort3A_1068 : vector<16xf32>
    %select_n3A_1072 = arith.select %ge3A_1070, %masked_sort3A_1061, %masked_sort3A_1069 : vector<16xi1>, vector<16xi32>
    %masked_sort3A_1073 = arith.constant dense<true> : vector<16xi1>
    %masked_sort3A_1074, %masked_sort3A_1075, %masked_sort3A_1076 = tpu.sort %max3A_1071, %select_n3A_1072 masked %masked_sort3A_1073 : (vector<16xf32>, vector<16xi32>, vector<16xi1>) -> (vector<16xi1>, vector<16xf32>, vector<16xi32>)
    %add3A_1077 = arith.constant 80 : i32
    %add3A_1078 = arith.addi %add3A_963, %add3A_1077 : i32
    %add3A_1079 = vector.broadcast %add3A_1078 : i32 to vector<16xi32>
    %add3A_1080 = arith.addi %add3A_1079, %iota3A : vector<16xi32>
    %masked_sort3A_1081 = arith.constant dense<true> : vector<16xi1>
    %masked_sort3A_1082, %masked_sort3A_1083, %masked_sort3A_1084 = tpu.sort %scan3A_1000#6, %add3A_1080 masked %masked_sort3A_1081 {descending = true} : (vector<16xf32>, vector<16xi32>, vector<16xi1>) -> (vector<16xi1>, vector<16xf32>, vector<16xi32>)
    %ge3A_1085 = arith.cmpf oge, %masked_sort3A_1075, %masked_sort3A_1083 : vector<16xf32>
    %max3A_1086 = arith.maximumf %masked_sort3A_1075, %masked_sort3A_1083 : vector<16xf32>
    %select_n3A_1087 = arith.select %ge3A_1085, %masked_sort3A_1076, %masked_sort3A_1084 : vector<16xi1>, vector<16xi32>
    %masked_sort3A_1088 = arith.constant dense<true> : vector<16xi1>
    %masked_sort3A_1089, %masked_sort3A_1090, %masked_sort3A_1091 = tpu.sort %max3A_1086, %select_n3A_1087 masked %masked_sort3A_1088 : (vector<16xf32>, vector<16xi32>, vector<16xi1>) -> (vector<16xi1>, vector<16xf32>, vector<16xi32>)
    %add3A_1092 = arith.constant 96 : i32
    %add3A_1093 = arith.addi %add3A_963, %add3A_1092 : i32
    %add3A_1094 = vector.broadcast %add3A_1093 : i32 to vector<16xi32>
    %add3A_1095 = arith.addi %add3A_1094, %iota3A : vector<16xi32>
    %masked_sort3A_1096 = arith.constant dense<true> : vector<16xi1>
    %masked_sort3A_1097, %masked_sort3A_1098, %masked_sort3A_1099 = tpu.sort %scan3A_1000#7, %add3A_1095 masked %masked_sort3A_1096 {descending = true} : (vector<16xf32>, vector<16xi32>, vector<16xi1>) -> (vector<16xi1>, vector<16xf32>, vector<16xi32>)
    %ge3A_1100 = arith.cmpf oge, %masked_sort3A_1090, %masked_sort3A_1098 : vector<16xf32>
    %max3A_1101 = arith.maximumf %masked_sort3A_1090, %masked_sort3A_1098 : vector<16xf32>
    %select_n3A_1102 = arith.select %ge3A_1100, %masked_sort3A_1091, %masked_sort3A_1099 : vector<16xi1>, vector<16xi32>
    %masked_sort3A_1103 = arith.constant dense<true> : vector<16xi1>
    %masked_sort3A_1104, %masked_sort3A_1105, %masked_sort3A_1106 = tpu.sort %max3A_1101, %select_n3A_1102 masked %masked_sort3A_1103 : (vector<16xf32>, vector<16xi32>, vector<16xi1>) -> (vector<16xi1>, vector<16xf32>, vector<16xi32>)
    %add3A_1107 = arith.constant 112 : i32
    %add3A_1108 = arith.addi %add3A_963, %add3A_1107 : i32
    %add3A_1109 = vector.broadcast %add3A_1108 : i32 to vector<16xi32>
    %add3A_1110 = arith.addi %add3A_1109, %iota3A : vector<16xi32>
    %masked_sort3A_1111 = arith.constant dense<true> : vector<16xi1>
    %masked_sort3A_1112, %masked_sort3A_1113, %masked_sort3A_1114 = tpu.sort %scan3A_1000#8, %add3A_1110 masked %masked_sort3A_1111 {descending = true} : (vector<16xf32>, vector<16xi32>, vector<16xi1>) -> (vector<16xi1>, vector<16xf32>, vector<16xi32>)
    %ge3A_1115 = arith.cmpf oge, %masked_sort3A_1105, %masked_sort3A_1113 : vector<16xf32>
    %max3A_1116 = arith.maximumf %masked_sort3A_1105, %masked_sort3A_1113 : vector<16xf32>
    %select_n3A_1117 = arith.select %ge3A_1115, %masked_sort3A_1106, %masked_sort3A_1114 : vector<16xi1>, vector<16xi32>
    %masked_sort3A_1118 = arith.constant dense<true> : vector<16xi1>
    %masked_sort3A_1119, %masked_sort3A_1120, %masked_sort3A_1121 = tpu.sort %max3A_1116, %select_n3A_1117 masked %masked_sort3A_1118 : (vector<16xf32>, vector<16xi32>, vector<16xi1>) -> (vector<16xi1>, vector<16xf32>, vector<16xi32>)
    %add3A_1122 = arith.constant 128 : i32
    %add3A_1123 = arith.addi %add3A_963, %add3A_1122 : i32
    %add3A_1124 = vector.broadcast %add3A_1123 : i32 to vector<16xi32>
    %add3A_1125 = arith.addi %add3A_1124, %iota3A : vector<16xi32>
    %masked_sort3A_1126 = arith.constant dense<true> : vector<16xi1>
    %masked_sort3A_1127, %masked_sort3A_1128, %masked_sort3A_1129 = tpu.sort %scan3A_1000#9, %add3A_1125 masked %masked_sort3A_1126 {descending = true} : (vector<16xf32>, vector<16xi32>, vector<16xi1>) -> (vector<16xi1>, vector<16xf32>, vector<16xi32>)
    %ge3A_1130 = arith.cmpf oge, %masked_sort3A_1120, %masked_sort3A_1128 : vector<16xf32>
    %max3A_1131 = arith.maximumf %masked_sort3A_1120, %masked_sort3A_1128 : vector<16xf32>
    %select_n3A_1132 = arith.select %ge3A_1130, %masked_sort3A_1121, %masked_sort3A_1129 : vector<16xi1>, vector<16xi32>
    %masked_sort3A_1133 = arith.constant dense<true> : vector<16xi1>
    %masked_sort3A_1134, %masked_sort3A_1135, %masked_sort3A_1136 = tpu.sort %max3A_1131, %select_n3A_1132 masked %masked_sort3A_1133 : (vector<16xf32>, vector<16xi32>, vector<16xi1>) -> (vector<16xi1>, vector<16xf32>, vector<16xi32>)
    %add3A_1137 = arith.constant 144 : i32
    %add3A_1138 = arith.addi %add3A_963, %add3A_1137 : i32
    %add3A_1139 = vector.broadcast %add3A_1138 : i32 to vector<16xi32>
    %add3A_1140 = arith.addi %add3A_1139, %iota3A : vector<16xi32>
    %masked_sort3A_1141 = arith.constant dense<true> : vector<16xi1>
    %masked_sort3A_1142, %masked_sort3A_1143, %masked_sort3A_1144 = tpu.sort %scan3A_1000#10, %add3A_1140 masked %masked_sort3A_1141 {descending = true} : (vector<16xf32>, vector<16xi32>, vector<16xi1>) -> (vector<16xi1>, vector<16xf32>, vector<16xi32>)
    %ge3A_1145 = arith.cmpf oge, %masked_sort3A_1135, %masked_sort3A_1143 : vector<16xf32>
    %max3A_1146 = arith.maximumf %masked_sort3A_1135, %masked_sort3A_1143 : vector<16xf32>
    %select_n3A_1147 = arith.select %ge3A_1145, %masked_sort3A_1136, %masked_sort3A_1144 : vector<16xi1>, vector<16xi32>
    %masked_sort3A_1148 = arith.constant dense<true> : vector<16xi1>
    %masked_sort3A_1149, %masked_sort3A_1150, %masked_sort3A_1151 = tpu.sort %max3A_1146, %select_n3A_1147 masked %masked_sort3A_1148 : (vector<16xf32>, vector<16xi32>, vector<16xi1>) -> (vector<16xi1>, vector<16xf32>, vector<16xi32>)
    %add3A_1152 = arith.constant 160 : i32
    %add3A_1153 = arith.addi %add3A_963, %add3A_1152 : i32
    %add3A_1154 = vector.broadcast %add3A_1153 : i32 to vector<16xi32>
    %add3A_1155 = arith.addi %add3A_1154, %iota3A : vector<16xi32>
    %masked_sort3A_1156 = arith.constant dense<true> : vector<16xi1>
    %masked_sort3A_1157, %masked_sort3A_1158, %masked_sort3A_1159 = tpu.sort %scan3A_1000#11, %add3A_1155 masked %masked_sort3A_1156 {descending = true} : (vector<16xf32>, vector<16xi32>, vector<16xi1>) -> (vector<16xi1>, vector<16xf32>, vector<16xi32>)
    %ge3A_1160 = arith.cmpf oge, %masked_sort3A_1150, %masked_sort3A_1158 : vector<16xf32>
    %max3A_1161 = arith.maximumf %masked_sort3A_1150, %masked_sort3A_1158 : vector<16xf32>
    %select_n3A_1162 = arith.select %ge3A_1160, %masked_sort3A_1151, %masked_sort3A_1159 : vector<16xi1>, vector<16xi32>
    %masked_sort3A_1163 = arith.constant dense<true> : vector<16xi1>
    %masked_sort3A_1164, %masked_sort3A_1165, %masked_sort3A_1166 = tpu.sort %max3A_1161, %select_n3A_1162 masked %masked_sort3A_1163 : (vector<16xf32>, vector<16xi32>, vector<16xi1>) -> (vector<16xi1>, vector<16xf32>, vector<16xi32>)
    %add3A_1167 = arith.constant 176 : i32
    %add3A_1168 = arith.addi %add3A_963, %add3A_1167 : i32
    %add3A_1169 = vector.broadcast %add3A_1168 : i32 to vector<16xi32>
    %add3A_1170 = arith.addi %add3A_1169, %iota3A : vector<16xi32>
    %masked_sort3A_1171 = arith.constant dense<true> : vector<16xi1>
    %masked_sort3A_1172, %masked_sort3A_1173, %masked_sort3A_1174 = tpu.sort %scan3A_1000#12, %add3A_1170 masked %masked_sort3A_1171 {descending = true} : (vector<16xf32>, vector<16xi32>, vector<16xi1>) -> (vector<16xi1>, vector<16xf32>, vector<16xi32>)
    %ge3A_1175 = arith.cmpf oge, %masked_sort3A_1165, %masked_sort3A_1173 : vector<16xf32>
    %max3A_1176 = arith.maximumf %masked_sort3A_1165, %masked_sort3A_1173 : vector<16xf32>
    %select_n3A_1177 = arith.select %ge3A_1175, %masked_sort3A_1166, %masked_sort3A_1174 : vector<16xi1>, vector<16xi32>
    %masked_sort3A_1178 = arith.constant dense<true> : vector<16xi1>
    %masked_sort3A_1179, %masked_sort3A_1180, %masked_sort3A_1181 = tpu.sort %max3A_1176, %select_n3A_1177 masked %masked_sort3A_1178 : (vector<16xf32>, vector<16xi32>, vector<16xi1>) -> (vector<16xi1>, vector<16xf32>, vector<16xi32>)
    %add3A_1182 = arith.constant 192 : i32
    %add3A_1183 = arith.addi %add3A_963, %add3A_1182 : i32
    %add3A_1184 = vector.broadcast %add3A_1183 : i32 to vector<16xi32>
    %add3A_1185 = arith.addi %add3A_1184, %iota3A : vector<16xi32>
    %masked_sort3A_1186 = arith.constant dense<true> : vector<16xi1>
    %masked_sort3A_1187, %masked_sort3A_1188, %masked_sort3A_1189 = tpu.sort %scan3A_1000#13, %add3A_1185 masked %masked_sort3A_1186 {descending = true} : (vector<16xf32>, vector<16xi32>, vector<16xi1>) -> (vector<16xi1>, vector<16xf32>, vector<16xi32>)
    %ge3A_1190 = arith.cmpf oge, %masked_sort3A_1180, %masked_sort3A_1188 : vector<16xf32>
    %max3A_1191 = arith.maximumf %masked_sort3A_1180, %masked_sort3A_1188 : vector<16xf32>
    %select_n3A_1192 = arith.select %ge3A_1190, %masked_sort3A_1181, %masked_sort3A_1189 : vector<16xi1>, vector<16xi32>
    %masked_sort3A_1193 = arith.constant dense<true> : vector<16xi1>
    %masked_sort3A_1194, %masked_sort3A_1195, %masked_sort3A_1196 = tpu.sort %max3A_1191, %select_n3A_1192 masked %masked_sort3A_1193 : (vector<16xf32>, vector<16xi32>, vector<16xi1>) -> (vector<16xi1>, vector<16xf32>, vector<16xi32>)
    %add3A_1197 = arith.constant 208 : i32
    %add3A_1198 = arith.addi %add3A_963, %add3A_1197 : i32
    %add3A_1199 = vector.broadcast %add3A_1198 : i32 to vector<16xi32>
    %add3A_1200 = arith.addi %add3A_1199, %iota3A : vector<16xi32>
    %masked_sort3A_1201 = arith.constant dense<true> : vector<16xi1>
    %masked_sort3A_1202, %masked_sort3A_1203, %masked_sort3A_1204 = tpu.sort %scan3A_1000#14, %add3A_1200 masked %masked_sort3A_1201 {descending = true} : (vector<16xf32>, vector<16xi32>, vector<16xi1>) -> (vector<16xi1>, vector<16xf32>, vector<16xi32>)
    %ge3A_1205 = arith.cmpf oge, %masked_sort3A_1195, %masked_sort3A_1203 : vector<16xf32>
    %max3A_1206 = arith.maximumf %masked_sort3A_1195, %masked_sort3A_1203 : vector<16xf32>
    %select_n3A_1207 = arith.select %ge3A_1205, %masked_sort3A_1196, %masked_sort3A_1204 : vector<16xi1>, vector<16xi32>
    %masked_sort3A_1208 = arith.constant dense<true> : vector<16xi1>
    %masked_sort3A_1209, %masked_sort3A_1210, %masked_sort3A_1211 = tpu.sort %max3A_1206, %select_n3A_1207 masked %masked_sort3A_1208 : (vector<16xf32>, vector<16xi32>, vector<16xi1>) -> (vector<16xi1>, vector<16xf32>, vector<16xi32>)
    %add3A_1212 = arith.constant 224 : i32
    %add3A_1213 = arith.addi %add3A_963, %add3A_1212 : i32
    %add3A_1214 = vector.broadcast %add3A_1213 : i32 to vector<16xi32>
    %add3A_1215 = arith.addi %add3A_1214, %iota3A : vector<16xi32>
    %masked_sort3A_1216 = arith.constant dense<true> : vector<16xi1>
    %masked_sort3A_1217, %masked_sort3A_1218, %masked_sort3A_1219 = tpu.sort %scan3A_1000#15, %add3A_1215 masked %masked_sort3A_1216 {descending = true} : (vector<16xf32>, vector<16xi32>, vector<16xi1>) -> (vector<16xi1>, vector<16xf32>, vector<16xi32>)
    %ge3A_1220 = arith.cmpf oge, %masked_sort3A_1210, %masked_sort3A_1218 : vector<16xf32>
    %max3A_1221 = arith.maximumf %masked_sort3A_1210, %masked_sort3A_1218 : vector<16xf32>
    %select_n3A_1222 = arith.select %ge3A_1220, %masked_sort3A_1211, %masked_sort3A_1219 : vector<16xi1>, vector<16xi32>
    %masked_sort3A_1223 = arith.constant dense<true> : vector<16xi1>
    %masked_sort3A_1224, %masked_sort3A_1225, %masked_sort3A_1226 = tpu.sort %max3A_1221, %select_n3A_1222 masked %masked_sort3A_1223 : (vector<16xf32>, vector<16xi32>, vector<16xi1>) -> (vector<16xi1>, vector<16xf32>, vector<16xi32>)
    %add3A_1227 = arith.constant 240 : i32
    %add3A_1228 = arith.addi %add3A_963, %add3A_1227 : i32
    %add3A_1229 = vector.broadcast %add3A_1228 : i32 to vector<16xi32>
    %add3A_1230 = arith.addi %add3A_1229, %iota3A : vector<16xi32>
    %masked_sort3A_1231 = arith.constant dense<true> : vector<16xi1>
    %masked_sort3A_1232, %masked_sort3A_1233, %masked_sort3A_1234 = tpu.sort %scan3A_1000#16, %add3A_1230 masked %masked_sort3A_1231 {descending = true} : (vector<16xf32>, vector<16xi32>, vector<16xi1>) -> (vector<16xi1>, vector<16xf32>, vector<16xi32>)
    %ge3A_1235 = arith.cmpf oge, %masked_sort3A_1225, %masked_sort3A_1233 : vector<16xf32>
    %max3A_1236 = arith.maximumf %masked_sort3A_1225, %masked_sort3A_1233 : vector<16xf32>
    %select_n3A_1237 = arith.select %ge3A_1235, %masked_sort3A_1226, %masked_sort3A_1234 : vector<16xi1>, vector<16xi32>
    %masked_sort3A_1238 = arith.constant dense<true> : vector<16xi1>
    %masked_sort3A_1239, %masked_sort3A_1240, %masked_sort3A_1241 = tpu.sort %max3A_1236, %select_n3A_1237 masked %masked_sort3A_1238 : (vector<16xf32>, vector<16xi32>, vector<16xi1>) -> (vector<16xi1>, vector<16xf32>, vector<16xi32>)
    %swap3A = arith.constant 0 : index
    %swap3A_1242 = tpu.vector_load %arg10[%swap3A] {strides = array<i32>} : memref<16xf32, #tpu.memory_space<vmem>>, vector<16xf32>,
    tpu.vector_store %arg10[%swap3A], %masked_sort3A_1240 {strides = array<i32>} : memref<16xf32, #tpu.memory_space<vmem>>, vector<16xf32>,
    %swap3A_1243 = arith.constant 0 : index
    %swap3A_1244 = tpu.vector_load %arg11[%swap3A_1243] {strides = array<i32>} : memref<16xi32, #tpu.memory_space<vmem>>, vector<16xi32>,
    tpu.vector_store %arg11[%swap3A_1243], %masked_sort3A_1241 {strides = array<i32>} : memref<16xi32, #tpu.memory_space<vmem>>, vector<16xi32>,
    "tpu.region"() ({
      %run_scoped3A = tpu.sem_alloc : memref<!tpu.dma_semaphore, #tpu.memory_space<semaphore_mem>>
      %dma_start3A_1247 = arith.constant 0 : i32
      %dma_start3A_1248 = tpu.memref_slice %arg12[%arg1, %dma_start3A_1247] : memref<16x16xf32, #tpu.memory_space<vmem_shared>> -> memref<1x16xf32, #tpu.memory_space<vmem_shared>>
      %dma_start3A_1249 = tpu.memref_squeeze %dma_start3A_1248 : memref<1x16xf32, #tpu.memory_space<vmem_shared>> -> memref<16xf32, #tpu.memory_space<vmem_shared>>
      %dma_start3A_1250 = arith.constant 0 : i32
      %dma_start3A_1251 = tpu.memref_slice %arg12[%arg1, %dma_start3A_1250] : memref<16x16xf32, #tpu.memory_space<vmem_shared>> -> memref<1x16xf32, #tpu.memory_space<vmem_shared>>
      %dma_start3A_1252 = tpu.memref_squeeze %dma_start3A_1251 : memref<1x16xf32, #tpu.memory_space<vmem_shared>> -> memref<16xf32, #tpu.memory_space<vmem_shared>>
      tpu.enqueue_dma source(%arg10 : memref<16xf32, #tpu.memory_space<vmem>>) target(%dma_start3A_1252 : memref<16xf32, #tpu.memory_space<vmem_shared>>) target_semaphore(%run_scoped3A : memref<!tpu.dma_semaphore, #tpu.memory_space<semaphore_mem>>)
      %dma_wait3A_1253 = arith.constant 0 : i32
      %dma_wait3A_1254 = tpu.memref_slice %arg12[%arg1, %dma_wait3A_1253] : memref<16x16xf32, #tpu.memory_space<vmem_shared>> -> memref<1x16xf32, #tpu.memory_space<vmem_shared>>
      %dma_wait3A_1255 = tpu.memref_squeeze %dma_wait3A_1254 : memref<1x16xf32, #tpu.memory_space<vmem_shared>> -> memref<16xf32, #tpu.memory_space<vmem_shared>>
      %dma_wait3A_1256 = arith.constant 0 : i32
      %dma_wait3A_1257 = tpu.memref_slice %arg12[%arg1, %dma_wait3A_1256] : memref<16x16xf32, #tpu.memory_space<vmem_shared>> -> memref<1x16xf32, #tpu.memory_space<vmem_shared>>
      %dma_wait3A_1258 = tpu.memref_squeeze %dma_wait3A_1257 : memref<1x16xf32, #tpu.memory_space<vmem_shared>> -> memref<16xf32, #tpu.memory_space<vmem_shared>>
      tpu.wait_dma2 semaphore(%run_scoped3A : memref<!tpu.dma_semaphore, #tpu.memory_space<semaphore_mem>>) src(%arg10 : memref<16xf32, #tpu.memory_space<vmem>>) dst(%dma_wait3A_1258 : memref<16xf32, #tpu.memory_space<vmem_shared>>)
      tpu.yield
    }) : () -> ()
    "tpu.region"() ({
      %run_scoped3A = tpu.sem_alloc : memref<!tpu.dma_semaphore, #tpu.memory_space<semaphore_mem>>
      %dma_start3A_1247 = arith.constant 0 : i32
      %dma_start3A_1248 = tpu.memref_slice %arg13[%arg1, %dma_start3A_1247] : memref<16x16xi32, #tpu.memory_space<vmem_shared>> -> memref<1x16xi32, #tpu.memory_space<vmem_shared>>
      %dma_start3A_1249 = tpu.memref_squeeze %dma_start3A_1248 : memref<1x16xi32, #tpu.memory_space<vmem_shared>> -> memref<16xi32, #tpu.memory_space<vmem_shared>>
      %dma_start3A_1250 = arith.constant 0 : i32
      %dma_start3A_1251 = tpu.memref_slice %arg13[%arg1, %dma_start3A_1250] : memref<16x16xi32, #tpu.memory_space<vmem_shared>> -> memref<1x16xi32, #tpu.memory_space<vmem_shared>>
      %dma_start3A_1252 = tpu.memref_squeeze %dma_start3A_1251 : memref<1x16xi32, #tpu.memory_space<vmem_shared>> -> memref<16xi32, #tpu.memory_space<vmem_shared>>
      tpu.enqueue_dma source(%arg11 : memref<16xi32, #tpu.memory_space<vmem>>) target(%dma_start3A_1252 : memref<16xi32, #tpu.memory_space<vmem_shared>>) target_semaphore(%run_scoped3A : memref<!tpu.dma_semaphore, #tpu.memory_space<semaphore_mem>>)
      %dma_wait3A_1253 = arith.constant 0 : i32
      %dma_wait3A_1254 = tpu.memref_slice %arg13[%arg1, %dma_wait3A_1253] : memref<16x16xi32, #tpu.memory_space<vmem_shared>> -> memref<1x16xi32, #tpu.memory_space<vmem_shared>>
      %dma_wait3A_1255 = tpu.memref_squeeze %dma_wait3A_1254 : memref<1x16xi32, #tpu.memory_space<vmem_shared>> -> memref<16xi32, #tpu.memory_space<vmem_shared>>
      %dma_wait3A_1256 = arith.constant 0 : i32
      %dma_wait3A_1257 = tpu.memref_slice %arg13[%arg1, %dma_wait3A_1256] : memref<16x16xi32, #tpu.memory_space<vmem_shared>> -> memref<1x16xi32, #tpu.memory_space<vmem_shared>>
      %dma_wait3A_1258 = tpu.memref_squeeze %dma_wait3A_1257 : memref<1x16xi32, #tpu.memory_space<vmem_shared>> -> memref<16xi32, #tpu.memory_space<vmem_shared>>
      tpu.wait_dma2 semaphore(%run_scoped3A : memref<!tpu.dma_semaphore, #tpu.memory_space<semaphore_mem>>) src(%arg11 : memref<16xi32, #tpu.memory_space<vmem>>) dst(%dma_wait3A_1258 : memref<16xi32, #tpu.memory_space<vmem_shared>>)
      tpu.yield
    }) : () -> ()
    %barrier3A = arith.constant 0 : index
    tpu.barrier barrier_id(%barrier3A)
    %eq3A = arith.constant 0 : i32
    %eq3A_1245 = arith.cmpi eq, %arg1, %eq3A : i32
    %convert_element_type3A = arith.extui %eq3A_1245 : i1 to i32
    %cond3A = arith.constant 0 : i32
    %cond3A_1246 = arith.cmpi ne, %convert_element_type3A, %cond3A : i32
    scf.if %cond3A_1246 {
      tpu.enqueue_dma source(%arg12 : memref<16x16xf32, #tpu.memory_space<vmem_shared>>) target(%arg14 : memref<16x16xf32, #tpu.memory_space<vmem>>) target_semaphore(%arg19 : memref<!tpu.dma_semaphore, #tpu.memory_space<semaphore_mem>>)
      tpu.wait_dma2 semaphore(%arg19 : memref<!tpu.dma_semaphore, #tpu.memory_space<semaphore_mem>>) src(%arg12 : memref<16x16xf32, #tpu.memory_space<vmem_shared>>) dst(%arg14 : memref<16x16xf32, #tpu.memory_space<vmem>>)
      tpu.enqueue_dma source(%arg13 : memref<16x16xi32, #tpu.memory_space<vmem_shared>>) target(%arg15 : memref<16x16xi32, #tpu.memory_space<vmem>>) target_semaphore(%arg19 : memref<!tpu.dma_semaphore, #tpu.memory_space<semaphore_mem>>)
      tpu.wait_dma2 semaphore(%arg19 : memref<!tpu.dma_semaphore, #tpu.memory_space<semaphore_mem>>) src(%arg13 : memref<16x16xi32, #tpu.memory_space<vmem_shared>>) dst(%arg15 : memref<16x16xi32, #tpu.memory_space<vmem>>)
      %get3A = arith.constant 0 : i32
      %get3A_1247 = arith.index_cast %get3A : i32 to index
      %get3A_1248 = arith.constant 0 : index
      %get3A_1249 = tpu.vector_load %arg14[%get3A_1247, %get3A_1248] {strides = array<i32>} : memref<16x16xf32, #tpu.memory_space<vmem>>, vector<16xf32>,
      %get3A_1250 = arith.constant 0 : i32
      %get3A_1251 = arith.index_cast %get3A_1250 : i32 to index
      %get3A_1252 = arith.constant 0 : index
      %get3A_1253 = tpu.vector_load %arg15[%get3A_1251, %get3A_1252] {strides = array<i32>} : memref<16x16xi32, #tpu.memory_space<vmem>>, vector<16xi32>,
      %get3A_1254 = arith.constant 1 : i32
      %get3A_1255 = arith.index_cast %get3A_1254 : i32 to index
      %get3A_1256 = arith.constant 0 : index
      %get3A_1257 = tpu.vector_load %arg14[%get3A_1255, %get3A_1256] {strides = array<i32>} : memref<16x16xf32, #tpu.memory_space<vmem>>, vector<16xf32>,
      %rev3A = arith.constant 15 : i32
      %rev3A_1258 = vector.broadcast %rev3A : i32 to vector<16xi32>
      %rev3A_1259 = tpu.iota {dimensions = array<i32: 0>} : vector<16xi32>
      %rev3A_1260 = arith.subi %rev3A_1258, %rev3A_1259 : vector<16xi32>
      %rev3A_1261 = tpu.dynamic_gather %get3A_1257[%rev3A_1260] in [0] : vector<16xf32>, vector<16xi32> -> vector<16xf32>
      %get3A_1262 = arith.constant 1 : i32
      %get3A_1263 = arith.index_cast %get3A_1262 : i32 to index
      %get3A_1264 = arith.constant 0 : index
      %get3A_1265 = tpu.vector_load %arg15[%get3A_1263, %get3A_1264] {strides = array<i32>} : memref<16x16xi32, #tpu.memory_space<vmem>>, vector<16xi32>,
      %rev3A_1266 = arith.constant 15 : i32
      %rev3A_1267 = vector.broadcast %rev3A_1266 : i32 to vector<16xi32>
      %rev3A_1268 = tpu.iota {dimensions = array<i32: 0>} : vector<16xi32>
      %rev3A_1269 = arith.subi %rev3A_1267, %rev3A_1268 : vector<16xi32>
      %rev3A_1270 = tpu.dynamic_gather %get3A_1265[%rev3A_1269] in [0] : vector<16xi32>, vector<16xi32> -> vector<16xi32>
      %ge3A_1271 = arith.cmpf oge, %get3A_1249, %rev3A_1261 : vector<16xf32>
      %max3A_1272 = arith.maximumf %get3A_1249, %rev3A_1261 : vector<16xf32>
      %select_n3A_1273 = arith.select %ge3A_1271, %get3A_1253, %rev3A_1270 : vector<16xi1>, vector<16xi32>
      %masked_sort3A_1274 = arith.constant dense<true> : vector<16xi1>
      %masked_sort3A_1275, %masked_sort3A_1276, %masked_sort3A_1277 = tpu.sort %max3A_1272, %select_n3A_1273 masked %masked_sort3A_1274 : (vector<16xf32>, vector<16xi32>, vector<16xi1>) -> (vector<16xi1>, vector<16xf32>, vector<16xi32>)
      %get3A_1278 = arith.constant 2 : i32
      %get3A_1279 = arith.index_cast %get3A_1278 : i32 to index
      %get3A_1280 = arith.constant 0 : index
      %get3A_1281 = tpu.vector_load %arg14[%get3A_1279, %get3A_1280] {strides = array<i32>} : memref<16x16xf32, #tpu.memory_space<vmem>>, vector<16xf32>,
      %rev3A_1282 = arith.constant 15 : i32
      %rev3A_1283 = vector.broadcast %rev3A_1282 : i32 to vector<16xi32>
      %rev3A_1284 = tpu.iota {dimensions = array<i32: 0>} : vector<16xi32>
      %rev3A_1285 = arith.subi %rev3A_1283, %rev3A_1284 : vector<16xi32>
      %rev3A_1286 = tpu.dynamic_gather %get3A_1281[%rev3A_1285] in [0] : vector<16xf32>, vector<16xi32> -> vector<16xf32>
      %get3A_1287 = arith.constant 2 : i32
      %get3A_1288 = arith.index_cast %get3A_1287 : i32 to index
      %get3A_1289 = arith.constant 0 : index
      %get3A_1290 = tpu.vector_load %arg15[%get3A_1288, %get3A_1289] {strides = array<i32>} : memref<16x16xi32, #tpu.memory_space<vmem>>, vector<16xi32>,
      %rev3A_1291 = arith.constant 15 : i32
      %rev3A_1292 = vector.broadcast %rev3A_1291 : i32 to vector<16xi32>
      %rev3A_1293 = tpu.iota {dimensions = array<i32: 0>} : vector<16xi32>
      %rev3A_1294 = arith.subi %rev3A_1292, %rev3A_1293 : vector<16xi32>
      %rev3A_1295 = tpu.dynamic_gather %get3A_1290[%rev3A_1294] in [0] : vector<16xi32>, vector<16xi32> -> vector<16xi32>
      %ge3A_1296 = arith.cmpf oge, %masked_sort3A_1276, %rev3A_1286 : vector<16xf32>
      %max3A_1297 = arith.maximumf %masked_sort3A_1276, %rev3A_1286 : vector<16xf32>
      %select_n3A_1298 = arith.select %ge3A_1296, %masked_sort3A_1277, %rev3A_1295 : vector<16xi1>, vector<16xi32>
      %masked_sort3A_1299 = arith.constant dense<true> : vector<16xi1>
      %masked_sort3A_1300, %masked_sort3A_1301, %masked_sort3A_1302 = tpu.sort %max3A_1297, %select_n3A_1298 masked %masked_sort3A_1299 : (vector<16xf32>, vector<16xi32>, vector<16xi1>) -> (vector<16xi1>, vector<16xf32>, vector<16xi32>)
      %get3A_1303 = arith.constant 3 : i32
      %get3A_1304 = arith.index_cast %get3A_1303 : i32 to index
      %get3A_1305 = arith.constant 0 : index
      %get3A_1306 = tpu.vector_load %arg14[%get3A_1304, %get3A_1305] {strides = array<i32>} : memref<16x16xf32, #tpu.memory_space<vmem>>, vector<16xf32>,
      %rev3A_1307 = arith.constant 15 : i32
      %rev3A_1308 = vector.broadcast %rev3A_1307 : i32 to vector<16xi32>
      %rev3A_1309 = tpu.iota {dimensions = array<i32: 0>} : vector<16xi32>
      %rev3A_1310 = arith.subi %rev3A_1308, %rev3A_1309 : vector<16xi32>
      %rev3A_1311 = tpu.dynamic_gather %get3A_1306[%rev3A_1310] in [0] : vector<16xf32>, vector<16xi32> -> vector<16xf32>
      %get3A_1312 = arith.constant 3 : i32
      %get3A_1313 = arith.index_cast %get3A_1312 : i32 to index
      %get3A_1314 = arith.constant 0 : index
      %get3A_1315 = tpu.vector_load %arg15[%get3A_1313, %get3A_1314] {strides = array<i32>} : memref<16x16xi32, #tpu.memory_space<vmem>>, vector<16xi32>,
      %rev3A_1316 = arith.constant 15 : i32
      %rev3A_1317 = vector.broadcast %rev3A_1316 : i32 to vector<16xi32>
      %rev3A_1318 = tpu.iota {dimensions = array<i32: 0>} : vector<16xi32>
      %rev3A_1319 = arith.subi %rev3A_1317, %rev3A_1318 : vector<16xi32>
      %rev3A_1320 = tpu.dynamic_gather %get3A_1315[%rev3A_1319] in [0] : vector<16xi32>, vector<16xi32> -> vector<16xi32>
      %ge3A_1321 = arith.cmpf oge, %masked_sort3A_1301, %rev3A_1311 : vector<16xf32>
      %max3A_1322 = arith.maximumf %masked_sort3A_1301, %rev3A_1311 : vector<16xf32>
      %select_n3A_1323 = arith.select %ge3A_1321, %masked_sort3A_1302, %rev3A_1320 : vector<16xi1>, vector<16xi32>
      %masked_sort3A_1324 = arith.constant dense<true> : vector<16xi1>
      %masked_sort3A_1325, %masked_sort3A_1326, %masked_sort3A_1327 = tpu.sort %max3A_1322, %select_n3A_1323 masked %masked_sort3A_1324 : (vector<16xf32>, vector<16xi32>, vector<16xi1>) -> (vector<16xi1>, vector<16xf32>, vector<16xi32>)
      %get3A_1328 = arith.constant 4 : i32
      %get3A_1329 = arith.index_cast %get3A_1328 : i32 to index
      %get3A_1330 = arith.constant 0 : index
      %get3A_1331 = tpu.vector_load %arg14[%get3A_1329, %get3A_1330] {strides = array<i32>} : memref<16x16xf32, #tpu.memory_space<vmem>>, vector<16xf32>,
      %rev3A_1332 = arith.constant 15 : i32
      %rev3A_1333 = vector.broadcast %rev3A_1332 : i32 to vector<16xi32>
      %rev3A_1334 = tpu.iota {dimensions = array<i32: 0>} : vector<16xi32>
      %rev3A_1335 = arith.subi %rev3A_1333, %rev3A_1334 : vector<16xi32>
      %rev3A_1336 = tpu.dynamic_gather %get3A_1331[%rev3A_1335] in [0] : vector<16xf32>, vector<16xi32> -> vector<16xf32>
      %get3A_1337 = arith.constant 4 : i32
      %get3A_1338 = arith.index_cast %get3A_1337 : i32 to index
      %get3A_1339 = arith.constant 0 : index
      %get3A_1340 = tpu.vector_load %arg15[%get3A_1338, %get3A_1339] {strides = array<i32>} : memref<16x16xi32, #tpu.memory_space<vmem>>, vector<16xi32>,
      %rev3A_1341 = arith.constant 15 : i32
      %rev3A_1342 = vector.broadcast %rev3A_1341 : i32 to vector<16xi32>
      %rev3A_1343 = tpu.iota {dimensions = array<i32: 0>} : vector<16xi32>
      %rev3A_1344 = arith.subi %rev3A_1342, %rev3A_1343 : vector<16xi32>
      %rev3A_1345 = tpu.dynamic_gather %get3A_1340[%rev3A_1344] in [0] : vector<16xi32>, vector<16xi32> -> vector<16xi32>
      %ge3A_1346 = arith.cmpf oge, %masked_sort3A_1326, %rev3A_1336 : vector<16xf32>
      %max3A_1347 = arith.maximumf %masked_sort3A_1326, %rev3A_1336 : vector<16xf32>
      %select_n3A_1348 = arith.select %ge3A_1346, %masked_sort3A_1327, %rev3A_1345 : vector<16xi1>, vector<16xi32>
      %masked_sort3A_1349 = arith.constant dense<true> : vector<16xi1>
      %masked_sort3A_1350, %masked_sort3A_1351, %masked_sort3A_1352 = tpu.sort %max3A_1347, %select_n3A_1348 masked %masked_sort3A_1349 : (vector<16xf32>, vector<16xi32>, vector<16xi1>) -> (vector<16xi1>, vector<16xf32>, vector<16xi32>)
      %get3A_1353 = arith.constant 5 : i32
      %get3A_1354 = arith.index_cast %get3A_1353 : i32 to index
      %get3A_1355 = arith.constant 0 : index
      %get3A_1356 = tpu.vector_load %arg14[%get3A_1354, %get3A_1355] {strides = array<i32>} : memref<16x16xf32, #tpu.memory_space<vmem>>, vector<16xf32>,
      %rev3A_1357 = arith.constant 15 : i32
      %rev3A_1358 = vector.broadcast %rev3A_1357 : i32 to vector<16xi32>
      %rev3A_1359 = tpu.iota {dimensions = array<i32: 0>} : vector<16xi32>
      %rev3A_1360 = arith.subi %rev3A_1358, %rev3A_1359 : vector<16xi32>
      %rev3A_1361 = tpu.dynamic_gather %get3A_1356[%rev3A_1360] in [0] : vector<16xf32>, vector<16xi32> -> vector<16xf32>
      %get3A_1362 = arith.constant 5 : i32
      %get3A_1363 = arith.index_cast %get3A_1362 : i32 to index
      %get3A_1364 = arith.constant 0 : index
      %get3A_1365 = tpu.vector_load %arg15[%get3A_1363, %get3A_1364] {strides = array<i32>} : memref<16x16xi32, #tpu.memory_space<vmem>>, vector<16xi32>,
      %rev3A_1366 = arith.constant 15 : i32
      %rev3A_1367 = vector.broadcast %rev3A_1366 : i32 to vector<16xi32>
      %rev3A_1368 = tpu.iota {dimensions = array<i32: 0>} : vector<16xi32>
      %rev3A_1369 = arith.subi %rev3A_1367, %rev3A_1368 : vector<16xi32>
      %rev3A_1370 = tpu.dynamic_gather %get3A_1365[%rev3A_1369] in [0] : vector<16xi32>, vector<16xi32> -> vector<16xi32>
      %ge3A_1371 = arith.cmpf oge, %masked_sort3A_1351, %rev3A_1361 : vector<16xf32>
      %max3A_1372 = arith.maximumf %masked_sort3A_1351, %rev3A_1361 : vector<16xf32>
      %select_n3A_1373 = arith.select %ge3A_1371, %masked_sort3A_1352, %rev3A_1370 : vector<16xi1>, vector<16xi32>
      %masked_sort3A_1374 = arith.constant dense<true> : vector<16xi1>
      %masked_sort3A_1375, %masked_sort3A_1376, %masked_sort3A_1377 = tpu.sort %max3A_1372, %select_n3A_1373 masked %masked_sort3A_1374 : (vector<16xf32>, vector<16xi32>, vector<16xi1>) -> (vector<16xi1>, vector<16xf32>, vector<16xi32>)
      %get3A_1378 = arith.constant 6 : i32
      %get3A_1379 = arith.index_cast %get3A_1378 : i32 to index
      %get3A_1380 = arith.constant 0 : index
      %get3A_1381 = tpu.vector_load %arg14[%get3A_1379, %get3A_1380] {strides = array<i32>} : memref<16x16xf32, #tpu.memory_space<vmem>>, vector<16xf32>,
      %rev3A_1382 = arith.constant 15 : i32
      %rev3A_1383 = vector.broadcast %rev3A_1382 : i32 to vector<16xi32>
      %rev3A_1384 = tpu.iota {dimensions = array<i32: 0>} : vector<16xi32>
      %rev3A_1385 = arith.subi %rev3A_1383, %rev3A_1384 : vector<16xi32>
      %rev3A_1386 = tpu.dynamic_gather %get3A_1381[%rev3A_1385] in [0] : vector<16xf32>, vector<16xi32> -> vector<16xf32>
      %get3A_1387 = arith.constant 6 : i32
      %get3A_1388 = arith.index_cast %get3A_1387 : i32 to index
      %get3A_1389 = arith.constant 0 : index
      %get3A_1390 = tpu.vector_load %arg15[%get3A_1388, %get3A_1389] {strides = array<i32>} : memref<16x16xi32, #tpu.memory_space<vmem>>, vector<16xi32>,
      %rev3A_1391 = arith.constant 15 : i32
      %rev3A_1392 = vector.broadcast %rev3A_1391 : i32 to vector<16xi32>
      %rev3A_1393 = tpu.iota {dimensions = array<i32: 0>} : vector<16xi32>
      %rev3A_1394 = arith.subi %rev3A_1392, %rev3A_1393 : vector<16xi32>
      %rev3A_1395 = tpu.dynamic_gather %get3A_1390[%rev3A_1394] in [0] : vector<16xi32>, vector<16xi32> -> vector<16xi32>
      %ge3A_1396 = arith.cmpf oge, %masked_sort3A_1376, %rev3A_1386 : vector<16xf32>
      %max3A_1397 = arith.maximumf %masked_sort3A_1376, %rev3A_1386 : vector<16xf32>
      %select_n3A_1398 = arith.select %ge3A_1396, %masked_sort3A_1377, %rev3A_1395 : vector<16xi1>, vector<16xi32>
      %masked_sort3A_1399 = arith.constant dense<true> : vector<16xi1>
      %masked_sort3A_1400, %masked_sort3A_1401, %masked_sort3A_1402 = tpu.sort %max3A_1397, %select_n3A_1398 masked %masked_sort3A_1399 : (vector<16xf32>, vector<16xi32>, vector<16xi1>) -> (vector<16xi1>, vector<16xf32>, vector<16xi32>)
      %get3A_1403 = arith.constant 7 : i32
      %get3A_1404 = arith.index_cast %get3A_1403 : i32 to index
      %get3A_1405 = arith.constant 0 : index
      %get3A_1406 = tpu.vector_load %arg14[%get3A_1404, %get3A_1405] {strides = array<i32>} : memref<16x16xf32, #tpu.memory_space<vmem>>, vector<16xf32>,
      %rev3A_1407 = arith.constant 15 : i32
      %rev3A_1408 = vector.broadcast %rev3A_1407 : i32 to vector<16xi32>
      %rev3A_1409 = tpu.iota {dimensions = array<i32: 0>} : vector<16xi32>
      %rev3A_1410 = arith.subi %rev3A_1408, %rev3A_1409 : vector<16xi32>
      %rev3A_1411 = tpu.dynamic_gather %get3A_1406[%rev3A_1410] in [0] : vector<16xf32>, vector<16xi32> -> vector<16xf32>
      %get3A_1412 = arith.constant 7 : i32
      %get3A_1413 = arith.index_cast %get3A_1412 : i32 to index
      %get3A_1414 = arith.constant 0 : index
      %get3A_1415 = tpu.vector_load %arg15[%get3A_1413, %get3A_1414] {strides = array<i32>} : memref<16x16xi32, #tpu.memory_space<vmem>>, vector<16xi32>,
      %rev3A_1416 = arith.constant 15 : i32
      %rev3A_1417 = vector.broadcast %rev3A_1416 : i32 to vector<16xi32>
      %rev3A_1418 = tpu.iota {dimensions = array<i32: 0>} : vector<16xi32>
      %rev3A_1419 = arith.subi %rev3A_1417, %rev3A_1418 : vector<16xi32>
      %rev3A_1420 = tpu.dynamic_gather %get3A_1415[%rev3A_1419] in [0] : vector<16xi32>, vector<16xi32> -> vector<16xi32>
      %ge3A_1421 = arith.cmpf oge, %masked_sort3A_1401, %rev3A_1411 : vector<16xf32>
      %max3A_1422 = arith.maximumf %masked_sort3A_1401, %rev3A_1411 : vector<16xf32>
      %select_n3A_1423 = arith.select %ge3A_1421, %masked_sort3A_1402, %rev3A_1420 : vector<16xi1>, vector<16xi32>
      %masked_sort3A_1424 = arith.constant dense<true> : vector<16xi1>
      %masked_sort3A_1425, %masked_sort3A_1426, %masked_sort3A_1427 = tpu.sort %max3A_1422, %select_n3A_1423 masked %masked_sort3A_1424 : (vector<16xf32>, vector<16xi32>, vector<16xi1>) -> (vector<16xi1>, vector<16xf32>, vector<16xi32>)
      %get3A_1428 = arith.constant 8 : i32
      %get3A_1429 = arith.index_cast %get3A_1428 : i32 to index
      %get3A_1430 = arith.constant 0 : index
      %get3A_1431 = tpu.vector_load %arg14[%get3A_1429, %get3A_1430] {strides = array<i32>} : memref<16x16xf32, #tpu.memory_space<vmem>>, vector<16xf32>,
      %rev3A_1432 = arith.constant 15 : i32
      %rev3A_1433 = vector.broadcast %rev3A_1432 : i32 to vector<16xi32>
      %rev3A_1434 = tpu.iota {dimensions = array<i32: 0>} : vector<16xi32>
      %rev3A_1435 = arith.subi %rev3A_1433, %rev3A_1434 : vector<16xi32>
      %rev3A_1436 = tpu.dynamic_gather %get3A_1431[%rev3A_1435] in [0] : vector<16xf32>, vector<16xi32> -> vector<16xf32>
      %get3A_1437 = arith.constant 8 : i32
      %get3A_1438 = arith.index_cast %get3A_1437 : i32 to index
      %get3A_1439 = arith.constant 0 : index
      %get3A_1440 = tpu.vector_load %arg15[%get3A_1438, %get3A_1439] {strides = array<i32>} : memref<16x16xi32, #tpu.memory_space<vmem>>, vector<16xi32>,
      %rev3A_1441 = arith.constant 15 : i32
      %rev3A_1442 = vector.broadcast %rev3A_1441 : i32 to vector<16xi32>
      %rev3A_1443 = tpu.iota {dimensions = array<i32: 0>} : vector<16xi32>
      %rev3A_1444 = arith.subi %rev3A_1442, %rev3A_1443 : vector<16xi32>
      %rev3A_1445 = tpu.dynamic_gather %get3A_1440[%rev3A_1444] in [0] : vector<16xi32>, vector<16xi32> -> vector<16xi32>
      %ge3A_1446 = arith.cmpf oge, %masked_sort3A_1426, %rev3A_1436 : vector<16xf32>
      %max3A_1447 = arith.maximumf %masked_sort3A_1426, %rev3A_1436 : vector<16xf32>
      %select_n3A_1448 = arith.select %ge3A_1446, %masked_sort3A_1427, %rev3A_1445 : vector<16xi1>, vector<16xi32>
      %masked_sort3A_1449 = arith.constant dense<true> : vector<16xi1>
      %masked_sort3A_1450, %masked_sort3A_1451, %masked_sort3A_1452 = tpu.sort %max3A_1447, %select_n3A_1448 masked %masked_sort3A_1449 : (vector<16xf32>, vector<16xi32>, vector<16xi1>) -> (vector<16xi1>, vector<16xf32>, vector<16xi32>)
      %get3A_1453 = arith.constant 9 : i32
      %get3A_1454 = arith.index_cast %get3A_1453 : i32 to index
      %get3A_1455 = arith.constant 0 : index
      %get3A_1456 = tpu.vector_load %arg14[%get3A_1454, %get3A_1455] {strides = array<i32>} : memref<16x16xf32, #tpu.memory_space<vmem>>, vector<16xf32>,
      %rev3A_1457 = arith.constant 15 : i32
      %rev3A_1458 = vector.broadcast %rev3A_1457 : i32 to vector<16xi32>
      %rev3A_1459 = tpu.iota {dimensions = array<i32: 0>} : vector<16xi32>
      %rev3A_1460 = arith.subi %rev3A_1458, %rev3A_1459 : vector<16xi32>
      %rev3A_1461 = tpu.dynamic_gather %get3A_1456[%rev3A_1460] in [0] : vector<16xf32>, vector<16xi32> -> vector<16xf32>
      %get3A_1462 = arith.constant 9 : i32
      %get3A_1463 = arith.index_cast %get3A_1462 : i32 to index
      %get3A_1464 = arith.constant 0 : index
      %get3A_1465 = tpu.vector_load %arg15[%get3A_1463, %get3A_1464] {strides = array<i32>} : memref<16x16xi32, #tpu.memory_space<vmem>>, vector<16xi32>,
      %rev3A_1466 = arith.constant 15 : i32
      %rev3A_1467 = vector.broadcast %rev3A_1466 : i32 to vector<16xi32>
      %rev3A_1468 = tpu.iota {dimensions = array<i32: 0>} : vector<16xi32>
      %rev3A_1469 = arith.subi %rev3A_1467, %rev3A_1468 : vector<16xi32>
      %rev3A_1470 = tpu.dynamic_gather %get3A_1465[%rev3A_1469] in [0] : vector<16xi32>, vector<16xi32> -> vector<16xi32>
      %ge3A_1471 = arith.cmpf oge, %masked_sort3A_1451, %rev3A_1461 : vector<16xf32>
      %max3A_1472 = arith.maximumf %masked_sort3A_1451, %rev3A_1461 : vector<16xf32>
      %select_n3A_1473 = arith.select %ge3A_1471, %masked_sort3A_1452, %rev3A_1470 : vector<16xi1>, vector<16xi32>
      %masked_sort3A_1474 = arith.constant dense<true> : vector<16xi1>
      %masked_sort3A_1475, %masked_sort3A_1476, %masked_sort3A_1477 = tpu.sort %max3A_1472, %select_n3A_1473 masked %masked_sort3A_1474 : (vector<16xf32>, vector<16xi32>, vector<16xi1>) -> (vector<16xi1>, vector<16xf32>, vector<16xi32>)
      %get3A_1478 = arith.constant 10 : i32
      %get3A_1479 = arith.index_cast %get3A_1478 : i32 to index
      %get3A_1480 = arith.constant 0 : index
      %get3A_1481 = tpu.vector_load %arg14[%get3A_1479, %get3A_1480] {strides = array<i32>} : memref<16x16xf32, #tpu.memory_space<vmem>>, vector<16xf32>,
      %rev3A_1482 = arith.constant 15 : i32
      %rev3A_1483 = vector.broadcast %rev3A_1482 : i32 to vector<16xi32>
      %rev3A_1484 = tpu.iota {dimensions = array<i32: 0>} : vector<16xi32>
      %rev3A_1485 = arith.subi %rev3A_1483, %rev3A_1484 : vector<16xi32>
      %rev3A_1486 = tpu.dynamic_gather %get3A_1481[%rev3A_1485] in [0] : vector<16xf32>, vector<16xi32> -> vector<16xf32>
      %get3A_1487 = arith.constant 10 : i32
      %get3A_1488 = arith.index_cast %get3A_1487 : i32 to index
      %get3A_1489 = arith.constant 0 : index
      %get3A_1490 = tpu.vector_load %arg15[%get3A_1488, %get3A_1489] {strides = array<i32>} : memref<16x16xi32, #tpu.memory_space<vmem>>, vector<16xi32>,
      %rev3A_1491 = arith.constant 15 : i32
      %rev3A_1492 = vector.broadcast %rev3A_1491 : i32 to vector<16xi32>
      %rev3A_1493 = tpu.iota {dimensions = array<i32: 0>} : vector<16xi32>
      %rev3A_1494 = arith.subi %rev3A_1492, %rev3A_1493 : vector<16xi32>
      %rev3A_1495 = tpu.dynamic_gather %get3A_1490[%rev3A_1494] in [0] : vector<16xi32>, vector<16xi32> -> vector<16xi32>
      %ge3A_1496 = arith.cmpf oge, %masked_sort3A_1476, %rev3A_1486 : vector<16xf32>
      %max3A_1497 = arith.maximumf %masked_sort3A_1476, %rev3A_1486 : vector<16xf32>
      %select_n3A_1498 = arith.select %ge3A_1496, %masked_sort3A_1477, %rev3A_1495 : vector<16xi1>, vector<16xi32>
      %masked_sort3A_1499 = arith.constant dense<true> : vector<16xi1>
      %masked_sort3A_1500, %masked_sort3A_1501, %masked_sort3A_1502 = tpu.sort %max3A_1497, %select_n3A_1498 masked %masked_sort3A_1499 : (vector<16xf32>, vector<16xi32>, vector<16xi1>) -> (vector<16xi1>, vector<16xf32>, vector<16xi32>)
      %get3A_1503 = arith.constant 11 : i32
      %get3A_1504 = arith.index_cast %get3A_1503 : i32 to index
      %get3A_1505 = arith.constant 0 : index
      %get3A_1506 = tpu.vector_load %arg14[%get3A_1504, %get3A_1505] {strides = array<i32>} : memref<16x16xf32, #tpu.memory_space<vmem>>, vector<16xf32>,
      %rev3A_1507 = arith.constant 15 : i32
      %rev3A_1508 = vector.broadcast %rev3A_1507 : i32 to vector<16xi32>
      %rev3A_1509 = tpu.iota {dimensions = array<i32: 0>} : vector<16xi32>
      %rev3A_1510 = arith.subi %rev3A_1508, %rev3A_1509 : vector<16xi32>
      %rev3A_1511 = tpu.dynamic_gather %get3A_1506[%rev3A_1510] in [0] : vector<16xf32>, vector<16xi32> -> vector<16xf32>
      %get3A_1512 = arith.constant 11 : i32
      %get3A_1513 = arith.index_cast %get3A_1512 : i32 to index
      %get3A_1514 = arith.constant 0 : index
      %get3A_1515 = tpu.vector_load %arg15[%get3A_1513, %get3A_1514] {strides = array<i32>} : memref<16x16xi32, #tpu.memory_space<vmem>>, vector<16xi32>,
      %rev3A_1516 = arith.constant 15 : i32
      %rev3A_1517 = vector.broadcast %rev3A_1516 : i32 to vector<16xi32>
      %rev3A_1518 = tpu.iota {dimensions = array<i32: 0>} : vector<16xi32>
      %rev3A_1519 = arith.subi %rev3A_1517, %rev3A_1518 : vector<16xi32>
      %rev3A_1520 = tpu.dynamic_gather %get3A_1515[%rev3A_1519] in [0] : vector<16xi32>, vector<16xi32> -> vector<16xi32>
      %ge3A_1521 = arith.cmpf oge, %masked_sort3A_1501, %rev3A_1511 : vector<16xf32>
      %max3A_1522 = arith.maximumf %masked_sort3A_1501, %rev3A_1511 : vector<16xf32>
      %select_n3A_1523 = arith.select %ge3A_1521, %masked_sort3A_1502, %rev3A_1520 : vector<16xi1>, vector<16xi32>
      %masked_sort3A_1524 = arith.constant dense<true> : vector<16xi1>
      %masked_sort3A_1525, %masked_sort3A_1526, %masked_sort3A_1527 = tpu.sort %max3A_1522, %select_n3A_1523 masked %masked_sort3A_1524 : (vector<16xf32>, vector<16xi32>, vector<16xi1>) -> (vector<16xi1>, vector<16xf32>, vector<16xi32>)
      %get3A_1528 = arith.constant 12 : i32
      %get3A_1529 = arith.index_cast %get3A_1528 : i32 to index
      %get3A_1530 = arith.constant 0 : index
      %get3A_1531 = tpu.vector_load %arg14[%get3A_1529, %get3A_1530] {strides = array<i32>} : memref<16x16xf32, #tpu.memory_space<vmem>>, vector<16xf32>,
      %rev3A_1532 = arith.constant 15 : i32
      %rev3A_1533 = vector.broadcast %rev3A_1532 : i32 to vector<16xi32>
      %rev3A_1534 = tpu.iota {dimensions = array<i32: 0>} : vector<16xi32>
      %rev3A_1535 = arith.subi %rev3A_1533, %rev3A_1534 : vector<16xi32>
      %rev3A_1536 = tpu.dynamic_gather %get3A_1531[%rev3A_1535] in [0] : vector<16xf32>, vector<16xi32> -> vector<16xf32>
      %get3A_1537 = arith.constant 12 : i32
      %get3A_1538 = arith.index_cast %get3A_1537 : i32 to index
      %get3A_1539 = arith.constant 0 : index
      %get3A_1540 = tpu.vector_load %arg15[%get3A_1538, %get3A_1539] {strides = array<i32>} : memref<16x16xi32, #tpu.memory_space<vmem>>, vector<16xi32>,
      %rev3A_1541 = arith.constant 15 : i32
      %rev3A_1542 = vector.broadcast %rev3A_1541 : i32 to vector<16xi32>
      %rev3A_1543 = tpu.iota {dimensions = array<i32: 0>} : vector<16xi32>
      %rev3A_1544 = arith.subi %rev3A_1542, %rev3A_1543 : vector<16xi32>
      %rev3A_1545 = tpu.dynamic_gather %get3A_1540[%rev3A_1544] in [0] : vector<16xi32>, vector<16xi32> -> vector<16xi32>
      %ge3A_1546 = arith.cmpf oge, %masked_sort3A_1526, %rev3A_1536 : vector<16xf32>
      %max3A_1547 = arith.maximumf %masked_sort3A_1526, %rev3A_1536 : vector<16xf32>
      %select_n3A_1548 = arith.select %ge3A_1546, %masked_sort3A_1527, %rev3A_1545 : vector<16xi1>, vector<16xi32>
      %masked_sort3A_1549 = arith.constant dense<true> : vector<16xi1>
      %masked_sort3A_1550, %masked_sort3A_1551, %masked_sort3A_1552 = tpu.sort %max3A_1547, %select_n3A_1548 masked %masked_sort3A_1549 : (vector<16xf32>, vector<16xi32>, vector<16xi1>) -> (vector<16xi1>, vector<16xf32>, vector<16xi32>)
      %get3A_1553 = arith.constant 13 : i32
      %get3A_1554 = arith.index_cast %get3A_1553 : i32 to index
      %get3A_1555 = arith.constant 0 : index
      %get3A_1556 = tpu.vector_load %arg14[%get3A_1554, %get3A_1555] {strides = array<i32>} : memref<16x16xf32, #tpu.memory_space<vmem>>, vector<16xf32>,
      %rev3A_1557 = arith.constant 15 : i32
      %rev3A_1558 = vector.broadcast %rev3A_1557 : i32 to vector<16xi32>
      %rev3A_1559 = tpu.iota {dimensions = array<i32: 0>} : vector<16xi32>
      %rev3A_1560 = arith.subi %rev3A_1558, %rev3A_1559 : vector<16xi32>
      %rev3A_1561 = tpu.dynamic_gather %get3A_1556[%rev3A_1560] in [0] : vector<16xf32>, vector<16xi32> -> vector<16xf32>
      %get3A_1562 = arith.constant 13 : i32
      %get3A_1563 = arith.index_cast %get3A_1562 : i32 to index
      %get3A_1564 = arith.constant 0 : index
      %get3A_1565 = tpu.vector_load %arg15[%get3A_1563, %get3A_1564] {strides = array<i32>} : memref<16x16xi32, #tpu.memory_space<vmem>>, vector<16xi32>,
      %rev3A_1566 = arith.constant 15 : i32
      %rev3A_1567 = vector.broadcast %rev3A_1566 : i32 to vector<16xi32>
      %rev3A_1568 = tpu.iota {dimensions = array<i32: 0>} : vector<16xi32>
      %rev3A_1569 = arith.subi %rev3A_1567, %rev3A_1568 : vector<16xi32>
      %rev3A_1570 = tpu.dynamic_gather %get3A_1565[%rev3A_1569] in [0] : vector<16xi32>, vector<16xi32> -> vector<16xi32>
      %ge3A_1571 = arith.cmpf oge, %masked_sort3A_1551, %rev3A_1561 : vector<16xf32>
      %max3A_1572 = arith.maximumf %masked_sort3A_1551, %rev3A_1561 : vector<16xf32>
      %select_n3A_1573 = arith.select %ge3A_1571, %masked_sort3A_1552, %rev3A_1570 : vector<16xi1>, vector<16xi32>
      %masked_sort3A_1574 = arith.constant dense<true> : vector<16xi1>
      %masked_sort3A_1575, %masked_sort3A_1576, %masked_sort3A_1577 = tpu.sort %max3A_1572, %select_n3A_1573 masked %masked_sort3A_1574 : (vector<16xf32>, vector<16xi32>, vector<16xi1>) -> (vector<16xi1>, vector<16xf32>, vector<16xi32>)
      %get3A_1578 = arith.constant 14 : i32
      %get3A_1579 = arith.index_cast %get3A_1578 : i32 to index
      %get3A_1580 = arith.constant 0 : index
      %get3A_1581 = tpu.vector_load %arg14[%get3A_1579, %get3A_1580] {strides = array<i32>} : memref<16x16xf32, #tpu.memory_space<vmem>>, vector<16xf32>,
      %rev3A_1582 = arith.constant 15 : i32
      %rev3A_1583 = vector.broadcast %rev3A_1582 : i32 to vector<16xi32>
      %rev3A_1584 = tpu.iota {dimensions = array<i32: 0>} : vector<16xi32>
      %rev3A_1585 = arith.subi %rev3A_1583, %rev3A_1584 : vector<16xi32>
      %rev3A_1586 = tpu.dynamic_gather %get3A_1581[%rev3A_1585] in [0] : vector<16xf32>, vector<16xi32> -> vector<16xf32>
      %get3A_1587 = arith.constant 14 : i32
      %get3A_1588 = arith.index_cast %get3A_1587 : i32 to index
      %get3A_1589 = arith.constant 0 : index
      %get3A_1590 = tpu.vector_load %arg15[%get3A_1588, %get3A_1589] {strides = array<i32>} : memref<16x16xi32, #tpu.memory_space<vmem>>, vector<16xi32>,
      %rev3A_1591 = arith.constant 15 : i32
      %rev3A_1592 = vector.broadcast %rev3A_1591 : i32 to vector<16xi32>
      %rev3A_1593 = tpu.iota {dimensions = array<i32: 0>} : vector<16xi32>
      %rev3A_1594 = arith.subi %rev3A_1592, %rev3A_1593 : vector<16xi32>
      %rev3A_1595 = tpu.dynamic_gather %get3A_1590[%rev3A_1594] in [0] : vector<16xi32>, vector<16xi32> -> vector<16xi32>
      %ge3A_1596 = arith.cmpf oge, %masked_sort3A_1576, %rev3A_1586 : vector<16xf32>
      %max3A_1597 = arith.maximumf %masked_sort3A_1576, %rev3A_1586 : vector<16xf32>
      %select_n3A_1598 = arith.select %ge3A_1596, %masked_sort3A_1577, %rev3A_1595 : vector<16xi1>, vector<16xi32>
      %masked_sort3A_1599 = arith.constant dense<true> : vector<16xi1>
      %masked_sort3A_1600, %masked_sort3A_1601, %masked_sort3A_1602 = tpu.sort %max3A_1597, %select_n3A_1598 masked %masked_sort3A_1599 : (vector<16xf32>, vector<16xi32>, vector<16xi1>) -> (vector<16xi1>, vector<16xf32>, vector<16xi32>)
      %get3A_1603 = arith.constant 15 : i32
      %get3A_1604 = arith.index_cast %get3A_1603 : i32 to index
      %get3A_1605 = arith.constant 0 : index
      %get3A_1606 = tpu.vector_load %arg14[%get3A_1604, %get3A_1605] {strides = array<i32>} : memref<16x16xf32, #tpu.memory_space<vmem>>, vector<16xf32>,
      %rev3A_1607 = arith.constant 15 : i32
      %rev3A_1608 = vector.broadcast %rev3A_1607 : i32 to vector<16xi32>
      %rev3A_1609 = tpu.iota {dimensions = array<i32: 0>} : vector<16xi32>
      %rev3A_1610 = arith.subi %rev3A_1608, %rev3A_1609 : vector<16xi32>
      %rev3A_1611 = tpu.dynamic_gather %get3A_1606[%rev3A_1610] in [0] : vector<16xf32>, vector<16xi32> -> vector<16xf32>
      %get3A_1612 = arith.constant 15 : i32
      %get3A_1613 = arith.index_cast %get3A_1612 : i32 to index
      %get3A_1614 = arith.constant 0 : index
      %get3A_1615 = tpu.vector_load %arg15[%get3A_1613, %get3A_1614] {strides = array<i32>} : memref<16x16xi32, #tpu.memory_space<vmem>>, vector<16xi32>,
      %rev3A_1616 = arith.constant 15 : i32
      %rev3A_1617 = vector.broadcast %rev3A_1616 : i32 to vector<16xi32>
      %rev3A_1618 = tpu.iota {dimensions = array<i32: 0>} : vector<16xi32>
      %rev3A_1619 = arith.subi %rev3A_1617, %rev3A_1618 : vector<16xi32>
      %rev3A_1620 = tpu.dynamic_gather %get3A_1615[%rev3A_1619] in [0] : vector<16xi32>, vector<16xi32> -> vector<16xi32>
      %ge3A_1621 = arith.cmpf oge, %masked_sort3A_1601, %rev3A_1611 : vector<16xf32>
      %max3A_1622 = arith.maximumf %masked_sort3A_1601, %rev3A_1611 : vector<16xf32>
      %select_n3A_1623 = arith.select %ge3A_1621, %masked_sort3A_1602, %rev3A_1620 : vector<16xi1>, vector<16xi32>
      %masked_sort3A_1624 = arith.constant dense<true> : vector<16xi1>
      %masked_sort3A_1625, %masked_sort3A_1626, %masked_sort3A_1627 = tpu.sort %max3A_1622, %select_n3A_1623 masked %masked_sort3A_1624 : (vector<16xf32>, vector<16xi32>, vector<16xi1>) -> (vector<16xi1>, vector<16xf32>, vector<16xi32>)
      %dma_start3A_1628 = arith.constant 0 : i32
      %dma_start3A_1629 = arith.constant 0 : i32
      %dma_start3A_1630 = tpu.memref_slice %arg4[%dma_start3A_1628, %dma_start3A_1629] : memref<32768x128xf32, #tpu.memory_space<hbm>> -> memref<32768x128xf32, #tpu.memory_space<hbm>>
      tpu.enqueue_indirect_dma source(%dma_start3A_1630 : memref<32768x128xf32, #tpu.memory_space<hbm>>) target(%arg16 : memref<16x128xf32, #tpu.memory_space<vmem>>) offsets(%masked_sort3A_1627 : vector<16xi32>) semaphore(%arg19 : memref<!tpu.dma_semaphore, #tpu.memory_space<semaphore_mem>>)
      %dma_wait3A_1631 = arith.constant 0 : i32
      %dma_wait3A_1632 = arith.constant 0 : i32
      %dma_wait3A_1633 = tpu.memref_slice %arg4[%dma_wait3A_1631, %dma_wait3A_1632] : memref<32768x128xf32, #tpu.memory_space<hbm>> -> memref<32768x128xf32, #tpu.memory_space<hbm>>
      tpu.wait_indirect_dma semaphore(%arg19 : memref<!tpu.dma_semaphore, #tpu.memory_space<semaphore_mem>>) src(%dma_wait3A_1633 : memref<32768x128xf32, #tpu.memory_space<hbm>>) dst(%arg16 : memref<16x128xf32, #tpu.memory_space<vmem>>)
      %swap3A_1634 = arith.constant 0 : index
      %swap3A_1635 = tpu.vector_load %arg10[%swap3A_1634] {strides = array<i32>} : memref<16xf32, #tpu.memory_space<vmem>>, vector<16xf32>,
      tpu.vector_store %arg10[%swap3A_1634], %masked_sort3A_1626 {strides = array<i32>} : memref<16xf32, #tpu.memory_space<vmem>>, vector<16xf32>,
      "tpu.region"() ({
        %run_scoped3A = tpu.sem_alloc : memref<!tpu.dma_semaphore, #tpu.memory_space<semaphore_mem>>
        %dma_start3A_1636 = arith.constant 0 : i32
        %dma_start3A_1637 = tpu.memref_slice %arg5[%arg0, %dma_start3A_1636] : memref<2x16xf32, #tpu.memory_space<hbm>> -> memref<1x16xf32, #tpu.memory_space<hbm>>
        %dma_start3A_1638 = tpu.memref_squeeze %dma_start3A_1637 : memref<1x16xf32, #tpu.memory_space<hbm>> -> memref<16xf32, #tpu.memory_space<hbm>>
        %dma_start3A_1639 = arith.constant 0 : i32
        %dma_start3A_1640 = tpu.memref_slice %arg5[%arg0, %dma_start3A_1639] : memref<2x16xf32, #tpu.memory_space<hbm>> -> memref<1x16xf32, #tpu.memory_space<hbm>>
        %dma_start3A_1641 = tpu.memref_squeeze %dma_start3A_1640 : memref<1x16xf32, #tpu.memory_space<hbm>> -> memref<16xf32, #tpu.memory_space<hbm>>
        tpu.enqueue_dma source(%arg10 : memref<16xf32, #tpu.memory_space<vmem>>) target(%dma_start3A_1641 : memref<16xf32, #tpu.memory_space<hbm>>) target_semaphore(%run_scoped3A : memref<!tpu.dma_semaphore, #tpu.memory_space<semaphore_mem>>)
        %dma_wait3A_1642 = arith.constant 0 : i32
        %dma_wait3A_1643 = tpu.memref_slice %arg5[%arg0, %dma_wait3A_1642] : memref<2x16xf32, #tpu.memory_space<hbm>> -> memref<1x16xf32, #tpu.memory_space<hbm>>
        %dma_wait3A_1644 = tpu.memref_squeeze %dma_wait3A_1643 : memref<1x16xf32, #tpu.memory_space<hbm>> -> memref<16xf32, #tpu.memory_space<hbm>>
        %dma_wait3A_1645 = arith.constant 0 : i32
        %dma_wait3A_1646 = tpu.memref_slice %arg5[%arg0, %dma_wait3A_1645] : memref<2x16xf32, #tpu.memory_space<hbm>> -> memref<1x16xf32, #tpu.memory_space<hbm>>
        %dma_wait3A_1647 = tpu.memref_squeeze %dma_wait3A_1646 : memref<1x16xf32, #tpu.memory_space<hbm>> -> memref<16xf32, #tpu.memory_space<hbm>>
        tpu.wait_dma2 semaphore(%run_scoped3A : memref<!tpu.dma_semaphore, #tpu.memory_space<semaphore_mem>>) src(%arg10 : memref<16xf32, #tpu.memory_space<vmem>>) dst(%dma_wait3A_1647 : memref<16xf32, #tpu.memory_space<hbm>>)
        tpu.yield
      }) : () -> ()
      "tpu.region"() ({
        %run_scoped3A = tpu.sem_alloc : memref<!tpu.dma_semaphore, #tpu.memory_space<semaphore_mem>>
        %dma_start3A_1636 = arith.constant 0 : i32
        %dma_start3A_1637 = arith.constant 0 : i32
        %dma_start3A_1638 = tpu.memref_slice %arg6[%arg0, %dma_start3A_1636, %dma_start3A_1637] : memref<2x16x128xf32, #tpu.memory_space<hbm>> -> memref<1x16x128xf32, #tpu.memory_space<hbm>>
        %dma_start3A_1639 = tpu.memref_squeeze %dma_start3A_1638 : memref<1x16x128xf32, #tpu.memory_space<hbm>> -> memref<16x128xf32, #tpu.memory_space<hbm>>
        %dma_start3A_1640 = arith.constant 0 : i32
        %dma_start3A_1641 = arith.constant 0 : i32
        %dma_start3A_1642 = tpu.memref_slice %arg6[%arg0, %dma_start3A_1640, %dma_start3A_1641] : memref<2x16x128xf32, #tpu.memory_space<hbm>> -> memref<1x16x128xf32, #tpu.memory_space<hbm>>
        %dma_start3A_1643 = tpu.memref_squeeze %dma_start3A_1642 : memref<1x16x128xf32, #tpu.memory_space<hbm>> -> memref<16x128xf32, #tpu.memory_space<hbm>>
        tpu.enqueue_dma source(%arg16 : memref<16x128xf32, #tpu.memory_space<vmem>>) target(%dma_start3A_1643 : memref<16x128xf32, #tpu.memory_space<hbm>>) target_semaphore(%run_scoped3A : memref<!tpu.dma_semaphore, #tpu.memory_space<semaphore_mem>>)
        %dma_wait3A_1644 = arith.constant 0 : i32
        %dma_wait3A_1645 = arith.constant 0 : i32
        %dma_wait3A_1646 = tpu.memref_slice %arg6[%arg0, %dma_wait3A_1644, %dma_wait3A_1645] : memref<2x16x128xf32, #tpu.memory_space<hbm>> -> memref<1x16x128xf32, #tpu.memory_space<hbm>>
        %dma_wait3A_1647 = tpu.memref_squeeze %dma_wait3A_1646 : memref<1x16x128xf32, #tpu.memory_space<hbm>> -> memref<16x128xf32, #tpu.memory_space<hbm>>
        %dma_wait3A_1648 = arith.constant 0 : i32
        %dma_wait3A_1649 = arith.constant 0 : i32
        %dma_wait3A_1650 = tpu.memref_slice %arg6[%arg0, %dma_wait3A_1648, %dma_wait3A_1649] : memref<2x16x128xf32, #tpu.memory_space<hbm>> -> memref<1x16x128xf32, #tpu.memory_space<hbm>>
        %dma_wait3A_1651 = tpu.memref_squeeze %dma_wait3A_1650 : memref<1x16x128xf32, #tpu.memory_space<hbm>> -> memref<16x128xf32, #tpu.memory_space<hbm>>
        tpu.wait_dma2 semaphore(%run_scoped3A : memref<!tpu.dma_semaphore, #tpu.memory_space<semaphore_mem>>) src(%arg16 : memref<16x128xf32, #tpu.memory_space<vmem>>) dst(%dma_wait3A_1651 : memref<16x128xf32, #tpu.memory_space<hbm>>)
        tpu.yield
      }) : () -> ()
    } else {
    }
    return
  }
}

module attributes {stable_mosaic.version = 14 : i64} {
  func.func @_finish_body(%arg0: memref<1x128xf32, #tpu.memory_space<vmem>>, %arg1: memref<1x1xf32, #tpu.memory_space<vmem>>, %arg2: memref<1x128xf32, #tpu.memory_space<vmem>>, %arg3: memref<384x256xf32, #tpu.memory_space<vmem>>, %arg4: memref<384x128xf32, #tpu.memory_space<vmem>>, %arg5: memref<1x384xf32, #tpu.memory_space<vmem>>, %arg6: memref<1x384xf32, #tpu.memory_space<vmem>>, %arg7: memref<1x32xf32, #tpu.memory_space<vmem>>, %arg8: memref<32x32xf32, #tpu.memory_space<vmem>>, %arg9: memref<32x128xf32, #tpu.memory_space<vmem>>, %arg10: memref<1x256xf32, #tpu.memory_space<vmem>>, %arg11: memref<1x1xf32, #tpu.memory_space<vmem>>, %arg12: memref<1x1xf32, #tpu.memory_space<vmem>>, %arg13: memref<1x128xf32, #tpu.memory_space<vmem>>) attributes {dimension_semantics = [], scalar_prefetch = 0 : i64, scratch_operands = 0 : i64, tpu.core_type = #tpu.core_type<tc>} {
    %get3A = arith.constant 0 : index
    %get3A_0 = arith.constant 0 : index
    %get3A_1 = vector.load %arg7[%get3A, %get3A_0] : memref<1x32xf32, #tpu.memory_space<vmem>>, vector<1x32xf32>
    %broadcast_in_dim3A = vector.shape_cast %get3A_1 : vector<1x32xf32> to vector<1x32xf32>
    %broadcast_in_dim3A_2 = vector.broadcast %broadcast_in_dim3A : vector<1x32xf32> to vector<32x32xf32>
    %get3A_3 = arith.constant 0 : index
    %get3A_4 = arith.constant 0 : index
    %get3A_5 = vector.load %arg8[%get3A_3, %get3A_4] : memref<32x32xf32, #tpu.memory_space<vmem>>, vector<32x32xf32>
    %gt3A = arith.cmpf ogt, %get3A_5, %broadcast_in_dim3A_2 : vector<32x32xf32>
    %convert_element_type3A = arith.extui %gt3A : vector<32x32xi1> to vector<32x32xi32>
    %convert_element_type3A_6 = arith.sitofp %convert_element_type3A : vector<32x32xi32> to vector<32x32xf32>
    %reduce_sum3A = arith.constant dense<0.000000e+00> : vector<32xf32>
    %reduce_sum3A_7 = vector.multi_reduction <add>, %convert_element_type3A_6, %reduce_sum3A [0] : vector<32x32xf32> to vector<32xf32>
    %broadcast_in_dim3A_8 = vector.shape_cast %reduce_sum3A_7 : vector<32xf32> to vector<1x32xf32>
    %lt3A = arith.constant 9.500000e+00 : f32
    %lt3A_9 = vector.broadcast %lt3A : f32 to vector<1x32xf32>
    %lt3A_10 = arith.cmpf olt, %broadcast_in_dim3A_8, %lt3A_9 : vector<1x32xf32>
    %reduce_max3A = vector.shape_cast %get3A_1 : vector<1x32xf32> to vector<1x1x32xf32>
    %reduce_max3A_11 = arith.constant dense<0xFF800000> : vector<1xf32>
    %reduce_max3A_12 = vector.multi_reduction <maximumf>, %reduce_max3A, %reduce_max3A_11 [1, 2] : vector<1x1x32xf32> to vector<1xf32>
    %reduce_max3A_13 = vector.shape_cast %reduce_max3A_12 : vector<1xf32> to vector<1x1x1xf32>
    %reduce_max3A_14 = vector.extract %reduce_max3A_13[0, 0, 0] : f32 from vector<1x1x1xf32>
    %sub3A = vector.broadcast %reduce_max3A_14 : f32 to vector<1x32xf32>
    %sub3A_15 = arith.subf %get3A_1, %sub3A : vector<1x32xf32>
    %exp3A = math.exp %sub3A_15 : vector<1x32xf32>
    %jit3A = arith.constant 0.000000e+00 : f32
    %broadcast_in_dim3A_16 = vector.broadcast %jit3A : f32 to vector<1x32xf32>
    %select_n3A = arith.select %lt3A_10, %exp3A, %broadcast_in_dim3A_16 : vector<1x32xi1>, vector<1x32xf32>
    %reduce_sum3A_17 = vector.shape_cast %select_n3A : vector<1x32xf32> to vector<1x1x32xf32>
    %reduce_sum3A_18 = arith.constant dense<0.000000e+00> : vector<1xf32>
    %reduce_sum3A_19 = vector.multi_reduction <add>, %reduce_sum3A_17, %reduce_sum3A_18 [1, 2] : vector<1x1x32xf32> to vector<1xf32>
    %reduce_sum3A_20 = vector.shape_cast %reduce_sum3A_19 : vector<1xf32> to vector<1x1x1xf32>
    %reduce_sum3A_21 = vector.extract %reduce_sum3A_20[0, 0, 0] : f32 from vector<1x1x1xf32>
    %div3A = vector.broadcast %reduce_sum3A_21 : f32 to vector<1x32xf32>
    %div3A_22 = arith.divf %select_n3A, %div3A : vector<1x32xf32>
    %get3A_23 = arith.constant 0 : index
    %get3A_24 = arith.constant 0 : index
    %get3A_25 = vector.load %arg9[%get3A_23, %get3A_24] : memref<32x128xf32, #tpu.memory_space<vmem>>, vector<32x128xf32>
    %dot_general3A = arith.constant dense<0.000000e+00> : vector<1x128xf32>
    %dot_general3A_26 = tpu.matmul %div3A_22, %get3A_25, %dot_general3A {dimension_numbers = #tpu.dot_dimension_numbers<[1], [0], [0], [1], [0, 0, 1, 1], [], []>, precision = #tpu.contract_precision<fp32>, transpose_lhs_hint = false} : vector<1x32xf32>, vector<32x128xf32>, vector<1x128xf32> -> vector<1x128xf32>
    %get3A_27 = arith.constant 0 : index
    %get3A_28 = arith.constant 0 : index
    %get3A_29 = vector.load %arg0[%get3A_27, %get3A_28] : memref<1x128xf32, #tpu.memory_space<vmem>>, vector<1x128xf32>
    %concatenate3A = tpu.concatenate %get3A_29, %dot_general3A_26 in 1 : vector<1x128xf32>, vector<1x128xf32> -> vector<1x256xf32>
    %get3A_30 = arith.constant 0 : index
    %get3A_31 = arith.constant 0 : index
    %get3A_32 = vector.load %arg10[%get3A_30, %get3A_31] : memref<1x256xf32, #tpu.memory_space<vmem>>, vector<1x256xf32>
    %mul3A = arith.mulf %concatenate3A, %get3A_32 : vector<1x256xf32>
    %reduce_sum3A_33 = vector.shape_cast %mul3A : vector<1x256xf32> to vector<1x1x256xf32>
    %reduce_sum3A_34 = arith.constant dense<0.000000e+00> : vector<1xf32>
    %reduce_sum3A_35 = vector.multi_reduction <add>, %reduce_sum3A_33, %reduce_sum3A_34 [1, 2] : vector<1x1x256xf32> to vector<1xf32>
    %reduce_sum3A_36 = vector.shape_cast %reduce_sum3A_35 : vector<1xf32> to vector<1x1x1xf32>
    %reduce_sum3A_37 = vector.extract %reduce_sum3A_36[0, 0, 0] : f32 from vector<1x1x1xf32>
    %get3A_38 = arith.constant 0 : index
    %get3A_39 = arith.constant 0 : index
    %get3A_40 = vector.load %arg11[%get3A_38, %get3A_39] : memref<1x1xf32, #tpu.memory_space<vmem>>, vector<1x1xf32>
    %get3A_41 = vector.extract %get3A_40[0, 0] : f32 from vector<1x1xf32>
    %add3A = arith.addf %reduce_sum3A_37, %get3A_41 : f32
    %broadcast_in_dim3A_42 = arith.constant 0.000000e+00 : f32
    %broadcast_in_dim3A_43 = vector.broadcast %broadcast_in_dim3A_42 : f32 to vector<1x1xf32>
    %add3A_44 = vector.broadcast %add3A : f32 to vector<1x1xf32>
    %add3A_45 = arith.addf %broadcast_in_dim3A_43, %add3A_44 : vector<1x1xf32>
    %swap3A = arith.constant 0 : index
    %swap3A_46 = arith.constant 0 : index
    %swap3A_47 = vector.load %arg12[%swap3A, %swap3A_46] : memref<1x1xf32, #tpu.memory_space<vmem>>, vector<1x1xf32>
    tpu.vector_store %arg12[%swap3A, %swap3A_46], %add3A_45 {strides = array<i32>} : memref<1x1xf32, #tpu.memory_space<vmem>>, vector<1x1xf32>,
    %get3A_48 = arith.constant 0 : index
    %get3A_49 = arith.constant 0 : index
    %get3A_50 = vector.load %arg1[%get3A_48, %get3A_49] : memref<1x1xf32, #tpu.memory_space<vmem>>, vector<1x1xf32>
    %get3A_51 = vector.extract %get3A_50[0, 0] : f32 from vector<1x1xf32>
    %ge3A = arith.constant 5.000000e-01 : f32
    %ge3A_52 = arith.cmpf oge, %get3A_51, %ge3A : f32
    %convert_element_type3A_53 = arith.extui %ge3A_52 : i1 to i32
    %convert_element_type3A_54 = arith.sitofp %convert_element_type3A_53 : i32 to f32
    %mul3A_55 = vector.broadcast %convert_element_type3A_54 : f32 to vector<1x128xf32>
    %mul3A_56 = arith.mulf %get3A_29, %mul3A_55 : vector<1x128xf32>
    %sub3A_57 = arith.constant 1.000000e+00 : f32
    %sub3A_58 = arith.subf %sub3A_57, %convert_element_type3A_54 : f32
    %mul3A_59 = vector.broadcast %sub3A_58 : f32 to vector<1x128xf32>
    %mul3A_60 = arith.mulf %get3A_29, %mul3A_59 : vector<1x128xf32>
    %concatenate3A_61 = tpu.concatenate %mul3A_56, %mul3A_60 in 1 : vector<1x128xf32>, vector<1x128xf32> -> vector<1x256xf32>
    %convert_element_type3A_62 = arith.truncf %concatenate3A_61 : vector<1x256xf32> to vector<1x256xbf16>
    %convert_element_type3A_63 = arith.extf %convert_element_type3A_62 : vector<1x256xbf16> to vector<1x256xf32>
    %get3A_64 = arith.constant 0 : index
    %get3A_65 = arith.constant 0 : index
    %get3A_66 = vector.load %arg3[%get3A_64, %get3A_65] : memref<384x256xf32, #tpu.memory_space<vmem>>, vector<384x256xf32>
    %convert_element_type3A_67 = arith.truncf %get3A_66 : vector<384x256xf32> to vector<384x256xbf16>
    %convert_element_type3A_68 = arith.extf %convert_element_type3A_67 : vector<384x256xbf16> to vector<384x256xf32>
    %dot_general3A_69 = arith.constant dense<0.000000e+00> : vector<1x384xf32>
    %dot_general3A_70 = tpu.matmul %convert_element_type3A_63, %convert_element_type3A_68, %dot_general3A_69 {dimension_numbers = #tpu.dot_dimension_numbers<[1], [1], [0], [0], [0, 0, 1, 0], [], []>, precision = #tpu.contract_precision<fp32>, transpose_lhs_hint = false} : vector<1x256xf32>, vector<384x256xf32>, vector<1x384xf32> -> vector<1x384xf32>
    %get3A_71 = arith.constant 0 : index
    %get3A_72 = arith.constant 0 : index
    %get3A_73 = vector.load %arg5[%get3A_71, %get3A_72] : memref<1x384xf32, #tpu.memory_space<vmem>>, vector<1x384xf32>
    %add3A_74 = arith.addf %dot_general3A_70, %get3A_73 : vector<1x384xf32>
    %get3A_75 = arith.constant 0 : index
    %get3A_76 = arith.constant 0 : index
    %get3A_77 = vector.load %arg2[%get3A_75, %get3A_76] : memref<1x128xf32, #tpu.memory_space<vmem>>, vector<1x128xf32>
    %convert_element_type3A_78 = arith.truncf %get3A_77 : vector<1x128xf32> to vector<1x128xbf16>
    %convert_element_type3A_79 = arith.extf %convert_element_type3A_78 : vector<1x128xbf16> to vector<1x128xf32>
    %get3A_80 = arith.constant 0 : index
    %get3A_81 = arith.constant 0 : index
    %get3A_82 = vector.load %arg4[%get3A_80, %get3A_81] : memref<384x128xf32, #tpu.memory_space<vmem>>, vector<384x128xf32>
    %convert_element_type3A_83 = arith.truncf %get3A_82 : vector<384x128xf32> to vector<384x128xbf16>
    %convert_element_type3A_84 = arith.extf %convert_element_type3A_83 : vector<384x128xbf16> to vector<384x128xf32>
    %dot_general3A_85 = arith.constant dense<0.000000e+00> : vector<1x384xf32>
    %dot_general3A_86 = tpu.matmul %convert_element_type3A_79, %convert_element_type3A_84, %dot_general3A_85 {dimension_numbers = #tpu.dot_dimension_numbers<[1], [1], [0], [0], [0, 0, 1, 0], [], []>, precision = #tpu.contract_precision<fp32>, transpose_lhs_hint = false} : vector<1x128xf32>, vector<384x128xf32>, vector<1x384xf32> -> vector<1x384xf32>
    %get3A_87 = arith.constant 0 : index
    %get3A_88 = arith.constant 0 : index
    %get3A_89 = vector.load %arg6[%get3A_87, %get3A_88] : memref<1x384xf32, #tpu.memory_space<vmem>>, vector<1x384xf32>
    %add3A_90 = arith.addf %dot_general3A_86, %get3A_89 : vector<1x384xf32>
    %slice3A = vector.extract_strided_slice %add3A_74 {offsets = [0, 0], sizes = [1, 128], strides = [1, 1]} : vector<1x384xf32> to vector<1x128xf32>
    %slice3A_91 = vector.extract_strided_slice %add3A_90 {offsets = [0, 0], sizes = [1, 128], strides = [1, 1]} : vector<1x384xf32> to vector<1x128xf32>
    %add3A_92 = arith.addf %slice3A, %slice3A_91 : vector<1x128xf32>
    %logistic3A = arith.negf %add3A_92 : vector<1x128xf32>
    %logistic3A_93 = math.exp %logistic3A : vector<1x128xf32>
    %logistic3A_94 = arith.constant 1.000000e+00 : f32
    %logistic3A_95 = vector.broadcast %logistic3A_94 : f32 to vector<1x128xf32>
    %logistic3A_96 = arith.addf %logistic3A_95, %logistic3A_93 : vector<1x128xf32>
    %logistic3A_97 = arith.divf %logistic3A_95, %logistic3A_96 : vector<1x128xf32>
    %slice3A_98 = vector.extract_strided_slice %add3A_74 {offsets = [0, 128], sizes = [1, 128], strides = [1, 1]} : vector<1x384xf32> to vector<1x128xf32>
    %slice3A_99 = vector.extract_strided_slice %add3A_90 {offsets = [0, 128], sizes = [1, 128], strides = [1, 1]} : vector<1x384xf32> to vector<1x128xf32>
    %add3A_100 = arith.addf %slice3A_98, %slice3A_99 : vector<1x128xf32>
    %logistic3A_101 = arith.negf %add3A_100 : vector<1x128xf32>
    %logistic3A_102 = math.exp %logistic3A_101 : vector<1x128xf32>
    %logistic3A_103 = arith.constant 1.000000e+00 : f32
    %logistic3A_104 = vector.broadcast %logistic3A_103 : f32 to vector<1x128xf32>
    %logistic3A_105 = arith.addf %logistic3A_104, %logistic3A_102 : vector<1x128xf32>
    %logistic3A_106 = arith.divf %logistic3A_104, %logistic3A_105 : vector<1x128xf32>
    %slice3A_107 = vector.extract_strided_slice %add3A_74 {offsets = [0, 256], sizes = [1, 128], strides = [1, 1]} : vector<1x384xf32> to vector<1x128xf32>
    %slice3A_108 = vector.extract_strided_slice %add3A_90 {offsets = [0, 256], sizes = [1, 128], strides = [1, 1]} : vector<1x384xf32> to vector<1x128xf32>
    %mul3A_109 = arith.mulf %logistic3A_97, %slice3A_108 : vector<1x128xf32>
    %add3A_110 = arith.addf %slice3A_107, %mul3A_109 : vector<1x128xf32>
    %tanh3A = math.tanh %add3A_110 : vector<1x128xf32>
    %sub3A_111 = arith.constant 1.000000e+00 : f32
    %sub3A_112 = vector.broadcast %sub3A_111 : f32 to vector<1x128xf32>
    %sub3A_113 = arith.subf %sub3A_112, %logistic3A_106 : vector<1x128xf32>
    %mul3A_114 = arith.mulf %sub3A_113, %tanh3A : vector<1x128xf32>
    %mul3A_115 = arith.mulf %logistic3A_106, %get3A_77 : vector<1x128xf32>
    %add3A_116 = arith.addf %mul3A_114, %mul3A_115 : vector<1x128xf32>
    %swap3A_117 = arith.constant 0 : index
    %swap3A_118 = arith.constant 0 : index
    %swap3A_119 = vector.load %arg13[%swap3A_117, %swap3A_118] : memref<1x128xf32, #tpu.memory_space<vmem>>, vector<1x128xf32>
    tpu.vector_store %arg13[%swap3A_117, %swap3A_118], %add3A_116 {strides = array<i32>} : memref<1x128xf32, #tpu.memory_space<vmem>>, vector<1x128xf32>,
    return
  }
}

</mosaic_0001>

<sc_bundles>
// kernel: kernel.4.cloned.1.call-start
scs
__scs_entry_jumppad:
0x0: {  	(pc) =	sbr.rel $0x88, $3  }
0x1: {  	(tag) =	ssettag $0x0;
	lr =	simm.s32 $0x1  }
0x2: {  	[smem:$0x3F97] =	sst lr;
	_ =	strace $0xD0000000  }
0x3: {  	_ = 	snop  }
0x4: {  	_ = 	snop  }
0x5: {  	_ = 	snop  }
0x6: {  	_ = 	snop  }
0x7: {  	_ = 	snop  }
__scs_overlays_trampoline_lowered:
0x8: {  	[smem:$0x3FA6] =	sst s0  }
0x9: {  	[smem:$0x3FA7] =	sst s1  }
0xa: {  	[smem:$0x3FA8] =	sst s2  }
0xb: {  	[smem:$0x3FA9] =	sst s3  }
0xc: {  	[smem:$0x3FAA] =	sst s4  }
0xd: {  	[smem:$0x3FAB] =	sst s5  }
0xe: {  	[smem:$0x3FAC] =	sst s6  }
0xf: {  	[smem:$0x3FAD] =	sst s7  }
0x10: {  	[smem:$0x3FAE] =	sst s8  }
0x11: {  	[smem:$0x3FAF] =	sst s9;
	s0 =	simm.s32 @!p0 $0x0  }
0x12: {  	s1 =	sld [smem:$0x3F95];
	s0 =	simm.s32 @p0 $0x1  }
0x13: {  	[smem:$0x3FB0] =	sst s0;
	s0 =	simm.s32 @!p1 $0x0  }
0x14: {  	s2 =	sld [smem:$0x3F94];
	s0 =	simm.s32 @p1 $0x1  }
0x15: {  	[smem:$0x3FB1] =	sst s0;
	s0 =	simm.s32 @!p2 $0x0  }
0x16: {  	s3 =	sld [smem:$0x3FDB];
	s0 =	simm.s32 @p2 $0x1  }
0x17: {  	s4 =	simm.s32 $0x1BF5;
	[smem:$0x3FB3] =	sst s0  }
0x18: {  	s0 =	sld [smem:$0x3F96];
	_ =	swait.ge [sflag:s4], $0x0  }
0x19: {  	s7 =	sld [smem:$0x3F97]  }
0x1a: {  	s8 =	sadd.s32 $0xFFFFE003, lr  }
0x1b: {  	s9 =	sadd.s32 $0xFFFFFEF7, lr;
	s5 =	simm.s32 $0xFFFFFFFF;
	p2 =	slt.u32 s8, $0xFFFFF086  }
0x1c: {  	p1 =	slt.u32 s9, $0xF7A;
	s5 =	simm.s32 @!p2 $0x0  }
0x1d: {  	s5 =	simm.s32 @p1 $0x1;
	p0 =	seq.s32 s7, s2  }
0x1e: {  	s7 =	smul.u32 @!p0 $0xF7A, s2;
	p2 =	seq.s32 @!p0 s5, $0x0  }
0x1f: {  	s9 =	smul.u32 $0xF7A, s1;
	s8 =	simm.s32 @!p0 $0x1BF5;
	p2 =	por !p2, p0  }
0x20: {  	[sflag:s8] =	ssyncset.s32 @!p0 $0xFFFFF086;
	s6 =	sadd.s32 @!p0 s3, s7;
	s7 =	simm.s32 @!p0 $0x108  }
0x21: {  	s3 =	sadd.s32 s3, s9;
	s6 =	sadd.s32 @!p0 $0x88, s6;
	s7 =	simm.s32 @p2 $0x1082  }
0x22: {  	[simem:s7], [sflag:s8] =	dma.local @!p0 [hbm:s6], $0xF7A  }
0x23: {  	s9 =	sor.u32 $0xD0000000, s2;
	s6 =	simm.s32 $0x108;
	_ =	swait.ge @!p0 [sflag:s8], $0x0  }
0x24: {  	s3 =	sadd.s32 $0x88, s3;
	s6 =	simm.s32 @!p1 $0x1082;
	[sflag:s4] =	ssyncset.s32 $0xFFFFF086  }
0x25: {  	[simem:s6], [sflag:s4] =	dma.local [hbm:s3], $0xF7A  }
0x26: {  	[smem:$0x3F97] =	sst s1;
	(tag) =	ssettag s2;
	_ =	strace s9  }
0x27: {  	s1 =	sld [smem:$0x3FA7]  }
0x28: {  	s2 =	sld [smem:$0x3FA8]  }
0x29: {  	s4 =	sld [smem:$0x3FAA]  }
0x2a: {  	p0 =	seq.s32 s5, $0x0;
	s5 =	sld [smem:$0x3FAB]  }
0x2b: {  	s6 =	sld [smem:$0x3FAC]  }
0x2c: {  	s7 =	sld [smem:$0x3FAD]  }
0x2d: {  	s3 =	simm.s32 $0x108;
	s8 =	sld [smem:$0x3FAE]  }
0x2e: {  	s3 =	simm.s32 @!p0 $0x1082;
	s9 =	sld [smem:$0x3FAF]  }
0x2f: {  	lr =	sadd.s32 s0, s3;
	s0 =	sld [smem:$0x3FA6]  }
0x30: {  	s3 =	sld [smem:$0x3FA9]  }
0x31: {  	[smem:$0x3FB2] =	sst s10  }
0x32: {  	s10 =	sld [smem:$0x3FB0];
	_ =	sdelay $0x3  }
0x33: {  	p0 =	seq.s32 s10, $0x1;
	s10 =	sld [smem:$0x3FB2];
	_ =	sdelay $0x3  }
0x34: {  	[smem:$0x3FB2] =	sst s10  }
0x35: {  	s10 =	sld [smem:$0x3FB1];
	_ =	sdelay $0x3  }
0x36: {  	p1 =	seq.s32 s10, $0x1;
	s10 =	sld [smem:$0x3FB2];
	_ =	sdelay $0x3  }
0x37: {  	[smem:$0x3FB2] =	sst s10  }
0x38: {  	s10 =	sld [smem:$0x3FB3]  }
0x39: {  	_ = 	snop;
	(pc) =	sbr.ind lr, $3  }
0x3a: {  	_ = 	snop  }
0x3b: {  	_ = 	snop  }
0x3c: {  	p2 =	seq.s32 s10, $0x1;
	s10 =	sld [smem:$0x3FB2]  }
0x3d: {  	_ =	shalt  }
0x3e: {  	_ =	shalt  }
0x3f: {  	_ =	shalt  }
0x40: {  	_ =	shalt  }
0x41: {  	_ =	shalt  }
0x42: {  	_ =	shalt  }
0x43: {  	_ =	shalt  }
0x44: {  	_ =	shalt  }
0x45: {  	_ =	shalt  }
0x46: {  	_ =	shalt  }
0x47: {  	_ =	shalt  }
0x48: {  	_ =	shalt  }
0x49: {  	_ =	shalt  }
0x4a: {  	_ =	shalt  }
0x4b: {  	_ =	shalt  }
0x4c: {  	_ =	shalt  }
0x4d: {  	_ =	shalt  }
0x4e: {  	_ =	shalt  }
0x4f: {  	_ =	shalt  }
0x50: {  	_ =	shalt  }
0x51: {  	_ =	shalt  }
0x52: {  	_ =	shalt  }
0x53: {  	_ =	shalt  }
0x54: {  	_ =	shalt  }
0x55: {  	_ =	shalt  }
0x56: {  	_ =	shalt  }
0x57: {  	_ =	shalt  }
0x58: {  	_ =	shalt  }
0x59: {  	_ =	shalt  }
0x5a: {  	_ =	shalt  }
0x5b: {  	_ =	shalt  }
0x5c: {  	_ =	shalt  }
0x5d: {  	_ =	shalt  }
0x5e: {  	_ =	shalt  }
0x5f: {  	_ =	shalt  }
0x60: {  	_ =	shalt  }
0x61: {  	_ =	shalt  }
0x62: {  	_ =	shalt  }
0x63: {  	_ =	shalt  }
0x64: {  	_ =	shalt  }
0x65: {  	_ =	shalt  }
0x66: {  	_ =	shalt  }
0x67: {  	_ =	shalt  }
0x68: {  	_ =	shalt  }
0x69: {  	_ =	shalt  }
0x6a: {  	_ =	shalt  }
0x6b: {  	_ =	shalt  }
0x6c: {  	_ =	shalt  }
0x6d: {  	_ =	shalt  }
0x6e: {  	_ =	shalt  }
0x6f: {  	_ =	shalt  }
0x70: {  	_ =	shalt  }
0x71: {  	_ =	shalt  }
0x72: {  	_ =	shalt  }
0x73: {  	_ =	shalt  }
0x74: {  	_ =	shalt  }
0x75: {  	_ =	shalt  }
0x76: {  	_ =	shalt  }
0x77: {  	_ =	shalt  }
0x78: {  	_ =	shalt  }
0x79: {  	_ =	shalt  }
0x7a: {  	_ =	shalt  }
0x7b: {  	_ =	shalt  }
0x7c: {  	_ =	shalt  }
0x7d: {  	_ =	shalt  }
0x7e: {  	_ =	shalt  }
0x7f: {  	_ =	shalt  }
0x80: {  	_ =	shalt  }
0x81: {  	_ =	shalt  }
0x82: {  	_ =	shalt  }
0x83: {  	_ =	shalt  }
0x84: {  	_ =	shalt  }
0x85: {  	_ =	shalt  }
0x86: {  	_ =	shalt  }
0x87: {  	_ =	shalt  }
.Lfunc_end0:
.L_simem_size_0:
called_computation_lowered:
.L_overlay_start_0:
0x88: {  	s2 =	sld [smem:$0x3FD9]  }
0x89: {  	s3 =	sld [smem:$0x3FFE];
	_ =	sdelay $0x1  }
0x8a: {  	s1 =	srdreg.scid  }
0x8b: {  	s0 =	sand.u32 $0x1, s1  }
0x8c: {  	s14 =	sshll.u32 s0, $0xA;
	s2 =	sadd.s32 s3, s2  }
0x8d: {  	s2 =	sadd.s32 s2, s14  }
0x8e: {  	[smem:$0x3FBE] =	sst s2  }
0x8f: {  	_ = 	snop  }
0x90: {  	s2 =	sld [smem:$0x3FD0]  }
0x91: {  	s15 =	sld [smem:$0x3FC9]  }
0x92: {  	s4 =	sld [smem:$0x3FC7]  }
0x93: {  	s6 =	simm.s32 $0xA;
	s7 =	simm.s32 $0x10;
	s5 =	sld [smem:$0x3FC6]  }
0x94: {  	[smem:s7], [sflag:s6] =	dma.local [hbm:s2], $0x1  }
0x95: {  	_ =	swait.eq [sflag:s6], $0x1  }
0x96: {  	[sflag:s6] =	ssyncset.done $0x0  }
0x97: {  	[sflag:s6] =	ssyncadd.s32 $0xFFFFFFFF  }
0x98: {  	s16 =	sld [smem:$0x11];
	(tm) =	ssettm $0x1  }
0x99: {  	s17 =	sld [smem:$0x3FFB];
	_ =	sdelay $0x3  }
0x9a: {  	_ =	strace s17  }
0x9b: {  	s6 =	sld [smem:$0x3FFC];
	_ =	sdelay $0x3  }
0x9c: {  	_ =	strace s6  }
0x9d: {  	s6 =	sld [smem:$0x3FFD];
	_ =	sdelay $0x3  }
0x9e: {  	_ =	strace s6  }
0x9f: {  	_ =	strace $0x8FFFFFFF  }
0xa0: {  	s18 =	sld [smem:$0x3FDB];
	_ =	sdelay $0x1  }
0xa1: {  	s19 =	simm.s32 $_scs_section_size  }
0xa2: {  	s8 =	simm.s32 $_size__tile_overlayer_lowered;
	s9 =	simm.s32 $_tile_overlayer_lowered  }
0xa3: {  	s22 =	simm.s32 $0x1BFF;
	s21 =	sshll.u32 s9, $0x1;
	s6 =	sadd.s32 s19, s18  }
0xa4: {  	s10 =	simm.s32 $0x0;
	s20 =	sshll.u32 s8, $0x1;
	s8 =	sadd.s32 s21, s6  }
0xa5: {  	[timem:s10], [sflag:s22] =	dma.local [hbm:s8], s20  }
0xa6: {  	_ =	swait.ge [sflag:s22], s20  }
0xa7: {  	s7 =	ssub.s32 $0x0, s20;
	[sflag:s22] =	ssyncset.done $0x0  }
0xa8: {  	[sflag:s22] =	ssyncadd.s32 s7;
	_ =	sdelay $0x1  }
0xa9: {  	s23 =	simm.s32 $0x1B8B  }
0xaa: {  	_ =	swait.ge [sflag:s23], $0x1  }
0xab: {  	[sflag:s23] =	ssyncset.done $0x0  }
0xac: {  	s25 =	simm.s32 $0x1B8E;
	s24 =	sld [smem:$0x3FFE];
	[sflag:s23] =	ssyncadd.s32 $0xFFFFFFFF  }
0xad: {  	s26 =	simm.s32 $execute0_lowered;
	[smem:$0x3FD2] =	sst s25  }
0xae: {  	s8 =	sshll.u32 s26, $0x1;
	_ =	strace $0x80000046;
	[dreg:$0x1] =	wrdreg $0xFFFFFFFF  }
0xaf: {  	s28 =	simm.s32 $_size_execute0_lowered;
	s6 =	sadd.s32 s6, s8;
	[dreg:$0x0] =	wrdreg $0x0  }
0xb0: {  	s8 =	sshll.u32 s28, $0x1;
	[dreg:$0x2] =	wrdreg s6  }
0xb1: {  	[dreg:$0x3] =	wrdreg s8  }
0xb2: {  	[dreg:$0x4] =	wrdreg $0xC0  }
0xb3: {  	_ =	task [dreg:s10], $0x5FFFF  }
0xb4: {  	[dreg:$0x1] =	wrdreg $0xFFFFFFFF  }
0xb5: {  	[dreg:$0x0] =	wrdreg $0x60  }
0xb6: {  	[dreg:$0x2] =	wrdreg s4  }
0xb7: {  	[dreg:$0x3] =	wrdreg s15  }
0xb8: {  	[dreg:$0x4] =	wrdreg s5  }
0xb9: {  	[dreg:$0x5] =	wrdreg s16  }
0xba: {  	[dreg:$0x6] =	wrdreg s24  }
0xbb: {  	[dreg:$0x7] =	wrdreg $0x100A00  }
0xbc: {  	[dreg:$0x8] =	wrdreg $0x100B00  }
0xbd: {  	[dreg:$0x9] =	wrdreg $0x9  }
0xbe: {  	_ =	task.clear_ibuf [dreg:s10], $0xAFFFF;
	_ =	strace $0x90000046  }
0xbf: {  	s29 =	simm.s32 $0x9;
	_ =	strace $0x80000048  }
0xc0: {  	_ =	swait.ge [sflag:s29], $0x1  }
0xc1: {  	[sflag:s29] =	ssyncadd.s32 $0xFFFFFFFF  }
0xc2: {  	_ =	strace $0x90000048  }
0xc3: {  	_ =	sfence  }
0xc4: {  	s30 =	sld [smem:$0x0];
	_ =	sdelay $0x2  }
0xc5: {  	s31 =	sshll.u32 s1, $0xD;
	s1 =	sshrl.u32 s1, $0x2  }
0xc6: {  	s3 =	sand.u32 $0x4000, s31;
	s1 =	sadd.s32 s1, s30  }
0xc7: {  	s0 =	sor.u32 s3, s0;
	s1 =	sshll.u32 s1, $0x11  }
0xc8: {  	s0 =	sor.u32 s1, s0  }
0xc9: {  	s0 =	sadd.s32 $0x8F2B, s0  }
0xca: {  	[sflag:s0] =	ssyncadd.remote.s32 $0x1  }
0xcb: {  	_ =	sfence.sel $0xFFFF  }
0xcc: {  	[dreg:$0x0] =	wrdreg $0xFFFFFFFF;
	(pc) =	sbr.abs _section_cstart, $3  }
0xcd: {  	[dreg:$0x1] =	wrdreg $0xFFFFFFFF  }
0xce: {  	_ =	task.clear_ibuf [dreg:s10], $0x2FFFF;
	_ =	strace $0x9FFFFFFF  }
0xcf: {  	(tm) =	ssettm $0x7FFFFFFF  }
tec
execute0_lowered:
.L_overlay_start_1:
0x0: {  	(tag) =	ssettag $0x1  }
0x1: {  	s12 =	rddreg [dreg:$0x0]  }
0x2: {  	s3 =	srdreg.scid;
	s0 =	stileid.u32  }
0x3: {  	s14 =	rddreg [dreg:$0x3];
	s18 =	sand.u32 $0x1, s3;
	s25 =	sshll.u32 s0, $0x1  }
0x4: {  	s2 =	rddreg [dreg:$0x4];
	s5 =	simm.s32 $0x0;
	s8 =	sor.u32 s18, s25  }
0x5: {  	v0 =	vlaneseq.u32;
	[smem:$0x7FF] =	sst s5;
	s15 =	sshll.u32 s8, $0xA  }
0x6: {  	_ =	strace $0x80000047;
	s6 =	sshll.u32 s18, $0x8;
	s20 =	sor.u32 $0x10, s15;
	v46 =	vor.u32 s15, v0  }
0x7: {  	s7 =	ssub.s32 $0x2, s18;
	s18 =	sshll.u32 s18, $0x1;
	s21 =	sor.u32 $0x20, s15;
	v1 =	vor.u32 s20, v0;
	[tilespmem:$0x1FED0] =	vst v46  }
0x8: {  	s10 =	sadd.s32 s14, s18;
	s14 =	sor.u32 $0x40, s15;
	v62 =	vor.u32 s21, v0;
	[tilespmem:$0x1FC00] =	vst v1  }
0x9: {  	s23 =	sor.u32 $0x50, s15;
	v4 =	vor.u32 s14, v0;
	[tilespmem:$0x1FC10] =	vst v62  }
0xa: {  	s24 =	sor.u32 $0x60, s15;
	v5 =	vor.u32 s23, v0;
	[tilespmem:$0x1FC30] =	vst v4  }
0xb: {  	s26 =	sadd.s32 s6, s2;
	s25 =	sor.u32 $0x70, s15;
	v6 =	vor.u32 s24, v0;
	[tilespmem:$0x1FC40] =	vst v5  }
0xc: {  	[dreg:$0xe] =	wrdreg s26;
	s26 =	sor.u32 $0x80, s15;
	v7 =	vor.u32 s25, v0;
	[tilespmem:$0x1FC50] =	vst v6  }
0xd: {  	s28 =	sor.u32 $0x90, s15;
	v8 =	vor.u32 s26, v0;
	[tilespmem:$0x1FC60] =	vst v7  }
0xe: {  	s29 =	sor.u32 $0xA0, s15;
	v9 =	vor.u32 s28, v0;
	[tilespmem:$0x1FC70] =	vst v8  }
0xf: {  	s30 =	sor.u32 $0xB0, s15;
	v10 =	vor.u32 s29, v0;
	[tilespmem:$0x1FC80] =	vst v9  }
0x10: {  	s13 =	sadd.s32 $0x800, s12;
	s0 =	sshrl.u32 s7, $0x1;
	s31 =	sor.u32 $0xC0, s15;
	v11 =	vor.u32 s30, v0;
	[tilespmem:$0x1FC90] =	vst v10  }
0x11: {  	s2 =	sshll.u32 s8, $0xE;
	s1 =	ssub.s32 s7, s0;
	s0 =	sor.u32 $0xE0, s15;
	v12 =	vor.u32 s31, v0;
	[tilespmem:$0x1FCA0] =	vst v11  }
0x12: {  	s3 =	sadd.s32 s12, s2;
	s4 =	sadd.s32 s2, s13;
	s2 =	sor.u32 $0xF0, s15;
	v14 =	vor.u32 s0, v0;
	[tilespmem:$0x1FCB0] =	vst v12  }
0x13: {  	s19 =	sor.u32 $0x100, s15;
	v15 =	vor.u32 s2, v0;
	[tilespmem:$0x1FCD0] =	vst v14  }
0x14: {  	[dreg:$0x9] =	wrdreg s10;
	s10 =	sor.u32 $0x190, s15;
	v16 =	vor.u32 s19, v0;
	[tilespmem:$0x1FCE0] =	vst v15  }
0x15: {  	s17 =	sor.u32 $0x200, s15;
	v25 =	vor.u32 s10, v0;
	[tilespmem:$0x1FCF0] =	vst v16  }
0x16: {  	s18 =	sor.u32 $0x240, s15;
	v32 =	vor.u32 s17, v0;
	[tilespmem:$0x1FD80] =	vst v25  }
0x17: {  	s16 =	sor.u32 $0x300, s15;
	v36 =	vor.u32 s18, v0;
	[tilespmem:$0x1FDF0] =	vst v32  }
0x18: {  	[dreg:$0xb] =	wrdreg s4;
	s4 =	sor.u32 $0xD0, s15;
	v49 =	vor.u32 s16, v0;
	[tilespmem:$0x1FE30] =	vst v36  }
0x19: {  	[dreg:$0xa] =	wrdreg s3;
	s3 =	sor.u32 $0x110, s15;
	v13 =	vor.u32 s4, v0;
	[tilespmem:$0x1FF00] =	vst v49  }
0x1a: {  	[dreg:$0xd] =	wrdreg s1;
	s1 =	sor.u32 $0x120, s15;
	v17 =	vor.u32 s3, v0;
	[tilespmem:$0x1FCC0] =	vst v13  }
0x1b: {  	s24 =	sor.u32 $0x160, s15;
	v18 =	vor.u32 s1, v0;
	[tilespmem:$0x1FD00] =	vst v17  }
0x1c: {  	s25 =	sor.u32 $0x170, s15;
	v22 =	vor.u32 s24, v0;
	[tilespmem:$0x1FD10] =	vst v18  }
0x1d: {  	s28 =	sor.u32 $0x1A0, s15;
	v23 =	vor.u32 s25, v0;
	[tilespmem:$0x1FD50] =	vst v22  }
0x1e: {  	s29 =	sor.u32 $0x1B0, s15;
	v26 =	vor.u32 s28, v0;
	[tilespmem:$0x1FD60] =	vst v23  }
0x1f: {  	s30 =	sor.u32 $0x1D0, s15;
	v27 =	vor.u32 s29, v0;
	[tilespmem:$0x1FD90] =	vst v26  }
0x20: {  	s31 =	sor.u32 $0x1E0, s15;
	v29 =	vor.u32 s30, v0;
	[tilespmem:$0x1FDA0] =	vst v27  }
0x21: {  	s9 =	sshll.u32 s19, $0x4;
	s19 =	sor.u32 $0x1F0, s15;
	v30 =	vor.u32 s31, v0;
	[tilespmem:$0x1FDC0] =	vst v29  }
0x22: {  	s20 =	sor.u32 $0x210, s15;
	v31 =	vor.u32 s19, v0;
	[tilespmem:$0x1FDD0] =	vst v30  }
0x23: {  	s2 =	sor.u32 $0x220, s15;
	v33 =	vor.u32 s20, v0;
	[tilespmem:$0x1FDE0] =	vst v31  }
0x24: {  	s26 =	sor.u32 $0x290, s15;
	v34 =	vor.u32 s2, v0;
	[tilespmem:$0x1FE00] =	vst v33  }
0x25: {  	s10 =	sor.u32 $0x2B0, s15;
	v41 =	vor.u32 s26, v0;
	[tilespmem:$0x1FE10] =	vst v34  }
0x26: {  	s14 =	sor.u32 $0x2F0, s15;
	v43 =	vor.u32 s10, v0;
	[tilespmem:$0x1FE80] =	vst v41  }
0x27: {  	s11 =	sshll.u32 s17, $0x4;
	s17 =	sor.u32 $0x340, s15;
	v48 =	vor.u32 s14, v0;
	[tilespmem:$0x1FEA0] =	vst v43  }
0x28: {  	s0 =	sor.u32 $0x370, s15;
	v53 =	vor.u32 s17, v0;
	[tilespmem:$0x1FEF0] =	vst v48  }
0x29: {  	s6 =	sadd.s32 s12, s9;
	s7 =	sadd.s32 s9, s13;
	s9 =	sor.u32 $0x30, s15;
	v56 =	vor.u32 s0, v0;
	[tilespmem:$0x1FF40] =	vst v53  }
0x2a: {  	s4 =	sor.u32 $0x1C0, s15;
	v63 =	vor.u32 s9, v0;
	[tilespmem:$0x1FF70] =	vst v56  }
0x2b: {  	s1 =	sor.u32 $0x230, s15;
	v28 =	vor.u32 s4, v0;
	[tilespmem:$0x1FC20] =	vst v63  }
0x2c: {  	s3 =	sor.u32 $0x250, s15;
	v35 =	vor.u32 s1, v0;
	[tilespmem:$0x1FDB0] =	vst v28  }
0x2d: {  	s28 =	sor.u32 $0x2D0, s15;
	v37 =	vor.u32 s3, v0;
	[tilespmem:$0x1FE20] =	vst v35  }
0x2e: {  	s29 =	sor.u32 $0x2E0, s15;
	v45 =	vor.u32 s28, v0;
	[tilespmem:$0x1FE40] =	vst v37  }
0x2f: {  	s30 =	sor.u32 $0x310, s15;
	v47 =	vor.u32 s29, v0;
	[tilespmem:$0x1FEC0] =	vst v45  }
0x30: {  	s31 =	sor.u32 $0x320, s15;
	v50 =	vor.u32 s30, v0;
	[tilespmem:$0x1FEE0] =	vst v47  }
0x31: {  	s20 =	sor.u32 $0x330, s15;
	v51 =	vor.u32 s31, v0;
	[tilespmem:$0x1FF10] =	vst v50  }
0x32: {  	s2 =	sor.u32 $0x350, s15;
	v52 =	vor.u32 s20, v0;
	[tilespmem:$0x1FF20] =	vst v51  }
0x33: {  	s22 =	sshll.u32 s16, $0x4;
	s21 =	simm.s32 $0x4000;
	s26 =	sor.u32 $0x3C0, s15;
	v54 =	vor.u32 s2, v0;
	[tilespmem:$0x1FF30] =	vst v52  }
0x34: {  	s8 =	sadd.s32 s12, s11;
	[dreg:$0xf] =	wrdreg s6;
	s6 =	sor.u32 $0x130, s15;
	v61 =	vor.u32 s26, v0;
	[tilespmem:$0x1FF50] =	vst v54  }
0x35: {  	s11 =	sadd.s32 s11, s13;
	[dreg:$0xc] =	wrdreg s7;
	s7 =	sor.u32 $0x140, s15;
	v19 =	vor.u32 s6, v0;
	[tilespmem:$0x1FFC0] =	vst v61  }
0x36: {  	s12 =	sadd.s32 s12, s22;
	[dreg:$0x8] =	wrdreg s8;
	s8 =	sor.u32 $0x150, s15;
	v20 =	vor.u32 s7, v0;
	[tilespmem:$0x1FD20] =	vst v19  }
0x37: {  	s13 =	sadd.s32 s22, s13;
	s10 =	sor.u32 $0x3E0, s15;
	s9 =	sor.u32 $0x180, s15;
	v21 =	vor.u32 s8, v0;
	[tilespmem:$0x1FD30] =	vst v20  }
0x38: {  	s22 =	stileid.u32;
	s24 =	rddreg [dreg:$0xe];
	s4 =	sor.u32 $0x2C0, s15;
	v24 =	vor.u32 s9, v0;
	[tilespmem:$0x1FD40] =	vst v21  }
0x39: {  	s25 =	rddreg [dreg:$0xd];
	s19 =	simm.s32 $0x10000;
	s1 =	sor.u32 $0x360, s15;
	v44 =	vor.u32 s4, v0;
	[tilespmem:$0x1FD70] =	vst v24  }
0x3a: {  	s0 =	simm.s32 $0x10080;
	s3 =	sor.u32 $0x380, s15;
	s28 =	rddreg [dreg:$0x5];
	v55 =	vor.u32 s1, v0;
	[tilespmem:$0x1FEB0] =	vst v44  }
0x3b: {  	p0 =	sne.s32 s22, $0x0;
	s23 =	sshll.u32 s22, $0x4;
	s29 =	rddreg [dreg:$0x6];
	v57 =	vor.u32 s3, v0;
	[tilespmem:$0x1FF60] =	vst v55  }
0x3c: {  	s14 =	sadd.s32 $0x1A00, s24;
	s18 =	smax.u32 s25, $0x1;
	s6 =	sor.u32 $0x260, s15;
	v63 =	vor.u32 s10, v0;
	[tilespmem:$0x1FF80] =	vst v57  }
0x3d: {  	s20 =	simm.s32 $0x3;
	s22 =	simm.s32 $0x8000;
	s7 =	sor.u32 $0x270, s15;
	v38 =	vor.u32 s6, v0;
	[tilespmem:$0x1FFE0] =	vst v63  }
0x3e: {  	s24 =	simm.s32 $0x1;
	s25 =	simm.s32 $0x2;
	s8 =	sor.u32 $0x280, s15;
	v39 =	vor.u32 s7, v0;
	[tilespmem:$0x1FE50] =	vst v38  }
0x3f: {  	s30 =	simm.s32 $0x100C0;
	s31 =	simm.s32 $0x101C0;
	s9 =	sor.u32 $0x2A0, s15;
	v40 =	vor.u32 s8, v0;
	[tilespmem:$0x1FE60] =	vst v39  }
0x40: {  	s2 =	simm.s32 $0x0;
	s4 =	sor.u32 $0x3F0, s15;
	s6 =	sor.u32 $0x390, s15;
	v42 =	vor.u32 s9, v0;
	[tilespmem:$0x1FE70] =	vst v40  }
0x41: {  	s16 =	sadd.s32 s23, s29;
	s17 =	rddreg [dreg:$0xf];
	s7 =	sor.u32 $0x3A0, s15;
	[tilespmem:$0x1FE90] =	vst v42;
	v58 =	vor.u32 s6, v0  }
.Ltmp0:
0x42: {  	s26 =	rddreg [dreg:$0xc];
	s8 =	sor.u32 $0x3B0, s15;
	v59 =	vor.u32 s7, v0;
	[tilespmem:$0x1FF90] =	vst v58;
	(pc) =	sbr.rel .LBB2_1-.Ltmp0, $4  }
0x43: {  	s10 =	rddreg [dreg:$0xb];
	s1 =	simm.s32 $0x102C0;
	s9 =	sor.u32 $0x3D0, s15;
	v60 =	vor.u32 s8, v0;
	[tilespmem:$0x1FFA0] =	vst v59  }
0x44: {  	s15 =	sadd.s32 s23, s28;
	s23 =	simm.s32 $0xC000;
	s6 =	rddreg [dreg:$0x2];
	v62 =	vor.u32 s9, v0;
	[tilespmem:$0x1FFB0] =	vst v60  }
0x45: {  	s7 =	smov.u32 s28;
	s8 =	smov.u32 s29;
	s9 =	rddreg [dreg:$0xa];
	v0 =	vor.u32 s4, v0;
	[tilespmem:$0x1FFD0] =	vst v62  }
0x46: {  	s28 =	simm.s32 $0x4;
	s29 =	simm.s32 $0x10090;
	s4 =	rddreg [dreg:$0x1];
	[tilespmem:$0x1FFF0] =	vst v0  }
.LBB2_11:
0x47: {  	s2 =	sadd.s32 $0x1, s2  }
0x48: {  	p1 =	sne.s32 s2, s18  }
.Ltmp1:
0x49: {  	_ = 	snop;
	(pc) =	sbr.rel @!p1 .LBB2_12-.Ltmp1, $1  }
0x4a: {  	_ =	sdelay $0x3  }
.LBB2_1:
0x4b: {  	[tilespmem:s19], [sflag:$0x3] =	stream.linear.gather [hbm4b:s4+s5], $0x80, $0x38;
	[tilespmem:$0x10AC0] =	vst v63  }
0x4c: {  	_ =	swait.ge [sflag:s20], $0x80  }
0x4d: {  	[sflag:s20] =	ssyncset.done $0x0  }
0x4e: {  	[sflag:s20] =	ssyncadd.s32 $0xFFFFFF80  }
0x4f: {  	[tilespmem:s5], [sflag:$0x1] =	stream.linear.gather [hbm4b:s9+s5], $0x4000, $0x38;
	[tilespmem:$0x10AC0] =	vst v63  }
0x50: {  	_ = 	snop  }
0x51: {  	[tilespmem:s21], [sflag:$0x1] =	stream.linear.gather [hbm4b:s10+s5], $0x4000, $0x38;
	[tilespmem:$0x10AC0] =	vst v63  }
0x52: {  	_ = 	snop  }
0x53: {  	[tilespmem:s22], [sflag:$0x2] =	stream.linear.gather [hbm4b:s17+s5], $0x4000, $0x38;
	[tilespmem:$0x10AC0] =	vst v63  }
0x54: {  	_ = 	snop  }
0x55: {  	v0 =	vlaneseq.u32;
	[tilespmem:s23], [sflag:$0x2] =	stream.linear.gather [hbm4b:s26+s5], $0x4000, $0x38;
	[tilespmem:$0x10AC0] =	vst v63  }
0x56: {  	v2 =	vmul.u32 $0x80, v0;
	_ =	swait.ge [sflag:s24], $0x4000  }
0x57: {  	[sflag:s24] =	ssyncset.done $0x0  }
0x58: {  	v13 =	vor.u32 v2, v0;
	v5 =	vor.u32 $0x1000, v2;
	[sflag:s24] =	ssyncadd.s32 $0xFFFFC000  }
0x59: {  	v28 =	vimm.f32 $0.0e+00;
	v7 =	vor.u32 $0x1800, v2;
	v19 =	vor.u32 v5, v0;
	_ =	swait.ge [sflag:s24], $0x4000  }
0x5a: {  	v33 =	vimm.f32 $0.0e+00;
	v15 =	vor.u32 $0x4000, v2;
	v20 =	vor.u32 v7, v0;
	[sflag:s24] =	ssyncset.done $0x0  }
0x5b: {  	v30 =	vimm.f32 $0.0e+00;
	v6 =	vor.u32 $0x2000, v2;
	v24 =	vor.u32 v15, v0;
	[sflag:s24] =	ssyncadd.s32 $0xFFFFC000  }
0x5c: {  	v31 =	vimm.f32 $0.0e+00;
	v12 =	vor.u32 $0x7000, v2;
	v21 =	vor.u32 v6, v0;
	v1 =	vld.idx.msk [tilespmem:v0+s19+$0x0], $0xffff  }
0x5d: {  	v32 =	vimm.f32 $0.0e+00;
	v16 =	vor.u32 $0x5800, v2;
	v27 =	vor.u32 v12, v0;
	v23 =	vld.idx.msk [tilespmem:v13+s5+$0x0], $0xffff  }
0x5e: {  	v29 =	vimm.f32 $0.0e+00;
	v9 =	vor.u32 $0x3000, v2;
	v26 =	vor.u32 v16, v0;
	v19 =	vld.idx.msk [tilespmem:v19+s5+$0x0], $0xffff  }
0x5f: {  	v35 =	vadd.s32 $0x1, v0;
	v4 =	vor.u32 $0x800, v2;
	v22 =	vor.u32 v9, v0;
	v43 =	vld.idx.msk [tilespmem:v20+s5+$0x0], $0xffff  }
0x60: {  	v8 =	vor.u32 $0x7800, v2;
	v11 =	vor.u32 $0x4800, v2;
	v17 =	vor.u32 v4, v0;
	v47 =	vld.idx.msk [tilespmem:v24+s5+$0x0], $0xffff  }
0x61: {  	v10 =	vor.u32 $0x6000, v2;
	v14 =	vor.u32 $0x5000, v2;
	v38 =	vor.u32 v11, v0;
	v42 =	vld.idx.msk [tilespmem:v21+s5+$0x0], $0xffff  }
0x62: {  	v40 =	vor.u32 v10, v0;
	v46 =	vor.u32 v14, v0;
	v20 =	vor.u32 v8, v0;
	v37 =	vld.idx.msk [tilespmem:v27+s5+$0x0], $0xffff  }
0x63: {  	v13 =	vor.u32 $0x3800, v2;
	v41 =	vld.idx.msk [tilespmem:v26+s5+$0x0], $0xffff;
	v27 =	vimm.f32 $0.0e+00;
	v26 =	vimm.f32 $0.0e+00  }
0x64: {  	v39 =	vld.idx.msk [tilespmem:v22+s5+$0x0], $0xffff;
	v21 =	vimm.f32 $0.0e+00;
	v22 =	vimm.f32 $0.0e+00;
	v36 =	vor.u32 v13, v0  }
0x65: {  	v44 =	vld.idx.msk [tilespmem:v17+s5+$0x0], $0xffff;
	v3 =	vshrl.u32 v1, $0x10;
	v25 =	vshrl.u32 v23, $0x10;
	v53 =	vshrl.u32 v43, $0x10  }
0x66: {  	v52 =	vshrl.u32 v47, $0x10;
	v18 =	vand.u32 $0x1, v3;
	v3 =	vor.u32 $0x2800, v2  }
0x67: {  	v49 =	vld.idx.msk [tilespmem:v20+s5+$0x0], $0xffff;
	v20 =	vimm.f32 $0.0e+00;
	v24 =	vand.u32 $0x1, v25;
	v17 =	vmovc v3;
	v1 =	vadd.s32 v18, v1  }
0x68: {  	v3 =	vor.u32 $0x6800, v2;
	v18 =	vor.u32 v17, v0;
	v1 =	vadd.s32 $0x7FFF, v1  }
0x69: {  	v45 =	vor.u32 v3, v0;
	v25 =	vand.u32 $0xFFFF0000, v1;
	v1 =	vadd.s32 v24, v23  }
0x6a: {  	v23 =	vshrl.u32 v19, $0x10;
	v24 =	vshrl.u32 v44, $0x10;
	v1 =	vadd.s32 $0x7FFF, v1  }
0x6b: {  	v23 =	vand.u32 $0x1, v23;
	v50 =	vand.u32 $0x1, v24;
	v24 =	vimm.f32 $0.0e+00  }
0x6c: {  	v38 =	vld.idx.msk [tilespmem:v38+s5+$0x0], $0xffff;
	v1 =	vand.u32 $0xFFFF0000, v1;
	v19 =	vadd.s32 v23, v19;
	v23 =	vimm.f32 $0.0e+00  }
0x6d: {  	v51 =	vmul.f32 v1, v25;
	v1 =	vadd.s32 $0x7FFF, v19;
	v19 =	vimm.f32 $0.0e+00;
	v48 =	vld.idx.msk [tilespmem:v18+s5+$0x0], $0xffff  }
0x6e: {  	s3 =	simm.s32 $0x7F;
	v36 =	vld.idx.msk [tilespmem:v36+s5+$0x0], $0xffff;
	v34 =	vand.u32 $0xFFFF0000, v1;
	v1 =	vimm.f32 $0.0e+00;
	v18 =	vimm.f32 $0.0e+00  }
.LBB2_2:
0x6f: {  	p1 =	sne.s32 s3, $0x1;
	s3 =	sadd.s32 $0xFFFFFFFF, s3;
	v28 =	vadd.f32 v51, v28;
	v51 =	vand.u32 $0x1, v53;
	v45 =	vld.idx.msk [tilespmem:v45+s5+$0x0], $0xffff;
	v35 =	vand.u32 $0x7F, v35  }
0x70: {  	v44 =	vadd.s32 v50, v44;
	v50 =	vshrl.u32 v39, $0x10;
	v52 =	vand.u32 $0x1, v52;
	v46 =	vld.idx.msk [tilespmem:v46+s5+$0x0], $0xffff  }
0x71: {  	v47 =	vadd.s32 v52, v47;
	v52 =	vshrl.u32 v37, $0x10;
	v53 =	vshrl.u32 v49, $0x10;
	v40 =	vld.idx.msk [tilespmem:v40+s5+$0x0], $0xffff  }
0x72: {  	v54 =	vshrl.u32 v42, $0x10;
	v55 =	vshrl.u32 v48, $0x10;
	v53 =	vand.u32 $0x1, v53  }
0x73: {  	v43 =	vadd.s32 v51, v43;
	v51 =	vand.u32 $0x1, v55;
	v49 =	vadd.s32 v53, v49  }
0x74: {  	v47 =	vadd.s32 $0x7FFF, v47;
	v53 =	vand.u32 $0x1, v54;
	v54 =	vshrl.u32 v41, $0x10  }
0x75: {  	v43 =	vadd.s32 $0x7FFF, v43;
	v42 =	vadd.s32 v53, v42;
	v48 =	vadd.s32 v51, v48  }
0x76: {  	v50 =	vand.u32 $0x1, v50;
	v43 =	vand.u32 $0xFFFF0000, v43;
	v51 =	vshrl.u32 v38, $0x10  }
0x77: {  	v44 =	vadd.s32 $0x7FFF, v44;
	v43 =	vmul.f32 v43, v25;
	v53 =	vshrl.u32 v46, $0x10  }
0x78: {  	v47 =	vand.u32 $0xFFFF0000, v47;
	v54 =	vand.u32 $0x1, v54;
	v55 =	vshrl.u32 v45, $0x10  }
0x79: {  	v39 =	vadd.s32 v50, v39;
	v33 =	vadd.f32 v43, v33;
	v43 =	vand.u32 $0x1, v51  }
0x7a: {  	v39 =	vadd.s32 $0x7FFF, v39;
	v48 =	vadd.s32 $0x7FFF, v48;
	v41 =	vadd.s32 v54, v41  }
0x7b: {  	v44 =	vand.u32 $0xFFFF0000, v44;
	v50 =	vshrl.u32 v36, $0x10;
	v39 =	vand.u32 $0xFFFF0000, v39  }
0x7c: {  	v47 =	vmul.f32 v47, v25;
	v39 =	vmul.f32 v39, v25;
	v41 =	vadd.s32 $0x7FFF, v41  }
0x7d: {  	v44 =	vmul.f32 v44, v25;
	v50 =	vand.u32 $0x1, v50;
	v41 =	vand.u32 $0xFFFF0000, v41  }
0x7e: {  	v31 =	vadd.f32 v47, v31;
	v30 =	vadd.f32 v39, v30;
	v39 =	vmul.f32 v41, v25  }
0x7f: {  	v32 =	vadd.f32 v44, v32;
	v44 =	vand.u32 $0x1, v52;
	v41 =	vshrl.u32 v40, $0x10  }
0x80: {  	v47 =	vand.u32 $0xFFFF0000, v48;
	v37 =	vadd.s32 v44, v37;
	v29 =	vadd.f32 v39, v29  }
0x81: {  	v44 =	vand.u32 $0x1, v53;
	v39 =	vmul.f32 v47, v25;
	v47 =	vadd.s32 $0x7FFF, v49  }
0x82: {  	v44 =	vadd.s32 v44, v46;
	v41 =	vand.u32 $0x1, v41;
	v46 =	vand.u32 $0xFFFF0000, v47  }
0x83: {  	v42 =	vadd.s32 $0x7FFF, v42;
	v40 =	vadd.s32 v41, v40;
	v41 =	vand.u32 $0x1, v55  }
0x84: {  	v42 =	vand.u32 $0xFFFF0000, v42;
	v40 =	vadd.s32 $0x7FFF, v40;
	v46 =	vmul.f32 v46, v25  }
0x85: {  	v37 =	vadd.s32 $0x7FFF, v37;
	v27 =	vadd.f32 v39, v27;
	v39 =	vadd.s32 v41, v45  }
0x86: {  	v38 =	vadd.s32 v43, v38;
	v37 =	vand.u32 $0xFFFF0000, v37;
	v39 =	vadd.s32 $0x7FFF, v39  }
0x87: {  	v36 =	vadd.s32 v50, v36;
	v39 =	vand.u32 $0xFFFF0000, v39;
	v26 =	vadd.f32 v46, v26;
	v41 =	vld.idx.msk [tilespmem:v35+s19+$0x0], $0xffff  }
0x88: {  	v36 =	vadd.s32 $0x7FFF, v36;
	v42 =	vmul.f32 v42, v25;
	v38 =	vadd.s32 $0x7FFF, v38  }
0x89: {  	v38 =	vand.u32 $0xFFFF0000, v38;
	v43 =	vadd.s32 $0x7FFF, v44;
	v40 =	vand.u32 $0xFFFF0000, v40  }
0x8a: {  	v36 =	vand.u32 $0xFFFF0000, v36;
	v37 =	vmul.f32 v37, v25;
	v39 =	vmul.f32 v39, v25  }
0x8b: {  	v34 =	vmul.f32 v34, v25;
	v38 =	vmul.f32 v38, v25;
	v43 =	vand.u32 $0xFFFF0000, v43  }
0x8c: {  	v36 =	vmul.f32 v36, v25;
	v20 =	vadd.f32 v37, v20;
	v24 =	vadd.f32 v39, v24  }
0x8d: {  	v21 =	vadd.f32 v34, v21;
	v22 =	vadd.f32 v38, v22;
	v37 =	vshrl.u32 v41, $0x10  }
0x8e: {  	v1 =	vadd.f32 v36, v1;
	v34 =	vmul.f32 v40, v25  }
0x8f: {  	v23 =	vadd.f32 v42, v23;
	v25 =	vmul.f32 v43, v25;
	v36 =	vand.u32 $0x1, v37  }
0x90: {  	v18 =	vadd.f32 v34, v18  }
0x91: {  	v34 =	vor.u32 v2, v35;
	v19 =	vadd.f32 v25, v19  }
0x92: {  	v25 =	vor.u32 v4, v35  }
0x93: {  	v38 =	vor.u32 v7, v35;
	v39 =	vor.u32 v6, v35;
	v37 =	vor.u32 v5, v35;
	_ =	sdelay $0x1  }
0x94: {  	v46 =	vor.u32 v9, v35  }
0x95: {  	v34 =	vld.idx.msk [tilespmem:v34+s5+$0x0], $0xffff  }
0x96: {  	v52 =	vor.u32 v13, v35;
	v44 =	vld.idx.msk [tilespmem:v25+s5+$0x0], $0xffff;
	v25 =	vor.u32 v15, v35  }
0x97: {  	v49 =	vor.u32 v16, v35;
	v48 =	vld.idx.msk [tilespmem:v37+s5+$0x0], $0xffff;
	v37 =	vor.u32 v12, v35  }
0x98: {  	v54 =	vor.u32 v11, v35;
	v45 =	vor.u32 v3, v35;
	v40 =	vor.u32 v10, v35;
	v42 =	vld.idx.msk [tilespmem:v39+s5+$0x0], $0xffff  }
0x99: {  	v50 =	vor.u32 v8, v35;
	v36 =	vadd.s32 v36, v41;
	v43 =	vld.idx.msk [tilespmem:v38+s5+$0x0], $0xffff;
	v38 =	vor.u32 v17, v35  }
0x9a: {  	v36 =	vadd.s32 $0x7FFF, v36;
	v39 =	vld.idx.msk [tilespmem:v46+s5+$0x0], $0xffff;
	v46 =	vor.u32 v14, v35  }
0x9b: {  	v41 =	vshrl.u32 v34, $0x10;
	v47 =	vld.idx.msk [tilespmem:v25+s5+$0x0], $0xffff  }
0x9c: {  	v25 =	vand.u32 $0xFFFF0000, v36;
	v36 =	vand.u32 $0x1, v41;
	v37 =	vld.idx.msk [tilespmem:v37+s5+$0x0], $0xffff  }
.Ltmp2:
0x9d: {  	v34 =	vadd.s32 v36, v34;
	v36 =	vshrl.u32 v44, $0x10;
	v51 =	vshrl.u32 v48, $0x10;
	v41 =	vld.idx.msk [tilespmem:v49+s5+$0x0], $0xffff;
	(pc) =	sbr.rel @p1 .LBB2_2-.Ltmp2, $4  }
0x9e: {  	v34 =	vadd.s32 $0x7FFF, v34;
	v51 =	vand.u32 $0x1, v51;
	v49 =	vld.idx.msk [tilespmem:v50+s5+$0x0], $0xffff  }
0x9f: {  	v34 =	vand.u32 $0xFFFF0000, v34;
	v50 =	vand.u32 $0x1, v36;
	v36 =	vadd.s32 v51, v48;
	v48 =	vld.idx.msk [tilespmem:v38+s5+$0x0], $0xffff  }
0xa0: {  	v53 =	vshrl.u32 v43, $0x10;
	v51 =	vmul.f32 v34, v25;
	v34 =	vadd.s32 $0x7FFF, v36;
	v36 =	vld.idx.msk [tilespmem:v52+s5+$0x0], $0xffff  }
0xa1: {  	v35 =	vadd.s32 $0x1, v35;
	v34 =	vand.u32 $0xFFFF0000, v34;
	v52 =	vshrl.u32 v47, $0x10;
	v38 =	vld.idx.msk [tilespmem:v54+s5+$0x0], $0xffff  }
0xa2: {  	v0 =	vadd.f32 v51, v28  }
0xa3: {  	v28 =	vand.u32 $0x1, v53;
	v35 =	vadd.s32 v50, v44;
	v56 =	vshrl.u32 v39, $0x10  }
0xa4: {  	v57 =	vand.u32 $0x1, v52;
	v50 =	vshrl.u32 v37, $0x10;
	v59 =	vshrl.u32 v42, $0x10  }
0xa5: {  	v63 =	vshrl.u32 v41, $0x10;
	v34 =	vmul.f32 v34, v25;
	v47 =	vadd.s32 v57, v47  }
0xa6: {  	v58 =	vshrl.u32 v49, $0x10;
	v28 =	vadd.s32 v28, v43;
	v62 =	vand.u32 $0x1, v59  }
0xa7: {  	v44 =	vand.u32 $0x1, v56;
	v35 =	vadd.s32 $0x7FFF, v35;
	v28 =	vadd.s32 $0x7FFF, v28  }
0xa8: {  	v52 =	vand.u32 $0x1, v63;
	v60 =	vshrl.u32 v48, $0x10;
	v28 =	vand.u32 $0xFFFF0000, v28  }
0xa9: {  	v51 =	vand.u32 $0x1, v58;
	v47 =	vadd.s32 $0x7FFF, v47;
	v28 =	vmul.f32 v28, v25  }
0xaa: {  	v42 =	vadd.s32 v62, v42;
	v62 =	vadd.s32 v52, v41;
	v35 =	vand.u32 $0xFFFF0000, v35  }
0xab: {  	[tilespmem:$0x1FB00] =	vst v0;
	v61 =	vand.u32 $0x1, v60;
	v0 =	vadd.f32 v28, v33;
	v28 =	vadd.s32 v44, v39  }
0xac: {  	v45 =	vld.idx.msk [tilespmem:v45+s5+$0x0], $0xffff;
	v49 =	vadd.s32 v51, v49;
	v47 =	vand.u32 $0xFFFF0000, v47;
	v28 =	vadd.s32 $0x7FFF, v28  }
0xad: {  	v63 =	vshrl.u32 v36, $0x10;
	v41 =	vadd.s32 $0x7FFF, v62;
	v28 =	vand.u32 $0xFFFF0000, v28  }
0xae: {  	v46 =	vld.idx.msk [tilespmem:v46+s5+$0x0], $0xffff;
	v35 =	vmul.f32 v35, v25;
	v54 =	vadd.s32 $0x7FFF, v42;
	v28 =	vmul.f32 v28, v25  }
0xaf: {  	v60 =	vld.idx.msk [tilespmem:v40+s5+$0x0], $0xffff;
	v43 =	vadd.s32 v61, v48;
	v56 =	vshrl.u32 v38, $0x10;
	v48 =	vmul.f32 v47, v25  }
0xb0: {  	v41 =	vand.u32 $0xFFFF0000, v41;
	v52 =	vadd.s32 $0x7FFF, v49;
	[tilespmem:$0x1FB10] =	vst v0;
	v0 =	vadd.f32 v28, v30  }
0xb1: {  	v58 =	vshrl.u32 v45, $0x10;
	v61 =	vadd.s32 $0x7FFF, v43;
	v43 =	vand.u32 $0x1, v63  }
0xb2: {  	v59 =	vand.u32 $0x1, v56;
	v56 =	vadd.s32 v43, v36;
	[tilespmem:$0x1FB20] =	vst v0;
	v0 =	vadd.f32 v48, v31  }
0xb3: {  	v57 =	vshrl.u32 v46, $0x10;
	v55 =	vand.u32 $0x1, v58;
	v58 =	vadd.s32 $0x7FFF, v56  }
0xb4: {  	v28 =	vmul.f32 v41, v25;
	v30 =	vshrl.u32 v60, $0x10;
	[tilespmem:$0x1FB30] =	vst v0;
	v0 =	vadd.f32 v35, v32  }
0xb5: {  	v30 =	vand.u32 $0x1, v30;
	v31 =	vand.u32 $0x1, v50;
	v50 =	vand.u32 $0xFFFF0000, v61  }
0xb6: {  	s3 =	rddreg [dreg:$0x8];
	v30 =	vadd.s32 v30, v60;
	[tilespmem:$0x1FB40] =	vst v0;
	v0 =	vadd.f32 v28, v29;
	v29 =	vmul.f32 v50, v25  }
0xb7: {  	[tilespmem:s5], [sflag:$0x1] =	stream.linear.gather [hbm4b:s3+s5], $0x4000, $0x38;
	v30 =	vadd.s32 $0x7FFF, v30;
	v32 =	vand.u32 $0xFFFF0000, v52;
	v35 =	vand.u32 $0xFFFF0000, v54;
	[tilespmem:$0x10AC0] =	vst v63  }
0xb8: {  	v30 =	vand.u32 $0xFFFF0000, v30;
	[tilespmem:$0x1FB50] =	vst v0;
	v0 =	vadd.f32 v29, v27;
	v27 =	vadd.s32 v55, v45  }
0xb9: {  	[tilespmem:s21], [sflag:$0x1] =	stream.linear.gather [hbm4b:s11+s5], $0x4000, $0x38;
	v32 =	vmul.f32 v32, v25;
	v28 =	vadd.s32 v31, v37;
	v27 =	vadd.s32 $0x7FFF, v27;
	[tilespmem:$0x10AC0] =	vst v63  }
0xba: {  	v31 =	vand.u32 $0x1, v57;
	v57 =	vlaneseq.u32;
	[tilespmem:$0x1FB60] =	vst v0;
	v27 =	vand.u32 $0xFFFF0000, v27  }
0xbb: {  	v28 =	vadd.s32 $0x7FFF, v28;
	v0 =	vadd.f32 v32, v26;
	_ =	swait.ge [sflag:s25], $0x4000;
	v27 =	vmul.f32 v27, v25  }
0xbc: {  	v31 =	vadd.s32 v31, v46;
	v61 =	vor.u32 v6, v57;
	v28 =	vand.u32 $0xFFFF0000, v28;
	[sflag:s25] =	ssyncset.done $0x0  }
0xbd: {  	v29 =	vadd.s32 v59, v38;
	v28 =	vmul.f32 v28, v25;
	[tilespmem:$0x1FB70] =	vst v0;
	[sflag:s25] =	ssyncadd.s32 $0xFFFFC000;
	v0 =	vadd.f32 v27, v24  }
0xbe: {  	v31 =	vadd.s32 $0x7FFF, v31;
	v59 =	vor.u32 v8, v57;
	v29 =	vadd.s32 $0x7FFF, v29;
	_ =	swait.ge [sflag:s25], $0x4000  }
0xbf: {  	v31 =	vand.u32 $0xFFFF0000, v31;
	v26 =	vmul.f32 v35, v25;
	[tilespmem:$0x1FB80] =	vst v0;
	v0 =	vadd.f32 v28, v20  }
0xc0: {  	v29 =	vand.u32 $0xFFFF0000, v29;
	v20 =	vmul.f32 v30, v25;
	v30 =	vor.u32 v13, v57  }
0xc1: {  	v32 =	vand.u32 $0xFFFF0000, v58;
	v29 =	vmul.f32 v29, v25;
	[sflag:s25] =	ssyncset.done $0x0;
	[tilespmem:$0x1FB90] =	vst v0;
	v0 =	vadd.f32 v34, v21  }
0xc2: {  	v27 =	vmul.f32 v32, v25;
	[sflag:s25] =	ssyncadd.s32 $0xFFFFC000;
	v21 =	vmul.f32 v31, v25;
	v31 =	vor.u32 v7, v57  }
0xc3: {  	v24 =	vld.idx.msk [tilespmem:v57+s19+$0x0], $0xffff;
	v25 =	vor.u32 v3, v57;
	[tilespmem:$0x1FBA0] =	vst v0;
	v0 =	vadd.f32 v29, v22  }
0xc4: {  	v62 =	vor.u32 v2, v57;
	v54 =	vor.u32 v4, v57;
	v22 =	vld.idx.msk [tilespmem:v59+s22+$0x0], $0xffff;
	v29 =	vor.u32 v9, v57  }
0xc5: {  	v36 =	vld.idx.msk [tilespmem:v30+s22+$0x0], $0xffff;
	[tilespmem:$0x1FBB0] =	vst v0;
	v0 =	vadd.f32 v27, v1;
	v1 =	vor.u32 v16, v57  }
0xc6: {  	v35 =	vimm.f32 $0.0e+00;
	v32 =	vimm.f32 $0.0e+00;
	v41 =	vld.idx.msk [tilespmem:v61+s22+$0x0], $0xffff;
	v27 =	vor.u32 v14, v57  }
0xc7: {  	v34 =	vimm.f32 $0.0e+00;
	v47 =	vld.idx.msk [tilespmem:v31+s22+$0x0], $0xffff;
	[tilespmem:$0x1FBC0] =	vst v0;
	v0 =	vadd.f32 v26, v23;
	v26 =	vor.u32 v11, v57  }
0xc8: {  	v30 =	vimm.f32 $0.0e+00;
	v37 =	vld.idx.msk [tilespmem:v25+s22+$0x0], $0xffff;
	v31 =	vimm.f32 $0.0e+00;
	v23 =	vor.u32 v15, v57  }
0xc9: {  	v43 =	vld.idx.msk [tilespmem:v29+s22+$0x0], $0xffff;
	v29 =	vimm.f32 $0.0e+00;
	[tilespmem:$0x1FBD0] =	vst v0;
	v0 =	vadd.f32 v20, v18;
	v18 =	vor.u32 v12, v57  }
0xca: {  	v20 =	vimm.f32 $0.0e+00;
	v49 =	vshrl.u32 v36, $0x10;
	v60 =	vld.idx.msk [tilespmem:v1+s22+$0x0], $0xffff;
	v1 =	vshrl.u32 v22, $0x10  }
0xcb: {  	v40 =	vld.idx.msk [tilespmem:v27+s22+$0x0], $0xffff;
	[tilespmem:$0x1FBE0] =	vst v0;
	v0 =	vadd.f32 v21, v19;
	v19 =	vshrl.u32 v24, $0x10;
	v21 =	vor.u32 v10, v57  }
0xcc: {  	v1 =	vand.u32 $0x1, v1;
	v44 =	vshrl.u32 v47, $0x10;
	v19 =	vand.u32 $0x1, v19;
	v28 =	vld.idx.msk [tilespmem:v26+s22+$0x0], $0xffff  }
0xcd: {  	v1 =	vadd.s32 v1, v22;
	v42 =	vld.idx.msk [tilespmem:v23+s22+$0x0], $0xffff;
	v23 =	vor.u32 v5, v57;
	v26 =	vshrl.u32 v37, $0x10  }
0xce: {  	v22 =	vadd.s32 $0x7FFF, v1;
	v45 =	vand.u32 $0x1, v26;
	v26 =	vshrl.u32 v41, $0x10  }
0xcf: {  	v63 =	vld.idx.msk [tilespmem:v18+s22+$0x0], $0xffff;
	v18 =	vadd.s32 v19, v24;
	v19 =	vor.u32 v17, v57;
	v50 =	vand.u32 $0x1, v26  }
0xd0: {  	v26 =	vimm.f32 $0.0e+00;
	v18 =	vadd.s32 $0x7FFF, v18;
	v24 =	vshrl.u32 v60, $0x10;
	v21 =	vld.idx.msk [tilespmem:v21+s22+$0x0], $0xffff  }
0xd1: {  	v27 =	vshrl.u32 v40, $0x10;
	v1 =	vand.u32 $0xFFFF0000, v18;
	v18 =	vand.u32 $0xFFFF0000, v22  }
0xd2: {  	v22 =	vadd.s32 $0x1, v57;
	v51 =	vand.u32 $0x1, v27;
	v27 =	vimm.f32 $0.0e+00  }
0xd3: {  	v18 =	vmul.f32 v18, v1;
	v33 =	vand.u32 $0x7F, v22;
	v22 =	vand.u32 $0x1, v24;
	v53 =	vld.idx.msk [tilespmem:v23+s22+$0x0], $0xffff  }
0xd4: {  	v23 =	vimm.f32 $0.0e+00;
	v46 =	vadd.s32 v22, v60;
	v24 =	vshrl.u32 v63, $0x10;
	v39 =	vld.idx.msk [tilespmem:v19+s22+$0x0], $0xffff  }
0xd5: {  	v18 =	vadd.f32 v18, v20;
	v24 =	vand.u32 $0x1, v24;
	v25 =	vshrl.u32 v21, $0x10  }
0xd6: {  	v19 =	vshrl.u32 v42, $0x10;
	v24 =	vadd.s32 v24, v63;
	v25 =	vand.u32 $0x1, v25  }
0xd7: {  	v52 =	vand.u32 $0x1, v19;
	v24 =	vadd.s32 $0x7FFF, v24;
	v21 =	vadd.s32 v25, v21  }
0xd8: {  	v55 =	vld.idx.msk [tilespmem:v62+s22+$0x0], $0xffff;
	v25 =	vshrl.u32 v28, $0x10;
	v24 =	vand.u32 $0xFFFF0000, v24;
	v21 =	vadd.s32 $0x7FFF, v21  }
0xd9: {  	v48 =	vshrl.u32 v39, $0x10;
	v38 =	vand.u32 $0x1, v25;
	v21 =	vand.u32 $0xFFFF0000, v21  }
0xda: {  	v19 =	vmul.f32 v21, v1;
	v21 =	vmul.f32 v24, v1;
	v24 =	vshrl.u32 v43, $0x10  }
0xdb: {  	v54 =	vld.idx.msk [tilespmem:v54+s22+$0x0], $0xffff;
	v25 =	vimm.f32 $0.0e+00;
	v56 =	vand.u32 $0x1, v24;
	v24 =	vimm.f32 $0.0e+00  }
0xdc: {  	s3 =	simm.s32 $0x7F;
	[tilespmem:$0x1FBF0] =	vst v0;
	v22 =	vadd.f32 v19, v20;
	v19 =	vadd.f32 v21, v20;
	v21 =	vimm.f32 $0.0e+00  }
.LBB2_4:
0xdd: {  	v57 =	vld.idx.msk [tilespmem:v33+s19+$0x0], $0xffff;
	p1 =	sne.s32 s3, $0x1;
	s3 =	sadd.s32 $0xFFFFFFFF, s3;
	v58 =	vshrl.u32 v55, $0x10;
	v59 =	vand.u32 $0x1, v44;
	v56 =	vadd.s32 v56, v43;
	v43 =	vmovc v33  }
0xde: {  	v60 =	vor.u32 v16, v33;
	v61 =	vor.u32 v8, v33;
	v58 =	vand.u32 $0x1, v58  }
0xdf: {  	v44 =	vor.u32 v15, v33;
	v55 =	vadd.s32 v58, v55;
	v58 =	vshrl.u32 v53, $0x10  }
0xe0: {  	v47 =	vadd.s32 v59, v47;
	v62 =	vshrl.u32 v54, $0x10;
	v55 =	vadd.s32 $0x7FFF, v55  }
0xe1: {  	v42 =	vadd.s32 v52, v42;
	v40 =	vadd.s32 v51, v40;
	v55 =	vand.u32 $0xFFFF0000, v55  }
0xe2: {  	v42 =	vadd.s32 $0x7FFF, v42;
	v52 =	vand.u32 $0x1, v62;
	v51 =	vmul.f32 v55, v1  }
0xe3: {  	v52 =	vadd.s32 v52, v54;
	v54 =	vand.u32 $0x1, v58;
	v55 =	vshrl.u32 v57, $0x10  }
0xe4: {  	v55 =	vand.u32 $0x1, v55;
	v20 =	vadd.f32 v51, v20;
	v51 =	vadd.s32 $0x7FFF, v52  }
0xe5: {  	v49 =	vand.u32 $0x1, v49;
	v52 =	vadd.s32 v54, v53;
	v51 =	vand.u32 $0xFFFF0000, v51  }
0xe6: {  	v42 =	vand.u32 $0xFFFF0000, v42;
	v53 =	vadd.s32 $0x7FFF, v56;
	v52 =	vadd.s32 $0x7FFF, v52  }
0xe7: {  	v46 =	vadd.s32 $0x7FFF, v46;
	v42 =	vmul.f32 v42, v1;
	v51 =	vmul.f32 v51, v1  }
0xe8: {  	v41 =	vadd.s32 v50, v41;
	v46 =	vand.u32 $0xFFFF0000, v46;
	v50 =	vand.u32 $0xFFFF0000, v53  }
0xe9: {  	v41 =	vadd.s32 $0x7FFF, v41;
	v34 =	vadd.f32 v42, v34;
	v35 =	vadd.f32 v51, v35  }
0xea: {  	v37 =	vadd.s32 v45, v37;
	v40 =	vadd.s32 $0x7FFF, v40;
	v42 =	vand.u32 $0x1, v48  }
0xeb: {  	v37 =	vadd.s32 $0x7FFF, v37;
	v39 =	vadd.s32 v42, v39;
	v45 =	vand.u32 $0xFFFF0000, v52  }
0xec: {  	v37 =	vand.u32 $0xFFFF0000, v37;
	v42 =	vadd.s32 $0x7FFF, v47;
	v39 =	vadd.s32 $0x7FFF, v39  }
0xed: {  	v46 =	vmul.f32 v46, v1;
	v39 =	vand.u32 $0xFFFF0000, v39;
	v45 =	vmul.f32 v45, v1  }
0xee: {  	v41 =	vand.u32 $0xFFFF0000, v41;
	v40 =	vand.u32 $0xFFFF0000, v40;
	v39 =	vmul.f32 v39, v1  }
0xef: {  	v41 =	vmul.f32 v41, v1;
	v32 =	vadd.f32 v45, v32;
	v45 =	vmul.f32 v50, v1  }
0xf0: {  	v36 =	vadd.s32 v49, v36;
	v30 =	vadd.f32 v46, v30;
	v31 =	vadd.f32 v39, v31  }
0xf1: {  	v40 =	vmul.f32 v40, v1;
	v29 =	vadd.f32 v41, v29;
	v39 =	vand.u32 $0xFFFF0000, v42  }
0xf2: {  	v28 =	vadd.s32 v38, v28;
	v36 =	vadd.s32 $0x7FFF, v36;
	v39 =	vmul.f32 v39, v1  }
0xf3: {  	v38 =	vor.u32 v12, v33;
	v28 =	vadd.s32 $0x7FFF, v28;
	v37 =	vmul.f32 v37, v1;
	v41 =	vld.idx.msk [tilespmem:v61+s22+$0x0], $0xffff  }
0xf4: {  	v36 =	vand.u32 $0xFFFF0000, v36;
	v46 =	vor.u32 v3, v33;
	v42 =	vor.u32 v10, v33  }
0xf5: {  	v48 =	vor.u32 v14, v33;
	v25 =	vadd.f32 v40, v25;
	v47 =	vor.u32 v11, v33  }
0xf6: {  	v49 =	vor.u32 v9, v33;
	v36 =	vmul.f32 v36, v1;
	v50 =	vor.u32 v13, v33  }
0xf7: {  	v26 =	vadd.f32 v37, v26;
	v52 =	vor.u32 v6, v33;
	v51 =	vor.u32 v7, v33  }
0xf8: {  	v28 =	vand.u32 $0xFFFF0000, v28;
	v54 =	vor.u32 v4, v33;
	v53 =	vor.u32 v2, v33;
	v56 =	vld.idx.msk [tilespmem:v60+s22+$0x0], $0xffff  }
0xf9: {  	v21 =	vadd.f32 v36, v21;
	v1 =	vmul.f32 v28, v1;
	v37 =	vshrl.u32 v41, $0x10;
	v38 =	vld.idx.msk [tilespmem:v38+s22+$0x0], $0xffff  }
0xfa: {  	v27 =	vadd.f32 v39, v27;
	v23 =	vadd.f32 v45, v23;
	v28 =	vand.u32 $0x1, v37;
	v58 =	vld.idx.msk [tilespmem:v42+s22+$0x0], $0xffff  }
0xfb: {  	v36 =	vadd.s32 v55, v57;
	v24 =	vadd.f32 v1, v24;
	v28 =	vadd.s32 v28, v41;
	v37 =	vld.idx.msk [tilespmem:v46+s22+$0x0], $0xffff  }
0xfc: {  	v1 =	vadd.s32 $0x7FFF, v36;
	v39 =	vor.u32 v17, v33;
	v36 =	vadd.s32 $0x7FFF, v28;
	v40 =	vld.idx.msk [tilespmem:v48+s22+$0x0], $0xffff  }
0xfd: {  	v33 =	vadd.s32 $0x1, v33;
	v1 =	vand.u32 $0xFFFF0000, v1;
	v36 =	vand.u32 $0xFFFF0000, v36;
	v28 =	vld.idx.msk [tilespmem:v47+s22+$0x0], $0xffff  }
0xfe: {  	v33 =	vand.u32 $0x7F, v33;
	v41 =	vshrl.u32 v56, $0x10;
	v42 =	vld.idx.msk [tilespmem:v44+s22+$0x0], $0xffff;
	v44 =	vmul.f32 v36, v1  }
0xff: {  	v45 =	vor.u32 v5, v43;
	v46 =	vand.u32 $0x1, v41;
	v41 =	vshrl.u32 v38, $0x10;
	v36 =	vld.idx.msk [tilespmem:v50+s22+$0x0], $0xffff  }
0x100: {  	v48 =	vshrl.u32 v58, $0x10;
	v41 =	vand.u32 $0x1, v41;
	v43 =	vld.idx.msk [tilespmem:v49+s22+$0x0], $0xffff;
	v18 =	vadd.f32 v44, v18  }
0x101: {  	v44 =	vand.u32 $0x1, v48;
	v48 =	vshrl.u32 v37, $0x10;
	v38 =	vadd.s32 v41, v38;
	v47 =	vld.idx.msk [tilespmem:v51+s22+$0x0], $0xffff  }
0x102: {  	v49 =	vshrl.u32 v40, $0x10;
	v44 =	vadd.s32 v44, v58;
	v38 =	vadd.s32 $0x7FFF, v38;
	v41 =	vld.idx.msk [tilespmem:v52+s22+$0x0], $0xffff  }
0x103: {  	v57 =	vshrl.u32 v28, $0x10;
	v44 =	vadd.s32 $0x7FFF, v44;
	v38 =	vand.u32 $0xFFFF0000, v38;
	v39 =	vld.idx.msk [tilespmem:v39+s22+$0x0], $0xffff  }
0x104: {  	v51 =	vand.u32 $0x1, v49;
	v50 =	vshrl.u32 v42, $0x10;
	v44 =	vand.u32 $0xFFFF0000, v44;
	v55 =	vld.idx.msk [tilespmem:v53+s22+$0x0], $0xffff  }
.Ltmp3:
0x105: {  	v38 =	vmul.f32 v38, v1;
	v52 =	vand.u32 $0x1, v50;
	v50 =	vmul.f32 v44, v1;
	(pc) =	sbr.rel @p1 .LBB2_4-.Ltmp3, $4  }
0x106: {  	v46 =	vadd.s32 v46, v56;
	v49 =	vshrl.u32 v36, $0x10;
	v58 =	vshrl.u32 v43, $0x10;
	v53 =	vld.idx.msk [tilespmem:v45+s22+$0x0], $0xffff  }
0x107: {  	v44 =	vshrl.u32 v47, $0x10;
	v22 =	vadd.f32 v50, v22;
	v45 =	vand.u32 $0x1, v48;
	v54 =	vld.idx.msk [tilespmem:v54+s22+$0x0], $0xffff  }
0x108: {  	v19 =	vadd.f32 v38, v19;
	v56 =	vand.u32 $0x1, v58;
	v48 =	vshrl.u32 v41, $0x10  }
0x109: {  	v38 =	vand.u32 $0x1, v57;
	v50 =	vand.u32 $0x1, v48;
	v48 =	vshrl.u32 v39, $0x10  }
0x10a: {  	v33 =	vshrl.u32 v55, $0x10  }
0x10b: {  	v33 =	vand.u32 $0x1, v33  }
0x10c: {  	v33 =	vadd.s32 v33, v55  }
0x10d: {  	v33 =	vadd.s32 $0x7FFF, v33  }
0x10e: {  	v63 =	vshrl.u32 v54, $0x10;
	v33 =	vand.u32 $0xFFFF0000, v33  }
0x10f: {  	v44 =	vand.u32 $0x1, v44;
	v58 =	vand.u32 $0x1, v63;
	v33 =	vmul.f32 v33, v1  }
0x110: {  	v44 =	vadd.s32 v44, v47;
	v47 =	vadd.s32 v58, v54  }
0x111: {  	v0 =	vadd.f32 v33, v20;
	v20 =	vadd.s32 $0x7FFF, v47  }
0x112: {  	v42 =	vadd.s32 v52, v42;
	v20 =	vand.u32 $0xFFFF0000, v20  }
0x113: {  	v62 =	vshrl.u32 v53, $0x10;
	v42 =	vadd.s32 $0x7FFF, v42;
	v20 =	vmul.f32 v20, v1  }
0x114: {  	v59 =	vand.u32 $0x1, v62;
	v42 =	vand.u32 $0xFFFF0000, v42  }
0x115: {  	v60 =	vadd.s32 v59, v53;
	v42 =	vmul.f32 v42, v1;
	[tilespmem:$0x1FA20] =	vst v0;
	v0 =	vadd.f32 v20, v35  }
0x116: {  	[tilespmem:s22], [sflag:$0x2] =	stream.linear.gather [hbm4b:s12+s5], $0x4000, $0x38;
	v62 =	vand.u32 $0x1, v48;
	v33 =	vadd.s32 $0x7FFF, v60;
	[tilespmem:$0x10AC0] =	vst v63  }
0x117: {  	v33 =	vand.u32 $0xFFFF0000, v33;
	[tilespmem:$0x1FA30] =	vst v0;
	v0 =	vadd.f32 v42, v34;
	v34 =	vadd.s32 v62, v39  }
0x118: {  	v33 =	vmul.f32 v33, v1;
	v34 =	vadd.s32 $0x7FFF, v34  }
0x119: {  	v43 =	vadd.s32 v56, v43;
	[tilespmem:s23], [sflag:$0x2] =	stream.linear.gather [hbm4b:s13+s5], $0x4000, $0x38;
	v34 =	vand.u32 $0xFFFF0000, v34;
	[tilespmem:$0x10AC0] =	vst v63  }
0x11a: {  	v46 =	vadd.s32 $0x7FFF, v46;
	[tilespmem:$0x1FA40] =	vst v0;
	v0 =	vadd.f32 v33, v32;
	v34 =	vmul.f32 v34, v1  }
0x11b: {  	v40 =	vadd.s32 v51, v40;
	v41 =	vadd.s32 v50, v41;
	v46 =	vand.u32 $0xFFFF0000, v46;
	_ =	swait.ge [sflag:s24], $0x4000  }
0x11c: {  	v48 =	vmul.f32 v46, v1;
	v20 =	vadd.s32 $0x7FFF, v41;
	[tilespmem:$0x1FA50] =	vst v0;
	v0 =	vadd.f32 v34, v31  }
0x11d: {  	v61 =	vand.u32 $0x1, v49;
	v37 =	vadd.s32 v45, v37;
	v20 =	vand.u32 $0xFFFF0000, v20  }
0x11e: {  	v63 =	vadd.s32 $0x7FFF, v40;
	v20 =	vmul.f32 v20, v1;
	[tilespmem:$0x1FA60] =	vst v0;
	v0 =	vadd.f32 v48, v30  }
0x11f: {  	v49 =	vlaneseq.u32;
	v28 =	vadd.s32 v38, v28;
	v35 =	vand.u32 $0xFFFF0000, v63;
	[sflag:s24] =	ssyncset.done $0x0  }
0x120: {  	v37 =	vadd.s32 $0x7FFF, v37;
	[sflag:s24] =	ssyncadd.s32 $0xFFFFC000;
	[tilespmem:$0x1FA70] =	vst v0;
	v0 =	vadd.f32 v20, v29;
	v29 =	vmul.f32 v35, v1  }
0x121: {  	v43 =	vadd.s32 $0x7FFF, v43;
	v37 =	vand.u32 $0xFFFF0000, v37;
	v31 =	vadd.s32 v61, v36;
	_ =	swait.ge [sflag:s24], $0x4000  }
0x122: {  	v51 =	vmul.f32 v37, v1;
	v31 =	vadd.s32 $0x7FFF, v31;
	[tilespmem:$0x1FA80] =	vst v0;
	v0 =	vadd.f32 v29, v25  }
0x123: {  	v45 =	vadd.s32 $0x7FFF, v44;
	v61 =	vor.u32 v6, v49;
	v31 =	vand.u32 $0xFFFF0000, v31  }
0x124: {  	v31 =	vmul.f32 v31, v1;
	v20 =	vor.u32 v8, v49;
	[tilespmem:$0x1FA90] =	vst v0;
	v0 =	vadd.f32 v51, v26  }
0x125: {  	v43 =	vand.u32 $0xFFFF0000, v43;
	v30 =	vand.u32 $0xFFFF0000, v45;
	[sflag:s24] =	ssyncset.done $0x0;
	v26 =	vor.u32 v15, v49  }
0x126: {  	v53 =	vor.u32 v7, v49;
	v30 =	vmul.f32 v30, v1;
	[sflag:s24] =	ssyncadd.s32 $0xFFFFC000;
	[tilespmem:$0x1FAA0] =	vst v0;
	v0 =	vadd.f32 v31, v21  }
0x127: {  	v28 =	vadd.s32 $0x7FFF, v28;
	v50 =	vmul.f32 v43, v1;
	v52 =	vld.idx.msk [tilespmem:v49+s19+$0x0], $0xffff;
	v21 =	vor.u32 v16, v49  }
0x128: {  	v28 =	vand.u32 $0xFFFF0000, v28;
	v44 =	vld.idx.msk [tilespmem:v61+s5+$0x0], $0xffff;
	v31 =	vor.u32 v13, v49;
	[tilespmem:$0x1FAB0] =	vst v0;
	v0 =	vadd.f32 v30, v27  }
0x129: {  	v1 =	vmul.f32 v28, v1;
	v25 =	vld.idx.msk [tilespmem:v20+s5+$0x0], $0xffff;
	v27 =	vor.u32 v3, v49  }
0x12a: {  	v29 =	vor.u32 v14, v49;
	v45 =	vld.idx.msk [tilespmem:v26+s5+$0x0], $0xffff;
	[tilespmem:$0x1FAC0] =	vst v0;
	v0 =	vadd.f32 v50, v23  }
0x12b: {  	v57 =	vor.u32 v4, v49;
	v62 =	vor.u32 v2, v49;
	v26 =	vor.u32 v5, v49;
	v50 =	vld.idx.msk [tilespmem:v53+s5+$0x0], $0xffff  }
0x12c: {  	v21 =	vld.idx.msk [tilespmem:v21+s5+$0x0], $0xffff;
	[tilespmem:$0x1FAD0] =	vst v0;
	v0 =	vadd.f32 v1, v24;
	v1 =	vor.u32 v12, v49  }
0x12d: {  	v32 =	vimm.f32 $0.0e+00;
	v23 =	vshrl.u32 v52, $0x10;
	v36 =	vld.idx.msk [tilespmem:v31+s5+$0x0], $0xffff;
	v24 =	vor.u32 v10, v49  }
0x12e: {  	v34 =	vimm.f32 $0.0e+00;
	v30 =	vor.u32 v9, v49;
	v23 =	vand.u32 $0x1, v23;
	v40 =	vld.idx.msk [tilespmem:v27+s5+$0x0], $0xffff  }
0x12f: {  	v28 =	vor.u32 v11, v49;
	v35 =	vimm.f32 $0.0e+00;
	v43 =	vld.idx.msk [tilespmem:v29+s5+$0x0], $0xffff;
	v23 =	vadd.s32 v23, v52  }
0x130: {  	v20 =	vimm.f32 $0.0e+00;
	v60 =	vshrl.u32 v25, $0x10;
	v23 =	vadd.s32 $0x7FFF, v23;
	v56 =	vld.idx.msk [tilespmem:v26+s5+$0x0], $0xffff  }
0x131: {  	v26 =	vimm.f32 $0.0e+00;
	v47 =	vshrl.u32 v50, $0x10;
	v63 =	vld.idx.msk [tilespmem:v1+s5+$0x0], $0xffff;
	v1 =	vand.u32 $0x1, v60  }
0x132: {  	v29 =	vshrl.u32 v21, $0x10;
	v52 =	vshrl.u32 v36, $0x10;
	v24 =	vld.idx.msk [tilespmem:v24+s5+$0x0], $0xffff;
	v1 =	vadd.s32 v1, v25  }
0x133: {  	v46 =	vld.idx.msk [tilespmem:v30+s5+$0x0], $0xffff;
	v25 =	vor.u32 v17, v49;
	v30 =	vshrl.u32 v40, $0x10;
	v27 =	vadd.s32 $0x7FFF, v1  }
0x134: {  	v1 =	vand.u32 $0xFFFF0000, v23;
	v48 =	vand.u32 $0x1, v30;
	v23 =	vand.u32 $0xFFFF0000, v27  }
0x135: {  	v30 =	vimm.f32 $0.0e+00;
	v27 =	vadd.s32 $0x1, v49;
	v23 =	vmul.f32 v23, v1  }
0x136: {  	v33 =	vand.u32 $0x7F, v27;
	v27 =	vand.u32 $0x1, v29;
	v29 =	vshrl.u32 v63, $0x10  }
0x137: {  	v31 =	vshrl.u32 v24, $0x10;
	v49 =	vadd.s32 v27, v21;
	v21 =	vshrl.u32 v44, $0x10  }
0x138: {  	v28 =	vld.idx.msk [tilespmem:v28+s5+$0x0], $0xffff;
	v27 =	vimm.f32 $0.0e+00;
	v29 =	vand.u32 $0x1, v29;
	v37 =	vadd.f32 v23, v20  }
0x139: {  	v23 =	vand.u32 $0x1, v31;
	v31 =	vshrl.u32 v43, $0x10;
	v42 =	vld.idx.msk [tilespmem:v25+s5+$0x0], $0xffff;
	v25 =	vshrl.u32 v45, $0x10  }
0x13a: {  	v53 =	vand.u32 $0x1, v21;
	v21 =	vimm.f32 $0.0e+00;
	v29 =	vadd.s32 v29, v63  }
0x13b: {  	v23 =	vadd.s32 v23, v24;
	v54 =	vand.u32 $0x1, v31;
	v55 =	vand.u32 $0x1, v25  }
0x13c: {  	v25 =	vshrl.u32 v46, $0x10;
	v31 =	vimm.f32 $0.0e+00;
	v23 =	vadd.s32 $0x7FFF, v23  }
0x13d: {  	v24 =	vadd.s32 $0x7FFF, v29;
	v29 =	vshrl.u32 v28, $0x10;
	v23 =	vand.u32 $0xFFFF0000, v23  }
0x13e: {  	v59 =	vand.u32 $0x1, v25;
	v24 =	vand.u32 $0xFFFF0000, v24;
	v23 =	vmul.f32 v23, v1  }
0x13f: {  	v25 =	vimm.f32 $0.0e+00;
	v41 =	vand.u32 $0x1, v29;
	v24 =	vmul.f32 v24, v1  }
0x140: {  	[tilespmem:$0x1FAF0] =	vst v3;
	v58 =	vld.idx.msk [tilespmem:v62+s5+$0x0], $0xffff;
	v29 =	vimm.f32 $0.0e+00;
	v51 =	vshrl.u32 v42, $0x10;
	v39 =	vadd.f32 v23, v20  }
0x141: {  	s3 =	simm.s32 $0x7F;
	v57 =	vld.idx.msk [tilespmem:v57+s5+$0x0], $0xffff;
	[tilespmem:$0x1FAE0] =	vst v0;
	v38 =	vadd.f32 v24, v20;
	v23 =	vimm.f32 $0.0e+00;
	v24 =	vimm.f32 $0.0e+00  }
.LBB2_6:
0x142: {  	v62 =	vand.u32 $0x1, v47;
	v59 =	vadd.s32 v59, v46;
	v63 =	vor.u32 v16, v33  }
0x143: {  	v0 =	vor.u32 v8, v33;
	v47 =	vor.u32 v15, v33;
	v45 =	vadd.s32 v55, v45  }
0x144: {  	v43 =	vadd.s32 v54, v43;
	v52 =	vand.u32 $0x1, v52;
	v49 =	vadd.s32 $0x7FFF, v49  }
0x145: {  	v44 =	vadd.s32 v53, v44;
	v40 =	vadd.s32 v48, v40;
	v28 =	vadd.s32 v41, v28  }
0x146: {  	v48 =	vor.u32 v11, v33;
	v53 =	vor.u32 v2, v33;
	v50 =	vadd.s32 v62, v50  }
0x147: {  	v45 =	vadd.s32 $0x7FFF, v45;
	v49 =	vand.u32 $0xFFFF0000, v49;
	v43 =	vadd.s32 $0x7FFF, v43  }
0x148: {  	v60 =	vld.idx.msk [tilespmem:v33+s19+$0x0], $0xffff;
	v40 =	vadd.s32 $0x7FFF, v40;
	v36 =	vadd.s32 v52, v36;
	v28 =	vadd.s32 $0x7FFF, v28  }
0x149: {  	v52 =	vor.u32 v6, v33;
	v45 =	vand.u32 $0xFFFF0000, v45;
	v40 =	vand.u32 $0xFFFF0000, v40  }
0x14a: {  	v43 =	vand.u32 $0xFFFF0000, v43;
	v36 =	vadd.s32 $0x7FFF, v36;
	v28 =	vand.u32 $0xFFFF0000, v28  }
0x14b: {  	v45 =	vmul.f32 v45, v1;
	v40 =	vmul.f32 v40, v1;
	v36 =	vand.u32 $0xFFFF0000, v36  }
0x14c: {  	v61 =	vshrl.u32 v58, $0x10;
	v3 =	vshrl.u32 v57, $0x10;
	v36 =	vmul.f32 v36, v1  }
0x14d: {  	v61 =	vand.u32 $0x1, v61;
	v3 =	vand.u32 $0x1, v3;
	v55 =	vshrl.u32 v60, $0x10  }
0x14e: {  	v34 =	vadd.f32 v45, v34;
	v26 =	vadd.f32 v40, v26;
	v58 =	vadd.s32 v61, v58  }
0x14f: {  	v61 =	vshrl.u32 v56, $0x10;
	v3 =	vadd.s32 v3, v57;
	v55 =	vand.u32 $0x1, v55  }
0x150: {  	v58 =	vadd.s32 $0x7FFF, v58;
	v62 =	vand.u32 $0x1, v61;
	v3 =	vadd.s32 $0x7FFF, v3  }
0x151: {  	v61 =	vadd.s32 $0x7FFF, v59;
	v59 =	vmul.f32 v49, v1;
	v58 =	vand.u32 $0xFFFF0000, v58  }
0x152: {  	v3 =	vand.u32 $0xFFFF0000, v3;
	v54 =	vmul.f32 v58, v1;
	v58 =	vadd.s32 v62, v56  }
0x153: {  	v3 =	vmul.f32 v3, v1;
	v62 =	vand.u32 $0xFFFF0000, v61;
	v56 =	vand.u32 $0x1, v51  }
0x154: {  	v30 =	vadd.f32 v59, v30;
	v59 =	vld [tilespmem:$0x1FAF0];
	v51 =	vor.u32 v7, v33;
	v42 =	vadd.s32 v56, v42  }
0x155: {  	v56 =	vor.u32 v17, v33;
	v20 =	vadd.f32 v54, v20;
	v54 =	vadd.s32 $0x7FFF, v58  }
0x156: {  	v35 =	vadd.f32 v3, v35;
	v3 =	vadd.s32 $0x7FFF, v44;
	v42 =	vadd.s32 $0x7FFF, v42  }
0x157: {  	v58 =	vadd.s32 $0x7FFF, v50;
	v57 =	vand.u32 $0xFFFF0000, v54;
	v42 =	vand.u32 $0xFFFF0000, v42  }
0x158: {  	v3 =	vand.u32 $0xFFFF0000, v3;
	v61 =	vand.u32 $0xFFFF0000, v58;
	v45 =	vmul.f32 v57, v1  }
0x159: {  	v42 =	vmul.f32 v42, v1;
	v3 =	vmul.f32 v3, v1;
	v44 =	vor.u32 v59, v33  }
0x15a: {  	v0 =	vld.idx.msk [tilespmem:v0+s5+$0x0], $0xffff;
	v32 =	vadd.f32 v45, v32;
	v45 =	vmul.f32 v62, v1;
	v62 =	vor.u32 v12, v33  }
0x15b: {  	v59 =	vld.idx.msk [tilespmem:v63+s5+$0x0], $0xffff;
	v29 =	vadd.f32 v3, v29;
	v3 =	vmul.f32 v43, v1;
	v43 =	vor.u32 v10, v33  }
0x15c: {  	v49 =	vor.u32 v14, v33;
	v50 =	vld.idx.msk [tilespmem:v51+s5+$0x0], $0xffff;
	v31 =	vadd.f32 v42, v31;
	v42 =	vmul.f32 v61, v1  }
0x15d: {  	v21 =	vadd.f32 v36, v21;
	v55 =	vadd.s32 v55, v60;
	v23 =	vadd.f32 v45, v23;
	v45 =	vld.idx.msk [tilespmem:v47+s5+$0x0], $0xffff  }
0x15e: {  	v46 =	vmovc v33;
	v58 =	vadd.s32 $0x1, v33;
	v57 =	vor.u32 v4, v33;
	v27 =	vadd.f32 v42, v27;
	v42 =	vld.idx.msk [tilespmem:v56+s5+$0x0], $0xffff  }
0x15f: {  	v61 =	vor.u32 v13, v33;
	v1 =	vmul.f32 v28, v1;
	v47 =	vor.u32 v5, v46;
	v41 =	vld.idx.msk [tilespmem:v62+s5+$0x0], $0xffff  }
0x160: {  	v25 =	vadd.f32 v3, v25;
	v3 =	vor.u32 v9, v33;
	v62 =	vshrl.u32 v0, $0x10;
	v63 =	vld.idx.msk [tilespmem:v43+s5+$0x0], $0xffff  }
0x161: {  	v24 =	vadd.f32 v1, v24;
	v1 =	vadd.s32 $0x7FFF, v55;
	v43 =	vld.idx.msk [tilespmem:v49+s5+$0x0], $0xffff;
	v28 =	vand.u32 $0x1, v62  }
0x162: {  	v33 =	vand.u32 $0x7F, v58;
	v40 =	vld.idx.msk [tilespmem:v44+s5+$0x0], $0xffff;
	v60 =	vshrl.u32 v59, $0x10;
	v0 =	vadd.s32 v28, v0  }
0x163: {  	v1 =	vand.u32 $0xFFFF0000, v1;
	v28 =	vld.idx.msk [tilespmem:v48+s5+$0x0], $0xffff;
	v48 =	vand.u32 $0x1, v60;
	v0 =	vadd.s32 $0x7FFF, v0  }
0x164: {  	v62 =	vshrl.u32 v45, $0x10;
	v56 =	vld.idx.msk [tilespmem:v47+s5+$0x0], $0xffff;
	v47 =	vshrl.u32 v50, $0x10;
	v0 =	vand.u32 $0xFFFF0000, v0  }
0x165: {  	v36 =	vld.idx.msk [tilespmem:v61+s5+$0x0], $0xffff;
	v51 =	vshrl.u32 v42, $0x10;
	v55 =	vand.u32 $0x1, v62;
	v0 =	vmul.f32 v0, v1  }
0x166: {  	v46 =	vld.idx.msk [tilespmem:v3+s5+$0x0], $0xffff;
	v61 =	vshrl.u32 v41, $0x10;
	v3 =	vshrl.u32 v63, $0x10;
	v49 =	vshrl.u32 v43, $0x10  }
0x167: {  	v44 =	vand.u32 $0x1, v61;
	v37 =	vadd.f32 v0, v37;
	v0 =	vand.u32 $0x1, v3  }
0x168: {  	v54 =	vand.u32 $0x1, v49;
	v41 =	vadd.s32 v44, v41;
	v44 =	vld.idx.msk [tilespmem:v52+s5+$0x0], $0xffff;
	v0 =	vadd.s32 v0, v63  }
0x169: {  	p1 =	sne.s32 s3, $0x1;
	v49 =	vadd.s32 v48, v59;
	v3 =	vshrl.u32 v40, $0x10;
	v0 =	vadd.s32 $0x7FFF, v0  }
.Ltmp4:
0x16a: {  	v60 =	vshrl.u32 v28, $0x10;
	v41 =	vadd.s32 $0x7FFF, v41;
	v0 =	vand.u32 $0xFFFF0000, v0;
	(pc) =	sbr.rel @p1 .LBB2_6-.Ltmp4, $4  }
0x16b: {  	v52 =	vshrl.u32 v36, $0x10;
	v41 =	vand.u32 $0xFFFF0000, v41;
	v0 =	vmul.f32 v0, v1  }
0x16c: {  	v63 =	vshrl.u32 v46, $0x10;
	v48 =	vand.u32 $0x1, v3;
	v41 =	vmul.f32 v41, v1  }
0x16d: {  	v58 =	vld.idx.msk [tilespmem:v53+s5+$0x0], $0xffff;
	v59 =	vand.u32 $0x1, v63;
	v39 =	vadd.f32 v0, v39;
	v0 =	vshrl.u32 v44, $0x10  }
0x16e: {  	s3 =	sadd.s32 $0xFFFFFFFF, s3;
	v57 =	vld.idx.msk [tilespmem:v57+s5+$0x0], $0xffff;
	v38 =	vadd.f32 v41, v38;
	v41 =	vand.u32 $0x1, v60;
	v53 =	vand.u32 $0x1, v0  }
0x16f: {  	_ = 	snop  }
0x170: {  	v3 =	vand.u32 $0x1, v47;
	v33 =	vadd.s32 v59, v46;
	v60 =	vshrl.u32 v56, $0x10  }
0x171: {  	v45 =	vadd.s32 v55, v45;
	v43 =	vadd.s32 v54, v43;
	v62 =	vand.u32 $0x1, v52  }
0x172: {  	v63 =	vadd.s32 $0x7FFF, v49;
	v44 =	vadd.s32 v53, v44;
	v0 =	vshrl.u32 v58, $0x10  }
0x173: {  	v40 =	vadd.s32 v48, v40;
	v28 =	vadd.s32 v41, v28;
	v0 =	vand.u32 $0x1, v0  }
0x174: {  	v3 =	vadd.s32 v3, v50;
	v45 =	vadd.s32 $0x7FFF, v45;
	v0 =	vadd.s32 v0, v58  }
0x175: {  	v46 =	vand.u32 $0x1, v60;
	v33 =	vadd.s32 $0x7FFF, v33;
	v0 =	vadd.s32 $0x7FFF, v0  }
0x176: {  	v49 =	vadd.s32 $0x7FFF, v43;
	v40 =	vadd.s32 $0x7FFF, v40;
	v0 =	vand.u32 $0xFFFF0000, v0  }
0x177: {  	v28 =	vadd.s32 $0x7FFF, v28;
	v45 =	vand.u32 $0xFFFF0000, v45;
	v0 =	vmul.f32 v0, v1  }
0x178: {  	v33 =	vand.u32 $0xFFFF0000, v33;
	v3 =	vadd.s32 $0x7FFF, v3;
	v61 =	vshrl.u32 v57, $0x10  }
0x179: {  	v45 =	vmul.f32 v45, v1;
	v47 =	vand.u32 $0x1, v61;
	v0 =	vadd.f32 v0, v20  }
0x17a: {  	v40 =	vand.u32 $0xFFFF0000, v40;
	v28 =	vand.u32 $0xFFFF0000, v28;
	v47 =	vadd.s32 v47, v57  }
0x17b: {  	v3 =	vand.u32 $0xFFFF0000, v3;
	v34 =	vadd.f32 v45, v34;
	[tilespmem:$0x1F920] =	vst v0;
	v0 =	vadd.s32 $0x7FFF, v47  }
0x17c: {  	v45 =	vand.u32 $0x1, v51;
	v20 =	vadd.s32 v46, v56;
	v0 =	vand.u32 $0xFFFF0000, v0  }
0x17d: {  	[tilespmem:$0x1F940] =	vst v34;
	v34 =	vadd.s32 v45, v42;
	v20 =	vadd.s32 $0x7FFF, v20;
	v0 =	vmul.f32 v0, v1  }
0x17e: {  	v3 =	vmul.f32 v3, v1;
	v34 =	vadd.s32 $0x7FFF, v34;
	v20 =	vand.u32 $0xFFFF0000, v20  }
0x17f: {  	v34 =	vand.u32 $0xFFFF0000, v34;
	v20 =	vmul.f32 v20, v1;
	v0 =	vadd.f32 v0, v35  }
0x180: {  	v51 =	vlaneseq.u32;
	v34 =	vmul.f32 v34, v1;
	v47 =	vand.u32 $0xFFFF0000, v63  }
0x181: {  	v3 =	vadd.f32 v3, v27;
	v50 =	vmul.f32 v47, v1;
	v20 =	vadd.f32 v20, v32;
	[tilespmem:$0x1F930] =	vst v0  }
0x182: {  	v27 =	vor.u32 v14, v51;
	v31 =	vadd.f32 v34, v31;
	v0 =	vadd.s32 $0x7FFF, v44;
	_ =	swait.ge [sflag:s25], $0x4000  }
0x183: {  	v30 =	vadd.f32 v50, v30;
	v35 =	vand.u32 $0xFFFF0000, v49;
	v0 =	vand.u32 $0xFFFF0000, v0;
	[tilespmem:$0x1F950] =	vst v20  }
0x184: {  	[sflag:s25] =	ssyncset.done $0x0;
	v0 =	vmul.f32 v0, v1;
	v20 =	vmul.f32 v33, v1;
	[tilespmem:$0x1F960] =	vst v31;
	v31 =	vadd.s32 v62, v36  }
0x185: {  	[tilespmem:$0x1F970] =	vst v30;
	[sflag:s25] =	ssyncadd.s32 $0xFFFFC000;
	v30 =	vadd.s32 $0x7FFF, v31;
	v31 =	vmul.f32 v40, v1;
	v40 =	vor.u32 v2, v51  }
0x186: {  	_ =	swait.ge [sflag:s25], $0x4000;
	v0 =	vadd.f32 v0, v29;
	v29 =	vmul.f32 v35, v1;
	v30 =	vand.u32 $0xFFFF0000, v30  }
0x187: {  	v44 =	vor.u32 v5, v51;
	[sflag:s25] =	ssyncset.done $0x0;
	[tilespmem:$0x1F990] =	vst v8;
	v30 =	vmul.f32 v30, v1;
	v1 =	vmul.f32 v28, v1  }
0x188: {  	[tilespmem:$0x1F980] =	vst v0;
	v0 =	vor.u32 v8, v51;
	[sflag:s25] =	ssyncadd.s32 $0xFFFFC000;
	v8 =	vadd.f32 v29, v25  }
0x189: {  	v48 =	vld.idx.msk [tilespmem:v51+s19+$0x0], $0xffff;
	v1 =	vadd.f32 v1, v24  }
0x18a: {  	v63 =	vor.u32 v4, v51;
	v27 =	vld.idx.msk [tilespmem:v27+s22+$0x0], $0xffff;
	[tilespmem:$0x1F9A0] =	vst v8;
	v8 =	vadd.f32 v31, v26  }
0x18b: {  	v41 =	vimm.f32 $0.0e+00;
	v60 =	vimm.f32 $0.0e+00;
	v45 =	vld.idx.msk [tilespmem:v40+s22+$0x0], $0xffff;
	[tilespmem:$0x1FA00] =	vst v1;
	v1 =	vor.u32 v12, v51  }
0x18c: {  	v61 =	vimm.f32 $0.0e+00;
	v24 =	vor.u32 v15, v51;
	v40 =	vld.idx.msk [tilespmem:v44+s22+$0x0], $0xffff;
	[tilespmem:$0x1F9B0] =	vst v8;
	v8 =	vadd.f32 v30, v21  }
0x18d: {  	v58 =	vimm.f32 $0.0e+00;
	[tilespmem:$0x1F9D0] =	vst v3;
	v3 =	vor.u32 v16, v51;
	v28 =	vmovc v13;
	v30 =	vor.u32 v7, v51;
	v0 =	vld.idx.msk [tilespmem:v0+s22+$0x0], $0xffff  }
0x18e: {  	v13 =	vmovc v10;
	[tilespmem:$0x1F9C0] =	vst v8;
	v8 =	vadd.f32 v20, v23;
	v21 =	vshrl.u32 v48, $0x10;
	v23 =	vor.u32 v10, v51;
	v10 =	vld [tilespmem:$0x1FAF0]  }
0x18f: {  	v57 =	vimm.f32 $0.0e+00;
	v50 =	vor.u32 v6, v51;
	v49 =	vmovc v17;
	v44 =	vld.idx.msk [tilespmem:v63+s22+$0x0], $0xffff;
	v21 =	vand.u32 $0x1, v21  }
0x190: {  	v32 =	vimm.f32 $0.0e+00;
	v17 =	vmovc v15;
	v29 =	vor.u32 v9, v51;
	v15 =	vmovc v11;
	v1 =	vld.idx.msk [tilespmem:v1+s22+$0x0], $0xffff;
	v21 =	vadd.s32 v21, v48  }
0x191: {  	v26 =	vor.u32 v11, v51;
	v11 =	vmovc v28;
	v28 =	vor.u32 v28, v51;
	v43 =	vld.idx.msk [tilespmem:v24+s22+$0x0], $0xffff;
	v21 =	vadd.s32 $0x7FFF, v21  }
0x192: {  	v63 =	vimm.f32 $0.0e+00;
	v30 =	vld.idx.msk [tilespmem:v30+s22+$0x0], $0xffff;
	v31 =	vshrl.u32 v0, $0x10;
	v54 =	vand.u32 $0xFFFF0000, v21  }
0x193: {  	v3 =	vld.idx.msk [tilespmem:v3+s22+$0x0], $0xffff;
	v21 =	vadd.s32 $0x1, v51;
	v25 =	vor.u32 v10, v51;
	v31 =	vand.u32 $0x1, v31  }
0x194: {  	v20 =	vimm.f32 $0.0e+00;
	v23 =	vld.idx.msk [tilespmem:v23+s22+$0x0], $0xffff;
	v47 =	vand.u32 $0x7F, v21;
	v0 =	vadd.s32 v31, v0  }
0x195: {  	v52 =	vld.idx.msk [tilespmem:v29+s22+$0x0], $0xffff;
	v31 =	vor.u32 v49, v51;
	v0 =	vadd.s32 $0x7FFF, v0;
	v21 =	vshrl.u32 v1, $0x10  }
0x196: {  	v62 =	vld.idx.msk [tilespmem:v26+s22+$0x0], $0xffff;
	v26 =	vshrl.u32 v43, $0x10;
	v0 =	vand.u32 $0xFFFF0000, v0;
	v21 =	vand.u32 $0x1, v21  }
0x197: {  	v28 =	vld.idx.msk [tilespmem:v28+s22+$0x0], $0xffff;
	v42 =	vshrl.u32 v30, $0x10;
	v0 =	vmul.f32 v0, v54;
	v1 =	vadd.s32 v21, v1  }
0x198: {  	v21 =	vshrl.u32 v27, $0x10;
	v59 =	vld.idx.msk [tilespmem:v25+s22+$0x0], $0xffff;
	v25 =	vshrl.u32 v3, $0x10;
	v1 =	vadd.s32 $0x7FFF, v1  }
0x199: {  	v24 =	vand.u32 $0x1, v25;
	v25 =	vshrl.u32 v23, $0x10;
	v53 =	vadd.f32 v0, v20  }
0x19a: {  	v1 =	vand.u32 $0xFFFF0000, v1;
	v51 =	vld.idx.msk [tilespmem:v31+s22+$0x0], $0xffff;
	v31 =	vshrl.u32 v52, $0x10;
	v0 =	vand.u32 $0x1, v25  }
0x19b: {  	v25 =	vld.idx.msk [tilespmem:v50+s22+$0x0], $0xffff;
	v50 =	vand.u32 $0x1, v21;
	v21 =	vand.u32 $0x1, v26;
	v1 =	vmul.f32 v1, v54  }
0x19c: {  	v26 =	vshrl.u32 v28, $0x10;
	v46 =	vadd.s32 v24, v3;
	v0 =	vadd.s32 v0, v23  }
0x19d: {  	v36 =	vand.u32 $0x1, v31;
	v24 =	vimm.f32 $0.0e+00;
	v0 =	vadd.s32 $0x7FFF, v0  }
0x19e: {  	[tilespmem:$0x1F9E0] =	vst v16;
	v31 =	vimm.f32 $0.0e+00;
	v23 =	vshrl.u32 v62, $0x10;
	v0 =	vand.u32 $0xFFFF0000, v0  }
0x19f: {  	v16 =	vmovc v14;
	v14 =	vmovc v49;
	v55 =	vadd.f32 v1, v20;
	v48 =	vand.u32 $0x1, v23;
	v0 =	vmul.f32 v0, v54  }
0x1a0: {  	[tilespmem:$0x1FA10] =	vst v12;
	v12 =	vmovc v9;
	v9 =	vmovc v6;
	v1 =	vimm.f32 $0.0e+00;
	v23 =	vimm.f32 $0.0e+00;
	v29 =	vshrl.u32 v59, $0x10  }
0x1a1: {  	v6 =	vmovc v2;
	[tilespmem:$0x1F9F0] =	vst v8;
	v8 =	vmovc v5;
	v34 =	vand.u32 $0x1, v29;
	v56 =	vadd.f32 v0, v20;
	v0 =	vshrl.u32 v25, $0x10  }
0x1a2: {  	s3 =	simm.s32 $0x7F;
	v10 =	vmovc v7;
	v7 =	vmovc v4;
	v33 =	vshrl.u32 v51, $0x10;
	v29 =	vimm.f32 $0.0e+00;
	v35 =	vand.u32 $0x1, v0  }
.LBB2_8:
0x1a3: {  	v2 =	vld [tilespmem:$0x1F9E0]  }
0x1a4: {  	v49 =	vand.u32 $0x1, v42;
	v52 =	vadd.s32 v36, v52;
	v4 =	vld [tilespmem:$0x1F990];
	v21 =	vadd.s32 v21, v43  }
0x1a5: {  	v0 =	vld.idx.msk [tilespmem:v47+s19+$0x0], $0xffff;
	v42 =	vor.u32 v17, v47;
	v27 =	vadd.s32 v50, v27;
	v21 =	vadd.s32 $0x7FFF, v21  }
0x1a6: {  	v26 =	vand.u32 $0x1, v26;
	v30 =	vadd.s32 v49, v30;
	v21 =	vand.u32 $0xFFFF0000, v21  }
0x1a7: {  	v25 =	vadd.s32 v35, v25;
	v30 =	vadd.s32 $0x7FFF, v30;
	v21 =	vmul.f32 v21, v54  }
0x1a8: {  	v3 =	vshrl.u32 v45, $0x10;
	v5 =	vshrl.u32 v44, $0x10;
	v2 =	vor.u32 v2, v47  }
0x1a9: {  	v4 =	vor.u32 v4, v47;
	v3 =	vand.u32 $0x1, v3;
	v5 =	vand.u32 $0x1, v5  }
0x1aa: {  	v50 =	vshrl.u32 v0, $0x10;
	v61 =	vadd.f32 v21, v61;
	v21 =	vand.u32 $0x1, v33  }
0x1ab: {  	v3 =	vadd.s32 v3, v45;
	v45 =	vshrl.u32 v40, $0x10;
	v5 =	vadd.s32 v5, v44  }
0x1ac: {  	v43 =	vand.u32 $0x1, v50;
	v50 =	vadd.s32 $0x7FFF, v52;
	v52 =	vadd.s32 $0x7FFF, v46  }
0x1ad: {  	v21 =	vadd.s32 v21, v51;
	v44 =	vor.u32 v10, v47;
	v3 =	vadd.s32 $0x7FFF, v3  }
0x1ae: {  	v49 =	vand.u32 $0x1, v45;
	v21 =	vadd.s32 $0x7FFF, v21;
	v3 =	vand.u32 $0xFFFF0000, v3  }
0x1af: {  	v51 =	vld [tilespmem:$0x1FAF0];
	v46 =	vand.u32 $0xFFFF0000, v50;
	v21 =	vand.u32 $0xFFFF0000, v21;
	v3 =	vmul.f32 v3, v54  }
0x1b0: {  	v45 =	vor.u32 v9, v47;
	v0 =	vadd.s32 v43, v0;
	v21 =	vmul.f32 v21, v54  }
0x1b1: {  	v0 =	vadd.s32 $0x7FFF, v0;
	v20 =	vadd.f32 v3, v20;
	v3 =	vadd.s32 $0x7FFF, v5  }
0x1b2: {  	v5 =	vadd.s32 v49, v40;
	v49 =	vand.u32 $0xFFFF0000, v52;
	v24 =	vadd.f32 v21, v24  }
0x1b3: {  	v21 =	vadd.s32 v26, v28;
	v26 =	vand.u32 $0xFFFF0000, v30;
	v30 =	vor.u32 v13, v47  }
0x1b4: {  	v33 =	vor.u32 v51, v47;
	v52 =	vor.u32 v16, v47;
	v40 =	vor.u32 v11, v47  }
0x1b5: {  	v3 =	vand.u32 $0xFFFF0000, v3;
	v5 =	vadd.s32 $0x7FFF, v5;
	v50 =	vmul.f32 v49, v54  }
0x1b6: {  	v28 =	vld [tilespmem:$0x1FA10];
	v21 =	vadd.s32 $0x7FFF, v21;
	v3 =	vmul.f32 v3, v54;
	v5 =	vand.u32 $0xFFFF0000, v5  }
0x1b7: {  	v21 =	vand.u32 $0xFFFF0000, v21;
	v5 =	vmul.f32 v5, v54;
	v58 =	vadd.f32 v50, v58  }
0x1b8: {  	v21 =	vmul.f32 v21, v54;
	v41 =	vadd.f32 v3, v41;
	v3 =	vadd.s32 $0x7FFF, v25  }
0x1b9: {  	v25 =	vadd.s32 $0x7FFF, v27;
	v27 =	vadd.s32 v34, v59;
	v34 =	vor.u32 v15, v47  }
0x1ba: {  	v27 =	vadd.s32 $0x7FFF, v27;
	v3 =	vand.u32 $0xFFFF0000, v3;
	v25 =	vand.u32 $0xFFFF0000, v25  }
0x1bb: {  	v4 =	vld.idx.msk [tilespmem:v4+s22+$0x0], $0xffff;
	v32 =	vadd.f32 v5, v32;
	v5 =	vmul.f32 v46, v54;
	v28 =	vor.u32 v28, v47  }
0x1bc: {  	v43 =	vld.idx.msk [tilespmem:v42+s22+$0x0], $0xffff;
	v46 =	vor.u32 v6, v47;
	v27 =	vand.u32 $0xFFFF0000, v27;
	v3 =	vmul.f32 v3, v54  }
0x1bd: {  	v2 =	vld.idx.msk [tilespmem:v2+s22+$0x0], $0xffff;
	v1 =	vadd.f32 v21, v1;
	v27 =	vmul.f32 v27, v54;
	v23 =	vadd.f32 v5, v23  }
0x1be: {  	v59 =	vld.idx.msk [tilespmem:v33+s22+$0x0], $0xffff;
	v5 =	vor.u32 v14, v47;
	v29 =	vadd.f32 v3, v29;
	v3 =	vmul.f32 v25, v54  }
0x1bf: {  	v25 =	vmul.f32 v26, v54;
	v26 =	vadd.s32 v48, v62;
	v48 =	vor.u32 v7, v47;
	v62 =	vld.idx.msk [tilespmem:v34+s22+$0x0], $0xffff  }
0x1c0: {  	v26 =	vadd.s32 $0x7FFF, v26;
	v57 =	vadd.f32 v27, v57;
	v27 =	vshrl.u32 v4, $0x10;
	v49 =	vld.idx.msk [tilespmem:v28+s22+$0x0], $0xffff  }
0x1c1: {  	v26 =	vand.u32 $0xFFFF0000, v26;
	v27 =	vand.u32 $0x1, v27;
	v31 =	vadd.f32 v25, v31;
	v25 =	vld.idx.msk [tilespmem:v45+s22+$0x0], $0xffff  }
0x1c2: {  	v60 =	vadd.f32 v3, v60;
	v45 =	vld.idx.msk [tilespmem:v46+s22+$0x0], $0xffff;
	v21 =	vmul.f32 v26, v54;
	v4 =	vadd.s32 v27, v4  }
0x1c3: {  	v3 =	vor.u32 v12, v47;
	v26 =	vld.idx.msk [tilespmem:v30+s22+$0x0], $0xffff;
	v54 =	vand.u32 $0xFFFF0000, v0;
	v4 =	vadd.s32 $0x7FFF, v4  }
0x1c4: {  	v27 =	vld.idx.msk [tilespmem:v52+s22+$0x0], $0xffff;
	v63 =	vadd.f32 v21, v63;
	v0 =	vand.u32 $0xFFFF0000, v4;
	v4 =	vadd.s32 $0x1, v47  }
0x1c5: {  	v36 =	vmovc v47;
	v30 =	vld.idx.msk [tilespmem:v44+s22+$0x0], $0xffff;
	v21 =	vshrl.u32 v2, $0x10;
	v0 =	vmul.f32 v0, v54;
	v47 =	vand.u32 $0x7F, v4  }
0x1c6: {  	v51 =	vld.idx.msk [tilespmem:v5+s22+$0x0], $0xffff;
	v4 =	vor.u32 v8, v36;
	v36 =	vand.u32 $0x1, v21;
	v5 =	vshrl.u32 v62, $0x10  }
0x1c7: {  	v44 =	vld.idx.msk [tilespmem:v48+s22+$0x0], $0xffff;
	v21 =	vshrl.u32 v49, $0x10;
	v46 =	vadd.s32 v36, v2;
	v48 =	vand.u32 $0x1, v5  }
0x1c8: {  	v52 =	vld.idx.msk [tilespmem:v3+s22+$0x0], $0xffff;
	v3 =	vshrl.u32 v26, $0x10;
	v21 =	vand.u32 $0x1, v21;
	v53 =	vadd.f32 v0, v53  }
0x1c9: {  	v42 =	vshrl.u32 v27, $0x10;
	v0 =	vand.u32 $0x1, v3;
	v3 =	vshrl.u32 v59, $0x10  }
0x1ca: {  	v28 =	vld.idx.msk [tilespmem:v40+s22+$0x0], $0xffff;
	v21 =	vadd.s32 v21, v49;
	v50 =	vand.u32 $0x1, v42;
	v0 =	vadd.s32 v0, v26  }
0x1cb: {  	p1 =	sne.s32 s3, $0x1;
	v42 =	vshrl.u32 v30, $0x10;
	v33 =	vshrl.u32 v51, $0x10;
	v0 =	vadd.s32 $0x7FFF, v0  }
.Ltmp5:
0x1cc: {  	v21 =	vadd.s32 $0x7FFF, v21;
	v34 =	vand.u32 $0x1, v3;
	v0 =	vand.u32 $0xFFFF0000, v0;
	(pc) =	sbr.rel @p1 .LBB2_8-.Ltmp5, $4  }
0x1cd: {  	v26 =	vand.u32 $0xFFFF0000, v21;
	v21 =	vshrl.u32 v43, $0x10;
	v0 =	vmul.f32 v0, v54  }
0x1ce: {  	v40 =	vld.idx.msk [tilespmem:v4+s22+$0x0], $0xffff;
	v21 =	vand.u32 $0x1, v21;
	v49 =	vmul.f32 v26, v54;
	v4 =	vshrl.u32 v52, $0x10  }
0x1cf: {  	v26 =	vshrl.u32 v28, $0x10;
	v56 =	vadd.f32 v0, v56;
	v0 =	vshrl.u32 v25, $0x10  }
0x1d0: {  	s3 =	sadd.s32 $0xFFFFFFFF, s3;
	v36 =	vand.u32 $0x1, v4;
	v55 =	vadd.f32 v49, v55;
	v35 =	vand.u32 $0x1, v0  }
0x1d1: {  	v0 =	vld [tilespmem:$0x1FED0]  }
0x1d2: {  	v2 =	vld [tilespmem:$0x1FB00];
	_ =	sdelay $0x4  }
0x1d3: {  	(xrf1) =	vsort.dscd.msk.f32 $0xffff, v2, v0;
	_ =	sdelay $0xb  }
0x1d4: {  	v11 =	vld [tilespmem:$0x1FC00]  }
0x1d5: {  	v12 =	vld [tilespmem:$0x1FB40]  }
0x1d6: {  	v0, v2, _ =	vpop (xrf1)  }
0x1d7: {  	vm0 =	veq.f32 v0, $-Inf  }
0x1d8: {  	v2 =	vsel vm0, $0x0, v2  }
0x1d9: {  	(xrf1) =	vsort.ascd.msk.f32 $0xffff, v0, v2  }
0x1da: {  	(xrf1) =	vsort.dscd.msk.f32 $0xffff, v12, v11;
	_ =	sdelay $0xb  }
0x1db: {  	v13 =	vld [tilespmem:$0x1FC10]  }
0x1dc: {  	v14 =	vld [tilespmem:$0x1FBA0];
	v0, v2, _ =	vpop (xrf1)  }
0x1dd: {  	v3, v4, _ =	vpop (xrf1)  }
0x1de: {  	vm13 =	vge.f32 v0, v3  }
0x1df: {  	v0 =	vmax.f32 v0, v3;
	v2 =	vsel vm13, v2, v4  }
0x1e0: {  	(xrf1) =	vsort.ascd.msk.f32 $0xffff, v0, v2  }
0x1e1: {  	(xrf1) =	vsort.dscd.msk.f32 $0xffff, v14, v13;
	_ =	sdelay $0xb  }
0x1e2: {  	v17 =	vld [tilespmem:$0x1FC20]  }
0x1e3: {  	v47 =	vld [tilespmem:$0x1FB10];
	v0, v2, _ =	vpop (xrf1)  }
0x1e4: {  	v15, v16, _ =	vpop (xrf1)  }
0x1e5: {  	vm14 =	vge.f32 v0, v15  }
0x1e6: {  	v0 =	vmax.f32 v0, v15;
	v2 =	vsel vm14, v2, v16  }
0x1e7: {  	(xrf1) =	vsort.ascd.msk.f32 $0xffff, v0, v2  }
0x1e8: {  	(xrf1) =	vsort.dscd.msk.f32 $0xffff, v47, v17;
	_ =	sdelay $0xb  }
0x1e9: {  	v9 =	vld [tilespmem:$0x1FC30]  }
0x1ea: {  	v10 =	vld [tilespmem:$0x1FBD0];
	v0, v2, _ =	vpop (xrf1)  }
0x1eb: {  	v49, v8, _ =	vpop (xrf1)  }
0x1ec: {  	vm15 =	vge.f32 v0, v49  }
0x1ed: {  	v0 =	vmax.f32 v0, v49;
	v2 =	vsel vm15, v2, v8  }
0x1ee: {  	(xrf1) =	vsort.ascd.msk.f32 $0xffff, v0, v2  }
0x1ef: {  	(xrf1) =	vsort.dscd.msk.f32 $0xffff, v10, v9;
	_ =	sdelay $0xb  }
0x1f0: {  	v13 =	vld [tilespmem:$0x1FC40]  }
0x1f1: {  	v14 =	vld [tilespmem:$0x1FB60];
	v0, v2, _ =	vpop (xrf1)  }
0x1f2: {  	v11, v12, _ =	vpop (xrf1)  }
0x1f3: {  	vm4 =	vge.f32 v0, v11  }
0x1f4: {  	v0 =	vmax.f32 v0, v11;
	v2 =	vsel vm4, v2, v12  }
0x1f5: {  	(xrf1) =	vsort.ascd.msk.f32 $0xffff, v0, v2  }
0x1f6: {  	(xrf1) =	vsort.dscd.msk.f32 $0xffff, v14, v13;
	_ =	sdelay $0xb  }
0x1f7: {  	v17 =	vld [tilespmem:$0x1FC50]  }
0x1f8: {  	v47 =	vld [tilespmem:$0x1FB20];
	v0, v2, _ =	vpop (xrf1)  }
0x1f9: {  	v15, v16, _ =	vpop (xrf1)  }
0x1fa: {  	vm5 =	vge.f32 v0, v15  }
0x1fb: {  	v0 =	vmax.f32 v0, v15;
	v2 =	vsel vm5, v2, v16  }
0x1fc: {  	(xrf1) =	vsort.ascd.msk.f32 $0xffff, v0, v2  }
0x1fd: {  	(xrf1) =	vsort.dscd.msk.f32 $0xffff, v47, v17;
	_ =	sdelay $0xb  }
0x1fe: {  	v9 =	vld [tilespmem:$0x1FC60]  }
0x1ff: {  	v10 =	vld [tilespmem:$0x1FBC0];
	v0, v2, _ =	vpop (xrf1)  }
0x200: {  	v49, v8, _ =	vpop (xrf1)  }
0x201: {  	vm6 =	vge.f32 v0, v49  }
0x202: {  	v0 =	vmax.f32 v0, v49;
	v2 =	vsel vm6, v2, v8  }
0x203: {  	(xrf1) =	vsort.ascd.msk.f32 $0xffff, v0, v2  }
0x204: {  	(xrf1) =	vsort.dscd.msk.f32 $0xffff, v10, v9;
	_ =	sdelay $0xb  }
0x205: {  	v13 =	vld [tilespmem:$0x1FC70]  }
0x206: {  	v14 =	vld [tilespmem:$0x1FB30];
	v0, v2, _ =	vpop (xrf1)  }
0x207: {  	v11, v12, _ =	vpop (xrf1)  }
0x208: {  	vm7 =	vge.f32 v0, v11  }
0x209: {  	v0 =	vmax.f32 v0, v11;
	v2 =	vsel vm7, v2, v12  }
0x20a: {  	(xrf1) =	vsort.ascd.msk.f32 $0xffff, v0, v2  }
0x20b: {  	(xrf1) =	vsort.dscd.msk.f32 $0xffff, v14, v13;
	_ =	sdelay $0xb  }
0x20c: {  	v17 =	vld [tilespmem:$0x1FC80]  }
0x20d: {  	v47 =	vld [tilespmem:$0x1FBB0];
	v0, v2, _ =	vpop (xrf1)  }
0x20e: {  	v15, v16, _ =	vpop (xrf1)  }
0x20f: {  	vm8 =	vge.f32 v0, v15  }
0x210: {  	v0 =	vmax.f32 v0, v15;
	v2 =	vsel vm8, v2, v16  }
0x211: {  	(xrf1) =	vsort.ascd.msk.f32 $0xffff, v0, v2  }
0x212: {  	(xrf1) =	vsort.dscd.msk.f32 $0xffff, v47, v17;
	_ =	sdelay $0xb  }
0x213: {  	v9 =	vld [tilespmem:$0x1FC90]  }
0x214: {  	v10 =	vld [tilespmem:$0x1FBF0];
	v0, v2, _ =	vpop (xrf1)  }
0x215: {  	v49, v8, _ =	vpop (xrf1)  }
0x216: {  	vm9 =	vge.f32 v0, v49  }
0x217: {  	v0 =	vmax.f32 v0, v49;
	v2 =	vsel vm9, v2, v8  }
0x218: {  	(xrf1) =	vsort.ascd.msk.f32 $0xffff, v0, v2  }
0x219: {  	(xrf1) =	vsort.dscd.msk.f32 $0xffff, v10, v9;
	_ =	sdelay $0xb  }
0x21a: {  	v13 =	vld [tilespmem:$0x1FCA0]  }
0x21b: {  	v14 =	vld [tilespmem:$0x1FB50];
	v0, v2, _ =	vpop (xrf1)  }
0x21c: {  	v11, v12, _ =	vpop (xrf1)  }
0x21d: {  	vm10 =	vge.f32 v0, v11  }
0x21e: {  	v0 =	vmax.f32 v0, v11;
	v2 =	vsel vm10, v2, v12  }
0x21f: {  	(xrf1) =	vsort.ascd.msk.f32 $0xffff, v0, v2  }
0x220: {  	(xrf1) =	vsort.dscd.msk.f32 $0xffff, v14, v13;
	_ =	sdelay $0xb  }
0x221: {  	v17 =	vld [tilespmem:$0x1FCB0]  }
0x222: {  	v47 =	vld [tilespmem:$0x1FBE0];
	v0, v2, _ =	vpop (xrf1)  }
0x223: {  	v15, v16, _ =	vpop (xrf1)  }
0x224: {  	vm11 =	vge.f32 v0, v15  }
0x225: {  	v0 =	vmax.f32 v0, v15;
	v2 =	vsel vm11, v2, v16  }
0x226: {  	(xrf1) =	vsort.ascd.msk.f32 $0xffff, v0, v2  }
0x227: {  	(xrf1) =	vsort.dscd.msk.f32 $0xffff, v47, v17;
	_ =	sdelay $0xb  }
0x228: {  	v9 =	vld [tilespmem:$0x1FCC0]  }
0x229: {  	v10 =	vld [tilespmem:$0x1FB80];
	v0, v2, _ =	vpop (xrf1)  }
0x22a: {  	v49, v8, _ =	vpop (xrf1)  }
0x22b: {  	vm12 =	vge.f32 v0, v49  }
0x22c: {  	v0 =	vmax.f32 v0, v49;
	v2 =	vsel vm12, v2, v8  }
0x22d: {  	(xrf1) =	vsort.ascd.msk.f32 $0xffff, v0, v2  }
0x22e: {  	(xrf1) =	vsort.dscd.msk.f32 $0xffff, v10, v9;
	_ =	sdelay $0xb  }
0x22f: {  	v13 =	vld [tilespmem:$0x1FCD0]  }
0x230: {  	v14 =	vld [tilespmem:$0x1FB90];
	v0, v2, _ =	vpop (xrf1)  }
0x231: {  	v11, v12, _ =	vpop (xrf1)  }
0x232: {  	vm13 =	vge.f32 v0, v11  }
0x233: {  	v0 =	vmax.f32 v0, v11;
	v2 =	vsel vm13, v2, v12  }
0x234: {  	(xrf1) =	vsort.ascd.msk.f32 $0xffff, v0, v2  }
0x235: {  	(xrf1) =	vsort.dscd.msk.f32 $0xffff, v14, v13;
	_ =	sdelay $0xb  }
0x236: {  	v17 =	vld [tilespmem:$0x1FCE0]  }
0x237: {  	v47 =	vld [tilespmem:$0x1FB70];
	v0, v2, _ =	vpop (xrf1)  }
0x238: {  	v15, v16, _ =	vpop (xrf1)  }
0x239: {  	vm14 =	vge.f32 v0, v15  }
0x23a: {  	v0 =	vmax.f32 v0, v15;
	v2 =	vsel vm14, v2, v16  }
0x23b: {  	(xrf1) =	vsort.ascd.msk.f32 $0xffff, v0, v2  }
0x23c: {  	(xrf1) =	vsort.dscd.msk.f32 $0xffff, v47, v17;
	_ =	sdelay $0xb  }
0x23d: {  	v9 =	vld [tilespmem:$0x1FCF0]  }
0x23e: {  	v10 =	vld [tilespmem:$0x1FA20];
	v0, v2, _ =	vpop (xrf1)  }
0x23f: {  	v49, v8, _ =	vpop (xrf1)  }
0x240: {  	vm15 =	vge.f32 v0, v49  }
0x241: {  	v0 =	vmax.f32 v0, v49;
	v2 =	vsel vm15, v2, v8  }
0x242: {  	(xrf1) =	vsort.ascd.msk.f32 $0xffff, v0, v2  }
0x243: {  	(xrf1) =	vsort.dscd.msk.f32 $0xffff, v10, v9;
	_ =	sdelay $0xb  }
0x244: {  	v13 =	vld [tilespmem:$0x1FD00]  }
0x245: {  	v14 =	vld [tilespmem:$0x1FA30];
	v0, v2, _ =	vpop (xrf1)  }
0x246: {  	v11, v12, _ =	vpop (xrf1)  }
0x247: {  	vm4 =	vge.f32 v0, v11  }
0x248: {  	v0 =	vmax.f32 v0, v11;
	v2 =	vsel vm4, v2, v12  }
0x249: {  	(xrf1) =	vsort.ascd.msk.f32 $0xffff, v0, v2  }
0x24a: {  	(xrf1) =	vsort.dscd.msk.f32 $0xffff, v14, v13;
	_ =	sdelay $0xb  }
0x24b: {  	v17 =	vld [tilespmem:$0x1FD10]  }
0x24c: {  	v47 =	vld [tilespmem:$0x1FA50];
	v0, v2, _ =	vpop (xrf1)  }
0x24d: {  	v15, v16, _ =	vpop (xrf1)  }
0x24e: {  	vm5 =	vge.f32 v0, v15  }
0x24f: {  	v0 =	vmax.f32 v0, v15;
	v2 =	vsel vm5, v2, v16  }
0x250: {  	(xrf1) =	vsort.ascd.msk.f32 $0xffff, v0, v2  }
0x251: {  	(xrf1) =	vsort.dscd.msk.f32 $0xffff, v47, v17;
	_ =	sdelay $0xb  }
0x252: {  	v9 =	vld [tilespmem:$0x1FD20]  }
0x253: {  	v10 =	vld [tilespmem:$0x1FAC0];
	v0, v2, _ =	vpop (xrf1)  }
0x254: {  	v49, v8, _ =	vpop (xrf1)  }
0x255: {  	vm6 =	vge.f32 v0, v49  }
0x256: {  	v0 =	vmax.f32 v0, v49;
	v2 =	vsel vm6, v2, v8  }
0x257: {  	(xrf1) =	vsort.ascd.msk.f32 $0xffff, v0, v2  }
0x258: {  	(xrf1) =	vsort.dscd.msk.f32 $0xffff, v10, v9;
	_ =	sdelay $0xb  }
0x259: {  	v13 =	vld [tilespmem:$0x1FD30]  }
0x25a: {  	v14 =	vld [tilespmem:$0x1FA80];
	v0, v2, _ =	vpop (xrf1)  }
0x25b: {  	v11, v12, _ =	vpop (xrf1)  }
0x25c: {  	vm7 =	vge.f32 v0, v11  }
0x25d: {  	v0 =	vmax.f32 v0, v11;
	v2 =	vsel vm7, v2, v12  }
0x25e: {  	(xrf1) =	vsort.ascd.msk.f32 $0xffff, v0, v2  }
0x25f: {  	(xrf1) =	vsort.dscd.msk.f32 $0xffff, v14, v13;
	_ =	sdelay $0xb  }
0x260: {  	v17 =	vld [tilespmem:$0x1FD40]  }
0x261: {  	v47 =	vld [tilespmem:$0x1FA60];
	v0, v2, _ =	vpop (xrf1)  }
0x262: {  	v15, v16, _ =	vpop (xrf1)  }
0x263: {  	vm8 =	vge.f32 v0, v15  }
0x264: {  	v0 =	vmax.f32 v0, v15;
	v2 =	vsel vm8, v2, v16  }
0x265: {  	(xrf1) =	vsort.ascd.msk.f32 $0xffff, v0, v2  }
0x266: {  	(xrf1) =	vsort.dscd.msk.f32 $0xffff, v47, v17;
	_ =	sdelay $0xb  }
0x267: {  	v9 =	vld [tilespmem:$0x1FD50]  }
0x268: {  	v10 =	vld [tilespmem:$0x1FAD0];
	v0, v2, _ =	vpop (xrf1)  }
0x269: {  	v49, v8, _ =	vpop (xrf1)  }
0x26a: {  	vm9 =	vge.f32 v0, v49  }
0x26b: {  	v0 =	vmax.f32 v0, v49;
	v2 =	vsel vm9, v2, v8  }
0x26c: {  	(xrf1) =	vsort.ascd.msk.f32 $0xffff, v0, v2  }
0x26d: {  	(xrf1) =	vsort.dscd.msk.f32 $0xffff, v10, v9;
	_ =	sdelay $0xb  }
0x26e: {  	v13 =	vld [tilespmem:$0x1FD60]  }
0x26f: {  	v14 =	vld [tilespmem:$0x1FAB0];
	v0, v2, _ =	vpop (xrf1)  }
0x270: {  	v11, v12, _ =	vpop (xrf1)  }
0x271: {  	vm10 =	vge.f32 v0, v11  }
0x272: {  	v0 =	vmax.f32 v0, v11;
	v2 =	vsel vm10, v2, v12  }
0x273: {  	(xrf1) =	vsort.ascd.msk.f32 $0xffff, v0, v2  }
0x274: {  	(xrf1) =	vsort.dscd.msk.f32 $0xffff, v14, v13;
	_ =	sdelay $0xb  }
0x275: {  	v17 =	vld [tilespmem:$0x1FD70]  }
0x276: {  	v47 =	vld [tilespmem:$0x1FA40];
	v0, v2, _ =	vpop (xrf1)  }
0x277: {  	v15, v16, _ =	vpop (xrf1)  }
0x278: {  	vm11 =	vge.f32 v0, v15  }
0x279: {  	v0 =	vmax.f32 v0, v15;
	v2 =	vsel vm11, v2, v16  }
0x27a: {  	(xrf1) =	vsort.ascd.msk.f32 $0xffff, v0, v2  }
0x27b: {  	(xrf1) =	vsort.dscd.msk.f32 $0xffff, v47, v17;
	_ =	sdelay $0xb  }
0x27c: {  	v9 =	vld [tilespmem:$0x1FD80]  }
0x27d: {  	v10 =	vld [tilespmem:$0x1FAE0];
	v0, v2, _ =	vpop (xrf1)  }
0x27e: {  	v49, v8, _ =	vpop (xrf1)  }
0x27f: {  	vm12 =	vge.f32 v0, v49  }
0x280: {  	v0 =	vmax.f32 v0, v49;
	v2 =	vsel vm12, v2, v8  }
0x281: {  	(xrf1) =	vsort.ascd.msk.f32 $0xffff, v0, v2  }
0x282: {  	(xrf1) =	vsort.dscd.msk.f32 $0xffff, v10, v9;
	_ =	sdelay $0xb  }
0x283: {  	v13 =	vld [tilespmem:$0x1FD90]  }
0x284: {  	v14 =	vld [tilespmem:$0x1FA90];
	v0, v2, _ =	vpop (xrf1)  }
0x285: {  	v11, v12, _ =	vpop (xrf1)  }
0x286: {  	vm13 =	vge.f32 v0, v11  }
0x287: {  	v0 =	vmax.f32 v0, v11;
	v2 =	vsel vm13, v2, v12  }
0x288: {  	(xrf1) =	vsort.ascd.msk.f32 $0xffff, v0, v2  }
0x289: {  	(xrf1) =	vsort.dscd.msk.f32 $0xffff, v14, v13;
	_ =	sdelay $0xb  }
0x28a: {  	v17 =	vld [tilespmem:$0x1FDA0]  }
0x28b: {  	v47 =	vld [tilespmem:$0x1FA70];
	v0, v2, _ =	vpop (xrf1)  }
0x28c: {  	v15, v16, _ =	vpop (xrf1)  }
0x28d: {  	vm14 =	vge.f32 v0, v15  }
0x28e: {  	v0 =	vmax.f32 v0, v15;
	v2 =	vsel vm14, v2, v16  }
0x28f: {  	(xrf1) =	vsort.ascd.msk.f32 $0xffff, v0, v2  }
0x290: {  	(xrf1) =	vsort.dscd.msk.f32 $0xffff, v47, v17;
	_ =	sdelay $0xc  }
0x291: {  	v9 =	vld [tilespmem:$0x1FDB0];
	v0, v2, _ =	vpop (xrf1)  }
0x292: {  	v49, v8, _ =	vpop (xrf1)  }
0x293: {  	vm15 =	vge.f32 v0, v49  }
0x294: {  	v0 =	vmax.f32 v0, v49;
	v2 =	vsel vm15, v2, v8  }
0x295: {  	(xrf1) =	vsort.ascd.msk.f32 $0xffff, v0, v2  }
0x296: {  	(xrf1) =	vsort.dscd.msk.f32 $0xffff, v22, v9;
	_ =	sdelay $0xb  }
0x297: {  	v13 =	vld [tilespmem:$0x1FDC0]  }
0x298: {  	v14 =	vld [tilespmem:$0x1FAA0];
	v10, v2, _ =	vpop (xrf1)  }
0x299: {  	v11, v12, _ =	vpop (xrf1)  }
0x29a: {  	vm4 =	vge.f32 v10, v11  }
0x29b: {  	v0 =	vmax.f32 v10, v11;
	v2 =	vsel vm4, v2, v12  }
0x29c: {  	(xrf1) =	vsort.ascd.msk.f32 $0xffff, v0, v2  }
0x29d: {  	(xrf1) =	vsort.dscd.msk.f32 $0xffff, v14, v13;
	_ =	sdelay $0xc  }
0x29e: {  	v17 =	vld [tilespmem:$0x1FDD0];
	v0, v2, _ =	vpop (xrf1)  }
0x29f: {  	v15, v16, _ =	vpop (xrf1)  }
0x2a0: {  	vm5 =	vge.f32 v0, v15  }
0x2a1: {  	v0 =	vmax.f32 v0, v15;
	v2 =	vsel vm5, v2, v16  }
0x2a2: {  	(xrf1) =	vsort.ascd.msk.f32 $0xffff, v0, v2  }
0x2a3: {  	(xrf1) =	vsort.dscd.msk.f32 $0xffff, v19, v17;
	_ =	sdelay $0xc  }
0x2a4: {  	v7 =	vld [tilespmem:$0x1FDE0];
	v22, v2, _ =	vpop (xrf1)  }
0x2a5: {  	v47, v49, _ =	vpop (xrf1)  }
0x2a6: {  	vm6 =	vge.f32 v22, v47  }
0x2a7: {  	v0 =	vmax.f32 v22, v47;
	v2 =	vsel vm6, v2, v49  }
0x2a8: {  	(xrf1) =	vsort.ascd.msk.f32 $0xffff, v0, v2  }
0x2a9: {  	(xrf1) =	vsort.dscd.msk.f32 $0xffff, v18, v7;
	_ =	sdelay $0xb  }
0x2aa: {  	v11 =	vld [tilespmem:$0x1FDF0]  }
0x2ab: {  	v12 =	vld [tilespmem:$0x1F920];
	v8, v2, _ =	vpop (xrf1)  }
0x2ac: {  	v9, v10, _ =	vpop (xrf1)  }
0x2ad: {  	vm7 =	vge.f32 v8, v9  }
0x2ae: {  	v0 =	vmax.f32 v8, v9;
	v2 =	vsel vm7, v2, v10  }
0x2af: {  	(xrf1) =	vsort.ascd.msk.f32 $0xffff, v0, v2  }
0x2b0: {  	(xrf1) =	vsort.dscd.msk.f32 $0xffff, v12, v11;
	_ =	sdelay $0xb  }
0x2b1: {  	v15 =	vld [tilespmem:$0x1FE00]  }
0x2b2: {  	v16 =	vld [tilespmem:$0x1F930];
	v0, v2, _ =	vpop (xrf1)  }
0x2b3: {  	v13, v14, _ =	vpop (xrf1)  }
0x2b4: {  	vm8 =	vge.f32 v0, v13  }
0x2b5: {  	v0 =	vmax.f32 v0, v13;
	v2 =	vsel vm8, v2, v14  }
0x2b6: {  	(xrf1) =	vsort.ascd.msk.f32 $0xffff, v0, v2  }
0x2b7: {  	(xrf1) =	vsort.dscd.msk.f32 $0xffff, v16, v15;
	_ =	sdelay $0xb  }
0x2b8: {  	v19 =	vld [tilespmem:$0x1FE10]  }
0x2b9: {  	v22 =	vld [tilespmem:$0x1F950];
	v0, v2, _ =	vpop (xrf1)  }
0x2ba: {  	v17, v18, _ =	vpop (xrf1)  }
0x2bb: {  	vm9 =	vge.f32 v0, v17  }
0x2bc: {  	v0 =	vmax.f32 v0, v17;
	v2 =	vsel vm9, v2, v18  }
0x2bd: {  	(xrf1) =	vsort.ascd.msk.f32 $0xffff, v0, v2  }
0x2be: {  	(xrf1) =	vsort.dscd.msk.f32 $0xffff, v22, v19;
	_ =	sdelay $0xb  }
0x2bf: {  	v7 =	vld [tilespmem:$0x1FE20]  }
0x2c0: {  	v8 =	vld [tilespmem:$0x1F9D0];
	v0, v2, _ =	vpop (xrf1)  }
0x2c1: {  	v47, v49, _ =	vpop (xrf1)  }
0x2c2: {  	vm10 =	vge.f32 v0, v47  }
0x2c3: {  	v0 =	vmax.f32 v0, v47;
	v2 =	vsel vm10, v2, v49  }
0x2c4: {  	(xrf1) =	vsort.ascd.msk.f32 $0xffff, v0, v2  }
0x2c5: {  	(xrf1) =	vsort.dscd.msk.f32 $0xffff, v8, v7;
	_ =	sdelay $0xb  }
0x2c6: {  	v11 =	vld [tilespmem:$0x1FE30]  }
0x2c7: {  	v12 =	vld [tilespmem:$0x1F980];
	v0, v2, _ =	vpop (xrf1)  }
0x2c8: {  	v9, v10, _ =	vpop (xrf1)  }
0x2c9: {  	vm11 =	vge.f32 v0, v9  }
0x2ca: {  	v0 =	vmax.f32 v0, v9;
	v2 =	vsel vm11, v2, v10  }
0x2cb: {  	(xrf1) =	vsort.ascd.msk.f32 $0xffff, v0, v2  }
0x2cc: {  	(xrf1) =	vsort.dscd.msk.f32 $0xffff, v12, v11;
	_ =	sdelay $0xb  }
0x2cd: {  	v15 =	vld [tilespmem:$0x1FE40]  }
0x2ce: {  	v16 =	vld [tilespmem:$0x1F960];
	v0, v2, _ =	vpop (xrf1)  }
0x2cf: {  	v13, v14, _ =	vpop (xrf1)  }
0x2d0: {  	vm12 =	vge.f32 v0, v13  }
0x2d1: {  	v0 =	vmax.f32 v0, v13;
	v2 =	vsel vm12, v2, v14  }
0x2d2: {  	(xrf1) =	vsort.ascd.msk.f32 $0xffff, v0, v2  }
0x2d3: {  	(xrf1) =	vsort.dscd.msk.f32 $0xffff, v16, v15;
	_ =	sdelay $0xb  }
0x2d4: {  	v19 =	vld [tilespmem:$0x1FE50]  }
0x2d5: {  	v22 =	vld [tilespmem:$0x1F9F0];
	v0, v2, _ =	vpop (xrf1)  }
0x2d6: {  	v17, v18, _ =	vpop (xrf1)  }
0x2d7: {  	vm13 =	vge.f32 v0, v17  }
0x2d8: {  	v0 =	vmax.f32 v0, v17;
	v2 =	vsel vm13, v2, v18  }
0x2d9: {  	(xrf1) =	vsort.ascd.msk.f32 $0xffff, v0, v2  }
0x2da: {  	(xrf1) =	vsort.dscd.msk.f32 $0xffff, v22, v19;
	_ =	sdelay $0xb  }
0x2db: {  	v7 =	vld [tilespmem:$0x1FE60]  }
0x2dc: {  	v8 =	vld [tilespmem:$0x1F9C0];
	v0, v2, _ =	vpop (xrf1)  }
0x2dd: {  	v47, v49, _ =	vpop (xrf1)  }
0x2de: {  	vm14 =	vge.f32 v0, v47  }
0x2df: {  	v0 =	vmax.f32 v0, v47;
	v2 =	vsel vm14, v2, v49  }
0x2e0: {  	(xrf1) =	vsort.ascd.msk.f32 $0xffff, v0, v2  }
0x2e1: {  	(xrf1) =	vsort.dscd.msk.f32 $0xffff, v8, v7;
	_ =	sdelay $0xb  }
0x2e2: {  	v11 =	vld [tilespmem:$0x1FE70]  }
0x2e3: {  	v12 =	vld [tilespmem:$0x1F940];
	v0, v2, _ =	vpop (xrf1)  }
0x2e4: {  	v9, v10, _ =	vpop (xrf1)  }
0x2e5: {  	vm15 =	vge.f32 v0, v9  }
0x2e6: {  	v0 =	vmax.f32 v0, v9;
	v2 =	vsel vm15, v2, v10  }
0x2e7: {  	(xrf1) =	vsort.ascd.msk.f32 $0xffff, v0, v2  }
0x2e8: {  	(xrf1) =	vsort.dscd.msk.f32 $0xffff, v12, v11;
	_ =	sdelay $0xb  }
0x2e9: {  	v15 =	vld [tilespmem:$0x1FE80]  }
0x2ea: {  	v16 =	vld [tilespmem:$0x1FA00];
	v0, v2, _ =	vpop (xrf1)  }
0x2eb: {  	v13, v14, _ =	vpop (xrf1)  }
0x2ec: {  	vm4 =	vge.f32 v0, v13  }
0x2ed: {  	v0 =	vmax.f32 v0, v13;
	v2 =	vsel vm4, v2, v14  }
0x2ee: {  	(xrf1) =	vsort.ascd.msk.f32 $0xffff, v0, v2  }
0x2ef: {  	(xrf1) =	vsort.dscd.msk.f32 $0xffff, v16, v15;
	_ =	sdelay $0xb  }
0x2f0: {  	v19 =	vld [tilespmem:$0x1FE90]  }
0x2f1: {  	v22 =	vld [tilespmem:$0x1F9A0];
	v0, v2, _ =	vpop (xrf1)  }
0x2f2: {  	v17, v18, _ =	vpop (xrf1)  }
0x2f3: {  	vm5 =	vge.f32 v0, v17  }
0x2f4: {  	v0 =	vmax.f32 v0, v17;
	v2 =	vsel vm5, v2, v18  }
0x2f5: {  	(xrf1) =	vsort.ascd.msk.f32 $0xffff, v0, v2  }
0x2f6: {  	(xrf1) =	vsort.dscd.msk.f32 $0xffff, v22, v19;
	_ =	sdelay $0xb  }
0x2f7: {  	v8 =	vld [tilespmem:$0x1FEA0]  }
0x2f8: {  	v9 =	vld [tilespmem:$0x1F970];
	v0, v2, _ =	vpop (xrf1)  }
0x2f9: {  	v47, v49, _ =	vpop (xrf1)  }
0x2fa: {  	vm6 =	vge.f32 v0, v47  }
0x2fb: {  	v0 =	vmax.f32 v0, v47;
	v2 =	vsel vm6, v2, v49  }
0x2fc: {  	(xrf1) =	vsort.ascd.msk.f32 $0xffff, v0, v2  }
0x2fd: {  	(xrf1) =	vsort.dscd.msk.f32 $0xffff, v9, v8;
	_ =	sdelay $0xc  }
0x2fe: {  	v12 =	vld [tilespmem:$0x1FEB0];
	v0, v2, _ =	vpop (xrf1)  }
0x2ff: {  	v10, v11, _ =	vpop (xrf1)  }
0x300: {  	vm7 =	vge.f32 v0, v10  }
0x301: {  	v0 =	vmax.f32 v0, v10;
	v2 =	vsel vm7, v2, v11  }
0x302: {  	(xrf1) =	vsort.ascd.msk.f32 $0xffff, v0, v2  }
0x303: {  	(xrf1) =	vsort.dscd.msk.f32 $0xffff, v39, v12;
	_ =	sdelay $0xb  }
0x304: {  	v16 =	vld [tilespmem:$0x1FEC0]  }
0x305: {  	v17 =	vld [tilespmem:$0x1F9B0];
	v13, v2, _ =	vpop (xrf1)  }
0x306: {  	v14, v15, _ =	vpop (xrf1)  }
0x307: {  	vm8 =	vge.f32 v13, v14  }
0x308: {  	v0 =	vmax.f32 v13, v14;
	v2 =	vsel vm8, v2, v15  }
0x309: {  	(xrf1) =	vsort.ascd.msk.f32 $0xffff, v0, v2  }
0x30a: {  	(xrf1) =	vsort.dscd.msk.f32 $0xffff, v17, v16;
	_ =	sdelay $0xc  }
0x30b: {  	v22 =	vld [tilespmem:$0x1FEE0];
	v0, v2, _ =	vpop (xrf1)  }
0x30c: {  	v18, v19, _ =	vpop (xrf1)  }
0x30d: {  	vm9 =	vge.f32 v0, v18  }
0x30e: {  	v0 =	vmax.f32 v0, v18;
	v2 =	vsel vm9, v2, v19  }
0x30f: {  	(xrf1) =	vsort.ascd.msk.f32 $0xffff, v0, v2  }
0x310: {  	(xrf1) =	vsort.dscd.msk.f32 $0xffff, v38, v22;
	_ =	sdelay $0xc  }
0x311: {  	v6 =	vld [tilespmem:$0x1FEF0];
	v39, v2, _ =	vpop (xrf1)  }
0x312: {  	v47, v49, _ =	vpop (xrf1)  }
0x313: {  	vm10 =	vge.f32 v39, v47  }
0x314: {  	v0 =	vmax.f32 v39, v47;
	v2 =	vsel vm10, v2, v49  }
0x315: {  	(xrf1) =	vsort.ascd.msk.f32 $0xffff, v0, v2  }
0x316: {  	(xrf1) =	vsort.dscd.msk.f32 $0xffff, v37, v6;
	_ =	sdelay $0x8  }
0x317: {  	v7 =	vshrl.u32 v45, $0x10  }
0x318: {  	v0 =	vand.u32 $0x1, v7  }
0x319: {  	v0 =	vadd.s32 v0, v45  }
0x31a: {  	v0 =	vadd.s32 $0x7FFF, v0  }
0x31b: {  	v10 =	vld [tilespmem:$0x1FF00];
	v0 =	vand.u32 $0xFFFF0000, v0;
	v2, v8, _ =	vpop (xrf1)  }
0x31c: {  	v0 =	vmul.f32 v0, v54;
	v9, v5, _ =	vpop (xrf1)  }
0x31d: {  	vm11 =	vge.f32 v2, v9  }
0x31e: {  	v0 =	vadd.f32 v0, v20;
	v2 =	vmax.f32 v2, v9;
	v3 =	vsel vm11, v8, v5  }
0x31f: {  	(xrf1) =	vsort.ascd.msk.f32 $0xffff, v2, v3  }
0x320: {  	(xrf1) =	vsort.dscd.msk.f32 $0xffff, v0, v10;
	_ =	sdelay $0x8  }
0x321: {  	v11 =	vshrl.u32 v44, $0x10  }
0x322: {  	v0 =	vand.u32 $0x1, v11  }
0x323: {  	v0 =	vadd.s32 v0, v44  }
0x324: {  	v0 =	vadd.s32 $0x7FFF, v0  }
0x325: {  	v15 =	vld [tilespmem:$0x1FF10];
	v0 =	vand.u32 $0xFFFF0000, v0;
	v12, v3, _ =	vpop (xrf1)  }
0x326: {  	v0 =	vmul.f32 v0, v54;
	v13, v14, _ =	vpop (xrf1)  }
0x327: {  	vm12 =	vge.f32 v12, v13  }
0x328: {  	v0 =	vadd.f32 v0, v41;
	v2 =	vmax.f32 v12, v13;
	v3 =	vsel vm12, v3, v14  }
0x329: {  	(xrf1) =	vsort.ascd.msk.f32 $0xffff, v2, v3  }
0x32a: {  	(xrf1) =	vsort.dscd.msk.f32 $0xffff, v0, v15;
	_ =	sdelay $0x8  }
0x32b: {  	v16 =	vshrl.u32 v40, $0x10  }
0x32c: {  	v0 =	vand.u32 $0x1, v16  }
0x32d: {  	v0 =	vadd.s32 v0, v40  }
0x32e: {  	v0 =	vadd.s32 $0x7FFF, v0  }
0x32f: {  	v20 =	vld [tilespmem:$0x1FF20];
	v0 =	vand.u32 $0xFFFF0000, v0;
	v17, v3, _ =	vpop (xrf1)  }
0x330: {  	v0 =	vmul.f32 v0, v54;
	v18, v19, _ =	vpop (xrf1)  }
0x331: {  	vm13 =	vge.f32 v17, v18  }
0x332: {  	v0 =	vadd.f32 v0, v32;
	v2 =	vmax.f32 v17, v18;
	v3 =	vsel vm13, v3, v19  }
0x333: {  	(xrf1) =	vsort.ascd.msk.f32 $0xffff, v2, v3  }
0x334: {  	(xrf1) =	vsort.dscd.msk.f32 $0xffff, v0, v20;
	_ =	sdelay $0x9  }
0x335: {  	v22 =	vand.u32 $0x1, v42  }
0x336: {  	v0 =	vadd.s32 v22, v30  }
0x337: {  	v0 =	vadd.s32 $0x7FFF, v0  }
0x338: {  	v38 =	vld [tilespmem:$0x1FF30];
	v0 =	vand.u32 $0xFFFF0000, v0;
	v30, v3, _ =	vpop (xrf1)  }
0x339: {  	v0 =	vmul.f32 v0, v54;
	v32, v37, _ =	vpop (xrf1)  }
0x33a: {  	vm14 =	vge.f32 v30, v32  }
0x33b: {  	v0 =	vadd.f32 v0, v31;
	v2 =	vmax.f32 v30, v32;
	v3 =	vsel vm14, v3, v37  }
0x33c: {  	(xrf1) =	vsort.ascd.msk.f32 $0xffff, v2, v3  }
0x33d: {  	(xrf1) =	vsort.dscd.msk.f32 $0xffff, v0, v38;
	_ =	sdelay $0xa  }
0x33e: {  	v39 =	vadd.s32 v35, v25  }
0x33f: {  	v0 =	vadd.s32 $0x7FFF, v39  }
0x340: {  	v44 =	vld [tilespmem:$0x1FF40];
	v0 =	vand.u32 $0xFFFF0000, v0;
	v40, v3, _ =	vpop (xrf1)  }
0x341: {  	v0 =	vmul.f32 v0, v54;
	v41, v42, _ =	vpop (xrf1)  }
0x342: {  	vm15 =	vge.f32 v40, v41  }
0x343: {  	v0 =	vadd.f32 v0, v29;
	v2 =	vmax.f32 v40, v41;
	v3 =	vsel vm15, v3, v42  }
0x344: {  	(xrf1) =	vsort.ascd.msk.f32 $0xffff, v2, v3  }
0x345: {  	(xrf1) =	vsort.dscd.msk.f32 $0xffff, v0, v44;
	_ =	sdelay $0x9  }
0x346: {  	v45 =	vand.u32 $0x1, v33  }
0x347: {  	v0 =	vadd.s32 v45, v51  }
0x348: {  	v0 =	vadd.s32 $0x7FFF, v0  }
0x349: {  	v8 =	vld [tilespmem:$0x1FF50];
	v0 =	vand.u32 $0xFFFF0000, v0;
	v47, v3, _ =	vpop (xrf1)  }
0x34a: {  	v0 =	vmul.f32 v0, v54;
	v49, v51, _ =	vpop (xrf1)  }
0x34b: {  	vm4 =	vge.f32 v47, v49  }
0x34c: {  	v0 =	vadd.f32 v0, v24;
	v2 =	vmax.f32 v47, v49;
	v3 =	vsel vm4, v3, v51  }
0x34d: {  	(xrf1) =	vsort.ascd.msk.f32 $0xffff, v2, v3  }
0x34e: {  	(xrf1) =	vsort.dscd.msk.f32 $0xffff, v0, v8;
	_ =	sdelay $0xa  }
0x34f: {  	v9 =	vadd.s32 v36, v52  }
0x350: {  	v0 =	vadd.s32 $0x7FFF, v9  }
0x351: {  	v13 =	vld [tilespmem:$0x1FF60];
	v0 =	vand.u32 $0xFFFF0000, v0;
	v10, v3, _ =	vpop (xrf1)  }
0x352: {  	v0 =	vmul.f32 v0, v54;
	v11, v12, _ =	vpop (xrf1)  }
0x353: {  	vm5 =	vge.f32 v10, v11  }
0x354: {  	v0 =	vadd.f32 v0, v23;
	v2 =	vmax.f32 v10, v11;
	v3 =	vsel vm5, v3, v12  }
0x355: {  	(xrf1) =	vsort.ascd.msk.f32 $0xffff, v2, v3  }
0x356: {  	(xrf1) =	vsort.dscd.msk.f32 $0xffff, v0, v13;
	_ =	sdelay $0x9  }
0x357: {  	v14 =	vand.u32 $0x1, v26  }
0x358: {  	v0 =	vadd.s32 v14, v28  }
0x359: {  	v0 =	vadd.s32 $0x7FFF, v0  }
0x35a: {  	v20 =	vld [tilespmem:$0x1FF70];
	v0 =	vand.u32 $0xFFFF0000, v0;
	v15, v3, _ =	vpop (xrf1)  }
0x35b: {  	v0 =	vmul.f32 v0, v54;
	v16, v17, _ =	vpop (xrf1)  }
0x35c: {  	vm6 =	vge.f32 v15, v16  }
0x35d: {  	v0 =	vadd.f32 v0, v1;
	v18 =	vmax.f32 v15, v16;
	v19 =	vsel vm6, v3, v17  }
0x35e: {  	(xrf1) =	vsort.ascd.msk.f32 $0xffff, v18, v19  }
0x35f: {  	(xrf1) =	vsort.dscd.msk.f32 $0xffff, v0, v20;
	_ =	sdelay $0xa  }
0x360: {  	v22 =	vadd.s32 v21, v43  }
0x361: {  	v0 =	vadd.s32 $0x7FFF, v22  }
0x362: {  	v26 =	vld [tilespmem:$0x1FF80];
	v0 =	vand.u32 $0xFFFF0000, v0;
	v23, v2, _ =	vpop (xrf1)  }
0x363: {  	v0 =	vmul.f32 v0, v54;
	v25, v24, _ =	vpop (xrf1)  }
0x364: {  	vm7 =	vge.f32 v23, v25  }
0x365: {  	v0 =	vadd.f32 v0, v61;
	v1 =	vmax.f32 v23, v25;
	v2 =	vsel vm7, v2, v24  }
0x366: {  	(xrf1) =	vsort.ascd.msk.f32 $0xffff, v1, v2  }
0x367: {  	(xrf1) =	vsort.dscd.msk.f32 $0xffff, v0, v26;
	_ =	sdelay $0xa  }
0x368: {  	v28 =	vadd.s32 v48, v62  }
0x369: {  	v0 =	vadd.s32 $0x7FFF, v28  }
0x36a: {  	v32 =	vld [tilespmem:$0x1FF90];
	v0 =	vand.u32 $0xFFFF0000, v0;
	v29, v2, _ =	vpop (xrf1)  }
0x36b: {  	v0 =	vmul.f32 v0, v54;
	v30, v31, _ =	vpop (xrf1)  }
0x36c: {  	vm8 =	vge.f32 v29, v30  }
0x36d: {  	v0 =	vadd.f32 v0, v63;
	v1 =	vmax.f32 v29, v30;
	v2 =	vsel vm8, v2, v31  }
0x36e: {  	(xrf1) =	vsort.ascd.msk.f32 $0xffff, v1, v2  }
0x36f: {  	(xrf1) =	vsort.dscd.msk.f32 $0xffff, v0, v32;
	_ =	sdelay $0xa  }
0x370: {  	v33 =	vadd.s32 v50, v27  }
0x371: {  	v0 =	vadd.s32 $0x7FFF, v33  }
0x372: {  	v38 =	vld [tilespmem:$0x1FFA0];
	v0 =	vand.u32 $0xFFFF0000, v0;
	v35, v2, _ =	vpop (xrf1)  }
0x373: {  	v0 =	vmul.f32 v0, v54;
	v36, v37, _ =	vpop (xrf1)  }
0x374: {  	vm9 =	vge.f32 v35, v36  }
0x375: {  	v0 =	vadd.f32 v0, v60;
	v1 =	vmax.f32 v35, v36;
	v2 =	vsel vm9, v2, v37  }
0x376: {  	(xrf1) =	vsort.ascd.msk.f32 $0xffff, v1, v2  }
0x377: {  	(xrf1) =	vsort.dscd.msk.f32 $0xffff, v0, v38;
	_ =	sdelay $0xb  }
0x378: {  	v39 =	vadd.s32 $0x7FFF, v46  }
0x379: {  	v43 =	vld [tilespmem:$0x1FFB0];
	v0 =	vand.u32 $0xFFFF0000, v39;
	v40, v2, _ =	vpop (xrf1)  }
0x37a: {  	v0 =	vmul.f32 v0, v54;
	v41, v42, _ =	vpop (xrf1)  }
0x37b: {  	vm10 =	vge.f32 v40, v41  }
0x37c: {  	v0 =	vadd.f32 v0, v58;
	v1 =	vmax.f32 v40, v41;
	v2 =	vsel vm10, v2, v42  }
0x37d: {  	(xrf1) =	vsort.ascd.msk.f32 $0xffff, v1, v2  }
0x37e: {  	(xrf1) =	vsort.dscd.msk.f32 $0xffff, v0, v43;
	_ =	sdelay $0xc  }
0x37f: {  	v46 =	vld [tilespmem:$0x1FFC0];
	v0, v1, _ =	vpop (xrf1)  }
0x380: {  	v45, v44, _ =	vpop (xrf1)  }
0x381: {  	vm11 =	vge.f32 v0, v45  }
0x382: {  	v0 =	vmax.f32 v0, v45;
	v1 =	vsel vm11, v1, v44  }
0x383: {  	(xrf1) =	vsort.ascd.msk.f32 $0xffff, v0, v1  }
0x384: {  	(xrf1) =	vsort.dscd.msk.f32 $0xffff, v56, v46;
	_ =	sdelay $0xa  }
0x385: {  	v47 =	vadd.s32 v34, v59  }
0x386: {  	v0 =	vadd.s32 $0x7FFF, v47  }
0x387: {  	v51 =	vld [tilespmem:$0x1FFD0];
	v0 =	vand.u32 $0xFFFF0000, v0;
	v1, v48, _ =	vpop (xrf1)  }
0x388: {  	v0 =	vmul.f32 v0, v54;
	v50, v49, _ =	vpop (xrf1)  }
0x389: {  	vm12 =	vge.f32 v1, v50  }
0x38a: {  	v0 =	vadd.f32 v0, v57;
	v1 =	vmax.f32 v1, v50;
	v2 =	vsel vm12, v48, v49  }
0x38b: {  	(xrf1) =	vsort.ascd.msk.f32 $0xffff, v1, v2  }
0x38c: {  	(xrf1) =	vsort.dscd.msk.f32 $0xffff, v0, v51;
	_ =	sdelay $0xc  }
0x38d: {  	v56 =	vld [tilespmem:$0x1FFE0];
	v0, v1, _ =	vpop (xrf1)  }
0x38e: {  	v54, v52, _ =	vpop (xrf1)  }
0x38f: {  	vm13 =	vge.f32 v0, v54  }
0x390: {  	v0 =	vmax.f32 v0, v54;
	v1 =	vsel vm13, v1, v52  }
0x391: {  	(xrf1) =	vsort.ascd.msk.f32 $0xffff, v0, v1  }
0x392: {  	(xrf1) =	vsort.dscd.msk.f32 $0xffff, v55, v56;
	_ =	sdelay $0xc  }
0x393: {  	v60 =	vld [tilespmem:$0x1FFF0];
	v57, v1, _ =	vpop (xrf1)  }
0x394: {  	v58, v59, _ =	vpop (xrf1)  }
0x395: {  	vm14 =	vge.f32 v57, v58  }
0x396: {  	v0 =	vmax.f32 v57, v58;
	v1 =	vsel vm14, v1, v59  }
0x397: {  	(xrf1) =	vsort.ascd.msk.f32 $0xffff, v0, v1  }
0x398: {  	(xrf1) =	vsort.dscd.msk.f32 $0xffff, v53, v60;
	_ =	sdelay $0xc  }
0x399: {  	v61, v1, _ =	vpop (xrf1)  }
0x39a: {  	v62, v63, _ =	vpop (xrf1)  }
0x39b: {  	vm15 =	vge.f32 v61, v62  }
0x39c: {  	v0 =	vmax.f32 v61, v62;
	v1 =	vsel vm15, v1, v63  }
0x39d: {  	(xrf1) =	vsort.ascd.msk.f32 $0xffff, v0, v1;
	_ =	sdelay $0xd  }
0x39e: {  	v0, v1, _ =	vpop (xrf1)  }
0x39f: {  	[tilespmem:$0x10080] =	vst v0  }
0x3a0: {  	[tilespmem:$0x10090] =	vst v1  }
0x3a1: {  	[spmem:s15] =	stream.linear.scatter [tilespmem:s0], [sflag:$0x4], $0x10, $0x38;
	[tilespmem:$0x10AC0] =	vst v63  }
0x3a2: {  	_ =	swait.ge [sflag:s28], $0x10  }
0x3a3: {  	[sflag:s28] =	ssyncset.done $0x0  }
0x3a4: {  	[sflag:s28] =	ssyncadd.s32 $0xFFFFFFF0  }
0x3a5: {  	[spmem:s16] =	stream.linear.scatter [tilespmem:s29], [sflag:$0x4], $0x10, $0x38;
	[tilespmem:$0x10AC0] =	vst v63  }
.Ltmp6:
0x3a6: {  	_ =	swait.ge [sflag:s28], $0x10;
	(pc) =	sbr.rel @p0 .LBB2_11-.Ltmp6, $3  }
0x3a7: {  	[sflag:s28] =	ssyncset.done $0x0  }
0x3a8: {  	[sflag:s28] =	ssyncadd.s32 $0xFFFFFFF0  }
0x3a9: {  	[bflag:$0x0] =	sbarrier.arrive $0xFFFF;
	_ =	sdelay $0x1  }
0x3aa: {  	[tilespmem:s30], [sflag:$0x3] =	stream.linear.gather [spmem:s7], $0x100, $0x38;
	[tilespmem:$0x10AC0] =	vst v63  }
0x3ab: {  	_ =	swait.ge [sflag:s20], $0x100  }
0x3ac: {  	[sflag:s20] =	ssyncset.done $0x0  }
0x3ad: {  	[sflag:s20] =	ssyncadd.s32 $0xFFFFFF00  }
0x3ae: {  	[tilespmem:s31], [sflag:$0x3] =	stream.linear.gather [spmem:s8], $0x100, $0x38;
	[tilespmem:$0x10AC0] =	vst v63  }
0x3af: {  	_ =	swait.ge [sflag:s20], $0x100  }
0x3b0: {  	[sflag:s20] =	ssyncset.done $0x0  }
0x3b1: {  	[sflag:s20] =	ssyncadd.s32 $0xFFFFFF00  }
0x3b2: {  	v0 =	vld [tilespmem:$0x100D0]  }
0x3b3: {  	v3 =	vlaneseq.u32;
	v1 =	vld [tilespmem:$0x101D0]  }
0x3b4: {  	v3 =	vmul.u32 $0xFFFFFFFF, v3;
	v2 =	vld [tilespmem:$0x100C0]  }
0x3b5: {  	v4 =	vld [tilespmem:$0x101C0]  }
0x3b6: {  	v3 =	vadd.s32 $0xF, v3  }
0x3b7: {  	v0 =	vperm.xlane v0, v3  }
0x3b8: {  	v1 =	vperm.xlane v1, v3  }
0x3b9: {  	vm0 =	vge.f32 v2, v0  }
0x3ba: {  	v0 =	vmax.f32 v2, v0;
	v1 =	vsel vm0, v4, v1  }
0x3bb: {  	(xrf1) =	vsort.ascd.msk.f32 $0xffff, v0, v1;
	_ =	sdelay $0x7  }
0x3bc: {  	v8 =	vld [tilespmem:$0x100E0]  }
0x3bd: {  	v9 =	vld [tilespmem:$0x101E0];
	_ =	sdelay $0x3  }
0x3be: {  	v0 =	vperm.xlane v8, v3  }
0x3bf: {  	v1 =	vperm.xlane v9, v3;
	v10, v11, _ =	vpop (xrf1)  }
0x3c0: {  	vm13 =	vge.f32 v10, v0  }
0x3c1: {  	v0 =	vmax.f32 v10, v0;
	v1 =	vsel vm13, v11, v1  }
0x3c2: {  	(xrf1) =	vsort.ascd.msk.f32 $0xffff, v0, v1;
	_ =	sdelay $0x7  }
0x3c3: {  	v12 =	vld [tilespmem:$0x100F0]  }
0x3c4: {  	v13 =	vld [tilespmem:$0x101F0];
	_ =	sdelay $0x3  }
0x3c5: {  	v0 =	vperm.xlane v12, v3  }
0x3c6: {  	v1 =	vperm.xlane v13, v3;
	v14, v15, _ =	vpop (xrf1)  }
0x3c7: {  	vm14 =	vge.f32 v14, v0  }
0x3c8: {  	v0 =	vmax.f32 v14, v0;
	v1 =	vsel vm14, v15, v1  }
0x3c9: {  	(xrf1) =	vsort.ascd.msk.f32 $0xffff, v0, v1;
	_ =	sdelay $0x7  }
0x3ca: {  	v16 =	vld [tilespmem:$0x10100]  }
0x3cb: {  	v17 =	vld [tilespmem:$0x10200];
	_ =	sdelay $0x3  }
0x3cc: {  	v0 =	vperm.xlane v16, v3  }
0x3cd: {  	v1 =	vperm.xlane v17, v3;
	v18, v19, _ =	vpop (xrf1)  }
0x3ce: {  	vm15 =	vge.f32 v18, v0  }
0x3cf: {  	v0 =	vmax.f32 v18, v0;
	v1 =	vsel vm15, v19, v1  }
0x3d0: {  	(xrf1) =	vsort.ascd.msk.f32 $0xffff, v0, v1;
	_ =	sdelay $0x7  }
0x3d1: {  	v20 =	vld [tilespmem:$0x10110]  }
0x3d2: {  	v21 =	vld [tilespmem:$0x10210];
	_ =	sdelay $0x3  }
0x3d3: {  	v0 =	vperm.xlane v20, v3  }
0x3d4: {  	v1 =	vperm.xlane v21, v3;
	v22, v23, _ =	vpop (xrf1)  }
0x3d5: {  	vm4 =	vge.f32 v22, v0  }
0x3d6: {  	v0 =	vmax.f32 v22, v0;
	v1 =	vsel vm4, v23, v1  }
0x3d7: {  	(xrf1) =	vsort.ascd.msk.f32 $0xffff, v0, v1;
	_ =	sdelay $0x7  }
0x3d8: {  	v24 =	vld [tilespmem:$0x10120]  }
0x3d9: {  	v25 =	vld [tilespmem:$0x10220];
	_ =	sdelay $0x3  }
0x3da: {  	v0 =	vperm.xlane v24, v3  }
0x3db: {  	v1 =	vperm.xlane v25, v3;
	v26, v27, _ =	vpop (xrf1)  }
0x3dc: {  	vm5 =	vge.f32 v26, v0  }
0x3dd: {  	v0 =	vmax.f32 v26, v0;
	v1 =	vsel vm5, v27, v1  }
0x3de: {  	(xrf1) =	vsort.ascd.msk.f32 $0xffff, v0, v1;
	_ =	sdelay $0x7  }
0x3df: {  	v28 =	vld [tilespmem:$0x10130]  }
0x3e0: {  	v29 =	vld [tilespmem:$0x10230];
	_ =	sdelay $0x3  }
0x3e1: {  	v0 =	vperm.xlane v28, v3  }
0x3e2: {  	v1 =	vperm.xlane v29, v3;
	v30, v31, _ =	vpop (xrf1)  }
0x3e3: {  	vm6 =	vge.f32 v30, v0  }
0x3e4: {  	v0 =	vmax.f32 v30, v0;
	v1 =	vsel vm6, v31, v1  }
0x3e5: {  	(xrf1) =	vsort.ascd.msk.f32 $0xffff, v0, v1;
	_ =	sdelay $0x7  }
0x3e6: {  	v32 =	vld [tilespmem:$0x10140]  }
0x3e7: {  	v33 =	vld [tilespmem:$0x10240];
	_ =	sdelay $0x3  }
0x3e8: {  	v0 =	vperm.xlane v32, v3  }
0x3e9: {  	v1 =	vperm.xlane v33, v3;
	v34, v35, _ =	vpop (xrf1)  }
0x3ea: {  	vm7 =	vge.f32 v34, v0  }
0x3eb: {  	v0 =	vmax.f32 v34, v0;
	v1 =	vsel vm7, v35, v1  }
0x3ec: {  	(xrf1) =	vsort.ascd.msk.f32 $0xffff, v0, v1;
	_ =	sdelay $0x7  }
0x3ed: {  	v36 =	vld [tilespmem:$0x10150]  }
0x3ee: {  	v37 =	vld [tilespmem:$0x10250];
	_ =	sdelay $0x3  }
0x3ef: {  	v0 =	vperm.xlane v36, v3  }
0x3f0: {  	v1 =	vperm.xlane v37, v3;
	v38, v39, _ =	vpop (xrf1)  }
0x3f1: {  	vm8 =	vge.f32 v38, v0  }
0x3f2: {  	v0 =	vmax.f32 v38, v0;
	v1 =	vsel vm8, v39, v1  }
0x3f3: {  	(xrf1) =	vsort.ascd.msk.f32 $0xffff, v0, v1;
	_ =	sdelay $0x7  }
0x3f4: {  	v40 =	vld [tilespmem:$0x10160]  }
0x3f5: {  	v41 =	vld [tilespmem:$0x10260];
	_ =	sdelay $0x3  }
0x3f6: {  	v0 =	vperm.xlane v40, v3  }
0x3f7: {  	v1 =	vperm.xlane v41, v3;
	v42, v43, _ =	vpop (xrf1)  }
0x3f8: {  	vm9 =	vge.f32 v42, v0  }
0x3f9: {  	v0 =	vmax.f32 v42, v0;
	v1 =	vsel vm9, v43, v1  }
0x3fa: {  	(xrf1) =	vsort.ascd.msk.f32 $0xffff, v0, v1;
	_ =	sdelay $0x7  }
0x3fb: {  	v44 =	vld [tilespmem:$0x10170]  }
0x3fc: {  	v45 =	vld [tilespmem:$0x10270];
	_ =	sdelay $0x3  }
0x3fd: {  	v0 =	vperm.xlane v44, v3  }
0x3fe: {  	v1 =	vperm.xlane v45, v3;
	v46, v47, _ =	vpop (xrf1)  }
0x3ff: {  	vm10 =	vge.f32 v46, v0  }
0x400: {  	v0 =	vmax.f32 v46, v0;
	v1 =	vsel vm10, v47, v1  }
0x401: {  	(xrf1) =	vsort.ascd.msk.f32 $0xffff, v0, v1;
	_ =	sdelay $0x7  }
0x402: {  	v48 =	vld [tilespmem:$0x10180]  }
0x403: {  	v49 =	vld [tilespmem:$0x10280];
	_ =	sdelay $0x3  }
0x404: {  	v0 =	vperm.xlane v48, v3  }
0x405: {  	v1 =	vperm.xlane v49, v3;
	v50, v51, _ =	vpop (xrf1)  }
0x406: {  	vm11 =	vge.f32 v50, v0  }
0x407: {  	v0 =	vmax.f32 v50, v0;
	v1 =	vsel vm11, v51, v1  }
0x408: {  	(xrf1) =	vsort.ascd.msk.f32 $0xffff, v0, v1;
	_ =	sdelay $0x7  }
0x409: {  	v52 =	vld [tilespmem:$0x10190]  }
0x40a: {  	v53 =	vld [tilespmem:$0x10290];
	_ =	sdelay $0x3  }
0x40b: {  	v0 =	vperm.xlane v52, v3  }
0x40c: {  	v1 =	vperm.xlane v53, v3;
	v54, v55, _ =	vpop (xrf1)  }
0x40d: {  	vm12 =	vge.f32 v54, v0  }
0x40e: {  	v0 =	vmax.f32 v54, v0;
	v1 =	vsel vm12, v55, v1  }
0x40f: {  	(xrf1) =	vsort.ascd.msk.f32 $0xffff, v0, v1;
	_ =	sdelay $0x7  }
0x410: {  	v56 =	vld [tilespmem:$0x101A0]  }
0x411: {  	v57 =	vld [tilespmem:$0x102A0];
	_ =	sdelay $0x3  }
0x412: {  	v0 =	vperm.xlane v56, v3  }
0x413: {  	v1 =	vperm.xlane v57, v3;
	v58, v59, _ =	vpop (xrf1)  }
0x414: {  	vm13 =	vge.f32 v58, v0  }
0x415: {  	v0 =	vmax.f32 v58, v0;
	v1 =	vsel vm13, v59, v1  }
0x416: {  	(xrf1) =	vsort.ascd.msk.f32 $0xffff, v0, v1;
	_ =	sdelay $0x7  }
0x417: {  	v60 =	vld [tilespmem:$0x101B0]  }
0x418: {  	v61 =	vld [tilespmem:$0x102B0];
	_ =	sdelay $0x3  }
0x419: {  	v0 =	vperm.xlane v60, v3  }
0x41a: {  	v1 =	vperm.xlane v61, v3;
	v62, v63, _ =	vpop (xrf1)  }
0x41b: {  	vm14 =	vge.f32 v62, v0  }
0x41c: {  	v0 =	vmax.f32 v62, v0;
	v1 =	vsel vm14, v63, v1  }
0x41d: {  	(xrf1) =	vsort.ascd.msk.f32 $0xffff, v0, v1;
	_ =	sdelay $0xd  }
0x41e: {  	v0, v1, _ =	vpop (xrf1);
	_ =	sdelay $0x2  }
0x41f: {  	vm15 =	vmmov $0xffff  }
0x420: {  	[tilespmem:s1], [sflag:$0x3] =	stream.indirect_vreg.gather [hbm4b:s6+s5], $0x80, v1, vm15, $0xb8;
	[tilespmem:$0x10AC0] =	vst v63  }
0x421: {  	_ =	swait.ge [sflag:s20], $0x800  }
0x422: {  	[sflag:s20] =	ssyncset.done $0x0  }
0x423: {  	[sflag:s20] =	ssyncadd.s32 $0xFFFFF800  }
0x424: {  	s3 =	rddreg [dreg:$0x9];
	[tilespmem:$0x10080] =	vst v0  }
0x425: {  	[hbm4b:s3+s5] =	stream.linear.scatter [tilespmem:s0], [sflag:$0x4], $0x10, $0x38;
	[tilespmem:$0x10AC0] =	vst v63  }
0x426: {  	_ =	swait.ge [sflag:s28], $0x10  }
0x427: {  	[sflag:s28] =	ssyncset.done $0x0  }
.Ltmp7:
0x428: {  	[sflag:s28] =	ssyncadd.s32 $0xFFFFFFF0;
	(pc) =	sbr.rel .LBB2_11-.Ltmp7, $4  }
0x429: {  	[hbm4b:s14+s5] =	stream.linear.scatter [tilespmem:s1], [sflag:$0x4], $0x800, $0x38;
	[tilespmem:$0x10AC0] =	vst v63  }
0x42a: {  	_ =	swait.ge [sflag:s28], $0x800  }
0x42b: {  	[sflag:s28] =	ssyncset.done $0x0  }
0x42c: {  	[sflag:s28] =	ssyncadd.s32 $0xFFFFF800  }
.LBB2_12:
0x42d: {  	_ =	sfence.sel $0x180000  }
0x42e: {  	[bflag:$0x0] =	sbarrier.arrive $0xFFFF  }
0x42f: {  	_ =	strace $0x90000047  }
0x430: {  	[bflag:$0x2] =	sbarrier.arrive $0xFFFF  }
0x431: {  	s0 =	rddreg [dreg:$0x7]  }
0x432: {  	s0 =	sadd.s32 @!p0 $0x100000, s0  }
0x433: {  	[sflag:s0] =	ssyncadd.tile.s32 @!p0 $0x1;
	_ =	shalt  }
.Lfunc_end2:
_tile_overlayer_lowered:
.L_overlay_start_2:
0x434: {  	(tag) =	ssettag $0x2  }
0x435: {  	s0 =	rddreg [dreg:$0x0];
	s2 =	stileid.u32  }
0x436: {  	s1 =	rddreg [dreg:$0x1];
	p0 =	sne.s32 s2, $0x0  }
0x437: {  	s3 =	rddreg [dreg:$0x2];
	[bflag:$0x3] =	sbarrier.arrive $0xFFFF;
	s2 =	simm.s32 @!p0 $0x1C04  }
0x438: {  	[timem:s3], [sflag:s2] =	dma.local @!p0 [hbm:s0], s1  }
0x439: {  	s0 =	simm.s32 @!p0 $0x4  }
0x43a: {  	_ =	swait.ge @!p0 [sflag:s0], s1  }
0x43b: {  	s1 =	ssub.s32 @!p0 $0x0, s1;
	[sflag:s0] =	ssyncset.done @!p0 $0x0  }
0x43c: {  	[sflag:s0] =	ssyncadd.s32 @!p0 s1  }
0x43d: {  	[bflag:$0x3] =	sbarrier.arrive $0xFFFF  }
0x43e: {  	_ =	shalt  }

</sc_bundles>
